<compile_context>
chip_gen: v7x
topology: tpu7x:2x2x1
jax: 0.10.2.dev20260603
libtpu: 0.0.44.dev20260713+nightly
codegen_flags: <defaults>
</compile_context>

<pallas_src>
import functools

import jax
import jax.numpy as jnp
from jax import lax
from jax.experimental import pallas as pl
from jax.experimental.pallas import tpu as pltpu
from jax.experimental.pallas import tpu_sc as plsc

NN = 10000
NP = 10240
EE = 320000
EPAD = 327680
FX = 128
FE = 16
FO = 128
EPS = 1e-5
SLOPE = 0.1

CH = 128
NCHUNK = EPAD // CH
TPS = NP // 16


def _lrelu(v):
    return jnp.where(v >= 0.0, v, SLOPE * v)


def _sc_gather(p_pad, row):
    info = plsc.get_sparse_core_info()
    nc, ns = info.num_cores, info.num_subcores
    nw = nc * ns
    nchunk, _ = row.shape
    epart = nchunk * CH
    steps = nchunk // nw
    nbuf = 2
    groups = steps // nbuf

    @functools.partial(
        pl.kernel,
        mesh=plsc.VectorSubcoreMesh(core_axis_name="c", subcore_axis_name="s"),
        out_type=jax.ShapeDtypeStruct((epart, FO), jnp.float32),
        scratch_types=[
            pltpu.VMEM((steps, CH), jnp.int32),
            pltpu.VMEM((nbuf, CH, FO), jnp.float32),
        ] + [pltpu.SemaphoreType.DMA] * (2 * nbuf),
    )
    def k(p_hbm, row_hbm, out_hbm, idx_all, rows_v, *sems):
        sem_g = sems[:nbuf]
        sem_w = sems[nbuf:]
        cid = lax.axis_index("c")
        sid = lax.axis_index("s")
        wid = sid * nc + cid
        c0 = wid * steps

        pltpu.sync_copy(row_hbm.at[pl.ds(c0, steps)], idx_all)

        def gstart(u, t):
            pltpu.async_copy(p_hbm.at[idx_all.at[t]], rows_v.at[u], sem_g[u])

        def gwait(u, t):
            pltpu.make_async_copy(
                p_hbm.at[idx_all.at[t]], rows_v.at[u], sem_g[u]).wait()

        def wstart(u, t):
            pltpu.async_copy(rows_v.at[u],
                             out_hbm.at[pl.ds((c0 + t) * CH, CH)], sem_w[u])

        def wwait(u):
            pltpu.make_async_copy(
                rows_v.at[u], out_hbm.at[pl.ds(0, CH)], sem_w[u]).wait()

        for u in range(nbuf):
            gstart(u, u)

        def body(j2, carry):
            for u in range(nbuf):
                t = nbuf * j2 + u
                gwait(u, t)
                wstart(u, t)
                wwait(u)
                gstart(u, t + nbuf)
            return carry

        lax.fori_loop(0, groups - 1, body, 0)
        for u in range(nbuf):
            t = nbuf * (groups - 1) + u
            gwait(u, t)
            wstart(u, t)
        for u in range(nbuf):
            wwait(u)

    return k(p_pad, row)


def _sc_scatter(z2, col):
    info = plsc.get_sparse_core_info()
    nc, ns = info.num_cores, info.num_subcores
    nw = nc * ns
    nchunk, _ = col.shape
    steps = nchunk // nw
    nbuf = 2
    groups = steps // nbuf

    @functools.partial(
        pl.kernel,
        mesh=plsc.VectorSubcoreMesh(core_axis_name="c", subcore_axis_name="s"),
        out_type=(
            jax.ShapeDtypeStruct((2, NP, FO), jnp.float32),
            jax.ShapeDtypeStruct((2, NP), jnp.float32),
        ),
        scratch_types=[
            pltpu.VMEM((steps, CH), jnp.int32),
            pltpu.VMEM((nbuf, CH, FO), jnp.float32),
            pltpu.VMEM((TPS,), jnp.float32),
            pltpu.VMEM((CH,), jnp.float32),
            pltpu.VMEM_SHARED((NP, FO), jnp.float32),
            pltpu.VMEM_SHARED((NP,), jnp.float32),
        ] + [pltpu.SemaphoreType.DMA] * (3 * nbuf),
    )
    def k(z2_hbm, col_hbm, sum_hbm, cnt_hbm, idx_all, rows_v, zcnt,
          ones_v, acc, acc_cnt, *sems):
        sem_z = sems[:nbuf]
        sem_s = sems[nbuf:2 * nbuf]
        sem_c = sems[2 * nbuf:]
        cid = lax.axis_index("c")
        sid = lax.axis_index("s")
        wid = sid * nc + cid
        zf = jnp.zeros((16,), jnp.float32)
        of = jnp.ones((16,), jnp.float32)

        def zero_blk(i, carry):
            rows_v[0, i // 8, pl.ds((i % 8) * 16, 16)] = zf
            return carry

        lax.fori_loop(0, CH * FO // 16, zero_blk, 0)

        def zero_cnt(i, carry):
            zcnt[pl.ds(i * 16, 16)] = zf
            return carry

        lax.fori_loop(0, TPS // 16, zero_cnt, 0)
        for i in range(CH // 16):
            ones_v[pl.ds(i * 16, 16)] = of

        for i in range(TPS // CH):
            pltpu.sync_copy(rows_v.at[0], acc.at[pl.ds(sid * TPS + i * CH, CH)])
        pltpu.sync_copy(zcnt, acc_cnt.at[pl.ds(sid * TPS, TPS)])

        c0 = wid * steps
        pltpu.sync_copy(col_hbm.at[pl.ds(c0, steps)], idx_all)
        plsc.subcore_barrier()

        def zstart(u, t):
            pltpu.async_copy(z2_hbm.at[pl.ds((c0 + t) * CH, CH)],
                             rows_v.at[u], sem_z[u])

        def zwait(u):
            pltpu.make_async_copy(
                z2_hbm.at[pl.ds(0, CH)], rows_v.at[u], sem_z[u]).wait()

        def sstart(u, t):
            pltpu.async_copy(rows_v.at[u], acc.at[idx_all.at[t]], sem_s[u],
                             add=True)
            pltpu.async_copy(ones_v, acc_cnt.at[idx_all.at[t]], sem_c[u],
                             add=True)

        def swait(u, t):
            pltpu.make_async_copy(
                rows_v.at[u], acc.at[idx_all.at[t]], sem_s[u]).wait()
            pltpu.make_async_copy(
                ones_v, acc_cnt.at[idx_all.at[t]], sem_c[u]).wait()

        for u in range(nbuf):
            zstart(u, u)

        def body(j2, carry):
            for u in range(nbuf):
                t = nbuf * j2 + u
                zwait(u)
                sstart(u, t)
                swait(u, t)
                zstart(u, t + nbuf)
            return carry

        lax.fori_loop(0, groups - 1, body, 0)
        for u in range(nbuf):
            t = nbuf * (groups - 1) + u
            zwait(u)
            sstart(u, t)
            swait(u, t)
        plsc.subcore_barrier()

        pltpu.sync_copy(acc.at[pl.ds(sid * TPS, TPS)],
                        sum_hbm.at[cid].at[pl.ds(sid * TPS, TPS)])
        pltpu.sync_copy(acc_cnt.at[pl.ds(sid * TPS, TPS)],
                        cnt_hbm.at[cid].at[pl.ds(sid * TPS, TPS)])

    return k(z2, col)


def _tc_pre(x_pad, wx, b):
    br = 1280

    def body(x_ref, w_ref, b_ref, o_ref):
        o_ref[...] = (
            jnp.dot(x_ref[...], w_ref[...], preferred_element_type=jnp.float32)
            + b_ref[...]
        )

    return pl.pallas_call(
        body,
        grid=(NP // br,),
        in_specs=[
            pl.BlockSpec((br, FX), lambda i: (i, 0)),
            pl.BlockSpec((FX, FO), lambda i: (0, 0)),
            pl.BlockSpec((1, FO), lambda i: (0, 0)),
        ],
        out_specs=pl.BlockSpec((br, FO), lambda i: (i, 0)),
        out_shape=jax.ShapeDtypeStruct((NP, FO), jnp.float32),
    )(x_pad, wx, b.reshape(1, FO))


def _tc_edge(gathered, ea, wae, wb, bbias):
    be = 4096
    epart = gathered.shape[0]

    def body(g_ref, e_ref, wae_ref, wb_ref, b_ref, o_ref):
        h = g_ref[...] + jnp.dot(
            e_ref[...], wae_ref[...], preferred_element_type=jnp.float32
        )
        h = _lrelu(h)
        h = jnp.dot(h, wb_ref[...], preferred_element_type=jnp.float32) + b_ref[...]
        o_ref[...] = _lrelu(h)

    return pl.pallas_call(
        body,
        grid=(epart // be,),
        in_specs=[
            pl.BlockSpec((be, FO), lambda i: (i, 0)),
            pl.BlockSpec((be, FE), lambda i: (i, 0)),
            pl.BlockSpec((FE, FO), lambda i: (0, 0)),
            pl.BlockSpec((FO, FO), lambda i: (0, 0)),
            pl.BlockSpec((1, FO), lambda i: (0, 0)),
        ],
        out_specs=pl.BlockSpec((be, FO), lambda i: (i, 0)),
        out_shape=jax.ShapeDtypeStruct((epart, FO), jnp.float32),
    )(gathered, ea, wae, wb, bbias.reshape(1, FO))


def _tc_node(s_part, c_part, x_pad, wc, bc, wax, wag, ba, wb, bb2, wc2, bc2):
    br = 1280
    npart = s_part.shape[0]
    c3 = c_part.reshape(npart, NP, 1)

    def body(s_ref, c_ref, x_ref, wc_ref, bc_ref, wax_ref, wag_ref, ba_ref,
             wb_ref, bb_ref, wc2_ref, bc2_ref, o_ref):
        s = s_ref[0]
        cnt = c_ref[0]
        for q in range(1, npart):
            s = s + s_ref[q]
            cnt = cnt + c_ref[q]
        sums = (
            jnp.dot(s, wc_ref[...], preferred_element_type=jnp.float32)
            + cnt * bc_ref[...]
        )
        agg = sums / jnp.maximum(cnt, 1.0)
        h = (
            jnp.dot(x_ref[...], wax_ref[...], preferred_element_type=jnp.float32)
            + jnp.dot(agg, wag_ref[...], preferred_element_type=jnp.float32)
            + ba_ref[...]
        )
        h = _lrelu(h)
        h = jnp.dot(h, wb_ref[...], preferred_element_type=jnp.float32) + bb_ref[...]
        h = _lrelu(h)
        o_ref[...] = (
            jnp.dot(h, wc2_ref[...], preferred_element_type=jnp.float32)
            + bc2_ref[...]
        )

    return pl.pallas_call(
        body,
        grid=(NP // br,),
        in_specs=[
            pl.BlockSpec((npart, br, FO), lambda i: (0, i, 0)),
            pl.BlockSpec((npart, br, 1), lambda i: (0, i, 0)),
            pl.BlockSpec((br, FX), lambda i: (i, 0)),
            pl.BlockSpec((FO, FO), lambda i: (0, 0)),
            pl.BlockSpec((1, FO), lambda i: (0, 0)),
            pl.BlockSpec((FX, FO), lambda i: (0, 0)),
            pl.BlockSpec((FO, FO), lambda i: (0, 0)),
            pl.BlockSpec((1, FO), lambda i: (0, 0)),
            pl.BlockSpec((FO, FO), lambda i: (0, 0)),
            pl.BlockSpec((1, FO), lambda i: (0, 0)),
            pl.BlockSpec((FO, FO), lambda i: (0, 0)),
            pl.BlockSpec((1, FO), lambda i: (0, 0)),
        ],
        out_specs=pl.BlockSpec((br, FO), lambda i: (i, 0)),
        out_shape=jax.ShapeDtypeStruct((NP, FO), jnp.float32),
    )(s_part, c3, x_pad, wc, bc.reshape(1, FO), wax, wag, ba.reshape(1, FO),
      wb, bb2.reshape(1, FO), wc2, bc2.reshape(1, FO))


def _fold(g, bb_, rm, rv, w, lb):
    s = g * lax.rsqrt(rv + EPS)
    t = bb_ - rm * s
    return w * s[:, None], t @ w + lb


def kernel(x, edge_index, edge_attr, u, batch, g1a, bb1a, rm1a, rv1a, w1a,
           lb1a, g1b, bb1b, rm1b, rv1b, w1b, lb1b, g1c, bb1c, rm1c, rv1c,
           w1c, lb1c, g2a, bb2a, rm2a, rv2a, w2a, lb2a, g2b, bb2b, rm2b,
           rv2b, w2b, lb2b, g2c, bb2c, rm2c, rv2c, w2c, lb2c):
    w1a_f, b1a_f = _fold(g1a, bb1a, rm1a, rv1a, w1a, lb1a)
    w1b_f, b1b_f = _fold(g1b, bb1b, rm1b, rv1b, w1b, lb1b)
    w1c_f, b1c_f = _fold(g1c, bb1c, rm1c, rv1c, w1c, lb1c)
    w2a_f, b2a_f = _fold(g2a, bb2a, rm2a, rv2a, w2a, lb2a)
    w2b_f, b2b_f = _fold(g2b, bb2b, rm2b, rv2b, w2b, lb2b)
    w2c_f, b2c_f = _fold(g2c, bb2c, rm2c, rv2c, w2c, lb2c)
    w1ax, w1ae = w1a_f[:FX], w1a_f[FX:]
    w2ax, w2ag = w2a_f[:FX], w2a_f[FX:]

    ep = EPAD - EE
    pad_iota = jnp.arange(ep, dtype=jnp.int32)
    row = jnp.concatenate(
        [edge_index[0].astype(jnp.int32), pad_iota % NN])
    col = jnp.concatenate(
        [edge_index[1].astype(jnp.int32), NN + pad_iota % (NP - NN)])
    ea_pad = jnp.pad(edge_attr, ((0, ep), (0, 0)))
    x_pad = jnp.pad(x, ((0, NP - NN), (0, 0)))

    p = _tc_pre(x_pad, w1ax, b1a_f)

    rowc = row.reshape(NCHUNK, CH)
    colc = col.reshape(NCHUNK, CH)
    nh = NCHUNK // 2
    eh = EPAD // 2
    g0 = _sc_gather(p, rowc[:nh])
    g1 = _sc_gather(p, rowc[nh:])
    z0 = _tc_edge(g0, ea_pad[:eh], w1ae, w1b_f, b1b_f)
    z1 = _tc_edge(g1, ea_pad[eh:], w1ae, w1b_f, b1b_f)
    s0, cnt0 = _sc_scatter(z0, colc[:nh])
    s1, cnt1 = _sc_scatter(z1, colc[nh:])
    s_part = jnp.concatenate([s0, s1])
    c_part = jnp.concatenate([cnt0, cnt1])
    out = _tc_node(s_part, c_part, x_pad, w1c_f, b1c_f, w2ax, w2ag, b2a_f,
                   w2b_f, b2b_f, w2c_f, b2c_f)
    return out[:NN]

# --- scband reference (transcript-rebuilt; emitter-appended) ---
"""Pipeline reference for scband-node-layer-33852932227353 (READ-ONLY COPY).

The authoritative reference and input builder live on the scoring server;
editing this copy changes nothing except your own understanding.
"""

import jax, jax.numpy as jnp
import numpy as np

N = 10000
E = 320000
FX = 128
FE = 16
FO = 128
B = 256
FU = 32
D1 = FX + FE
D2 = FX + FO
EPS = 1e-5
SLOPE = 0.1


def _bn(x, g, bb, rm, rv):
    return (x - rm) / jnp.sqrt(rv + EPS) * g + bb


def _lrelu(x):
    return jnp.where(x >= 0.0, x, SLOPE * x)


def _lin(k, din, dout):
    return (jax.random.normal(k, (din, dout), dtype=jnp.float32) / np.sqrt(din)).astype(jnp.float32)


def setup_inputs(seed: int = 0):
    key = jax.random.key(seed)
    ks = [jax.random.fold_in(key, i) for i in range(16)]
    inp = {}
    inp["x"] = jax.random.normal(ks[0], (N, FX), dtype=jnp.float32)
    inp["edge_index"] = jax.random.randint(ks[1], (2, E), 0, N)
    inp["edge_attr"] = jax.random.normal(ks[2], (E, FE), dtype=jnp.float32)
    inp["u"] = jax.random.normal(ks[3], (B, FU), dtype=jnp.float32)
    inp["batch"] = jnp.sort(jax.random.randint(ks[4], (E,), 0, B))
    dims = {"1a": (D1, FO), "1b": (FO, FO), "1c": (FO, FO), "2a": (D2, FO), "2b": (FO, FO), "2c": (FO, FO)}
    i = 5
    for tag, (din, dout) in dims.items():
        inp["g" + tag] = jnp.ones((din,), dtype=jnp.float32)
        inp["bb" + tag] = jnp.zeros((din,), dtype=jnp.float32)
        inp["rm" + tag] = jnp.zeros((din,), dtype=jnp.float32)
        inp["rv" + tag] = jnp.ones((din,), dtype=jnp.float32)
        inp["w" + tag] = _lin(ks[i], din, dout)
        inp["lb" + tag] = jnp.zeros((dout,), dtype=jnp.float32)
        i += 1
    return inp


def reference(x, edge_index, edge_attr, u, batch, g1a, bb1a, rm1a, rv1a, w1a, lb1a, g1b, bb1b, rm1b, rv1b, w1b, lb1b, g1c, bb1c, rm1c, rv1c, w1c, lb1c, g2a, bb2a, rm2a, rv2a, w2a, lb2a, g2b, bb2b, rm2b, rv2b, w2b, lb2b, g2c, bb2c, rm2c, rv2c, w2c, lb2c):
    row = edge_index[0]
    col = edge_index[1]
    h = jnp.concatenate([x[row], edge_attr], axis=1)
    h = _lrelu(_bn(h, g1a, bb1a, rm1a, rv1a) @ w1a + lb1a)
    h = _lrelu(_bn(h, g1b, bb1b, rm1b, rv1b) @ w1b + lb1b)
    h = _bn(h, g1c, bb1c, rm1c, rv1c) @ w1c + lb1c
    sums = jnp.zeros((x.shape[0], h.shape[1]), dtype=h.dtype).at[col].add(h)
    cnt = jnp.zeros((x.shape[0],), dtype=h.dtype).at[col].add(1.0)
    agg = sums / jnp.clip(cnt, 1.0, None)[:, None]
    h2 = jnp.concatenate([x, agg], axis=1)
    h2 = _lrelu(_bn(h2, g2a, bb2a, rm2a, rv2a) @ w2a + lb2a)
    h2 = _lrelu(_bn(h2, g2b, bb2b, rm2b, rv2b) @ w2b + lb2b)
    out = _bn(h2, g2c, bb2c, rm2c, rv2c) @ w2c + lb2c
    return out

if __name__ == "__main__":
    import jax
    _d = setup_inputs()
    print(jax.jit(kernel)(*tuple(_d.values())))

</pallas_src>

<mosaic_0001>
#map = affine_map<(d0, d1) -> (0, 0)>
#map1 = affine_map<(d0, d1) -> (0, 0, 0)>
module attributes {stable_mosaic.version = 14 : i64} {
  func.func @k(%arg0: i32, %arg1: i32, %arg2: memref<163840x128xf32, #tpu.memory_space<hbm>>, %arg3: memref<1280x128xi32, #tpu.memory_space<hbm>>, %arg4: memref<2x10240x128xf32, #tpu.memory_space<hbm>>, %arg5: memref<2x10240xf32, #tpu.memory_space<hbm>>, %arg6: memref<40x128xi32, #tpu.memory_space<vmem>>, %arg7: memref<2x128x128xf32, #tpu.memory_space<vmem>>, %arg8: memref<640xf32, #tpu.memory_space<vmem>>, %arg9: memref<128xf32, #tpu.memory_space<vmem>>, %arg10: memref<10240x128xf32, #tpu.memory_space<vmem_shared>>, %arg11: memref<10240xf32, #tpu.memory_space<vmem_shared>>, %arg12: memref<!tpu.dma_semaphore, #tpu.memory_space<semaphore_mem>>, %arg13: memref<!tpu.dma_semaphore, #tpu.memory_space<semaphore_mem>>, %arg14: memref<!tpu.dma_semaphore, #tpu.memory_space<semaphore_mem>>, %arg15: memref<!tpu.dma_semaphore, #tpu.memory_space<semaphore_mem>>, %arg16: memref<!tpu.dma_semaphore, #tpu.memory_space<semaphore_mem>>, %arg17: memref<!tpu.dma_semaphore, #tpu.memory_space<semaphore_mem>>) attributes {dimension_semantics = [#tpu.dimension_semantics<core_parallel>, #tpu.dimension_semantics<subcore_parallel>], iteration_bounds = array<i64: 2, 16>, scalar_prefetch = 0 : i64, scratch_operands = 12 : i64, tpu.core_type = #tpu.core_type<sc_vector_subcore>, window_params = [{transform_indices = #map}, {transform_indices = #map}, {transform_indices = #map1}, {transform_indices = #map}]} {
    %mul3A = arith.constant 2 : i32
    %mul3A_0 = arith.muli %arg1, %mul3A : i32
    %add3A = arith.addi %mul3A_0, %arg0 : i32
    %broadcast_in_dim3A = arith.constant 0.000000e+00 : f32
    %broadcast_in_dim3A_1 = vector.broadcast %broadcast_in_dim3A : f32 to vector<16xf32>
    %broadcast_in_dim3A_2 = arith.constant 1.000000e+00 : f32
    %broadcast_in_dim3A_3 = vector.broadcast %broadcast_in_dim3A_2 : f32 to vector<16xf32>
    %scan3A = arith.constant 0 : i32
    %scan3A_4 = arith.constant 0 : i32
    %scan3A_5 = arith.constant 1024 : i32
    %scan3A_6 = arith.addi %scan3A_4, %scan3A_5 : i32
    %scan3A_7 = arith.constant 1 : i32
    scf.for %scan3A_223 = %scan3A_4 to %scan3A_6 step %scan3A_7  : i32 {
      %jit3A = arith.constant 8 : i32
      %div3A = arith.divsi %scan3A_223, %jit3A : i32
      %sign3A = arith.constant 0 : i32
      %sign3A_224 = arith.cmpi sgt, %scan3A_223, %sign3A : i32
      %sign3A_225 = arith.extui %sign3A_224 : i1 to i32
      %sign3A_226 = arith.constant 0 : i32
      %sign3A_227 = arith.cmpi slt, %scan3A_223, %sign3A_226 : i32
      %sign3A_228 = arith.extui %sign3A_227 : i1 to i32
      %sign3A_229 = arith.subi %sign3A_225, %sign3A_228 : i32
      %sign3A_230 = arith.constant 0 : i32
      %sign3A_231 = arith.cmpi sgt, %jit3A, %sign3A_230 : i32
      %sign3A_232 = arith.extui %sign3A_231 : i1 to i32
      %sign3A_233 = arith.constant 0 : i32
      %sign3A_234 = arith.cmpi slt, %jit3A, %sign3A_233 : i32
      %sign3A_235 = arith.extui %sign3A_234 : i1 to i32
      %sign3A_236 = arith.subi %sign3A_232, %sign3A_235 : i32
      %ne3A = arith.cmpi ne, %sign3A_229, %sign3A_236 : i32
      %rem3A = arith.remsi %scan3A_223, %jit3A : i32
      %ne3A_237 = arith.constant 0 : i32
      %ne3A_238 = arith.cmpi ne, %rem3A, %ne3A_237 : i32
      %and3A = arith.andi %ne3A, %ne3A_238 : i1
      %sub3A = arith.constant 1 : i32
      %sub3A_239 = arith.subi %div3A, %sub3A : i32
      %select_n3A = arith.select %and3A, %sub3A_239, %div3A : i32
      %jit3A_240 = arith.constant 8 : i32
      %eq3A = arith.constant 0 : i32
      %eq3A_241 = arith.cmpi eq, %jit3A_240, %eq3A : i32
      %jit3A_242 = arith.constant 1 : i32
      %select_n3A_243 = arith.select %eq3A_241, %jit3A_242, %jit3A_240 : i32
      %rem3A_244 = arith.remsi %scan3A_223, %select_n3A_243 : i32
      %ne3A_245 = arith.constant 0 : i32
      %ne3A_246 = arith.cmpi ne, %rem3A_244, %ne3A_245 : i32
      %lt3A = arith.constant 0 : i32
      %lt3A_247 = arith.cmpi slt, %rem3A_244, %lt3A : i32
      %lt3A_248 = arith.constant 0 : i32
      %lt3A_249 = arith.cmpi slt, %select_n3A_243, %lt3A_248 : i32
      %ne3A_250 = arith.xori %lt3A_247, %lt3A_249 : i1
      %and3A_251 = arith.andi %ne3A_250, %ne3A_246 : i1
      %add3A_252 = arith.addi %rem3A_244, %select_n3A_243 : i32
      %select_n3A_253 = arith.select %and3A_251, %add3A_252, %rem3A_244 : i32
      %mul3A_254 = arith.constant 16 : i32
      %mul3A_255 = arith.muli %select_n3A_253, %mul3A_254 : i32
      %swap3A_256 = arith.constant 0 : i32
      %swap3A_257 = arith.index_cast %swap3A_256 : i32 to index
      %swap3A_258 = arith.index_cast %select_n3A : i32 to index
      %swap3A_259 = arith.index_cast %mul3A_255 : i32 to index
      %swap3A_260 = tpu.vector_load %arg7[%swap3A_257, %swap3A_258, %swap3A_259] {strides = array<i32>} : memref<2x128x128xf32, #tpu.memory_space<vmem>>, vector<1x1x16xf32>,
      %swap3A_261 = vector.shape_cast %swap3A_260 : vector<1x1x16xf32> to vector<16xf32>
      %swap3A_262 = vector.shape_cast %broadcast_in_dim3A_1 : vector<16xf32> to vector<1x1x16xf32>
      tpu.vector_store %arg7[%swap3A_257, %swap3A_258, %swap3A_259], %swap3A_262 {strides = array<i32>} : memref<2x128x128xf32, #tpu.memory_space<vmem>>, vector<1x1x16xf32>,
    }
    %scan3A_8 = arith.constant 1024 : i32
    %scan3A_9 = arith.constant 0 : i32
    %scan3A_10 = arith.constant 0 : i32
    %scan3A_11 = arith.constant 40 : i32
    %scan3A_12 = arith.addi %scan3A_10, %scan3A_11 : i32
    %scan3A_13 = arith.constant 1 : i32
    scf.for %scan3A_223 = %scan3A_10 to %scan3A_12 step %scan3A_13  : i32 {
      %mul3A_224 = arith.constant 16 : i32
      %mul3A_225 = arith.muli %scan3A_223, %mul3A_224 : i32
      %swap3A_226 = arith.index_cast %mul3A_225 : i32 to index
      %swap3A_227 = tpu.vector_load %arg8[%swap3A_226] {strides = array<i32>} : memref<640xf32, #tpu.memory_space<vmem>>, vector<16xf32>,
      %swap3A_228 = vector.shape_cast %swap3A_227 : vector<16xf32> to vector<16xf32>
      %swap3A_229 = vector.shape_cast %broadcast_in_dim3A_1 : vector<16xf32> to vector<16xf32>
      tpu.vector_store %arg8[%swap3A_226], %swap3A_229 {strides = array<i32>} : memref<640xf32, #tpu.memory_space<vmem>>, vector<16xf32>,
    }
    %scan3A_14 = arith.constant 40 : i32
    %swap3A = arith.constant 0 : index
    %swap3A_15 = tpu.vector_load %arg9[%swap3A] {strides = array<i32>} : memref<128xf32, #tpu.memory_space<vmem>>, vector<16xf32>,
    %swap3A_16 = vector.shape_cast %swap3A_15 : vector<16xf32> to vector<16xf32>
    %swap3A_17 = vector.shape_cast %broadcast_in_dim3A_3 : vector<16xf32> to vector<16xf32>
    tpu.vector_store %arg9[%swap3A], %swap3A_17 {strides = array<i32>} : memref<128xf32, #tpu.memory_space<vmem>>, vector<16xf32>,
    %swap3A_18 = arith.constant 16 : index
    %swap3A_19 = tpu.vector_load %arg9[%swap3A_18] {strides = array<i32>} : memref<128xf32, #tpu.memory_space<vmem>>, vector<16xf32>,
    %swap3A_20 = vector.shape_cast %swap3A_19 : vector<16xf32> to vector<16xf32>
    %swap3A_21 = vector.shape_cast %broadcast_in_dim3A_3 : vector<16xf32> to vector<16xf32>
    tpu.vector_store %arg9[%swap3A_18], %swap3A_21 {strides = array<i32>} : memref<128xf32, #tpu.memory_space<vmem>>, vector<16xf32>,
    %swap3A_22 = arith.constant 32 : index
    %swap3A_23 = tpu.vector_load %arg9[%swap3A_22] {strides = array<i32>} : memref<128xf32, #tpu.memory_space<vmem>>, vector<16xf32>,
    %swap3A_24 = vector.shape_cast %swap3A_23 : vector<16xf32> to vector<16xf32>
    %swap3A_25 = vector.shape_cast %broadcast_in_dim3A_3 : vector<16xf32> to vector<16xf32>
    tpu.vector_store %arg9[%swap3A_22], %swap3A_25 {strides = array<i32>} : memref<128xf32, #tpu.memory_space<vmem>>, vector<16xf32>,
    %swap3A_26 = arith.constant 48 : index
    %swap3A_27 = tpu.vector_load %arg9[%swap3A_26] {strides = array<i32>} : memref<128xf32, #tpu.memory_space<vmem>>, vector<16xf32>,
    %swap3A_28 = vector.shape_cast %swap3A_27 : vector<16xf32> to vector<16xf32>
    %swap3A_29 = vector.shape_cast %broadcast_in_dim3A_3 : vector<16xf32> to vector<16xf32>
    tpu.vector_store %arg9[%swap3A_26], %swap3A_29 {strides = array<i32>} : memref<128xf32, #tpu.memory_space<vmem>>, vector<16xf32>,
    %swap3A_30 = arith.constant 64 : index
    %swap3A_31 = tpu.vector_load %arg9[%swap3A_30] {strides = array<i32>} : memref<128xf32, #tpu.memory_space<vmem>>, vector<16xf32>,
    %swap3A_32 = vector.shape_cast %swap3A_31 : vector<16xf32> to vector<16xf32>
    %swap3A_33 = vector.shape_cast %broadcast_in_dim3A_3 : vector<16xf32> to vector<16xf32>
    tpu.vector_store %arg9[%swap3A_30], %swap3A_33 {strides = array<i32>} : memref<128xf32, #tpu.memory_space<vmem>>, vector<16xf32>,
    %swap3A_34 = arith.constant 80 : index
    %swap3A_35 = tpu.vector_load %arg9[%swap3A_34] {strides = array<i32>} : memref<128xf32, #tpu.memory_space<vmem>>, vector<16xf32>,
    %swap3A_36 = vector.shape_cast %swap3A_35 : vector<16xf32> to vector<16xf32>
    %swap3A_37 = vector.shape_cast %broadcast_in_dim3A_3 : vector<16xf32> to vector<16xf32>
    tpu.vector_store %arg9[%swap3A_34], %swap3A_37 {strides = array<i32>} : memref<128xf32, #tpu.memory_space<vmem>>, vector<16xf32>,
    %swap3A_38 = arith.constant 96 : index
    %swap3A_39 = tpu.vector_load %arg9[%swap3A_38] {strides = array<i32>} : memref<128xf32, #tpu.memory_space<vmem>>, vector<16xf32>,
    %swap3A_40 = vector.shape_cast %swap3A_39 : vector<16xf32> to vector<16xf32>
    %swap3A_41 = vector.shape_cast %broadcast_in_dim3A_3 : vector<16xf32> to vector<16xf32>
    tpu.vector_store %arg9[%swap3A_38], %swap3A_41 {strides = array<i32>} : memref<128xf32, #tpu.memory_space<vmem>>, vector<16xf32>,
    %swap3A_42 = arith.constant 112 : index
    %swap3A_43 = tpu.vector_load %arg9[%swap3A_42] {strides = array<i32>} : memref<128xf32, #tpu.memory_space<vmem>>, vector<16xf32>,
    %swap3A_44 = vector.shape_cast %swap3A_43 : vector<16xf32> to vector<16xf32>
    %swap3A_45 = vector.shape_cast %broadcast_in_dim3A_3 : vector<16xf32> to vector<16xf32>
    tpu.vector_store %arg9[%swap3A_42], %swap3A_45 {strides = array<i32>} : memref<128xf32, #tpu.memory_space<vmem>>, vector<16xf32>,
    %mul3A_46 = arith.constant 640 : i32
    %mul3A_47 = arith.muli %arg1, %mul3A_46 : i32
    %add3A_48 = arith.constant 0 : i32
    %add3A_49 = arith.addi %mul3A_47, %add3A_48 : i32
    %run_scoped3A = arith.constant 0 : i32
    "tpu.region"() ({
      %run_scoped3A_223 = tpu.sem_alloc : memref<!tpu.dma_semaphore, #tpu.memory_space<semaphore_mem>>
      %dma_start3A_224 = arith.constant 0 : i32
      %dma_start3A_225 = arith.constant 0 : i32
      %dma_start3A_226 = tpu.memref_slice %arg7[%run_scoped3A, %dma_start3A_224, %dma_start3A_225] : memref<2x128x128xf32, #tpu.memory_space<vmem>> -> memref<1x128x128xf32, #tpu.memory_space<vmem>>
      %dma_start3A_227 = tpu.memref_squeeze %dma_start3A_226 : memref<1x128x128xf32, #tpu.memory_space<vmem>> -> memref<128x128xf32, #tpu.memory_space<vmem>>
      %dma_start3A_228 = arith.constant 0 : i32
      %dma_start3A_229 = tpu.memref_slice %arg10[%add3A_49, %dma_start3A_228] : memref<10240x128xf32, #tpu.memory_space<vmem_shared>> -> memref<128x128xf32, #tpu.memory_space<vmem_shared>>
      %dma_start3A_230 = arith.constant 0 : i32
      %dma_start3A_231 = tpu.memref_slice %arg10[%add3A_49, %dma_start3A_230] : memref<10240x128xf32, #tpu.memory_space<vmem_shared>> -> memref<128x128xf32, #tpu.memory_space<vmem_shared>>
      %dma_start3A_232 = arith.constant 0 : i32
      %dma_start3A_233 = arith.constant 0 : i32
      %dma_start3A_234 = tpu.memref_slice %arg7[%run_scoped3A, %dma_start3A_232, %dma_start3A_233] : memref<2x128x128xf32, #tpu.memory_space<vmem>> -> memref<1x128x128xf32, #tpu.memory_space<vmem>>
      %dma_start3A_235 = tpu.memref_squeeze %dma_start3A_234 : memref<1x128x128xf32, #tpu.memory_space<vmem>> -> memref<128x128xf32, #tpu.memory_space<vmem>>
      tpu.enqueue_dma source(%dma_start3A_235 : memref<128x128xf32, #tpu.memory_space<vmem>>) target(%dma_start3A_231 : memref<128x128xf32, #tpu.memory_space<vmem_shared>>) target_semaphore(%run_scoped3A_223 : memref<!tpu.dma_semaphore, #tpu.memory_space<semaphore_mem>>)
      %dma_wait3A_236 = arith.constant 0 : i32
      %dma_wait3A_237 = arith.constant 0 : i32
      %dma_wait3A_238 = tpu.memref_slice %arg7[%run_scoped3A, %dma_wait3A_236, %dma_wait3A_237] : memref<2x128x128xf32, #tpu.memory_space<vmem>> -> memref<1x128x128xf32, #tpu.memory_space<vmem>>
      %dma_wait3A_239 = tpu.memref_squeeze %dma_wait3A_238 : memref<1x128x128xf32, #tpu.memory_space<vmem>> -> memref<128x128xf32, #tpu.memory_space<vmem>>
      %dma_wait3A_240 = arith.constant 0 : i32
      %dma_wait3A_241 = tpu.memref_slice %arg10[%add3A_49, %dma_wait3A_240] : memref<10240x128xf32, #tpu.memory_space<vmem_shared>> -> memref<128x128xf32, #tpu.memory_space<vmem_shared>>
      %dma_wait3A_242 = arith.constant 0 : i32
      %dma_wait3A_243 = tpu.memref_slice %arg10[%add3A_49, %dma_wait3A_242] : memref<10240x128xf32, #tpu.memory_space<vmem_shared>> -> memref<128x128xf32, #tpu.memory_space<vmem_shared>>
      %dma_wait3A_244 = arith.constant 0 : i32
      %dma_wait3A_245 = arith.constant 0 : i32
      %dma_wait3A_246 = tpu.memref_slice %arg7[%run_scoped3A, %dma_wait3A_244, %dma_wait3A_245] : memref<2x128x128xf32, #tpu.memory_space<vmem>> -> memref<1x128x128xf32, #tpu.memory_space<vmem>>
      %dma_wait3A_247 = tpu.memref_squeeze %dma_wait3A_246 : memref<1x128x128xf32, #tpu.memory_space<vmem>> -> memref<128x128xf32, #tpu.memory_space<vmem>>
      tpu.wait_dma2 semaphore(%run_scoped3A_223 : memref<!tpu.dma_semaphore, #tpu.memory_space<semaphore_mem>>) src(%dma_wait3A_247 : memref<128x128xf32, #tpu.memory_space<vmem>>) dst(%dma_wait3A_243 : memref<128x128xf32, #tpu.memory_space<vmem_shared>>)
      tpu.yield
    }) : () -> ()
    %mul3A_50 = arith.constant 640 : i32
    %mul3A_51 = arith.muli %arg1, %mul3A_50 : i32
    %add3A_52 = arith.constant 128 : i32
    %add3A_53 = arith.addi %mul3A_51, %add3A_52 : i32
    %run_scoped3A_54 = arith.constant 0 : i32
    "tpu.region"() ({
      %run_scoped3A_223 = tpu.sem_alloc : memref<!tpu.dma_semaphore, #tpu.memory_space<semaphore_mem>>
      %dma_start3A_224 = arith.constant 0 : i32
      %dma_start3A_225 = arith.constant 0 : i32
      %dma_start3A_226 = tpu.memref_slice %arg7[%run_scoped3A_54, %dma_start3A_224, %dma_start3A_225] : memref<2x128x128xf32, #tpu.memory_space<vmem>> -> memref<1x128x128xf32, #tpu.memory_space<vmem>>
      %dma_start3A_227 = tpu.memref_squeeze %dma_start3A_226 : memref<1x128x128xf32, #tpu.memory_space<vmem>> -> memref<128x128xf32, #tpu.memory_space<vmem>>
      %dma_start3A_228 = arith.constant 0 : i32
      %dma_start3A_229 = tpu.memref_slice %arg10[%add3A_53, %dma_start3A_228] : memref<10240x128xf32, #tpu.memory_space<vmem_shared>> -> memref<128x128xf32, #tpu.memory_space<vmem_shared>>
      %dma_start3A_230 = arith.constant 0 : i32
      %dma_start3A_231 = tpu.memref_slice %arg10[%add3A_53, %dma_start3A_230] : memref<10240x128xf32, #tpu.memory_space<vmem_shared>> -> memref<128x128xf32, #tpu.memory_space<vmem_shared>>
      %dma_start3A_232 = arith.constant 0 : i32
      %dma_start3A_233 = arith.constant 0 : i32
      %dma_start3A_234 = tpu.memref_slice %arg7[%run_scoped3A_54, %dma_start3A_232, %dma_start3A_233] : memref<2x128x128xf32, #tpu.memory_space<vmem>> -> memref<1x128x128xf32, #tpu.memory_space<vmem>>
      %dma_start3A_235 = tpu.memref_squeeze %dma_start3A_234 : memref<1x128x128xf32, #tpu.memory_space<vmem>> -> memref<128x128xf32, #tpu.memory_space<vmem>>
      tpu.enqueue_dma source(%dma_start3A_235 : memref<128x128xf32, #tpu.memory_space<vmem>>) target(%dma_start3A_231 : memref<128x128xf32, #tpu.memory_space<vmem_shared>>) target_semaphore(%run_scoped3A_223 : memref<!tpu.dma_semaphore, #tpu.memory_space<semaphore_mem>>)
      %dma_wait3A_236 = arith.constant 0 : i32
      %dma_wait3A_237 = arith.constant 0 : i32
      %dma_wait3A_238 = tpu.memref_slice %arg7[%run_scoped3A_54, %dma_wait3A_236, %dma_wait3A_237] : memref<2x128x128xf32, #tpu.memory_space<vmem>> -> memref<1x128x128xf32, #tpu.memory_space<vmem>>
      %dma_wait3A_239 = tpu.memref_squeeze %dma_wait3A_238 : memref<1x128x128xf32, #tpu.memory_space<vmem>> -> memref<128x128xf32, #tpu.memory_space<vmem>>
      %dma_wait3A_240 = arith.constant 0 : i32
      %dma_wait3A_241 = tpu.memref_slice %arg10[%add3A_53, %dma_wait3A_240] : memref<10240x128xf32, #tpu.memory_space<vmem_shared>> -> memref<128x128xf32, #tpu.memory_space<vmem_shared>>
      %dma_wait3A_242 = arith.constant 0 : i32
      %dma_wait3A_243 = tpu.memref_slice %arg10[%add3A_53, %dma_wait3A_242] : memref<10240x128xf32, #tpu.memory_space<vmem_shared>> -> memref<128x128xf32, #tpu.memory_space<vmem_shared>>
      %dma_wait3A_244 = arith.constant 0 : i32
      %dma_wait3A_245 = arith.constant 0 : i32
      %dma_wait3A_246 = tpu.memref_slice %arg7[%run_scoped3A_54, %dma_wait3A_244, %dma_wait3A_245] : memref<2x128x128xf32, #tpu.memory_space<vmem>> -> memref<1x128x128xf32, #tpu.memory_space<vmem>>
      %dma_wait3A_247 = tpu.memref_squeeze %dma_wait3A_246 : memref<1x128x128xf32, #tpu.memory_space<vmem>> -> memref<128x128xf32, #tpu.memory_space<vmem>>
      tpu.wait_dma2 semaphore(%run_scoped3A_223 : memref<!tpu.dma_semaphore, #tpu.memory_space<semaphore_mem>>) src(%dma_wait3A_247 : memref<128x128xf32, #tpu.memory_space<vmem>>) dst(%dma_wait3A_243 : memref<128x128xf32, #tpu.memory_space<vmem_shared>>)
      tpu.yield
    }) : () -> ()
    %mul3A_55 = arith.constant 640 : i32
    %mul3A_56 = arith.muli %arg1, %mul3A_55 : i32
    %add3A_57 = arith.constant 256 : i32
    %add3A_58 = arith.addi %mul3A_56, %add3A_57 : i32
    %run_scoped3A_59 = arith.constant 0 : i32
    "tpu.region"() ({
      %run_scoped3A_223 = tpu.sem_alloc : memref<!tpu.dma_semaphore, #tpu.memory_space<semaphore_mem>>
      %dma_start3A_224 = arith.constant 0 : i32
      %dma_start3A_225 = arith.constant 0 : i32
      %dma_start3A_226 = tpu.memref_slice %arg7[%run_scoped3A_59, %dma_start3A_224, %dma_start3A_225] : memref<2x128x128xf32, #tpu.memory_space<vmem>> -> memref<1x128x128xf32, #tpu.memory_space<vmem>>
      %dma_start3A_227 = tpu.memref_squeeze %dma_start3A_226 : memref<1x128x128xf32, #tpu.memory_space<vmem>> -> memref<128x128xf32, #tpu.memory_space<vmem>>
      %dma_start3A_228 = arith.constant 0 : i32
      %dma_start3A_229 = tpu.memref_slice %arg10[%add3A_58, %dma_start3A_228] : memref<10240x128xf32, #tpu.memory_space<vmem_shared>> -> memref<128x128xf32, #tpu.memory_space<vmem_shared>>
      %dma_start3A_230 = arith.constant 0 : i32
      %dma_start3A_231 = tpu.memref_slice %arg10[%add3A_58, %dma_start3A_230] : memref<10240x128xf32, #tpu.memory_space<vmem_shared>> -> memref<128x128xf32, #tpu.memory_space<vmem_shared>>
      %dma_start3A_232 = arith.constant 0 : i32
      %dma_start3A_233 = arith.constant 0 : i32
      %dma_start3A_234 = tpu.memref_slice %arg7[%run_scoped3A_59, %dma_start3A_232, %dma_start3A_233] : memref<2x128x128xf32, #tpu.memory_space<vmem>> -> memref<1x128x128xf32, #tpu.memory_space<vmem>>
      %dma_start3A_235 = tpu.memref_squeeze %dma_start3A_234 : memref<1x128x128xf32, #tpu.memory_space<vmem>> -> memref<128x128xf32, #tpu.memory_space<vmem>>
      tpu.enqueue_dma source(%dma_start3A_235 : memref<128x128xf32, #tpu.memory_space<vmem>>) target(%dma_start3A_231 : memref<128x128xf32, #tpu.memory_space<vmem_shared>>) target_semaphore(%run_scoped3A_223 : memref<!tpu.dma_semaphore, #tpu.memory_space<semaphore_mem>>)
      %dma_wait3A_236 = arith.constant 0 : i32
      %dma_wait3A_237 = arith.constant 0 : i32
      %dma_wait3A_238 = tpu.memref_slice %arg7[%run_scoped3A_59, %dma_wait3A_236, %dma_wait3A_237] : memref<2x128x128xf32, #tpu.memory_space<vmem>> -> memref<1x128x128xf32, #tpu.memory_space<vmem>>
      %dma_wait3A_239 = tpu.memref_squeeze %dma_wait3A_238 : memref<1x128x128xf32, #tpu.memory_space<vmem>> -> memref<128x128xf32, #tpu.memory_space<vmem>>
      %dma_wait3A_240 = arith.constant 0 : i32
      %dma_wait3A_241 = tpu.memref_slice %arg10[%add3A_58, %dma_wait3A_240] : memref<10240x128xf32, #tpu.memory_space<vmem_shared>> -> memref<128x128xf32, #tpu.memory_space<vmem_shared>>
      %dma_wait3A_242 = arith.constant 0 : i32
      %dma_wait3A_243 = tpu.memref_slice %arg10[%add3A_58, %dma_wait3A_242] : memref<10240x128xf32, #tpu.memory_space<vmem_shared>> -> memref<128x128xf32, #tpu.memory_space<vmem_shared>>
      %dma_wait3A_244 = arith.constant 0 : i32
      %dma_wait3A_245 = arith.constant 0 : i32
      %dma_wait3A_246 = tpu.memref_slice %arg7[%run_scoped3A_59, %dma_wait3A_244, %dma_wait3A_245] : memref<2x128x128xf32, #tpu.memory_space<vmem>> -> memref<1x128x128xf32, #tpu.memory_space<vmem>>
      %dma_wait3A_247 = tpu.memref_squeeze %dma_wait3A_246 : memref<1x128x128xf32, #tpu.memory_space<vmem>> -> memref<128x128xf32, #tpu.memory_space<vmem>>
      tpu.wait_dma2 semaphore(%run_scoped3A_223 : memref<!tpu.dma_semaphore, #tpu.memory_space<semaphore_mem>>) src(%dma_wait3A_247 : memref<128x128xf32, #tpu.memory_space<vmem>>) dst(%dma_wait3A_243 : memref<128x128xf32, #tpu.memory_space<vmem_shared>>)
      tpu.yield
    }) : () -> ()
    %mul3A_60 = arith.constant 640 : i32
    %mul3A_61 = arith.muli %arg1, %mul3A_60 : i32
    %add3A_62 = arith.constant 384 : i32
    %add3A_63 = arith.addi %mul3A_61, %add3A_62 : i32
    %run_scoped3A_64 = arith.constant 0 : i32
    "tpu.region"() ({
      %run_scoped3A_223 = tpu.sem_alloc : memref<!tpu.dma_semaphore, #tpu.memory_space<semaphore_mem>>
      %dma_start3A_224 = arith.constant 0 : i32
      %dma_start3A_225 = arith.constant 0 : i32
      %dma_start3A_226 = tpu.memref_slice %arg7[%run_scoped3A_64, %dma_start3A_224, %dma_start3A_225] : memref<2x128x128xf32, #tpu.memory_space<vmem>> -> memref<1x128x128xf32, #tpu.memory_space<vmem>>
      %dma_start3A_227 = tpu.memref_squeeze %dma_start3A_226 : memref<1x128x128xf32, #tpu.memory_space<vmem>> -> memref<128x128xf32, #tpu.memory_space<vmem>>
      %dma_start3A_228 = arith.constant 0 : i32
      %dma_start3A_229 = tpu.memref_slice %arg10[%add3A_63, %dma_start3A_228] : memref<10240x128xf32, #tpu.memory_space<vmem_shared>> -> memref<128x128xf32, #tpu.memory_space<vmem_shared>>
      %dma_start3A_230 = arith.constant 0 : i32
      %dma_start3A_231 = tpu.memref_slice %arg10[%add3A_63, %dma_start3A_230] : memref<10240x128xf32, #tpu.memory_space<vmem_shared>> -> memref<128x128xf32, #tpu.memory_space<vmem_shared>>
      %dma_start3A_232 = arith.constant 0 : i32
      %dma_start3A_233 = arith.constant 0 : i32
      %dma_start3A_234 = tpu.memref_slice %arg7[%run_scoped3A_64, %dma_start3A_232, %dma_start3A_233] : memref<2x128x128xf32, #tpu.memory_space<vmem>> -> memref<1x128x128xf32, #tpu.memory_space<vmem>>
      %dma_start3A_235 = tpu.memref_squeeze %dma_start3A_234 : memref<1x128x128xf32, #tpu.memory_space<vmem>> -> memref<128x128xf32, #tpu.memory_space<vmem>>
      tpu.enqueue_dma source(%dma_start3A_235 : memref<128x128xf32, #tpu.memory_space<vmem>>) target(%dma_start3A_231 : memref<128x128xf32, #tpu.memory_space<vmem_shared>>) target_semaphore(%run_scoped3A_223 : memref<!tpu.dma_semaphore, #tpu.memory_space<semaphore_mem>>)
      %dma_wait3A_236 = arith.constant 0 : i32
      %dma_wait3A_237 = arith.constant 0 : i32
      %dma_wait3A_238 = tpu.memref_slice %arg7[%run_scoped3A_64, %dma_wait3A_236, %dma_wait3A_237] : memref<2x128x128xf32, #tpu.memory_space<vmem>> -> memref<1x128x128xf32, #tpu.memory_space<vmem>>
      %dma_wait3A_239 = tpu.memref_squeeze %dma_wait3A_238 : memref<1x128x128xf32, #tpu.memory_space<vmem>> -> memref<128x128xf32, #tpu.memory_space<vmem>>
      %dma_wait3A_240 = arith.constant 0 : i32
      %dma_wait3A_241 = tpu.memref_slice %arg10[%add3A_63, %dma_wait3A_240] : memref<10240x128xf32, #tpu.memory_space<vmem_shared>> -> memref<128x128xf32, #tpu.memory_space<vmem_shared>>
      %dma_wait3A_242 = arith.constant 0 : i32
      %dma_wait3A_243 = tpu.memref_slice %arg10[%add3A_63, %dma_wait3A_242] : memref<10240x128xf32, #tpu.memory_space<vmem_shared>> -> memref<128x128xf32, #tpu.memory_space<vmem_shared>>
      %dma_wait3A_244 = arith.constant 0 : i32
      %dma_wait3A_245 = arith.constant 0 : i32
      %dma_wait3A_246 = tpu.memref_slice %arg7[%run_scoped3A_64, %dma_wait3A_244, %dma_wait3A_245] : memref<2x128x128xf32, #tpu.memory_space<vmem>> -> memref<1x128x128xf32, #tpu.memory_space<vmem>>
      %dma_wait3A_247 = tpu.memref_squeeze %dma_wait3A_246 : memref<1x128x128xf32, #tpu.memory_space<vmem>> -> memref<128x128xf32, #tpu.memory_space<vmem>>
      tpu.wait_dma2 semaphore(%run_scoped3A_223 : memref<!tpu.dma_semaphore, #tpu.memory_space<semaphore_mem>>) src(%dma_wait3A_247 : memref<128x128xf32, #tpu.memory_space<vmem>>) dst(%dma_wait3A_243 : memref<128x128xf32, #tpu.memory_space<vmem_shared>>)
      tpu.yield
    }) : () -> ()
    %mul3A_65 = arith.constant 640 : i32
    %mul3A_66 = arith.muli %arg1, %mul3A_65 : i32
    %add3A_67 = arith.constant 512 : i32
    %add3A_68 = arith.addi %mul3A_66, %add3A_67 : i32
    %run_scoped3A_69 = arith.constant 0 : i32
    "tpu.region"() ({
      %run_scoped3A_223 = tpu.sem_alloc : memref<!tpu.dma_semaphore, #tpu.memory_space<semaphore_mem>>
      %dma_start3A_224 = arith.constant 0 : i32
      %dma_start3A_225 = arith.constant 0 : i32
      %dma_start3A_226 = tpu.memref_slice %arg7[%run_scoped3A_69, %dma_start3A_224, %dma_start3A_225] : memref<2x128x128xf32, #tpu.memory_space<vmem>> -> memref<1x128x128xf32, #tpu.memory_space<vmem>>
      %dma_start3A_227 = tpu.memref_squeeze %dma_start3A_226 : memref<1x128x128xf32, #tpu.memory_space<vmem>> -> memref<128x128xf32, #tpu.memory_space<vmem>>
      %dma_start3A_228 = arith.constant 0 : i32
      %dma_start3A_229 = tpu.memref_slice %arg10[%add3A_68, %dma_start3A_228] : memref<10240x128xf32, #tpu.memory_space<vmem_shared>> -> memref<128x128xf32, #tpu.memory_space<vmem_shared>>
      %dma_start3A_230 = arith.constant 0 : i32
      %dma_start3A_231 = tpu.memref_slice %arg10[%add3A_68, %dma_start3A_230] : memref<10240x128xf32, #tpu.memory_space<vmem_shared>> -> memref<128x128xf32, #tpu.memory_space<vmem_shared>>
      %dma_start3A_232 = arith.constant 0 : i32
      %dma_start3A_233 = arith.constant 0 : i32
      %dma_start3A_234 = tpu.memref_slice %arg7[%run_scoped3A_69, %dma_start3A_232, %dma_start3A_233] : memref<2x128x128xf32, #tpu.memory_space<vmem>> -> memref<1x128x128xf32, #tpu.memory_space<vmem>>
      %dma_start3A_235 = tpu.memref_squeeze %dma_start3A_234 : memref<1x128x128xf32, #tpu.memory_space<vmem>> -> memref<128x128xf32, #tpu.memory_space<vmem>>
      tpu.enqueue_dma source(%dma_start3A_235 : memref<128x128xf32, #tpu.memory_space<vmem>>) target(%dma_start3A_231 : memref<128x128xf32, #tpu.memory_space<vmem_shared>>) target_semaphore(%run_scoped3A_223 : memref<!tpu.dma_semaphore, #tpu.memory_space<semaphore_mem>>)
      %dma_wait3A_236 = arith.constant 0 : i32
      %dma_wait3A_237 = arith.constant 0 : i32
      %dma_wait3A_238 = tpu.memref_slice %arg7[%run_scoped3A_69, %dma_wait3A_236, %dma_wait3A_237] : memref<2x128x128xf32, #tpu.memory_space<vmem>> -> memref<1x128x128xf32, #tpu.memory_space<vmem>>
      %dma_wait3A_239 = tpu.memref_squeeze %dma_wait3A_238 : memref<1x128x128xf32, #tpu.memory_space<vmem>> -> memref<128x128xf32, #tpu.memory_space<vmem>>
      %dma_wait3A_240 = arith.constant 0 : i32
      %dma_wait3A_241 = tpu.memref_slice %arg10[%add3A_68, %dma_wait3A_240] : memref<10240x128xf32, #tpu.memory_space<vmem_shared>> -> memref<128x128xf32, #tpu.memory_space<vmem_shared>>
      %dma_wait3A_242 = arith.constant 0 : i32
      %dma_wait3A_243 = tpu.memref_slice %arg10[%add3A_68, %dma_wait3A_242] : memref<10240x128xf32, #tpu.memory_space<vmem_shared>> -> memref<128x128xf32, #tpu.memory_space<vmem_shared>>
      %dma_wait3A_244 = arith.constant 0 : i32
      %dma_wait3A_245 = arith.constant 0 : i32
      %dma_wait3A_246 = tpu.memref_slice %arg7[%run_scoped3A_69, %dma_wait3A_244, %dma_wait3A_245] : memref<2x128x128xf32, #tpu.memory_space<vmem>> -> memref<1x128x128xf32, #tpu.memory_space<vmem>>
      %dma_wait3A_247 = tpu.memref_squeeze %dma_wait3A_246 : memref<1x128x128xf32, #tpu.memory_space<vmem>> -> memref<128x128xf32, #tpu.memory_space<vmem>>
      tpu.wait_dma2 semaphore(%run_scoped3A_223 : memref<!tpu.dma_semaphore, #tpu.memory_space<semaphore_mem>>) src(%dma_wait3A_247 : memref<128x128xf32, #tpu.memory_space<vmem>>) dst(%dma_wait3A_243 : memref<128x128xf32, #tpu.memory_space<vmem_shared>>)
      tpu.yield
    }) : () -> ()
    %mul3A_70 = arith.constant 640 : i32
    %mul3A_71 = arith.muli %arg1, %mul3A_70 : i32
    "tpu.region"() ({
      %run_scoped3A_223 = tpu.sem_alloc : memref<!tpu.dma_semaphore, #tpu.memory_space<semaphore_mem>>
      %dma_start3A_224 = tpu.memref_slice %arg11[%mul3A_71] : memref<10240xf32, #tpu.memory_space<vmem_shared>> -> memref<640xf32, #tpu.memory_space<vmem_shared>>
      %dma_start3A_225 = tpu.memref_slice %arg11[%mul3A_71] : memref<10240xf32, #tpu.memory_space<vmem_shared>> -> memref<640xf32, #tpu.memory_space<vmem_shared>>
      tpu.enqueue_dma source(%arg8 : memref<640xf32, #tpu.memory_space<vmem>>) target(%dma_start3A_225 : memref<640xf32, #tpu.memory_space<vmem_shared>>) target_semaphore(%run_scoped3A_223 : memref<!tpu.dma_semaphore, #tpu.memory_space<semaphore_mem>>)
      %dma_wait3A_226 = tpu.memref_slice %arg11[%mul3A_71] : memref<10240xf32, #tpu.memory_space<vmem_shared>> -> memref<640xf32, #tpu.memory_space<vmem_shared>>
      %dma_wait3A_227 = tpu.memref_slice %arg11[%mul3A_71] : memref<10240xf32, #tpu.memory_space<vmem_shared>> -> memref<640xf32, #tpu.memory_space<vmem_shared>>
      tpu.wait_dma2 semaphore(%run_scoped3A_223 : memref<!tpu.dma_semaphore, #tpu.memory_space<semaphore_mem>>) src(%arg8 : memref<640xf32, #tpu.memory_space<vmem>>) dst(%dma_wait3A_227 : memref<640xf32, #tpu.memory_space<vmem_shared>>)
      tpu.yield
    }) : () -> ()
    %mul3A_72 = arith.constant 40 : i32
    %mul3A_73 = arith.muli %add3A, %mul3A_72 : i32
    "tpu.region"() ({
      %run_scoped3A_223 = tpu.sem_alloc : memref<!tpu.dma_semaphore, #tpu.memory_space<semaphore_mem>>
      %dma_start3A_224 = arith.constant 0 : i32
      %dma_start3A_225 = tpu.memref_slice %arg3[%mul3A_73, %dma_start3A_224] : memref<1280x128xi32, #tpu.memory_space<hbm>> -> memref<40x128xi32, #tpu.memory_space<hbm>>
      %dma_start3A_226 = arith.constant 0 : i32
      %dma_start3A_227 = tpu.memref_slice %arg3[%mul3A_73, %dma_start3A_226] : memref<1280x128xi32, #tpu.memory_space<hbm>> -> memref<40x128xi32, #tpu.memory_space<hbm>>
      tpu.enqueue_dma source(%dma_start3A_227 : memref<40x128xi32, #tpu.memory_space<hbm>>) target(%arg6 : memref<40x128xi32, #tpu.memory_space<vmem>>) target_semaphore(%run_scoped3A_223 : memref<!tpu.dma_semaphore, #tpu.memory_space<semaphore_mem>>)
      %dma_wait3A_228 = arith.constant 0 : i32
      %dma_wait3A_229 = tpu.memref_slice %arg3[%mul3A_73, %dma_wait3A_228] : memref<1280x128xi32, #tpu.memory_space<hbm>> -> memref<40x128xi32, #tpu.memory_space<hbm>>
      %dma_wait3A_230 = arith.constant 0 : i32
      %dma_wait3A_231 = tpu.memref_slice %arg3[%mul3A_73, %dma_wait3A_230] : memref<1280x128xi32, #tpu.memory_space<hbm>> -> memref<40x128xi32, #tpu.memory_space<hbm>>
      tpu.wait_dma2 semaphore(%run_scoped3A_223 : memref<!tpu.dma_semaphore, #tpu.memory_space<semaphore_mem>>) src(%dma_wait3A_231 : memref<40x128xi32, #tpu.memory_space<hbm>>) dst(%arg6 : memref<40x128xi32, #tpu.memory_space<vmem>>)
      tpu.yield
    }) : () -> ()
    %barrier3A = arith.constant 0 : index
    tpu.barrier barrier_id(%barrier3A)
    %add3A_74 = arith.constant 0 : i32
    %add3A_75 = arith.addi %mul3A_73, %add3A_74 : i32
    %mul3A_76 = arith.constant 128 : i32
    %mul3A_77 = arith.muli %add3A_75, %mul3A_76 : i32
    %dma_start3A = arith.constant 0 : i32
    %dma_start3A_78 = arith.constant 0 : i32
    %dma_start3A_79 = arith.constant 0 : i32
    %dma_start3A_80 = tpu.memref_slice %arg7[%dma_start3A, %dma_start3A_78, %dma_start3A_79] : memref<2x128x128xf32, #tpu.memory_space<vmem>> -> memref<1x128x128xf32, #tpu.memory_space<vmem>>
    %dma_start3A_81 = tpu.memref_squeeze %dma_start3A_80 : memref<1x128x128xf32, #tpu.memory_space<vmem>> -> memref<128x128xf32, #tpu.memory_space<vmem>>
    %dma_start3A_82 = arith.constant 0 : i32
    %dma_start3A_83 = tpu.memref_slice %arg2[%mul3A_77, %dma_start3A_82] : memref<163840x128xf32, #tpu.memory_space<hbm>> -> memref<128x128xf32, #tpu.memory_space<hbm>>
    %dma_start3A_84 = arith.constant 0 : i32
    %dma_start3A_85 = arith.constant 0 : i32
    %dma_start3A_86 = tpu.memref_slice %arg7[%dma_start3A, %dma_start3A_84, %dma_start3A_85] : memref<2x128x128xf32, #tpu.memory_space<vmem>> -> memref<1x128x128xf32, #tpu.memory_space<vmem>>
    %dma_start3A_87 = tpu.memref_squeeze %dma_start3A_86 : memref<1x128x128xf32, #tpu.memory_space<vmem>> -> memref<128x128xf32, #tpu.memory_space<vmem>>
    %dma_start3A_88 = arith.constant 0 : i32
    %dma_start3A_89 = tpu.memref_slice %arg2[%mul3A_77, %dma_start3A_88] : memref<163840x128xf32, #tpu.memory_space<hbm>> -> memref<128x128xf32, #tpu.memory_space<hbm>>
    tpu.enqueue_dma source(%dma_start3A_89 : memref<128x128xf32, #tpu.memory_space<hbm>>) target(%dma_start3A_87 : memref<128x128xf32, #tpu.memory_space<vmem>>) target_semaphore(%arg12 : memref<!tpu.dma_semaphore, #tpu.memory_space<semaphore_mem>>)
    %add3A_90 = arith.constant 1 : i32
    %add3A_91 = arith.addi %mul3A_73, %add3A_90 : i32
    %mul3A_92 = arith.constant 128 : i32
    %mul3A_93 = arith.muli %add3A_91, %mul3A_92 : i32
    %dma_start3A_94 = arith.constant 1 : i32
    %dma_start3A_95 = arith.constant 0 : i32
    %dma_start3A_96 = arith.constant 0 : i32
    %dma_start3A_97 = tpu.memref_slice %arg7[%dma_start3A_94, %dma_start3A_95, %dma_start3A_96] : memref<2x128x128xf32, #tpu.memory_space<vmem>> -> memref<1x128x128xf32, #tpu.memory_space<vmem>>
    %dma_start3A_98 = tpu.memref_squeeze %dma_start3A_97 : memref<1x128x128xf32, #tpu.memory_space<vmem>> -> memref<128x128xf32, #tpu.memory_space<vmem>>
    %dma_start3A_99 = arith.constant 0 : i32
    %dma_start3A_100 = tpu.memref_slice %arg2[%mul3A_93, %dma_start3A_99] : memref<163840x128xf32, #tpu.memory_space<hbm>> -> memref<128x128xf32, #tpu.memory_space<hbm>>
    %dma_start3A_101 = arith.constant 0 : i32
    %dma_start3A_102 = arith.constant 0 : i32
    %dma_start3A_103 = tpu.memref_slice %arg7[%dma_start3A_94, %dma_start3A_101, %dma_start3A_102] : memref<2x128x128xf32, #tpu.memory_space<vmem>> -> memref<1x128x128xf32, #tpu.memory_space<vmem>>
    %dma_start3A_104 = tpu.memref_squeeze %dma_start3A_103 : memref<1x128x128xf32, #tpu.memory_space<vmem>> -> memref<128x128xf32, #tpu.memory_space<vmem>>
    %dma_start3A_105 = arith.constant 0 : i32
    %dma_start3A_106 = tpu.memref_slice %arg2[%mul3A_93, %dma_start3A_105] : memref<163840x128xf32, #tpu.memory_space<hbm>> -> memref<128x128xf32, #tpu.memory_space<hbm>>
    tpu.enqueue_dma source(%dma_start3A_106 : memref<128x128xf32, #tpu.memory_space<hbm>>) target(%dma_start3A_104 : memref<128x128xf32, #tpu.memory_space<vmem>>) target_semaphore(%arg13 : memref<!tpu.dma_semaphore, #tpu.memory_space<semaphore_mem>>)
    %scan3A_107 = arith.constant 0 : i32
    %scan3A_108 = arith.constant 0 : i32
    %scan3A_109 = arith.constant 19 : i32
    %scan3A_110 = arith.addi %scan3A_108, %scan3A_109 : i32
    %scan3A_111 = arith.constant 1 : i32
    scf.for %scan3A_223 = %scan3A_108 to %scan3A_110 step %scan3A_111  : i32 {
      %mul3A_224 = arith.constant 2 : i32
      %mul3A_225 = arith.muli %mul3A_224, %scan3A_223 : i32
      %add3A_226 = arith.constant 0 : i32
      %add3A_227 = arith.addi %mul3A_225, %add3A_226 : i32
      %dma_wait3A_228 = arith.constant 0 : i32
      %dma_wait3A_229 = arith.constant 0 : i32
      %dma_wait3A_230 = arith.constant 0 : i32
      %dma_wait3A_231 = tpu.memref_slice %arg7[%dma_wait3A_228, %dma_wait3A_229, %dma_wait3A_230] : memref<2x128x128xf32, #tpu.memory_space<vmem>> -> memref<1x128x128xf32, #tpu.memory_space<vmem>>
      %dma_wait3A_232 = tpu.memref_squeeze %dma_wait3A_231 : memref<1x128x128xf32, #tpu.memory_space<vmem>> -> memref<128x128xf32, #tpu.memory_space<vmem>>
      %dma_wait3A_233 = arith.constant 0 : i32
      %dma_wait3A_234 = arith.constant 0 : i32
      %dma_wait3A_235 = tpu.memref_slice %arg2[%dma_wait3A_233, %dma_wait3A_234] : memref<163840x128xf32, #tpu.memory_space<hbm>> -> memref<128x128xf32, #tpu.memory_space<hbm>>
      %dma_wait3A_236 = arith.constant 0 : i32
      %dma_wait3A_237 = arith.constant 0 : i32
      %dma_wait3A_238 = tpu.memref_slice %arg7[%dma_wait3A_228, %dma_wait3A_236, %dma_wait3A_237] : memref<2x128x128xf32, #tpu.memory_space<vmem>> -> memref<1x128x128xf32, #tpu.memory_space<vmem>>
      %dma_wait3A_239 = tpu.memref_squeeze %dma_wait3A_238 : memref<1x128x128xf32, #tpu.memory_space<vmem>> -> memref<128x128xf32, #tpu.memory_space<vmem>>
      %dma_wait3A_240 = arith.constant 0 : i32
      %dma_wait3A_241 = arith.constant 0 : i32
      %dma_wait3A_242 = tpu.memref_slice %arg2[%dma_wait3A_240, %dma_wait3A_241] : memref<163840x128xf32, #tpu.memory_space<hbm>> -> memref<128x128xf32, #tpu.memory_space<hbm>>
      tpu.wait_dma2 semaphore(%arg12 : memref<!tpu.dma_semaphore, #tpu.memory_space<semaphore_mem>>) src(%dma_wait3A_242 : memref<128x128xf32, #tpu.memory_space<hbm>>) dst(%dma_wait3A_239 : memref<128x128xf32, #tpu.memory_space<vmem>>)
      %dma_start3A_243 = arith.constant 0 : i32
      %dma_start3A_244 = arith.constant 0 : i32
      %dma_start3A_245 = arith.constant 0 : i32
      %dma_start3A_246 = tpu.memref_slice %arg7[%dma_start3A_243, %dma_start3A_244, %dma_start3A_245] : memref<2x128x128xf32, #tpu.memory_space<vmem>> -> memref<1x128x128xf32, #tpu.memory_space<vmem>>
      %dma_start3A_247 = tpu.memref_squeeze %dma_start3A_246 : memref<1x128x128xf32, #tpu.memory_space<vmem>> -> memref<128x128xf32, #tpu.memory_space<vmem>>
      %dma_start3A_248 = arith.constant 0 : i32
      %dma_start3A_249 = tpu.memref_slice %arg6[%add3A_227, %dma_start3A_248] : memref<40x128xi32, #tpu.memory_space<vmem>> -> memref<1x128xi32, #tpu.memory_space<vmem>>
      %dma_start3A_250 = tpu.memref_squeeze %dma_start3A_249 : memref<1x128xi32, #tpu.memory_space<vmem>> -> memref<128xi32, #tpu.memory_space<vmem>>
      %dma_start3A_251 = arith.constant 0 : i32
      %dma_start3A_252 = arith.constant 0 : i32
      %dma_start3A_253 = tpu.memref_slice %arg10[%dma_start3A_251, %dma_start3A_252] : memref<10240x128xf32, #tpu.memory_space<vmem_shared>> -> memref<10240x128xf32, #tpu.memory_space<vmem_shared>>
      tpu.enqueue_indirect_dma source(%dma_start3A_247 : memref<128x128xf32, #tpu.memory_space<vmem>>) target(%dma_start3A_253 : memref<10240x128xf32, #tpu.memory_space<vmem_shared>>) offsets(%dma_start3A_250 : memref<128xi32, #tpu.memory_space<vmem>>) semaphore(%arg14 : memref<!tpu.dma_semaphore, #tpu.memory_space<semaphore_mem>>) {add = true}
      %dma_start3A_254 = arith.constant 0 : i32
      %dma_start3A_255 = tpu.memref_slice %arg6[%add3A_227, %dma_start3A_254] : memref<40x128xi32, #tpu.memory_space<vmem>> -> memref<1x128xi32, #tpu.memory_space<vmem>>
      %dma_start3A_256 = tpu.memref_squeeze %dma_start3A_255 : memref<1x128xi32, #tpu.memory_space<vmem>> -> memref<128xi32, #tpu.memory_space<vmem>>
      %dma_start3A_257 = arith.constant 0 : i32
      %dma_start3A_258 = tpu.memref_slice %arg11[%dma_start3A_257] : memref<10240xf32, #tpu.memory_space<vmem_shared>> -> memref<10240xf32, #tpu.memory_space<vmem_shared>>
      tpu.enqueue_indirect_dma source(%arg9 : memref<128xf32, #tpu.memory_space<vmem>>) target(%dma_start3A_258 : memref<10240xf32, #tpu.memory_space<vmem_shared>>) offsets(%dma_start3A_256 : memref<128xi32, #tpu.memory_space<vmem>>) semaphore(%arg16 : memref<!tpu.dma_semaphore, #tpu.memory_space<semaphore_mem>>) {add = true}
      %dma_wait3A_259 = arith.constant 0 : i32
      %dma_wait3A_260 = arith.constant 0 : i32
      %dma_wait3A_261 = arith.constant 0 : i32
      %dma_wait3A_262 = tpu.memref_slice %arg7[%dma_wait3A_259, %dma_wait3A_260, %dma_wait3A_261] : memref<2x128x128xf32, #tpu.memory_space<vmem>> -> memref<1x128x128xf32, #tpu.memory_space<vmem>>
      %dma_wait3A_263 = tpu.memref_squeeze %dma_wait3A_262 : memref<1x128x128xf32, #tpu.memory_space<vmem>> -> memref<128x128xf32, #tpu.memory_space<vmem>>
      %dma_wait3A_264 = arith.constant 0 : i32
      %dma_wait3A_265 = tpu.memref_slice %arg6[%add3A_227, %dma_wait3A_264] : memref<40x128xi32, #tpu.memory_space<vmem>> -> memref<1x128xi32, #tpu.memory_space<vmem>>
      %dma_wait3A_266 = tpu.memref_squeeze %dma_wait3A_265 : memref<1x128xi32, #tpu.memory_space<vmem>> -> memref<128xi32, #tpu.memory_space<vmem>>
      %dma_wait3A_267 = arith.constant 0 : i32
      %dma_wait3A_268 = arith.constant 0 : i32
      %dma_wait3A_269 = tpu.memref_slice %arg10[%dma_wait3A_267, %dma_wait3A_268] : memref<10240x128xf32, #tpu.memory_space<vmem_shared>> -> memref<10240x128xf32, #tpu.memory_space<vmem_shared>>
      tpu.wait_indirect_dma semaphore(%arg14 : memref<!tpu.dma_semaphore, #tpu.memory_space<semaphore_mem>>) src(%dma_wait3A_263 : memref<128x128xf32, #tpu.memory_space<vmem>>) dst(%dma_wait3A_269 : memref<10240x128xf32, #tpu.memory_space<vmem_shared>>)
      %dma_wait3A_270 = arith.constant 0 : i32
      %dma_wait3A_271 = tpu.memref_slice %arg6[%add3A_227, %dma_wait3A_270] : memref<40x128xi32, #tpu.memory_space<vmem>> -> memref<1x128xi32, #tpu.memory_space<vmem>>
      %dma_wait3A_272 = tpu.memref_squeeze %dma_wait3A_271 : memref<1x128xi32, #tpu.memory_space<vmem>> -> memref<128xi32, #tpu.memory_space<vmem>>
      %dma_wait3A_273 = arith.constant 0 : i32
      %dma_wait3A_274 = tpu.memref_slice %arg11[%dma_wait3A_273] : memref<10240xf32, #tpu.memory_space<vmem_shared>> -> memref<10240xf32, #tpu.memory_space<vmem_shared>>
      tpu.wait_indirect_dma semaphore(%arg16 : memref<!tpu.dma_semaphore, #tpu.memory_space<semaphore_mem>>) src(%arg9 : memref<128xf32, #tpu.memory_space<vmem>>) dst(%dma_wait3A_274 : memref<10240xf32, #tpu.memory_space<vmem_shared>>)
      %add3A_275 = arith.constant 2 : i32
      %add3A_276 = arith.addi %add3A_227, %add3A_275 : i32
      %add3A_277 = arith.addi %mul3A_73, %add3A_276 : i32
      %mul3A_278 = arith.constant 128 : i32
      %mul3A_279 = arith.muli %add3A_277, %mul3A_278 : i32
      %dma_start3A_280 = arith.constant 0 : i32
      %dma_start3A_281 = arith.constant 0 : i32
      %dma_start3A_282 = arith.constant 0 : i32
      %dma_start3A_283 = tpu.memref_slice %arg7[%dma_start3A_280, %dma_start3A_281, %dma_start3A_282] : memref<2x128x128xf32, #tpu.memory_space<vmem>> -> memref<1x128x128xf32, #tpu.memory_space<vmem>>
      %dma_start3A_284 = tpu.memref_squeeze %dma_start3A_283 : memref<1x128x128xf32, #tpu.memory_space<vmem>> -> memref<128x128xf32, #tpu.memory_space<vmem>>
      %dma_start3A_285 = arith.constant 0 : i32
      %dma_start3A_286 = tpu.memref_slice %arg2[%mul3A_279, %dma_start3A_285] : memref<163840x128xf32, #tpu.memory_space<hbm>> -> memref<128x128xf32, #tpu.memory_space<hbm>>
      %dma_start3A_287 = arith.constant 0 : i32
      %dma_start3A_288 = arith.constant 0 : i32
      %dma_start3A_289 = tpu.memref_slice %arg7[%dma_start3A_280, %dma_start3A_287, %dma_start3A_288] : memref<2x128x128xf32, #tpu.memory_space<vmem>> -> memref<1x128x128xf32, #tpu.memory_space<vmem>>
      %dma_start3A_290 = tpu.memref_squeeze %dma_start3A_289 : memref<1x128x128xf32, #tpu.memory_space<vmem>> -> memref<128x128xf32, #tpu.memory_space<vmem>>
      %dma_start3A_291 = arith.constant 0 : i32
      %dma_start3A_292 = tpu.memref_slice %arg2[%mul3A_279, %dma_start3A_291] : memref<163840x128xf32, #tpu.memory_space<hbm>> -> memref<128x128xf32, #tpu.memory_space<hbm>>
      tpu.enqueue_dma source(%dma_start3A_292 : memref<128x128xf32, #tpu.memory_space<hbm>>) target(%dma_start3A_290 : memref<128x128xf32, #tpu.memory_space<vmem>>) target_semaphore(%arg12 : memref<!tpu.dma_semaphore, #tpu.memory_space<semaphore_mem>>)
      %mul3A_293 = arith.constant 2 : i32
      %mul3A_294 = arith.muli %mul3A_293, %scan3A_223 : i32
      %add3A_295 = arith.constant 1 : i32
      %add3A_296 = arith.addi %mul3A_294, %add3A_295 : i32
      %dma_wait3A_297 = arith.constant 1 : i32
      %dma_wait3A_298 = arith.constant 0 : i32
      %dma_wait3A_299 = arith.constant 0 : i32
      %dma_wait3A_300 = tpu.memref_slice %arg7[%dma_wait3A_297, %dma_wait3A_298, %dma_wait3A_299] : memref<2x128x128xf32, #tpu.memory_space<vmem>> -> memref<1x128x128xf32, #tpu.memory_space<vmem>>
      %dma_wait3A_301 = tpu.memref_squeeze %dma_wait3A_300 : memref<1x128x128xf32, #tpu.memory_space<vmem>> -> memref<128x128xf32, #tpu.memory_space<vmem>>
      %dma_wait3A_302 = arith.constant 0 : i32
      %dma_wait3A_303 = arith.constant 0 : i32
      %dma_wait3A_304 = tpu.memref_slice %arg2[%dma_wait3A_302, %dma_wait3A_303] : memref<163840x128xf32, #tpu.memory_space<hbm>> -> memref<128x128xf32, #tpu.memory_space<hbm>>
      %dma_wait3A_305 = arith.constant 0 : i32
      %dma_wait3A_306 = arith.constant 0 : i32
      %dma_wait3A_307 = tpu.memref_slice %arg7[%dma_wait3A_297, %dma_wait3A_305, %dma_wait3A_306] : memref<2x128x128xf32, #tpu.memory_space<vmem>> -> memref<1x128x128xf32, #tpu.memory_space<vmem>>
      %dma_wait3A_308 = tpu.memref_squeeze %dma_wait3A_307 : memref<1x128x128xf32, #tpu.memory_space<vmem>> -> memref<128x128xf32, #tpu.memory_space<vmem>>
      %dma_wait3A_309 = arith.constant 0 : i32
      %dma_wait3A_310 = arith.constant 0 : i32
      %dma_wait3A_311 = tpu.memref_slice %arg2[%dma_wait3A_309, %dma_wait3A_310] : memref<163840x128xf32, #tpu.memory_space<hbm>> -> memref<128x128xf32, #tpu.memory_space<hbm>>
      tpu.wait_dma2 semaphore(%arg13 : memref<!tpu.dma_semaphore, #tpu.memory_space<semaphore_mem>>) src(%dma_wait3A_311 : memref<128x128xf32, #tpu.memory_space<hbm>>) dst(%dma_wait3A_308 : memref<128x128xf32, #tpu.memory_space<vmem>>)
      %dma_start3A_312 = arith.constant 1 : i32
      %dma_start3A_313 = arith.constant 0 : i32
      %dma_start3A_314 = arith.constant 0 : i32
      %dma_start3A_315 = tpu.memref_slice %arg7[%dma_start3A_312, %dma_start3A_313, %dma_start3A_314] : memref<2x128x128xf32, #tpu.memory_space<vmem>> -> memref<1x128x128xf32, #tpu.memory_space<vmem>>
      %dma_start3A_316 = tpu.memref_squeeze %dma_start3A_315 : memref<1x128x128xf32, #tpu.memory_space<vmem>> -> memref<128x128xf32, #tpu.memory_space<vmem>>
      %dma_start3A_317 = arith.constant 0 : i32
      %dma_start3A_318 = tpu.memref_slice %arg6[%add3A_296, %dma_start3A_317] : memref<40x128xi32, #tpu.memory_space<vmem>> -> memref<1x128xi32, #tpu.memory_space<vmem>>
      %dma_start3A_319 = tpu.memref_squeeze %dma_start3A_318 : memref<1x128xi32, #tpu.memory_space<vmem>> -> memref<128xi32, #tpu.memory_space<vmem>>
      %dma_start3A_320 = arith.constant 0 : i32
      %dma_start3A_321 = arith.constant 0 : i32
      %dma_start3A_322 = tpu.memref_slice %arg10[%dma_start3A_320, %dma_start3A_321] : memref<10240x128xf32, #tpu.memory_space<vmem_shared>> -> memref<10240x128xf32, #tpu.memory_space<vmem_shared>>
      tpu.enqueue_indirect_dma source(%dma_start3A_316 : memref<128x128xf32, #tpu.memory_space<vmem>>) target(%dma_start3A_322 : memref<10240x128xf32, #tpu.memory_space<vmem_shared>>) offsets(%dma_start3A_319 : memref<128xi32, #tpu.memory_space<vmem>>) semaphore(%arg15 : memref<!tpu.dma_semaphore, #tpu.memory_space<semaphore_mem>>) {add = true}
      %dma_start3A_323 = arith.constant 0 : i32
      %dma_start3A_324 = tpu.memref_slice %arg6[%add3A_296, %dma_start3A_323] : memref<40x128xi32, #tpu.memory_space<vmem>> -> memref<1x128xi32, #tpu.memory_space<vmem>>
      %dma_start3A_325 = tpu.memref_squeeze %dma_start3A_324 : memref<1x128xi32, #tpu.memory_space<vmem>> -> memref<128xi32, #tpu.memory_space<vmem>>
      %dma_start3A_326 = arith.constant 0 : i32
      %dma_start3A_327 = tpu.memref_slice %arg11[%dma_start3A_326] : memref<10240xf32, #tpu.memory_space<vmem_shared>> -> memref<10240xf32, #tpu.memory_space<vmem_shared>>
      tpu.enqueue_indirect_dma source(%arg9 : memref<128xf32, #tpu.memory_space<vmem>>) target(%dma_start3A_327 : memref<10240xf32, #tpu.memory_space<vmem_shared>>) offsets(%dma_start3A_325 : memref<128xi32, #tpu.memory_space<vmem>>) semaphore(%arg17 : memref<!tpu.dma_semaphore, #tpu.memory_space<semaphore_mem>>) {add = true}
      %dma_wait3A_328 = arith.constant 1 : i32
      %dma_wait3A_329 = arith.constant 0 : i32
      %dma_wait3A_330 = arith.constant 0 : i32
      %dma_wait3A_331 = tpu.memref_slice %arg7[%dma_wait3A_328, %dma_wait3A_329, %dma_wait3A_330] : memref<2x128x128xf32, #tpu.memory_space<vmem>> -> memref<1x128x128xf32, #tpu.memory_space<vmem>>
      %dma_wait3A_332 = tpu.memref_squeeze %dma_wait3A_331 : memref<1x128x128xf32, #tpu.memory_space<vmem>> -> memref<128x128xf32, #tpu.memory_space<vmem>>
      %dma_wait3A_333 = arith.constant 0 : i32
      %dma_wait3A_334 = tpu.memref_slice %arg6[%add3A_296, %dma_wait3A_333] : memref<40x128xi32, #tpu.memory_space<vmem>> -> memref<1x128xi32, #tpu.memory_space<vmem>>
      %dma_wait3A_335 = tpu.memref_squeeze %dma_wait3A_334 : memref<1x128xi32, #tpu.memory_space<vmem>> -> memref<128xi32, #tpu.memory_space<vmem>>
      %dma_wait3A_336 = arith.constant 0 : i32
      %dma_wait3A_337 = arith.constant 0 : i32
      %dma_wait3A_338 = tpu.memref_slice %arg10[%dma_wait3A_336, %dma_wait3A_337] : memref<10240x128xf32, #tpu.memory_space<vmem_shared>> -> memref<10240x128xf32, #tpu.memory_space<vmem_shared>>
      tpu.wait_indirect_dma semaphore(%arg15 : memref<!tpu.dma_semaphore, #tpu.memory_space<semaphore_mem>>) src(%dma_wait3A_332 : memref<128x128xf32, #tpu.memory_space<vmem>>) dst(%dma_wait3A_338 : memref<10240x128xf32, #tpu.memory_space<vmem_shared>>)
      %dma_wait3A_339 = arith.constant 0 : i32
      %dma_wait3A_340 = tpu.memref_slice %arg6[%add3A_296, %dma_wait3A_339] : memref<40x128xi32, #tpu.memory_space<vmem>> -> memref<1x128xi32, #tpu.memory_space<vmem>>
      %dma_wait3A_341 = tpu.memref_squeeze %dma_wait3A_340 : memref<1x128xi32, #tpu.memory_space<vmem>> -> memref<128xi32, #tpu.memory_space<vmem>>
      %dma_wait3A_342 = arith.constant 0 : i32
      %dma_wait3A_343 = tpu.memref_slice %arg11[%dma_wait3A_342] : memref<10240xf32, #tpu.memory_space<vmem_shared>> -> memref<10240xf32, #tpu.memory_space<vmem_shared>>
      tpu.wait_indirect_dma semaphore(%arg17 : memref<!tpu.dma_semaphore, #tpu.memory_space<semaphore_mem>>) src(%arg9 : memref<128xf32, #tpu.memory_space<vmem>>) dst(%dma_wait3A_343 : memref<10240xf32, #tpu.memory_space<vmem_shared>>)
      %add3A_344 = arith.constant 2 : i32
      %add3A_345 = arith.addi %add3A_296, %add3A_344 : i32
      %add3A_346 = arith.addi %mul3A_73, %add3A_345 : i32
      %mul3A_347 = arith.constant 128 : i32
      %mul3A_348 = arith.muli %add3A_346, %mul3A_347 : i32
      %dma_start3A_349 = arith.constant 1 : i32
      %dma_start3A_350 = arith.constant 0 : i32
      %dma_start3A_351 = arith.constant 0 : i32
      %dma_start3A_352 = tpu.memref_slice %arg7[%dma_start3A_349, %dma_start3A_350, %dma_start3A_351] : memref<2x128x128xf32, #tpu.memory_space<vmem>> -> memref<1x128x128xf32, #tpu.memory_space<vmem>>
      %dma_start3A_353 = tpu.memref_squeeze %dma_start3A_352 : memref<1x128x128xf32, #tpu.memory_space<vmem>> -> memref<128x128xf32, #tpu.memory_space<vmem>>
      %dma_start3A_354 = arith.constant 0 : i32
      %dma_start3A_355 = tpu.memref_slice %arg2[%mul3A_348, %dma_start3A_354] : memref<163840x128xf32, #tpu.memory_space<hbm>> -> memref<128x128xf32, #tpu.memory_space<hbm>>
      %dma_start3A_356 = arith.constant 0 : i32
      %dma_start3A_357 = arith.constant 0 : i32
      %dma_start3A_358 = tpu.memref_slice %arg7[%dma_start3A_349, %dma_start3A_356, %dma_start3A_357] : memref<2x128x128xf32, #tpu.memory_space<vmem>> -> memref<1x128x128xf32, #tpu.memory_space<vmem>>
      %dma_start3A_359 = tpu.memref_squeeze %dma_start3A_358 : memref<1x128x128xf32, #tpu.memory_space<vmem>> -> memref<128x128xf32, #tpu.memory_space<vmem>>
      %dma_start3A_360 = arith.constant 0 : i32
      %dma_start3A_361 = tpu.memref_slice %arg2[%mul3A_348, %dma_start3A_360] : memref<163840x128xf32, #tpu.memory_space<hbm>> -> memref<128x128xf32, #tpu.memory_space<hbm>>
      tpu.enqueue_dma source(%dma_start3A_361 : memref<128x128xf32, #tpu.memory_space<hbm>>) target(%dma_start3A_359 : memref<128x128xf32, #tpu.memory_space<vmem>>) target_semaphore(%arg13 : memref<!tpu.dma_semaphore, #tpu.memory_space<semaphore_mem>>)
    }
    %scan3A_112 = arith.constant 19 : i32
    %dma_wait3A = arith.constant 0 : i32
    %dma_wait3A_113 = arith.constant 0 : i32
    %dma_wait3A_114 = arith.constant 0 : i32
    %dma_wait3A_115 = tpu.memref_slice %arg7[%dma_wait3A, %dma_wait3A_113, %dma_wait3A_114] : memref<2x128x128xf32, #tpu.memory_space<vmem>> -> memref<1x128x128xf32, #tpu.memory_space<vmem>>
    %dma_wait3A_116 = tpu.memref_squeeze %dma_wait3A_115 : memref<1x128x128xf32, #tpu.memory_space<vmem>> -> memref<128x128xf32, #tpu.memory_space<vmem>>
    %dma_wait3A_117 = arith.constant 0 : i32
    %dma_wait3A_118 = arith.constant 0 : i32
    %dma_wait3A_119 = tpu.memref_slice %arg2[%dma_wait3A_117, %dma_wait3A_118] : memref<163840x128xf32, #tpu.memory_space<hbm>> -> memref<128x128xf32, #tpu.memory_space<hbm>>
    %dma_wait3A_120 = arith.constant 0 : i32
    %dma_wait3A_121 = arith.constant 0 : i32
    %dma_wait3A_122 = tpu.memref_slice %arg7[%dma_wait3A, %dma_wait3A_120, %dma_wait3A_121] : memref<2x128x128xf32, #tpu.memory_space<vmem>> -> memref<1x128x128xf32, #tpu.memory_space<vmem>>
    %dma_wait3A_123 = tpu.memref_squeeze %dma_wait3A_122 : memref<1x128x128xf32, #tpu.memory_space<vmem>> -> memref<128x128xf32, #tpu.memory_space<vmem>>
    %dma_wait3A_124 = arith.constant 0 : i32
    %dma_wait3A_125 = arith.constant 0 : i32
    %dma_wait3A_126 = tpu.memref_slice %arg2[%dma_wait3A_124, %dma_wait3A_125] : memref<163840x128xf32, #tpu.memory_space<hbm>> -> memref<128x128xf32, #tpu.memory_space<hbm>>
    tpu.wait_dma2 semaphore(%arg12 : memref<!tpu.dma_semaphore, #tpu.memory_space<semaphore_mem>>) src(%dma_wait3A_126 : memref<128x128xf32, #tpu.memory_space<hbm>>) dst(%dma_wait3A_123 : memref<128x128xf32, #tpu.memory_space<vmem>>)
    %dma_start3A_127 = arith.constant 0 : i32
    %dma_start3A_128 = arith.constant 38 : i32
    %dma_start3A_129 = arith.constant 0 : i32
    %dma_start3A_130 = arith.constant 0 : i32
    %dma_start3A_131 = tpu.memref_slice %arg7[%dma_start3A_127, %dma_start3A_129, %dma_start3A_130] : memref<2x128x128xf32, #tpu.memory_space<vmem>> -> memref<1x128x128xf32, #tpu.memory_space<vmem>>
    %dma_start3A_132 = tpu.memref_squeeze %dma_start3A_131 : memref<1x128x128xf32, #tpu.memory_space<vmem>> -> memref<128x128xf32, #tpu.memory_space<vmem>>
    %dma_start3A_133 = arith.constant 0 : i32
    %dma_start3A_134 = tpu.memref_slice %arg6[%dma_start3A_128, %dma_start3A_133] : memref<40x128xi32, #tpu.memory_space<vmem>> -> memref<1x128xi32, #tpu.memory_space<vmem>>
    %dma_start3A_135 = tpu.memref_squeeze %dma_start3A_134 : memref<1x128xi32, #tpu.memory_space<vmem>> -> memref<128xi32, #tpu.memory_space<vmem>>
    %dma_start3A_136 = arith.constant 0 : i32
    %dma_start3A_137 = arith.constant 0 : i32
    %dma_start3A_138 = tpu.memref_slice %arg10[%dma_start3A_136, %dma_start3A_137] : memref<10240x128xf32, #tpu.memory_space<vmem_shared>> -> memref<10240x128xf32, #tpu.memory_space<vmem_shared>>
    tpu.enqueue_indirect_dma source(%dma_start3A_132 : memref<128x128xf32, #tpu.memory_space<vmem>>) target(%dma_start3A_138 : memref<10240x128xf32, #tpu.memory_space<vmem_shared>>) offsets(%dma_start3A_135 : memref<128xi32, #tpu.memory_space<vmem>>) semaphore(%arg14 : memref<!tpu.dma_semaphore, #tpu.memory_space<semaphore_mem>>) {add = true}
    %dma_start3A_139 = arith.constant 38 : i32
    %dma_start3A_140 = arith.constant 0 : i32
    %dma_start3A_141 = tpu.memref_slice %arg6[%dma_start3A_139, %dma_start3A_140] : memref<40x128xi32, #tpu.memory_space<vmem>> -> memref<1x128xi32, #tpu.memory_space<vmem>>
    %dma_start3A_142 = tpu.memref_squeeze %dma_start3A_141 : memref<1x128xi32, #tpu.memory_space<vmem>> -> memref<128xi32, #tpu.memory_space<vmem>>
    %dma_start3A_143 = arith.constant 0 : i32
    %dma_start3A_144 = tpu.memref_slice %arg11[%dma_start3A_143] : memref<10240xf32, #tpu.memory_space<vmem_shared>> -> memref<10240xf32, #tpu.memory_space<vmem_shared>>
    tpu.enqueue_indirect_dma source(%arg9 : memref<128xf32, #tpu.memory_space<vmem>>) target(%dma_start3A_144 : memref<10240xf32, #tpu.memory_space<vmem_shared>>) offsets(%dma_start3A_142 : memref<128xi32, #tpu.memory_space<vmem>>) semaphore(%arg16 : memref<!tpu.dma_semaphore, #tpu.memory_space<semaphore_mem>>) {add = true}
    %dma_wait3A_145 = arith.constant 0 : i32
    %dma_wait3A_146 = arith.constant 38 : i32
    %dma_wait3A_147 = arith.constant 0 : i32
    %dma_wait3A_148 = arith.constant 0 : i32
    %dma_wait3A_149 = tpu.memref_slice %arg7[%dma_wait3A_145, %dma_wait3A_147, %dma_wait3A_148] : memref<2x128x128xf32, #tpu.memory_space<vmem>> -> memref<1x128x128xf32, #tpu.memory_space<vmem>>
    %dma_wait3A_150 = tpu.memref_squeeze %dma_wait3A_149 : memref<1x128x128xf32, #tpu.memory_space<vmem>> -> memref<128x128xf32, #tpu.memory_space<vmem>>
    %dma_wait3A_151 = arith.constant 0 : i32
    %dma_wait3A_152 = tpu.memref_slice %arg6[%dma_wait3A_146, %dma_wait3A_151] : memref<40x128xi32, #tpu.memory_space<vmem>> -> memref<1x128xi32, #tpu.memory_space<vmem>>
    %dma_wait3A_153 = tpu.memref_squeeze %dma_wait3A_152 : memref<1x128xi32, #tpu.memory_space<vmem>> -> memref<128xi32, #tpu.memory_space<vmem>>
    %dma_wait3A_154 = arith.constant 0 : i32
    %dma_wait3A_155 = arith.constant 0 : i32
    %dma_wait3A_156 = tpu.memref_slice %arg10[%dma_wait3A_154, %dma_wait3A_155] : memref<10240x128xf32, #tpu.memory_space<vmem_shared>> -> memref<10240x128xf32, #tpu.memory_space<vmem_shared>>
    tpu.wait_indirect_dma semaphore(%arg14 : memref<!tpu.dma_semaphore, #tpu.memory_space<semaphore_mem>>) src(%dma_wait3A_150 : memref<128x128xf32, #tpu.memory_space<vmem>>) dst(%dma_wait3A_156 : memref<10240x128xf32, #tpu.memory_space<vmem_shared>>)
    %dma_wait3A_157 = arith.constant 38 : i32
    %dma_wait3A_158 = arith.constant 0 : i32
    %dma_wait3A_159 = tpu.memref_slice %arg6[%dma_wait3A_157, %dma_wait3A_158] : memref<40x128xi32, #tpu.memory_space<vmem>> -> memref<1x128xi32, #tpu.memory_space<vmem>>
    %dma_wait3A_160 = tpu.memref_squeeze %dma_wait3A_159 : memref<1x128xi32, #tpu.memory_space<vmem>> -> memref<128xi32, #tpu.memory_space<vmem>>
    %dma_wait3A_161 = arith.constant 0 : i32
    %dma_wait3A_162 = tpu.memref_slice %arg11[%dma_wait3A_161] : memref<10240xf32, #tpu.memory_space<vmem_shared>> -> memref<10240xf32, #tpu.memory_space<vmem_shared>>
    tpu.wait_indirect_dma semaphore(%arg16 : memref<!tpu.dma_semaphore, #tpu.memory_space<semaphore_mem>>) src(%arg9 : memref<128xf32, #tpu.memory_space<vmem>>) dst(%dma_wait3A_162 : memref<10240xf32, #tpu.memory_space<vmem_shared>>)
    %dma_wait3A_163 = arith.constant 1 : i32
    %dma_wait3A_164 = arith.constant 0 : i32
    %dma_wait3A_165 = arith.constant 0 : i32
    %dma_wait3A_166 = tpu.memref_slice %arg7[%dma_wait3A_163, %dma_wait3A_164, %dma_wait3A_165] : memref<2x128x128xf32, #tpu.memory_space<vmem>> -> memref<1x128x128xf32, #tpu.memory_space<vmem>>
    %dma_wait3A_167 = tpu.memref_squeeze %dma_wait3A_166 : memref<1x128x128xf32, #tpu.memory_space<vmem>> -> memref<128x128xf32, #tpu.memory_space<vmem>>
    %dma_wait3A_168 = arith.constant 0 : i32
    %dma_wait3A_169 = arith.constant 0 : i32
    %dma_wait3A_170 = tpu.memref_slice %arg2[%dma_wait3A_168, %dma_wait3A_169] : memref<163840x128xf32, #tpu.memory_space<hbm>> -> memref<128x128xf32, #tpu.memory_space<hbm>>
    %dma_wait3A_171 = arith.constant 0 : i32
    %dma_wait3A_172 = arith.constant 0 : i32
    %dma_wait3A_173 = tpu.memref_slice %arg7[%dma_wait3A_163, %dma_wait3A_171, %dma_wait3A_172] : memref<2x128x128xf32, #tpu.memory_space<vmem>> -> memref<1x128x128xf32, #tpu.memory_space<vmem>>
    %dma_wait3A_174 = tpu.memref_squeeze %dma_wait3A_173 : memref<1x128x128xf32, #tpu.memory_space<vmem>> -> memref<128x128xf32, #tpu.memory_space<vmem>>
    %dma_wait3A_175 = arith.constant 0 : i32
    %dma_wait3A_176 = arith.constant 0 : i32
    %dma_wait3A_177 = tpu.memref_slice %arg2[%dma_wait3A_175, %dma_wait3A_176] : memref<163840x128xf32, #tpu.memory_space<hbm>> -> memref<128x128xf32, #tpu.memory_space<hbm>>
    tpu.wait_dma2 semaphore(%arg13 : memref<!tpu.dma_semaphore, #tpu.memory_space<semaphore_mem>>) src(%dma_wait3A_177 : memref<128x128xf32, #tpu.memory_space<hbm>>) dst(%dma_wait3A_174 : memref<128x128xf32, #tpu.memory_space<vmem>>)
    %dma_start3A_178 = arith.constant 1 : i32
    %dma_start3A_179 = arith.constant 39 : i32
    %dma_start3A_180 = arith.constant 0 : i32
    %dma_start3A_181 = arith.constant 0 : i32
    %dma_start3A_182 = tpu.memref_slice %arg7[%dma_start3A_178, %dma_start3A_180, %dma_start3A_181] : memref<2x128x128xf32, #tpu.memory_space<vmem>> -> memref<1x128x128xf32, #tpu.memory_space<vmem>>
    %dma_start3A_183 = tpu.memref_squeeze %dma_start3A_182 : memref<1x128x128xf32, #tpu.memory_space<vmem>> -> memref<128x128xf32, #tpu.memory_space<vmem>>
    %dma_start3A_184 = arith.constant 0 : i32
    %dma_start3A_185 = tpu.memref_slice %arg6[%dma_start3A_179, %dma_start3A_184] : memref<40x128xi32, #tpu.memory_space<vmem>> -> memref<1x128xi32, #tpu.memory_space<vmem>>
    %dma_start3A_186 = tpu.memref_squeeze %dma_start3A_185 : memref<1x128xi32, #tpu.memory_space<vmem>> -> memref<128xi32, #tpu.memory_space<vmem>>
    %dma_start3A_187 = arith.constant 0 : i32
    %dma_start3A_188 = arith.constant 0 : i32
    %dma_start3A_189 = tpu.memref_slice %arg10[%dma_start3A_187, %dma_start3A_188] : memref<10240x128xf32, #tpu.memory_space<vmem_shared>> -> memref<10240x128xf32, #tpu.memory_space<vmem_shared>>
    tpu.enqueue_indirect_dma source(%dma_start3A_183 : memref<128x128xf32, #tpu.memory_space<vmem>>) target(%dma_start3A_189 : memref<10240x128xf32, #tpu.memory_space<vmem_shared>>) offsets(%dma_start3A_186 : memref<128xi32, #tpu.memory_space<vmem>>) semaphore(%arg15 : memref<!tpu.dma_semaphore, #tpu.memory_space<semaphore_mem>>) {add = true}
    %dma_start3A_190 = arith.constant 39 : i32
    %dma_start3A_191 = arith.constant 0 : i32
    %dma_start3A_192 = tpu.memref_slice %arg6[%dma_start3A_190, %dma_start3A_191] : memref<40x128xi32, #tpu.memory_space<vmem>> -> memref<1x128xi32, #tpu.memory_space<vmem>>
    %dma_start3A_193 = tpu.memref_squeeze %dma_start3A_192 : memref<1x128xi32, #tpu.memory_space<vmem>> -> memref<128xi32, #tpu.memory_space<vmem>>
    %dma_start3A_194 = arith.constant 0 : i32
    %dma_start3A_195 = tpu.memref_slice %arg11[%dma_start3A_194] : memref<10240xf32, #tpu.memory_space<vmem_shared>> -> memref<10240xf32, #tpu.memory_space<vmem_shared>>
    tpu.enqueue_indirect_dma source(%arg9 : memref<128xf32, #tpu.memory_space<vmem>>) target(%dma_start3A_195 : memref<10240xf32, #tpu.memory_space<vmem_shared>>) offsets(%dma_start3A_193 : memref<128xi32, #tpu.memory_space<vmem>>) semaphore(%arg17 : memref<!tpu.dma_semaphore, #tpu.memory_space<semaphore_mem>>) {add = true}
    %dma_wait3A_196 = arith.constant 1 : i32
    %dma_wait3A_197 = arith.constant 39 : i32
    %dma_wait3A_198 = arith.constant 0 : i32
    %dma_wait3A_199 = arith.constant 0 : i32
    %dma_wait3A_200 = tpu.memref_slice %arg7[%dma_wait3A_196, %dma_wait3A_198, %dma_wait3A_199] : memref<2x128x128xf32, #tpu.memory_space<vmem>> -> memref<1x128x128xf32, #tpu.memory_space<vmem>>
    %dma_wait3A_201 = tpu.memref_squeeze %dma_wait3A_200 : memref<1x128x128xf32, #tpu.memory_space<vmem>> -> memref<128x128xf32, #tpu.memory_space<vmem>>
    %dma_wait3A_202 = arith.constant 0 : i32
    %dma_wait3A_203 = tpu.memref_slice %arg6[%dma_wait3A_197, %dma_wait3A_202] : memref<40x128xi32, #tpu.memory_space<vmem>> -> memref<1x128xi32, #tpu.memory_space<vmem>>
    %dma_wait3A_204 = tpu.memref_squeeze %dma_wait3A_203 : memref<1x128xi32, #tpu.memory_space<vmem>> -> memref<128xi32, #tpu.memory_space<vmem>>
    %dma_wait3A_205 = arith.constant 0 : i32
    %dma_wait3A_206 = arith.constant 0 : i32
    %dma_wait3A_207 = tpu.memref_slice %arg10[%dma_wait3A_205, %dma_wait3A_206] : memref<10240x128xf32, #tpu.memory_space<vmem_shared>> -> memref<10240x128xf32, #tpu.memory_space<vmem_shared>>
    tpu.wait_indirect_dma semaphore(%arg15 : memref<!tpu.dma_semaphore, #tpu.memory_space<semaphore_mem>>) src(%dma_wait3A_201 : memref<128x128xf32, #tpu.memory_space<vmem>>) dst(%dma_wait3A_207 : memref<10240x128xf32, #tpu.memory_space<vmem_shared>>)
    %dma_wait3A_208 = arith.constant 39 : i32
    %dma_wait3A_209 = arith.constant 0 : i32
    %dma_wait3A_210 = tpu.memref_slice %arg6[%dma_wait3A_208, %dma_wait3A_209] : memref<40x128xi32, #tpu.memory_space<vmem>> -> memref<1x128xi32, #tpu.memory_space<vmem>>
    %dma_wait3A_211 = tpu.memref_squeeze %dma_wait3A_210 : memref<1x128xi32, #tpu.memory_space<vmem>> -> memref<128xi32, #tpu.memory_space<vmem>>
    %dma_wait3A_212 = arith.constant 0 : i32
    %dma_wait3A_213 = tpu.memref_slice %arg11[%dma_wait3A_212] : memref<10240xf32, #tpu.memory_space<vmem_shared>> -> memref<10240xf32, #tpu.memory_space<vmem_shared>>
    tpu.wait_indirect_dma semaphore(%arg17 : memref<!tpu.dma_semaphore, #tpu.memory_space<semaphore_mem>>) src(%arg9 : memref<128xf32, #tpu.memory_space<vmem>>) dst(%dma_wait3A_213 : memref<10240xf32, #tpu.memory_space<vmem_shared>>)
    %barrier3A_214 = arith.constant 0 : index
    tpu.barrier barrier_id(%barrier3A_214)
    %mul3A_215 = arith.constant 640 : i32
    %mul3A_216 = arith.muli %arg1, %mul3A_215 : i32
    %mul3A_217 = arith.constant 640 : i32
    %mul3A_218 = arith.muli %arg1, %mul3A_217 : i32
    "tpu.region"() ({
      %run_scoped3A_223 = tpu.sem_alloc : memref<!tpu.dma_semaphore, #tpu.memory_space<semaphore_mem>>
      %dma_start3A_224 = arith.constant 0 : i32
      %dma_start3A_225 = arith.constant 0 : i32
      %dma_start3A_226 = tpu.memref_slice %arg4[%arg0, %dma_start3A_224, %dma_start3A_225] : memref<2x10240x128xf32, #tpu.memory_space<hbm>> -> memref<1x10240x128xf32, #tpu.memory_space<hbm>>
      %dma_start3A_227 = tpu.memref_squeeze %dma_start3A_226 : memref<1x10240x128xf32, #tpu.memory_space<hbm>> -> memref<10240x128xf32, #tpu.memory_space<hbm>>
      %dma_start3A_228 = arith.constant 0 : i32
      %dma_start3A_229 = tpu.memref_slice %dma_start3A_227[%mul3A_218, %dma_start3A_228] : memref<10240x128xf32, #tpu.memory_space<hbm>> -> memref<640x128xf32, #tpu.memory_space<hbm>>
      %dma_start3A_230 = arith.constant 0 : i32
      %dma_start3A_231 = tpu.memref_slice %arg10[%mul3A_216, %dma_start3A_230] : memref<10240x128xf32, #tpu.memory_space<vmem_shared>> -> memref<640x128xf32, #tpu.memory_space<vmem_shared>>
      tpu.enqueue_dma source(%dma_start3A_231 : memref<640x128xf32, #tpu.memory_space<vmem_shared>>) target(%dma_start3A_229 : memref<640x128xf32, #tpu.memory_space<hbm>>) target_semaphore(%run_scoped3A_223 : memref<!tpu.dma_semaphore, #tpu.memory_space<semaphore_mem>>)
      %dma_wait3A_232 = arith.constant 0 : i32
      %dma_wait3A_233 = arith.constant 0 : i32
      %dma_wait3A_234 = tpu.memref_slice %arg4[%arg0, %dma_wait3A_232, %dma_wait3A_233] : memref<2x10240x128xf32, #tpu.memory_space<hbm>> -> memref<1x10240x128xf32, #tpu.memory_space<hbm>>
      %dma_wait3A_235 = tpu.memref_squeeze %dma_wait3A_234 : memref<1x10240x128xf32, #tpu.memory_space<hbm>> -> memref<10240x128xf32, #tpu.memory_space<hbm>>
      %dma_wait3A_236 = arith.constant 0 : i32
      %dma_wait3A_237 = tpu.memref_slice %dma_wait3A_235[%mul3A_218, %dma_wait3A_236] : memref<10240x128xf32, #tpu.memory_space<hbm>> -> memref<640x128xf32, #tpu.memory_space<hbm>>
      %dma_wait3A_238 = arith.constant 0 : i32
      %dma_wait3A_239 = tpu.memref_slice %arg10[%mul3A_216, %dma_wait3A_238] : memref<10240x128xf32, #tpu.memory_space<vmem_shared>> -> memref<640x128xf32, #tpu.memory_space<vmem_shared>>
      tpu.wait_dma2 semaphore(%run_scoped3A_223 : memref<!tpu.dma_semaphore, #tpu.memory_space<semaphore_mem>>) src(%dma_wait3A_239 : memref<640x128xf32, #tpu.memory_space<vmem_shared>>) dst(%dma_wait3A_237 : memref<640x128xf32, #tpu.memory_space<hbm>>)
      tpu.yield
    }) : () -> ()
    %mul3A_219 = arith.constant 640 : i32
    %mul3A_220 = arith.muli %arg1, %mul3A_219 : i32
    %mul3A_221 = arith.constant 640 : i32
    %mul3A_222 = arith.muli %arg1, %mul3A_221 : i32
    "tpu.region"() ({
      %run_scoped3A_223 = tpu.sem_alloc : memref<!tpu.dma_semaphore, #tpu.memory_space<semaphore_mem>>
      %dma_start3A_224 = arith.constant 0 : i32
      %dma_start3A_225 = tpu.memref_slice %arg5[%arg0, %dma_start3A_224] : memref<2x10240xf32, #tpu.memory_space<hbm>> -> memref<1x10240xf32, #tpu.memory_space<hbm>>
      %dma_start3A_226 = tpu.memref_squeeze %dma_start3A_225 : memref<1x10240xf32, #tpu.memory_space<hbm>> -> memref<10240xf32, #tpu.memory_space<hbm>>
      %dma_start3A_227 = tpu.memref_slice %dma_start3A_226[%mul3A_222] : memref<10240xf32, #tpu.memory_space<hbm>> -> memref<640xf32, #tpu.memory_space<hbm>>
      %dma_start3A_228 = tpu.memref_slice %arg11[%mul3A_220] : memref<10240xf32, #tpu.memory_space<vmem_shared>> -> memref<640xf32, #tpu.memory_space<vmem_shared>>
      tpu.enqueue_dma source(%dma_start3A_228 : memref<640xf32, #tpu.memory_space<vmem_shared>>) target(%dma_start3A_227 : memref<640xf32, #tpu.memory_space<hbm>>) target_semaphore(%run_scoped3A_223 : memref<!tpu.dma_semaphore, #tpu.memory_space<semaphore_mem>>)
      %dma_wait3A_229 = arith.constant 0 : i32
      %dma_wait3A_230 = tpu.memref_slice %arg5[%arg0, %dma_wait3A_229] : memref<2x10240xf32, #tpu.memory_space<hbm>> -> memref<1x10240xf32, #tpu.memory_space<hbm>>
      %dma_wait3A_231 = tpu.memref_squeeze %dma_wait3A_230 : memref<1x10240xf32, #tpu.memory_space<hbm>> -> memref<10240xf32, #tpu.memory_space<hbm>>
      %dma_wait3A_232 = tpu.memref_slice %dma_wait3A_231[%mul3A_222] : memref<10240xf32, #tpu.memory_space<hbm>> -> memref<640xf32, #tpu.memory_space<hbm>>
      %dma_wait3A_233 = tpu.memref_slice %arg11[%mul3A_220] : memref<10240xf32, #tpu.memory_space<vmem_shared>> -> memref<640xf32, #tpu.memory_space<vmem_shared>>
      tpu.wait_dma2 semaphore(%run_scoped3A_223 : memref<!tpu.dma_semaphore, #tpu.memory_space<semaphore_mem>>) src(%dma_wait3A_233 : memref<640xf32, #tpu.memory_space<vmem_shared>>) dst(%dma_wait3A_232 : memref<640xf32, #tpu.memory_space<hbm>>)
      tpu.yield
    }) : () -> ()
    return
  }
}

#map = affine_map<(d0, d1) -> (0, 0)>
module attributes {stable_mosaic.version = 14 : i64} {
  func.func @k(%arg0: i32, %arg1: i32, %arg2: memref<10240x128xf32, #tpu.memory_space<hbm>>, %arg3: memref<1280x128xi32, #tpu.memory_space<hbm>>, %arg4: memref<163840x128xf32, #tpu.memory_space<hbm>>, %arg5: memref<40x128xi32, #tpu.memory_space<vmem>>, %arg6: memref<2x128x128xf32, #tpu.memory_space<vmem>>, %arg7: memref<!tpu.dma_semaphore, #tpu.memory_space<semaphore_mem>>, %arg8: memref<!tpu.dma_semaphore, #tpu.memory_space<semaphore_mem>>, %arg9: memref<!tpu.dma_semaphore, #tpu.memory_space<semaphore_mem>>, %arg10: memref<!tpu.dma_semaphore, #tpu.memory_space<semaphore_mem>>) attributes {dimension_semantics = [#tpu.dimension_semantics<core_parallel>, #tpu.dimension_semantics<subcore_parallel>], iteration_bounds = array<i64: 2, 16>, scalar_prefetch = 0 : i64, scratch_operands = 6 : i64, tpu.core_type = #tpu.core_type<sc_vector_subcore>, window_params = [{transform_indices = #map}, {transform_indices = #map}, {transform_indices = #map}]} {
    %mul3A = arith.constant 2 : i32
    %mul3A_0 = arith.muli %arg1, %mul3A : i32
    %add3A = arith.addi %mul3A_0, %arg0 : i32
    %mul3A_1 = arith.constant 40 : i32
    %mul3A_2 = arith.muli %add3A, %mul3A_1 : i32
    "tpu.region"() ({
      %run_scoped3A = tpu.sem_alloc : memref<!tpu.dma_semaphore, #tpu.memory_space<semaphore_mem>>
      %dma_start3A_118 = arith.constant 0 : i32
      %dma_start3A_119 = tpu.memref_slice %arg3[%mul3A_2, %dma_start3A_118] : memref<1280x128xi32, #tpu.memory_space<hbm>> -> memref<40x128xi32, #tpu.memory_space<hbm>>
      %dma_start3A_120 = arith.constant 0 : i32
      %dma_start3A_121 = tpu.memref_slice %arg3[%mul3A_2, %dma_start3A_120] : memref<1280x128xi32, #tpu.memory_space<hbm>> -> memref<40x128xi32, #tpu.memory_space<hbm>>
      tpu.enqueue_dma source(%dma_start3A_121 : memref<40x128xi32, #tpu.memory_space<hbm>>) target(%arg5 : memref<40x128xi32, #tpu.memory_space<vmem>>) target_semaphore(%run_scoped3A : memref<!tpu.dma_semaphore, #tpu.memory_space<semaphore_mem>>)
      %dma_wait3A_122 = arith.constant 0 : i32
      %dma_wait3A_123 = tpu.memref_slice %arg3[%mul3A_2, %dma_wait3A_122] : memref<1280x128xi32, #tpu.memory_space<hbm>> -> memref<40x128xi32, #tpu.memory_space<hbm>>
      %dma_wait3A_124 = arith.constant 0 : i32
      %dma_wait3A_125 = tpu.memref_slice %arg3[%mul3A_2, %dma_wait3A_124] : memref<1280x128xi32, #tpu.memory_space<hbm>> -> memref<40x128xi32, #tpu.memory_space<hbm>>
      tpu.wait_dma2 semaphore(%run_scoped3A : memref<!tpu.dma_semaphore, #tpu.memory_space<semaphore_mem>>) src(%dma_wait3A_125 : memref<40x128xi32, #tpu.memory_space<hbm>>) dst(%arg5 : memref<40x128xi32, #tpu.memory_space<vmem>>)
      tpu.yield
    }) : () -> ()
    %dma_start3A = arith.constant 0 : i32
    %dma_start3A_3 = arith.constant 0 : i32
    %dma_start3A_4 = arith.constant 0 : i32
    %dma_start3A_5 = arith.constant 0 : i32
    %dma_start3A_6 = tpu.memref_slice %arg6[%dma_start3A_3, %dma_start3A_4, %dma_start3A_5] : memref<2x128x128xf32, #tpu.memory_space<vmem>> -> memref<1x128x128xf32, #tpu.memory_space<vmem>>
    %dma_start3A_7 = tpu.memref_squeeze %dma_start3A_6 : memref<1x128x128xf32, #tpu.memory_space<vmem>> -> memref<128x128xf32, #tpu.memory_space<vmem>>
    %dma_start3A_8 = arith.constant 0 : i32
    %dma_start3A_9 = tpu.memref_slice %arg5[%dma_start3A, %dma_start3A_8] : memref<40x128xi32, #tpu.memory_space<vmem>> -> memref<1x128xi32, #tpu.memory_space<vmem>>
    %dma_start3A_10 = tpu.memref_squeeze %dma_start3A_9 : memref<1x128xi32, #tpu.memory_space<vmem>> -> memref<128xi32, #tpu.memory_space<vmem>>
    %dma_start3A_11 = arith.constant 0 : i32
    %dma_start3A_12 = arith.constant 0 : i32
    %dma_start3A_13 = tpu.memref_slice %arg2[%dma_start3A_11, %dma_start3A_12] : memref<10240x128xf32, #tpu.memory_space<hbm>> -> memref<10240x128xf32, #tpu.memory_space<hbm>>
    tpu.enqueue_indirect_dma source(%dma_start3A_13 : memref<10240x128xf32, #tpu.memory_space<hbm>>) target(%dma_start3A_7 : memref<128x128xf32, #tpu.memory_space<vmem>>) offsets(%dma_start3A_10 : memref<128xi32, #tpu.memory_space<vmem>>) semaphore(%arg7 : memref<!tpu.dma_semaphore, #tpu.memory_space<semaphore_mem>>)
    %dma_start3A_14 = arith.constant 1 : i32
    %dma_start3A_15 = arith.constant 1 : i32
    %dma_start3A_16 = arith.constant 0 : i32
    %dma_start3A_17 = arith.constant 0 : i32
    %dma_start3A_18 = tpu.memref_slice %arg6[%dma_start3A_15, %dma_start3A_16, %dma_start3A_17] : memref<2x128x128xf32, #tpu.memory_space<vmem>> -> memref<1x128x128xf32, #tpu.memory_space<vmem>>
    %dma_start3A_19 = tpu.memref_squeeze %dma_start3A_18 : memref<1x128x128xf32, #tpu.memory_space<vmem>> -> memref<128x128xf32, #tpu.memory_space<vmem>>
    %dma_start3A_20 = arith.constant 0 : i32
    %dma_start3A_21 = tpu.memref_slice %arg5[%dma_start3A_14, %dma_start3A_20] : memref<40x128xi32, #tpu.memory_space<vmem>> -> memref<1x128xi32, #tpu.memory_space<vmem>>
    %dma_start3A_22 = tpu.memref_squeeze %dma_start3A_21 : memref<1x128xi32, #tpu.memory_space<vmem>> -> memref<128xi32, #tpu.memory_space<vmem>>
    %dma_start3A_23 = arith.constant 0 : i32
    %dma_start3A_24 = arith.constant 0 : i32
    %dma_start3A_25 = tpu.memref_slice %arg2[%dma_start3A_23, %dma_start3A_24] : memref<10240x128xf32, #tpu.memory_space<hbm>> -> memref<10240x128xf32, #tpu.memory_space<hbm>>
    tpu.enqueue_indirect_dma source(%dma_start3A_25 : memref<10240x128xf32, #tpu.memory_space<hbm>>) target(%dma_start3A_19 : memref<128x128xf32, #tpu.memory_space<vmem>>) offsets(%dma_start3A_22 : memref<128xi32, #tpu.memory_space<vmem>>) semaphore(%arg8 : memref<!tpu.dma_semaphore, #tpu.memory_space<semaphore_mem>>)
    %scan3A = arith.constant 0 : i32
    %scan3A_26 = arith.constant 0 : i32
    %scan3A_27 = arith.constant 19 : i32
    %scan3A_28 = arith.addi %scan3A_26, %scan3A_27 : i32
    %scan3A_29 = arith.constant 1 : i32
    scf.for %scan3A_118 = %scan3A_26 to %scan3A_28 step %scan3A_29  : i32 {
      %mul3A_119 = arith.constant 2 : i32
      %mul3A_120 = arith.muli %mul3A_119, %scan3A_118 : i32
      %add3A_121 = arith.constant 0 : i32
      %add3A_122 = arith.addi %mul3A_120, %add3A_121 : i32
      %dma_wait3A_123 = arith.constant 0 : i32
      %dma_wait3A_124 = arith.constant 0 : i32
      %dma_wait3A_125 = arith.constant 0 : i32
      %dma_wait3A_126 = tpu.memref_slice %arg6[%dma_wait3A_123, %dma_wait3A_124, %dma_wait3A_125] : memref<2x128x128xf32, #tpu.memory_space<vmem>> -> memref<1x128x128xf32, #tpu.memory_space<vmem>>
      %dma_wait3A_127 = tpu.memref_squeeze %dma_wait3A_126 : memref<1x128x128xf32, #tpu.memory_space<vmem>> -> memref<128x128xf32, #tpu.memory_space<vmem>>
      %dma_wait3A_128 = arith.constant 0 : i32
      %dma_wait3A_129 = tpu.memref_slice %arg5[%add3A_122, %dma_wait3A_128] : memref<40x128xi32, #tpu.memory_space<vmem>> -> memref<1x128xi32, #tpu.memory_space<vmem>>
      %dma_wait3A_130 = tpu.memref_squeeze %dma_wait3A_129 : memref<1x128xi32, #tpu.memory_space<vmem>> -> memref<128xi32, #tpu.memory_space<vmem>>
      %dma_wait3A_131 = arith.constant 0 : i32
      %dma_wait3A_132 = arith.constant 0 : i32
      %dma_wait3A_133 = tpu.memref_slice %arg2[%dma_wait3A_131, %dma_wait3A_132] : memref<10240x128xf32, #tpu.memory_space<hbm>> -> memref<10240x128xf32, #tpu.memory_space<hbm>>
      tpu.wait_indirect_dma semaphore(%arg7 : memref<!tpu.dma_semaphore, #tpu.memory_space<semaphore_mem>>) src(%dma_wait3A_133 : memref<10240x128xf32, #tpu.memory_space<hbm>>) dst(%dma_wait3A_127 : memref<128x128xf32, #tpu.memory_space<vmem>>)
      %add3A_134 = arith.addi %mul3A_2, %add3A_122 : i32
      %mul3A_135 = arith.constant 128 : i32
      %mul3A_136 = arith.muli %add3A_134, %mul3A_135 : i32
      %dma_start3A_137 = arith.constant 0 : i32
      %dma_start3A_138 = arith.constant 0 : i32
      %dma_start3A_139 = arith.constant 0 : i32
      %dma_start3A_140 = tpu.memref_slice %arg6[%dma_start3A_137, %dma_start3A_138, %dma_start3A_139] : memref<2x128x128xf32, #tpu.memory_space<vmem>> -> memref<1x128x128xf32, #tpu.memory_space<vmem>>
      %dma_start3A_141 = tpu.memref_squeeze %dma_start3A_140 : memref<1x128x128xf32, #tpu.memory_space<vmem>> -> memref<128x128xf32, #tpu.memory_space<vmem>>
      %dma_start3A_142 = arith.constant 0 : i32
      %dma_start3A_143 = tpu.memref_slice %arg4[%mul3A_136, %dma_start3A_142] : memref<163840x128xf32, #tpu.memory_space<hbm>> -> memref<128x128xf32, #tpu.memory_space<hbm>>
      %dma_start3A_144 = arith.constant 0 : i32
      %dma_start3A_145 = tpu.memref_slice %arg4[%mul3A_136, %dma_start3A_144] : memref<163840x128xf32, #tpu.memory_space<hbm>> -> memref<128x128xf32, #tpu.memory_space<hbm>>
      %dma_start3A_146 = arith.constant 0 : i32
      %dma_start3A_147 = arith.constant 0 : i32
      %dma_start3A_148 = tpu.memref_slice %arg6[%dma_start3A_137, %dma_start3A_146, %dma_start3A_147] : memref<2x128x128xf32, #tpu.memory_space<vmem>> -> memref<1x128x128xf32, #tpu.memory_space<vmem>>
      %dma_start3A_149 = tpu.memref_squeeze %dma_start3A_148 : memref<1x128x128xf32, #tpu.memory_space<vmem>> -> memref<128x128xf32, #tpu.memory_space<vmem>>
      tpu.enqueue_dma source(%dma_start3A_149 : memref<128x128xf32, #tpu.memory_space<vmem>>) target(%dma_start3A_145 : memref<128x128xf32, #tpu.memory_space<hbm>>) target_semaphore(%arg9 : memref<!tpu.dma_semaphore, #tpu.memory_space<semaphore_mem>>)
      %dma_wait3A_150 = arith.constant 0 : i32
      %dma_wait3A_151 = arith.constant 0 : i32
      %dma_wait3A_152 = arith.constant 0 : i32
      %dma_wait3A_153 = tpu.memref_slice %arg6[%dma_wait3A_150, %dma_wait3A_151, %dma_wait3A_152] : memref<2x128x128xf32, #tpu.memory_space<vmem>> -> memref<1x128x128xf32, #tpu.memory_space<vmem>>
      %dma_wait3A_154 = tpu.memref_squeeze %dma_wait3A_153 : memref<1x128x128xf32, #tpu.memory_space<vmem>> -> memref<128x128xf32, #tpu.memory_space<vmem>>
      %dma_wait3A_155 = arith.constant 0 : i32
      %dma_wait3A_156 = arith.constant 0 : i32
      %dma_wait3A_157 = tpu.memref_slice %arg4[%dma_wait3A_155, %dma_wait3A_156] : memref<163840x128xf32, #tpu.memory_space<hbm>> -> memref<128x128xf32, #tpu.memory_space<hbm>>
      %dma_wait3A_158 = arith.constant 0 : i32
      %dma_wait3A_159 = arith.constant 0 : i32
      %dma_wait3A_160 = tpu.memref_slice %arg4[%dma_wait3A_158, %dma_wait3A_159] : memref<163840x128xf32, #tpu.memory_space<hbm>> -> memref<128x128xf32, #tpu.memory_space<hbm>>
      %dma_wait3A_161 = arith.constant 0 : i32
      %dma_wait3A_162 = arith.constant 0 : i32
      %dma_wait3A_163 = tpu.memref_slice %arg6[%dma_wait3A_150, %dma_wait3A_161, %dma_wait3A_162] : memref<2x128x128xf32, #tpu.memory_space<vmem>> -> memref<1x128x128xf32, #tpu.memory_space<vmem>>
      %dma_wait3A_164 = tpu.memref_squeeze %dma_wait3A_163 : memref<1x128x128xf32, #tpu.memory_space<vmem>> -> memref<128x128xf32, #tpu.memory_space<vmem>>
      tpu.wait_dma2 semaphore(%arg9 : memref<!tpu.dma_semaphore, #tpu.memory_space<semaphore_mem>>) src(%dma_wait3A_164 : memref<128x128xf32, #tpu.memory_space<vmem>>) dst(%dma_wait3A_160 : memref<128x128xf32, #tpu.memory_space<hbm>>)
      %add3A_165 = arith.constant 2 : i32
      %add3A_166 = arith.addi %add3A_122, %add3A_165 : i32
      %dma_start3A_167 = arith.constant 0 : i32
      %dma_start3A_168 = arith.constant 0 : i32
      %dma_start3A_169 = arith.constant 0 : i32
      %dma_start3A_170 = tpu.memref_slice %arg6[%dma_start3A_167, %dma_start3A_168, %dma_start3A_169] : memref<2x128x128xf32, #tpu.memory_space<vmem>> -> memref<1x128x128xf32, #tpu.memory_space<vmem>>
      %dma_start3A_171 = tpu.memref_squeeze %dma_start3A_170 : memref<1x128x128xf32, #tpu.memory_space<vmem>> -> memref<128x128xf32, #tpu.memory_space<vmem>>
      %dma_start3A_172 = arith.constant 0 : i32
      %dma_start3A_173 = tpu.memref_slice %arg5[%add3A_166, %dma_start3A_172] : memref<40x128xi32, #tpu.memory_space<vmem>> -> memref<1x128xi32, #tpu.memory_space<vmem>>
      %dma_start3A_174 = tpu.memref_squeeze %dma_start3A_173 : memref<1x128xi32, #tpu.memory_space<vmem>> -> memref<128xi32, #tpu.memory_space<vmem>>
      %dma_start3A_175 = arith.constant 0 : i32
      %dma_start3A_176 = arith.constant 0 : i32
      %dma_start3A_177 = tpu.memref_slice %arg2[%dma_start3A_175, %dma_start3A_176] : memref<10240x128xf32, #tpu.memory_space<hbm>> -> memref<10240x128xf32, #tpu.memory_space<hbm>>
      tpu.enqueue_indirect_dma source(%dma_start3A_177 : memref<10240x128xf32, #tpu.memory_space<hbm>>) target(%dma_start3A_171 : memref<128x128xf32, #tpu.memory_space<vmem>>) offsets(%dma_start3A_174 : memref<128xi32, #tpu.memory_space<vmem>>) semaphore(%arg7 : memref<!tpu.dma_semaphore, #tpu.memory_space<semaphore_mem>>)
      %mul3A_178 = arith.constant 2 : i32
      %mul3A_179 = arith.muli %mul3A_178, %scan3A_118 : i32
      %add3A_180 = arith.constant 1 : i32
      %add3A_181 = arith.addi %mul3A_179, %add3A_180 : i32
      %dma_wait3A_182 = arith.constant 1 : i32
      %dma_wait3A_183 = arith.constant 0 : i32
      %dma_wait3A_184 = arith.constant 0 : i32
      %dma_wait3A_185 = tpu.memref_slice %arg6[%dma_wait3A_182, %dma_wait3A_183, %dma_wait3A_184] : memref<2x128x128xf32, #tpu.memory_space<vmem>> -> memref<1x128x128xf32, #tpu.memory_space<vmem>>
      %dma_wait3A_186 = tpu.memref_squeeze %dma_wait3A_185 : memref<1x128x128xf32, #tpu.memory_space<vmem>> -> memref<128x128xf32, #tpu.memory_space<vmem>>
      %dma_wait3A_187 = arith.constant 0 : i32
      %dma_wait3A_188 = tpu.memref_slice %arg5[%add3A_181, %dma_wait3A_187] : memref<40x128xi32, #tpu.memory_space<vmem>> -> memref<1x128xi32, #tpu.memory_space<vmem>>
      %dma_wait3A_189 = tpu.memref_squeeze %dma_wait3A_188 : memref<1x128xi32, #tpu.memory_space<vmem>> -> memref<128xi32, #tpu.memory_space<vmem>>
      %dma_wait3A_190 = arith.constant 0 : i32
      %dma_wait3A_191 = arith.constant 0 : i32
      %dma_wait3A_192 = tpu.memref_slice %arg2[%dma_wait3A_190, %dma_wait3A_191] : memref<10240x128xf32, #tpu.memory_space<hbm>> -> memref<10240x128xf32, #tpu.memory_space<hbm>>
      tpu.wait_indirect_dma semaphore(%arg8 : memref<!tpu.dma_semaphore, #tpu.memory_space<semaphore_mem>>) src(%dma_wait3A_192 : memref<10240x128xf32, #tpu.memory_space<hbm>>) dst(%dma_wait3A_186 : memref<128x128xf32, #tpu.memory_space<vmem>>)
      %add3A_193 = arith.addi %mul3A_2, %add3A_181 : i32
      %mul3A_194 = arith.constant 128 : i32
      %mul3A_195 = arith.muli %add3A_193, %mul3A_194 : i32
      %dma_start3A_196 = arith.constant 1 : i32
      %dma_start3A_197 = arith.constant 0 : i32
      %dma_start3A_198 = arith.constant 0 : i32
      %dma_start3A_199 = tpu.memref_slice %arg6[%dma_start3A_196, %dma_start3A_197, %dma_start3A_198] : memref<2x128x128xf32, #tpu.memory_space<vmem>> -> memref<1x128x128xf32, #tpu.memory_space<vmem>>
      %dma_start3A_200 = tpu.memref_squeeze %dma_start3A_199 : memref<1x128x128xf32, #tpu.memory_space<vmem>> -> memref<128x128xf32, #tpu.memory_space<vmem>>
      %dma_start3A_201 = arith.constant 0 : i32
      %dma_start3A_202 = tpu.memref_slice %arg4[%mul3A_195, %dma_start3A_201] : memref<163840x128xf32, #tpu.memory_space<hbm>> -> memref<128x128xf32, #tpu.memory_space<hbm>>
      %dma_start3A_203 = arith.constant 0 : i32
      %dma_start3A_204 = tpu.memref_slice %arg4[%mul3A_195, %dma_start3A_203] : memref<163840x128xf32, #tpu.memory_space<hbm>> -> memref<128x128xf32, #tpu.memory_space<hbm>>
      %dma_start3A_205 = arith.constant 0 : i32
      %dma_start3A_206 = arith.constant 0 : i32
      %dma_start3A_207 = tpu.memref_slice %arg6[%dma_start3A_196, %dma_start3A_205, %dma_start3A_206] : memref<2x128x128xf32, #tpu.memory_space<vmem>> -> memref<1x128x128xf32, #tpu.memory_space<vmem>>
      %dma_start3A_208 = tpu.memref_squeeze %dma_start3A_207 : memref<1x128x128xf32, #tpu.memory_space<vmem>> -> memref<128x128xf32, #tpu.memory_space<vmem>>
      tpu.enqueue_dma source(%dma_start3A_208 : memref<128x128xf32, #tpu.memory_space<vmem>>) target(%dma_start3A_204 : memref<128x128xf32, #tpu.memory_space<hbm>>) target_semaphore(%arg10 : memref<!tpu.dma_semaphore, #tpu.memory_space<semaphore_mem>>)
      %dma_wait3A_209 = arith.constant 1 : i32
      %dma_wait3A_210 = arith.constant 0 : i32
      %dma_wait3A_211 = arith.constant 0 : i32
      %dma_wait3A_212 = tpu.memref_slice %arg6[%dma_wait3A_209, %dma_wait3A_210, %dma_wait3A_211] : memref<2x128x128xf32, #tpu.memory_space<vmem>> -> memref<1x128x128xf32, #tpu.memory_space<vmem>>
      %dma_wait3A_213 = tpu.memref_squeeze %dma_wait3A_212 : memref<1x128x128xf32, #tpu.memory_space<vmem>> -> memref<128x128xf32, #tpu.memory_space<vmem>>
      %dma_wait3A_214 = arith.constant 0 : i32
      %dma_wait3A_215 = arith.constant 0 : i32
      %dma_wait3A_216 = tpu.memref_slice %arg4[%dma_wait3A_214, %dma_wait3A_215] : memref<163840x128xf32, #tpu.memory_space<hbm>> -> memref<128x128xf32, #tpu.memory_space<hbm>>
      %dma_wait3A_217 = arith.constant 0 : i32
      %dma_wait3A_218 = arith.constant 0 : i32
      %dma_wait3A_219 = tpu.memref_slice %arg4[%dma_wait3A_217, %dma_wait3A_218] : memref<163840x128xf32, #tpu.memory_space<hbm>> -> memref<128x128xf32, #tpu.memory_space<hbm>>
      %dma_wait3A_220 = arith.constant 0 : i32
      %dma_wait3A_221 = arith.constant 0 : i32
      %dma_wait3A_222 = tpu.memref_slice %arg6[%dma_wait3A_209, %dma_wait3A_220, %dma_wait3A_221] : memref<2x128x128xf32, #tpu.memory_space<vmem>> -> memref<1x128x128xf32, #tpu.memory_space<vmem>>
      %dma_wait3A_223 = tpu.memref_squeeze %dma_wait3A_222 : memref<1x128x128xf32, #tpu.memory_space<vmem>> -> memref<128x128xf32, #tpu.memory_space<vmem>>
      tpu.wait_dma2 semaphore(%arg10 : memref<!tpu.dma_semaphore, #tpu.memory_space<semaphore_mem>>) src(%dma_wait3A_223 : memref<128x128xf32, #tpu.memory_space<vmem>>) dst(%dma_wait3A_219 : memref<128x128xf32, #tpu.memory_space<hbm>>)
      %add3A_224 = arith.constant 2 : i32
      %add3A_225 = arith.addi %add3A_181, %add3A_224 : i32
      %dma_start3A_226 = arith.constant 1 : i32
      %dma_start3A_227 = arith.constant 0 : i32
      %dma_start3A_228 = arith.constant 0 : i32
      %dma_start3A_229 = tpu.memref_slice %arg6[%dma_start3A_226, %dma_start3A_227, %dma_start3A_228] : memref<2x128x128xf32, #tpu.memory_space<vmem>> -> memref<1x128x128xf32, #tpu.memory_space<vmem>>
      %dma_start3A_230 = tpu.memref_squeeze %dma_start3A_229 : memref<1x128x128xf32, #tpu.memory_space<vmem>> -> memref<128x128xf32, #tpu.memory_space<vmem>>
      %dma_start3A_231 = arith.constant 0 : i32
      %dma_start3A_232 = tpu.memref_slice %arg5[%add3A_225, %dma_start3A_231] : memref<40x128xi32, #tpu.memory_space<vmem>> -> memref<1x128xi32, #tpu.memory_space<vmem>>
      %dma_start3A_233 = tpu.memref_squeeze %dma_start3A_232 : memref<1x128xi32, #tpu.memory_space<vmem>> -> memref<128xi32, #tpu.memory_space<vmem>>
      %dma_start3A_234 = arith.constant 0 : i32
      %dma_start3A_235 = arith.constant 0 : i32
      %dma_start3A_236 = tpu.memref_slice %arg2[%dma_start3A_234, %dma_start3A_235] : memref<10240x128xf32, #tpu.memory_space<hbm>> -> memref<10240x128xf32, #tpu.memory_space<hbm>>
      tpu.enqueue_indirect_dma source(%dma_start3A_236 : memref<10240x128xf32, #tpu.memory_space<hbm>>) target(%dma_start3A_230 : memref<128x128xf32, #tpu.memory_space<vmem>>) offsets(%dma_start3A_233 : memref<128xi32, #tpu.memory_space<vmem>>) semaphore(%arg8 : memref<!tpu.dma_semaphore, #tpu.memory_space<semaphore_mem>>)
    }
    %scan3A_30 = arith.constant 19 : i32
    %dma_wait3A = arith.constant 38 : i32
    %dma_wait3A_31 = arith.constant 0 : i32
    %dma_wait3A_32 = arith.constant 0 : i32
    %dma_wait3A_33 = arith.constant 0 : i32
    %dma_wait3A_34 = tpu.memref_slice %arg6[%dma_wait3A_31, %dma_wait3A_32, %dma_wait3A_33] : memref<2x128x128xf32, #tpu.memory_space<vmem>> -> memref<1x128x128xf32, #tpu.memory_space<vmem>>
    %dma_wait3A_35 = tpu.memref_squeeze %dma_wait3A_34 : memref<1x128x128xf32, #tpu.memory_space<vmem>> -> memref<128x128xf32, #tpu.memory_space<vmem>>
    %dma_wait3A_36 = arith.constant 0 : i32
    %dma_wait3A_37 = tpu.memref_slice %arg5[%dma_wait3A, %dma_wait3A_36] : memref<40x128xi32, #tpu.memory_space<vmem>> -> memref<1x128xi32, #tpu.memory_space<vmem>>
    %dma_wait3A_38 = tpu.memref_squeeze %dma_wait3A_37 : memref<1x128xi32, #tpu.memory_space<vmem>> -> memref<128xi32, #tpu.memory_space<vmem>>
    %dma_wait3A_39 = arith.constant 0 : i32
    %dma_wait3A_40 = arith.constant 0 : i32
    %dma_wait3A_41 = tpu.memref_slice %arg2[%dma_wait3A_39, %dma_wait3A_40] : memref<10240x128xf32, #tpu.memory_space<hbm>> -> memref<10240x128xf32, #tpu.memory_space<hbm>>
    tpu.wait_indirect_dma semaphore(%arg7 : memref<!tpu.dma_semaphore, #tpu.memory_space<semaphore_mem>>) src(%dma_wait3A_41 : memref<10240x128xf32, #tpu.memory_space<hbm>>) dst(%dma_wait3A_35 : memref<128x128xf32, #tpu.memory_space<vmem>>)
    %add3A_42 = arith.constant 38 : i32
    %add3A_43 = arith.addi %mul3A_2, %add3A_42 : i32
    %mul3A_44 = arith.constant 128 : i32
    %mul3A_45 = arith.muli %add3A_43, %mul3A_44 : i32
    %dma_start3A_46 = arith.constant 0 : i32
    %dma_start3A_47 = arith.constant 0 : i32
    %dma_start3A_48 = arith.constant 0 : i32
    %dma_start3A_49 = tpu.memref_slice %arg6[%dma_start3A_46, %dma_start3A_47, %dma_start3A_48] : memref<2x128x128xf32, #tpu.memory_space<vmem>> -> memref<1x128x128xf32, #tpu.memory_space<vmem>>
    %dma_start3A_50 = tpu.memref_squeeze %dma_start3A_49 : memref<1x128x128xf32, #tpu.memory_space<vmem>> -> memref<128x128xf32, #tpu.memory_space<vmem>>
    %dma_start3A_51 = arith.constant 0 : i32
    %dma_start3A_52 = tpu.memref_slice %arg4[%mul3A_45, %dma_start3A_51] : memref<163840x128xf32, #tpu.memory_space<hbm>> -> memref<128x128xf32, #tpu.memory_space<hbm>>
    %dma_start3A_53 = arith.constant 0 : i32
    %dma_start3A_54 = tpu.memref_slice %arg4[%mul3A_45, %dma_start3A_53] : memref<163840x128xf32, #tpu.memory_space<hbm>> -> memref<128x128xf32, #tpu.memory_space<hbm>>
    %dma_start3A_55 = arith.constant 0 : i32
    %dma_start3A_56 = arith.constant 0 : i32
    %dma_start3A_57 = tpu.memref_slice %arg6[%dma_start3A_46, %dma_start3A_55, %dma_start3A_56] : memref<2x128x128xf32, #tpu.memory_space<vmem>> -> memref<1x128x128xf32, #tpu.memory_space<vmem>>
    %dma_start3A_58 = tpu.memref_squeeze %dma_start3A_57 : memref<1x128x128xf32, #tpu.memory_space<vmem>> -> memref<128x128xf32, #tpu.memory_space<vmem>>
    tpu.enqueue_dma source(%dma_start3A_58 : memref<128x128xf32, #tpu.memory_space<vmem>>) target(%dma_start3A_54 : memref<128x128xf32, #tpu.memory_space<hbm>>) target_semaphore(%arg9 : memref<!tpu.dma_semaphore, #tpu.memory_space<semaphore_mem>>)
    %dma_wait3A_59 = arith.constant 39 : i32
    %dma_wait3A_60 = arith.constant 1 : i32
    %dma_wait3A_61 = arith.constant 0 : i32
    %dma_wait3A_62 = arith.constant 0 : i32
    %dma_wait3A_63 = tpu.memref_slice %arg6[%dma_wait3A_60, %dma_wait3A_61, %dma_wait3A_62] : memref<2x128x128xf32, #tpu.memory_space<vmem>> -> memref<1x128x128xf32, #tpu.memory_space<vmem>>
    %dma_wait3A_64 = tpu.memref_squeeze %dma_wait3A_63 : memref<1x128x128xf32, #tpu.memory_space<vmem>> -> memref<128x128xf32, #tpu.memory_space<vmem>>
    %dma_wait3A_65 = arith.constant 0 : i32
    %dma_wait3A_66 = tpu.memref_slice %arg5[%dma_wait3A_59, %dma_wait3A_65] : memref<40x128xi32, #tpu.memory_space<vmem>> -> memref<1x128xi32, #tpu.memory_space<vmem>>
    %dma_wait3A_67 = tpu.memref_squeeze %dma_wait3A_66 : memref<1x128xi32, #tpu.memory_space<vmem>> -> memref<128xi32, #tpu.memory_space<vmem>>
    %dma_wait3A_68 = arith.constant 0 : i32
    %dma_wait3A_69 = arith.constant 0 : i32
    %dma_wait3A_70 = tpu.memref_slice %arg2[%dma_wait3A_68, %dma_wait3A_69] : memref<10240x128xf32, #tpu.memory_space<hbm>> -> memref<10240x128xf32, #tpu.memory_space<hbm>>
    tpu.wait_indirect_dma semaphore(%arg8 : memref<!tpu.dma_semaphore, #tpu.memory_space<semaphore_mem>>) src(%dma_wait3A_70 : memref<10240x128xf32, #tpu.memory_space<hbm>>) dst(%dma_wait3A_64 : memref<128x128xf32, #tpu.memory_space<vmem>>)
    %add3A_71 = arith.constant 39 : i32
    %add3A_72 = arith.addi %mul3A_2, %add3A_71 : i32
    %mul3A_73 = arith.constant 128 : i32
    %mul3A_74 = arith.muli %add3A_72, %mul3A_73 : i32
    %dma_start3A_75 = arith.constant 1 : i32
    %dma_start3A_76 = arith.constant 0 : i32
    %dma_start3A_77 = arith.constant 0 : i32
    %dma_start3A_78 = tpu.memref_slice %arg6[%dma_start3A_75, %dma_start3A_76, %dma_start3A_77] : memref<2x128x128xf32, #tpu.memory_space<vmem>> -> memref<1x128x128xf32, #tpu.memory_space<vmem>>
    %dma_start3A_79 = tpu.memref_squeeze %dma_start3A_78 : memref<1x128x128xf32, #tpu.memory_space<vmem>> -> memref<128x128xf32, #tpu.memory_space<vmem>>
    %dma_start3A_80 = arith.constant 0 : i32
    %dma_start3A_81 = tpu.memref_slice %arg4[%mul3A_74, %dma_start3A_80] : memref<163840x128xf32, #tpu.memory_space<hbm>> -> memref<128x128xf32, #tpu.memory_space<hbm>>
    %dma_start3A_82 = arith.constant 0 : i32
    %dma_start3A_83 = tpu.memref_slice %arg4[%mul3A_74, %dma_start3A_82] : memref<163840x128xf32, #tpu.memory_space<hbm>> -> memref<128x128xf32, #tpu.memory_space<hbm>>
    %dma_start3A_84 = arith.constant 0 : i32
    %dma_start3A_85 = arith.constant 0 : i32
    %dma_start3A_86 = tpu.memref_slice %arg6[%dma_start3A_75, %dma_start3A_84, %dma_start3A_85] : memref<2x128x128xf32, #tpu.memory_space<vmem>> -> memref<1x128x128xf32, #tpu.memory_space<vmem>>
    %dma_start3A_87 = tpu.memref_squeeze %dma_start3A_86 : memref<1x128x128xf32, #tpu.memory_space<vmem>> -> memref<128x128xf32, #tpu.memory_space<vmem>>
    tpu.enqueue_dma source(%dma_start3A_87 : memref<128x128xf32, #tpu.memory_space<vmem>>) target(%dma_start3A_83 : memref<128x128xf32, #tpu.memory_space<hbm>>) target_semaphore(%arg10 : memref<!tpu.dma_semaphore, #tpu.memory_space<semaphore_mem>>)
    %dma_wait3A_88 = arith.constant 0 : i32
    %dma_wait3A_89 = arith.constant 0 : i32
    %dma_wait3A_90 = arith.constant 0 : i32
    %dma_wait3A_91 = tpu.memref_slice %arg6[%dma_wait3A_88, %dma_wait3A_89, %dma_wait3A_90] : memref<2x128x128xf32, #tpu.memory_space<vmem>> -> memref<1x128x128xf32, #tpu.memory_space<vmem>>
    %dma_wait3A_92 = tpu.memref_squeeze %dma_wait3A_91 : memref<1x128x128xf32, #tpu.memory_space<vmem>> -> memref<128x128xf32, #tpu.memory_space<vmem>>
    %dma_wait3A_93 = arith.constant 0 : i32
    %dma_wait3A_94 = arith.constant 0 : i32
    %dma_wait3A_95 = tpu.memref_slice %arg4[%dma_wait3A_93, %dma_wait3A_94] : memref<163840x128xf32, #tpu.memory_space<hbm>> -> memref<128x128xf32, #tpu.memory_space<hbm>>
    %dma_wait3A_96 = arith.constant 0 : i32
    %dma_wait3A_97 = arith.constant 0 : i32
    %dma_wait3A_98 = tpu.memref_slice %arg4[%dma_wait3A_96, %dma_wait3A_97] : memref<163840x128xf32, #tpu.memory_space<hbm>> -> memref<128x128xf32, #tpu.memory_space<hbm>>
    %dma_wait3A_99 = arith.constant 0 : i32
    %dma_wait3A_100 = arith.constant 0 : i32
    %dma_wait3A_101 = tpu.memref_slice %arg6[%dma_wait3A_88, %dma_wait3A_99, %dma_wait3A_100] : memref<2x128x128xf32, #tpu.memory_space<vmem>> -> memref<1x128x128xf32, #tpu.memory_space<vmem>>
    %dma_wait3A_102 = tpu.memref_squeeze %dma_wait3A_101 : memref<1x128x128xf32, #tpu.memory_space<vmem>> -> memref<128x128xf32, #tpu.memory_space<vmem>>
    tpu.wait_dma2 semaphore(%arg9 : memref<!tpu.dma_semaphore, #tpu.memory_space<semaphore_mem>>) src(%dma_wait3A_102 : memref<128x128xf32, #tpu.memory_space<vmem>>) dst(%dma_wait3A_98 : memref<128x128xf32, #tpu.memory_space<hbm>>)
    %dma_wait3A_103 = arith.constant 1 : i32
    %dma_wait3A_104 = arith.constant 0 : i32
    %dma_wait3A_105 = arith.constant 0 : i32
    %dma_wait3A_106 = tpu.memref_slice %arg6[%dma_wait3A_103, %dma_wait3A_104, %dma_wait3A_105] : memref<2x128x128xf32, #tpu.memory_space<vmem>> -> memref<1x128x128xf32, #tpu.memory_space<vmem>>
    %dma_wait3A_107 = tpu.memref_squeeze %dma_wait3A_106 : memref<1x128x128xf32, #tpu.memory_space<vmem>> -> memref<128x128xf32, #tpu.memory_space<vmem>>
    %dma_wait3A_108 = arith.constant 0 : i32
    %dma_wait3A_109 = arith.constant 0 : i32
    %dma_wait3A_110 = tpu.memref_slice %arg4[%dma_wait3A_108, %dma_wait3A_109] : memref<163840x128xf32, #tpu.memory_space<hbm>> -> memref<128x128xf32, #tpu.memory_space<hbm>>
    %dma_wait3A_111 = arith.constant 0 : i32
    %dma_wait3A_112 = arith.constant 0 : i32
    %dma_wait3A_113 = tpu.memref_slice %arg4[%dma_wait3A_111, %dma_wait3A_112] : memref<163840x128xf32, #tpu.memory_space<hbm>> -> memref<128x128xf32, #tpu.memory_space<hbm>>
    %dma_wait3A_114 = arith.constant 0 : i32
    %dma_wait3A_115 = arith.constant 0 : i32
    %dma_wait3A_116 = tpu.memref_slice %arg6[%dma_wait3A_103, %dma_wait3A_114, %dma_wait3A_115] : memref<2x128x128xf32, #tpu.memory_space<vmem>> -> memref<1x128x128xf32, #tpu.memory_space<vmem>>
    %dma_wait3A_117 = tpu.memref_squeeze %dma_wait3A_116 : memref<1x128x128xf32, #tpu.memory_space<vmem>> -> memref<128x128xf32, #tpu.memory_space<vmem>>
    tpu.wait_dma2 semaphore(%arg10 : memref<!tpu.dma_semaphore, #tpu.memory_space<semaphore_mem>>) src(%dma_wait3A_117 : memref<128x128xf32, #tpu.memory_space<vmem>>) dst(%dma_wait3A_113 : memref<128x128xf32, #tpu.memory_space<hbm>>)
    return
  }
}

#map = affine_map<(d0, d1) -> (0, 0)>
module attributes {stable_mosaic.version = 14 : i64} {
  func.func @k(%arg0: i32, %arg1: i32, %arg2: memref<10240x128xf32, #tpu.memory_space<hbm>>, %arg3: memref<1280x128xi32, #tpu.memory_space<hbm>>, %arg4: memref<163840x128xf32, #tpu.memory_space<hbm>>, %arg5: memref<40x128xi32, #tpu.memory_space<vmem>>, %arg6: memref<2x128x128xf32, #tpu.memory_space<vmem>>, %arg7: memref<!tpu.dma_semaphore, #tpu.memory_space<semaphore_mem>>, %arg8: memref<!tpu.dma_semaphore, #tpu.memory_space<semaphore_mem>>, %arg9: memref<!tpu.dma_semaphore, #tpu.memory_space<semaphore_mem>>, %arg10: memref<!tpu.dma_semaphore, #tpu.memory_space<semaphore_mem>>) attributes {dimension_semantics = [#tpu.dimension_semantics<core_parallel>, #tpu.dimension_semantics<subcore_parallel>], iteration_bounds = array<i64: 2, 16>, scalar_prefetch = 0 : i64, scratch_operands = 6 : i64, tpu.core_type = #tpu.core_type<sc_vector_subcore>, window_params = [{transform_indices = #map}, {transform_indices = #map}, {transform_indices = #map}]} {
    %mul3A = arith.constant 2 : i32
    %mul3A_0 = arith.muli %arg1, %mul3A : i32
    %add3A = arith.addi %mul3A_0, %arg0 : i32
    %mul3A_1 = arith.constant 40 : i32
    %mul3A_2 = arith.muli %add3A, %mul3A_1 : i32
    "tpu.region"() ({
      %run_scoped3A = tpu.sem_alloc : memref<!tpu.dma_semaphore, #tpu.memory_space<semaphore_mem>>
      %dma_start3A_118 = arith.constant 0 : i32
      %dma_start3A_119 = tpu.memref_slice %arg3[%mul3A_2, %dma_start3A_118] : memref<1280x128xi32, #tpu.memory_space<hbm>> -> memref<40x128xi32, #tpu.memory_space<hbm>>
      %dma_start3A_120 = arith.constant 0 : i32
      %dma_start3A_121 = tpu.memref_slice %arg3[%mul3A_2, %dma_start3A_120] : memref<1280x128xi32, #tpu.memory_space<hbm>> -> memref<40x128xi32, #tpu.memory_space<hbm>>
      tpu.enqueue_dma source(%dma_start3A_121 : memref<40x128xi32, #tpu.memory_space<hbm>>) target(%arg5 : memref<40x128xi32, #tpu.memory_space<vmem>>) target_semaphore(%run_scoped3A : memref<!tpu.dma_semaphore, #tpu.memory_space<semaphore_mem>>)
      %dma_wait3A_122 = arith.constant 0 : i32
      %dma_wait3A_123 = tpu.memref_slice %arg3[%mul3A_2, %dma_wait3A_122] : memref<1280x128xi32, #tpu.memory_space<hbm>> -> memref<40x128xi32, #tpu.memory_space<hbm>>
      %dma_wait3A_124 = arith.constant 0 : i32
      %dma_wait3A_125 = tpu.memref_slice %arg3[%mul3A_2, %dma_wait3A_124] : memref<1280x128xi32, #tpu.memory_space<hbm>> -> memref<40x128xi32, #tpu.memory_space<hbm>>
      tpu.wait_dma2 semaphore(%run_scoped3A : memref<!tpu.dma_semaphore, #tpu.memory_space<semaphore_mem>>) src(%dma_wait3A_125 : memref<40x128xi32, #tpu.memory_space<hbm>>) dst(%arg5 : memref<40x128xi32, #tpu.memory_space<vmem>>)
      tpu.yield
    }) : () -> ()
    %dma_start3A = arith.constant 0 : i32
    %dma_start3A_3 = arith.constant 0 : i32
    %dma_start3A_4 = arith.constant 0 : i32
    %dma_start3A_5 = arith.constant 0 : i32
    %dma_start3A_6 = tpu.memref_slice %arg6[%dma_start3A_3, %dma_start3A_4, %dma_start3A_5] : memref<2x128x128xf32, #tpu.memory_space<vmem>> -> memref<1x128x128xf32, #tpu.memory_space<vmem>>
    %dma_start3A_7 = tpu.memref_squeeze %dma_start3A_6 : memref<1x128x128xf32, #tpu.memory_space<vmem>> -> memref<128x128xf32, #tpu.memory_space<vmem>>
    %dma_start3A_8 = arith.constant 0 : i32
    %dma_start3A_9 = tpu.memref_slice %arg5[%dma_start3A, %dma_start3A_8] : memref<40x128xi32, #tpu.memory_space<vmem>> -> memref<1x128xi32, #tpu.memory_space<vmem>>
    %dma_start3A_10 = tpu.memref_squeeze %dma_start3A_9 : memref<1x128xi32, #tpu.memory_space<vmem>> -> memref<128xi32, #tpu.memory_space<vmem>>
    %dma_start3A_11 = arith.constant 0 : i32
    %dma_start3A_12 = arith.constant 0 : i32
    %dma_start3A_13 = tpu.memref_slice %arg2[%dma_start3A_11, %dma_start3A_12] : memref<10240x128xf32, #tpu.memory_space<hbm>> -> memref<10240x128xf32, #tpu.memory_space<hbm>>
    tpu.enqueue_indirect_dma source(%dma_start3A_13 : memref<10240x128xf32, #tpu.memory_space<hbm>>) target(%dma_start3A_7 : memref<128x128xf32, #tpu.memory_space<vmem>>) offsets(%dma_start3A_10 : memref<128xi32, #tpu.memory_space<vmem>>) semaphore(%arg7 : memref<!tpu.dma_semaphore, #tpu.memory_space<semaphore_mem>>)
    %dma_start3A_14 = arith.constant 1 : i32
    %dma_start3A_15 = arith.constant 1 : i32
    %dma_start3A_16 = arith.constant 0 : i32
    %dma_start3A_17 = arith.constant 0 : i32
    %dma_start3A_18 = tpu.memref_slice %arg6[%dma_start3A_15, %dma_start3A_16, %dma_start3A_17] : memref<2x128x128xf32, #tpu.memory_space<vmem>> -> memref<1x128x128xf32, #tpu.memory_space<vmem>>
    %dma_start3A_19 = tpu.memref_squeeze %dma_start3A_18 : memref<1x128x128xf32, #tpu.memory_space<vmem>> -> memref<128x128xf32, #tpu.memory_space<vmem>>
    %dma_start3A_20 = arith.constant 0 : i32
    %dma_start3A_21 = tpu.memref_slice %arg5[%dma_start3A_14, %dma_start3A_20] : memref<40x128xi32, #tpu.memory_space<vmem>> -> memref<1x128xi32, #tpu.memory_space<vmem>>
    %dma_start3A_22 = tpu.memref_squeeze %dma_start3A_21 : memref<1x128xi32, #tpu.memory_space<vmem>> -> memref<128xi32, #tpu.memory_space<vmem>>
    %dma_start3A_23 = arith.constant 0 : i32
    %dma_start3A_24 = arith.constant 0 : i32
    %dma_start3A_25 = tpu.memref_slice %arg2[%dma_start3A_23, %dma_start3A_24] : memref<10240x128xf32, #tpu.memory_space<hbm>> -> memref<10240x128xf32, #tpu.memory_space<hbm>>
    tpu.enqueue_indirect_dma source(%dma_start3A_25 : memref<10240x128xf32, #tpu.memory_space<hbm>>) target(%dma_start3A_19 : memref<128x128xf32, #tpu.memory_space<vmem>>) offsets(%dma_start3A_22 : memref<128xi32, #tpu.memory_space<vmem>>) semaphore(%arg8 : memref<!tpu.dma_semaphore, #tpu.memory_space<semaphore_mem>>)
    %scan3A = arith.constant 0 : i32
    %scan3A_26 = arith.constant 0 : i32
    %scan3A_27 = arith.constant 19 : i32
    %scan3A_28 = arith.addi %scan3A_26, %scan3A_27 : i32
    %scan3A_29 = arith.constant 1 : i32
    scf.for %scan3A_118 = %scan3A_26 to %scan3A_28 step %scan3A_29  : i32 {
      %mul3A_119 = arith.constant 2 : i32
      %mul3A_120 = arith.muli %mul3A_119, %scan3A_118 : i32
      %add3A_121 = arith.constant 0 : i32
      %add3A_122 = arith.addi %mul3A_120, %add3A_121 : i32
      %dma_wait3A_123 = arith.constant 0 : i32
      %dma_wait3A_124 = arith.constant 0 : i32
      %dma_wait3A_125 = arith.constant 0 : i32
      %dma_wait3A_126 = tpu.memref_slice %arg6[%dma_wait3A_123, %dma_wait3A_124, %dma_wait3A_125] : memref<2x128x128xf32, #tpu.memory_space<vmem>> -> memref<1x128x128xf32, #tpu.memory_space<vmem>>
      %dma_wait3A_127 = tpu.memref_squeeze %dma_wait3A_126 : memref<1x128x128xf32, #tpu.memory_space<vmem>> -> memref<128x128xf32, #tpu.memory_space<vmem>>
      %dma_wait3A_128 = arith.constant 0 : i32
      %dma_wait3A_129 = tpu.memref_slice %arg5[%add3A_122, %dma_wait3A_128] : memref<40x128xi32, #tpu.memory_space<vmem>> -> memref<1x128xi32, #tpu.memory_space<vmem>>
      %dma_wait3A_130 = tpu.memref_squeeze %dma_wait3A_129 : memref<1x128xi32, #tpu.memory_space<vmem>> -> memref<128xi32, #tpu.memory_space<vmem>>
      %dma_wait3A_131 = arith.constant 0 : i32
      %dma_wait3A_132 = arith.constant 0 : i32
      %dma_wait3A_133 = tpu.memref_slice %arg2[%dma_wait3A_131, %dma_wait3A_132] : memref<10240x128xf32, #tpu.memory_space<hbm>> -> memref<10240x128xf32, #tpu.memory_space<hbm>>
      tpu.wait_indirect_dma semaphore(%arg7 : memref<!tpu.dma_semaphore, #tpu.memory_space<semaphore_mem>>) src(%dma_wait3A_133 : memref<10240x128xf32, #tpu.memory_space<hbm>>) dst(%dma_wait3A_127 : memref<128x128xf32, #tpu.memory_space<vmem>>)
      %add3A_134 = arith.addi %mul3A_2, %add3A_122 : i32
      %mul3A_135 = arith.constant 128 : i32
      %mul3A_136 = arith.muli %add3A_134, %mul3A_135 : i32
      %dma_start3A_137 = arith.constant 0 : i32
      %dma_start3A_138 = arith.constant 0 : i32
      %dma_start3A_139 = arith.constant 0 : i32
      %dma_start3A_140 = tpu.memref_slice %arg6[%dma_start3A_137, %dma_start3A_138, %dma_start3A_139] : memref<2x128x128xf32, #tpu.memory_space<vmem>> -> memref<1x128x128xf32, #tpu.memory_space<vmem>>
      %dma_start3A_141 = tpu.memref_squeeze %dma_start3A_140 : memref<1x128x128xf32, #tpu.memory_space<vmem>> -> memref<128x128xf32, #tpu.memory_space<vmem>>
      %dma_start3A_142 = arith.constant 0 : i32
      %dma_start3A_143 = tpu.memref_slice %arg4[%mul3A_136, %dma_start3A_142] : memref<163840x128xf32, #tpu.memory_space<hbm>> -> memref<128x128xf32, #tpu.memory_space<hbm>>
      %dma_start3A_144 = arith.constant 0 : i32
      %dma_start3A_145 = tpu.memref_slice %arg4[%mul3A_136, %dma_start3A_144] : memref<163840x128xf32, #tpu.memory_space<hbm>> -> memref<128x128xf32, #tpu.memory_space<hbm>>
      %dma_start3A_146 = arith.constant 0 : i32
      %dma_start3A_147 = arith.constant 0 : i32
      %dma_start3A_148 = tpu.memref_slice %arg6[%dma_start3A_137, %dma_start3A_146, %dma_start3A_147] : memref<2x128x128xf32, #tpu.memory_space<vmem>> -> memref<1x128x128xf32, #tpu.memory_space<vmem>>
      %dma_start3A_149 = tpu.memref_squeeze %dma_start3A_148 : memref<1x128x128xf32, #tpu.memory_space<vmem>> -> memref<128x128xf32, #tpu.memory_space<vmem>>
      tpu.enqueue_dma source(%dma_start3A_149 : memref<128x128xf32, #tpu.memory_space<vmem>>) target(%dma_start3A_145 : memref<128x128xf32, #tpu.memory_space<hbm>>) target_semaphore(%arg9 : memref<!tpu.dma_semaphore, #tpu.memory_space<semaphore_mem>>)
      %dma_wait3A_150 = arith.constant 0 : i32
      %dma_wait3A_151 = arith.constant 0 : i32
      %dma_wait3A_152 = arith.constant 0 : i32
      %dma_wait3A_153 = tpu.memref_slice %arg6[%dma_wait3A_150, %dma_wait3A_151, %dma_wait3A_152] : memref<2x128x128xf32, #tpu.memory_space<vmem>> -> memref<1x128x128xf32, #tpu.memory_space<vmem>>
      %dma_wait3A_154 = tpu.memref_squeeze %dma_wait3A_153 : memref<1x128x128xf32, #tpu.memory_space<vmem>> -> memref<128x128xf32, #tpu.memory_space<vmem>>
      %dma_wait3A_155 = arith.constant 0 : i32
      %dma_wait3A_156 = arith.constant 0 : i32
      %dma_wait3A_157 = tpu.memref_slice %arg4[%dma_wait3A_155, %dma_wait3A_156] : memref<163840x128xf32, #tpu.memory_space<hbm>> -> memref<128x128xf32, #tpu.memory_space<hbm>>
      %dma_wait3A_158 = arith.constant 0 : i32
      %dma_wait3A_159 = arith.constant 0 : i32
      %dma_wait3A_160 = tpu.memref_slice %arg4[%dma_wait3A_158, %dma_wait3A_159] : memref<163840x128xf32, #tpu.memory_space<hbm>> -> memref<128x128xf32, #tpu.memory_space<hbm>>
      %dma_wait3A_161 = arith.constant 0 : i32
      %dma_wait3A_162 = arith.constant 0 : i32
      %dma_wait3A_163 = tpu.memref_slice %arg6[%dma_wait3A_150, %dma_wait3A_161, %dma_wait3A_162] : memref<2x128x128xf32, #tpu.memory_space<vmem>> -> memref<1x128x128xf32, #tpu.memory_space<vmem>>
      %dma_wait3A_164 = tpu.memref_squeeze %dma_wait3A_163 : memref<1x128x128xf32, #tpu.memory_space<vmem>> -> memref<128x128xf32, #tpu.memory_space<vmem>>
      tpu.wait_dma2 semaphore(%arg9 : memref<!tpu.dma_semaphore, #tpu.memory_space<semaphore_mem>>) src(%dma_wait3A_164 : memref<128x128xf32, #tpu.memory_space<vmem>>) dst(%dma_wait3A_160 : memref<128x128xf32, #tpu.memory_space<hbm>>)
      %add3A_165 = arith.constant 2 : i32
      %add3A_166 = arith.addi %add3A_122, %add3A_165 : i32
      %dma_start3A_167 = arith.constant 0 : i32
      %dma_start3A_168 = arith.constant 0 : i32
      %dma_start3A_169 = arith.constant 0 : i32
      %dma_start3A_170 = tpu.memref_slice %arg6[%dma_start3A_167, %dma_start3A_168, %dma_start3A_169] : memref<2x128x128xf32, #tpu.memory_space<vmem>> -> memref<1x128x128xf32, #tpu.memory_space<vmem>>
      %dma_start3A_171 = tpu.memref_squeeze %dma_start3A_170 : memref<1x128x128xf32, #tpu.memory_space<vmem>> -> memref<128x128xf32, #tpu.memory_space<vmem>>
      %dma_start3A_172 = arith.constant 0 : i32
      %dma_start3A_173 = tpu.memref_slice %arg5[%add3A_166, %dma_start3A_172] : memref<40x128xi32, #tpu.memory_space<vmem>> -> memref<1x128xi32, #tpu.memory_space<vmem>>
      %dma_start3A_174 = tpu.memref_squeeze %dma_start3A_173 : memref<1x128xi32, #tpu.memory_space<vmem>> -> memref<128xi32, #tpu.memory_space<vmem>>
      %dma_start3A_175 = arith.constant 0 : i32
      %dma_start3A_176 = arith.constant 0 : i32
      %dma_start3A_177 = tpu.memref_slice %arg2[%dma_start3A_175, %dma_start3A_176] : memref<10240x128xf32, #tpu.memory_space<hbm>> -> memref<10240x128xf32, #tpu.memory_space<hbm>>
      tpu.enqueue_indirect_dma source(%dma_start3A_177 : memref<10240x128xf32, #tpu.memory_space<hbm>>) target(%dma_start3A_171 : memref<128x128xf32, #tpu.memory_space<vmem>>) offsets(%dma_start3A_174 : memref<128xi32, #tpu.memory_space<vmem>>) semaphore(%arg7 : memref<!tpu.dma_semaphore, #tpu.memory_space<semaphore_mem>>)
      %mul3A_178 = arith.constant 2 : i32
      %mul3A_179 = arith.muli %mul3A_178, %scan3A_118 : i32
      %add3A_180 = arith.constant 1 : i32
      %add3A_181 = arith.addi %mul3A_179, %add3A_180 : i32
      %dma_wait3A_182 = arith.constant 1 : i32
      %dma_wait3A_183 = arith.constant 0 : i32
      %dma_wait3A_184 = arith.constant 0 : i32
      %dma_wait3A_185 = tpu.memref_slice %arg6[%dma_wait3A_182, %dma_wait3A_183, %dma_wait3A_184] : memref<2x128x128xf32, #tpu.memory_space<vmem>> -> memref<1x128x128xf32, #tpu.memory_space<vmem>>
      %dma_wait3A_186 = tpu.memref_squeeze %dma_wait3A_185 : memref<1x128x128xf32, #tpu.memory_space<vmem>> -> memref<128x128xf32, #tpu.memory_space<vmem>>
      %dma_wait3A_187 = arith.constant 0 : i32
      %dma_wait3A_188 = tpu.memref_slice %arg5[%add3A_181, %dma_wait3A_187] : memref<40x128xi32, #tpu.memory_space<vmem>> -> memref<1x128xi32, #tpu.memory_space<vmem>>
      %dma_wait3A_189 = tpu.memref_squeeze %dma_wait3A_188 : memref<1x128xi32, #tpu.memory_space<vmem>> -> memref<128xi32, #tpu.memory_space<vmem>>
      %dma_wait3A_190 = arith.constant 0 : i32
      %dma_wait3A_191 = arith.constant 0 : i32
      %dma_wait3A_192 = tpu.memref_slice %arg2[%dma_wait3A_190, %dma_wait3A_191] : memref<10240x128xf32, #tpu.memory_space<hbm>> -> memref<10240x128xf32, #tpu.memory_space<hbm>>
      tpu.wait_indirect_dma semaphore(%arg8 : memref<!tpu.dma_semaphore, #tpu.memory_space<semaphore_mem>>) src(%dma_wait3A_192 : memref<10240x128xf32, #tpu.memory_space<hbm>>) dst(%dma_wait3A_186 : memref<128x128xf32, #tpu.memory_space<vmem>>)
      %add3A_193 = arith.addi %mul3A_2, %add3A_181 : i32
      %mul3A_194 = arith.constant 128 : i32
      %mul3A_195 = arith.muli %add3A_193, %mul3A_194 : i32
      %dma_start3A_196 = arith.constant 1 : i32
      %dma_start3A_197 = arith.constant 0 : i32
      %dma_start3A_198 = arith.constant 0 : i32
      %dma_start3A_199 = tpu.memref_slice %arg6[%dma_start3A_196, %dma_start3A_197, %dma_start3A_198] : memref<2x128x128xf32, #tpu.memory_space<vmem>> -> memref<1x128x128xf32, #tpu.memory_space<vmem>>
      %dma_start3A_200 = tpu.memref_squeeze %dma_start3A_199 : memref<1x128x128xf32, #tpu.memory_space<vmem>> -> memref<128x128xf32, #tpu.memory_space<vmem>>
      %dma_start3A_201 = arith.constant 0 : i32
      %dma_start3A_202 = tpu.memref_slice %arg4[%mul3A_195, %dma_start3A_201] : memref<163840x128xf32, #tpu.memory_space<hbm>> -> memref<128x128xf32, #tpu.memory_space<hbm>>
      %dma_start3A_203 = arith.constant 0 : i32
      %dma_start3A_204 = tpu.memref_slice %arg4[%mul3A_195, %dma_start3A_203] : memref<163840x128xf32, #tpu.memory_space<hbm>> -> memref<128x128xf32, #tpu.memory_space<hbm>>
      %dma_start3A_205 = arith.constant 0 : i32
      %dma_start3A_206 = arith.constant 0 : i32
      %dma_start3A_207 = tpu.memref_slice %arg6[%dma_start3A_196, %dma_start3A_205, %dma_start3A_206] : memref<2x128x128xf32, #tpu.memory_space<vmem>> -> memref<1x128x128xf32, #tpu.memory_space<vmem>>
      %dma_start3A_208 = tpu.memref_squeeze %dma_start3A_207 : memref<1x128x128xf32, #tpu.memory_space<vmem>> -> memref<128x128xf32, #tpu.memory_space<vmem>>
      tpu.enqueue_dma source(%dma_start3A_208 : memref<128x128xf32, #tpu.memory_space<vmem>>) target(%dma_start3A_204 : memref<128x128xf32, #tpu.memory_space<hbm>>) target_semaphore(%arg10 : memref<!tpu.dma_semaphore, #tpu.memory_space<semaphore_mem>>)
      %dma_wait3A_209 = arith.constant 1 : i32
      %dma_wait3A_210 = arith.constant 0 : i32
      %dma_wait3A_211 = arith.constant 0 : i32
      %dma_wait3A_212 = tpu.memref_slice %arg6[%dma_wait3A_209, %dma_wait3A_210, %dma_wait3A_211] : memref<2x128x128xf32, #tpu.memory_space<vmem>> -> memref<1x128x128xf32, #tpu.memory_space<vmem>>
      %dma_wait3A_213 = tpu.memref_squeeze %dma_wait3A_212 : memref<1x128x128xf32, #tpu.memory_space<vmem>> -> memref<128x128xf32, #tpu.memory_space<vmem>>
      %dma_wait3A_214 = arith.constant 0 : i32
      %dma_wait3A_215 = arith.constant 0 : i32
      %dma_wait3A_216 = tpu.memref_slice %arg4[%dma_wait3A_214, %dma_wait3A_215] : memref<163840x128xf32, #tpu.memory_space<hbm>> -> memref<128x128xf32, #tpu.memory_space<hbm>>
      %dma_wait3A_217 = arith.constant 0 : i32
      %dma_wait3A_218 = arith.constant 0 : i32
      %dma_wait3A_219 = tpu.memref_slice %arg4[%dma_wait3A_217, %dma_wait3A_218] : memref<163840x128xf32, #tpu.memory_space<hbm>> -> memref<128x128xf32, #tpu.memory_space<hbm>>
      %dma_wait3A_220 = arith.constant 0 : i32
      %dma_wait3A_221 = arith.constant 0 : i32
      %dma_wait3A_222 = tpu.memref_slice %arg6[%dma_wait3A_209, %dma_wait3A_220, %dma_wait3A_221] : memref<2x128x128xf32, #tpu.memory_space<vmem>> -> memref<1x128x128xf32, #tpu.memory_space<vmem>>
      %dma_wait3A_223 = tpu.memref_squeeze %dma_wait3A_222 : memref<1x128x128xf32, #tpu.memory_space<vmem>> -> memref<128x128xf32, #tpu.memory_space<vmem>>
      tpu.wait_dma2 semaphore(%arg10 : memref<!tpu.dma_semaphore, #tpu.memory_space<semaphore_mem>>) src(%dma_wait3A_223 : memref<128x128xf32, #tpu.memory_space<vmem>>) dst(%dma_wait3A_219 : memref<128x128xf32, #tpu.memory_space<hbm>>)
      %add3A_224 = arith.constant 2 : i32
      %add3A_225 = arith.addi %add3A_181, %add3A_224 : i32
      %dma_start3A_226 = arith.constant 1 : i32
      %dma_start3A_227 = arith.constant 0 : i32
      %dma_start3A_228 = arith.constant 0 : i32
      %dma_start3A_229 = tpu.memref_slice %arg6[%dma_start3A_226, %dma_start3A_227, %dma_start3A_228] : memref<2x128x128xf32, #tpu.memory_space<vmem>> -> memref<1x128x128xf32, #tpu.memory_space<vmem>>
      %dma_start3A_230 = tpu.memref_squeeze %dma_start3A_229 : memref<1x128x128xf32, #tpu.memory_space<vmem>> -> memref<128x128xf32, #tpu.memory_space<vmem>>
      %dma_start3A_231 = arith.constant 0 : i32
      %dma_start3A_232 = tpu.memref_slice %arg5[%add3A_225, %dma_start3A_231] : memref<40x128xi32, #tpu.memory_space<vmem>> -> memref<1x128xi32, #tpu.memory_space<vmem>>
      %dma_start3A_233 = tpu.memref_squeeze %dma_start3A_232 : memref<1x128xi32, #tpu.memory_space<vmem>> -> memref<128xi32, #tpu.memory_space<vmem>>
      %dma_start3A_234 = arith.constant 0 : i32
      %dma_start3A_235 = arith.constant 0 : i32
      %dma_start3A_236 = tpu.memref_slice %arg2[%dma_start3A_234, %dma_start3A_235] : memref<10240x128xf32, #tpu.memory_space<hbm>> -> memref<10240x128xf32, #tpu.memory_space<hbm>>
      tpu.enqueue_indirect_dma source(%dma_start3A_236 : memref<10240x128xf32, #tpu.memory_space<hbm>>) target(%dma_start3A_230 : memref<128x128xf32, #tpu.memory_space<vmem>>) offsets(%dma_start3A_233 : memref<128xi32, #tpu.memory_space<vmem>>) semaphore(%arg8 : memref<!tpu.dma_semaphore, #tpu.memory_space<semaphore_mem>>)
    }
    %scan3A_30 = arith.constant 19 : i32
    %dma_wait3A = arith.constant 38 : i32
    %dma_wait3A_31 = arith.constant 0 : i32
    %dma_wait3A_32 = arith.constant 0 : i32
    %dma_wait3A_33 = arith.constant 0 : i32
    %dma_wait3A_34 = tpu.memref_slice %arg6[%dma_wait3A_31, %dma_wait3A_32, %dma_wait3A_33] : memref<2x128x128xf32, #tpu.memory_space<vmem>> -> memref<1x128x128xf32, #tpu.memory_space<vmem>>
    %dma_wait3A_35 = tpu.memref_squeeze %dma_wait3A_34 : memref<1x128x128xf32, #tpu.memory_space<vmem>> -> memref<128x128xf32, #tpu.memory_space<vmem>>
    %dma_wait3A_36 = arith.constant 0 : i32
    %dma_wait3A_37 = tpu.memref_slice %arg5[%dma_wait3A, %dma_wait3A_36] : memref<40x128xi32, #tpu.memory_space<vmem>> -> memref<1x128xi32, #tpu.memory_space<vmem>>
    %dma_wait3A_38 = tpu.memref_squeeze %dma_wait3A_37 : memref<1x128xi32, #tpu.memory_space<vmem>> -> memref<128xi32, #tpu.memory_space<vmem>>
    %dma_wait3A_39 = arith.constant 0 : i32
    %dma_wait3A_40 = arith.constant 0 : i32
    %dma_wait3A_41 = tpu.memref_slice %arg2[%dma_wait3A_39, %dma_wait3A_40] : memref<10240x128xf32, #tpu.memory_space<hbm>> -> memref<10240x128xf32, #tpu.memory_space<hbm>>
    tpu.wait_indirect_dma semaphore(%arg7 : memref<!tpu.dma_semaphore, #tpu.memory_space<semaphore_mem>>) src(%dma_wait3A_41 : memref<10240x128xf32, #tpu.memory_space<hbm>>) dst(%dma_wait3A_35 : memref<128x128xf32, #tpu.memory_space<vmem>>)
    %add3A_42 = arith.constant 38 : i32
    %add3A_43 = arith.addi %mul3A_2, %add3A_42 : i32
    %mul3A_44 = arith.constant 128 : i32
    %mul3A_45 = arith.muli %add3A_43, %mul3A_44 : i32
    %dma_start3A_46 = arith.constant 0 : i32
    %dma_start3A_47 = arith.constant 0 : i32
    %dma_start3A_48 = arith.constant 0 : i32
    %dma_start3A_49 = tpu.memref_slice %arg6[%dma_start3A_46, %dma_start3A_47, %dma_start3A_48] : memref<2x128x128xf32, #tpu.memory_space<vmem>> -> memref<1x128x128xf32, #tpu.memory_space<vmem>>
    %dma_start3A_50 = tpu.memref_squeeze %dma_start3A_49 : memref<1x128x128xf32, #tpu.memory_space<vmem>> -> memref<128x128xf32, #tpu.memory_space<vmem>>
    %dma_start3A_51 = arith.constant 0 : i32
    %dma_start3A_52 = tpu.memref_slice %arg4[%mul3A_45, %dma_start3A_51] : memref<163840x128xf32, #tpu.memory_space<hbm>> -> memref<128x128xf32, #tpu.memory_space<hbm>>
    %dma_start3A_53 = arith.constant 0 : i32
    %dma_start3A_54 = tpu.memref_slice %arg4[%mul3A_45, %dma_start3A_53] : memref<163840x128xf32, #tpu.memory_space<hbm>> -> memref<128x128xf32, #tpu.memory_space<hbm>>
    %dma_start3A_55 = arith.constant 0 : i32
    %dma_start3A_56 = arith.constant 0 : i32
    %dma_start3A_57 = tpu.memref_slice %arg6[%dma_start3A_46, %dma_start3A_55, %dma_start3A_56] : memref<2x128x128xf32, #tpu.memory_space<vmem>> -> memref<1x128x128xf32, #tpu.memory_space<vmem>>
    %dma_start3A_58 = tpu.memref_squeeze %dma_start3A_57 : memref<1x128x128xf32, #tpu.memory_space<vmem>> -> memref<128x128xf32, #tpu.memory_space<vmem>>
    tpu.enqueue_dma source(%dma_start3A_58 : memref<128x128xf32, #tpu.memory_space<vmem>>) target(%dma_start3A_54 : memref<128x128xf32, #tpu.memory_space<hbm>>) target_semaphore(%arg9 : memref<!tpu.dma_semaphore, #tpu.memory_space<semaphore_mem>>)
    %dma_wait3A_59 = arith.constant 39 : i32
    %dma_wait3A_60 = arith.constant 1 : i32
    %dma_wait3A_61 = arith.constant 0 : i32
    %dma_wait3A_62 = arith.constant 0 : i32
    %dma_wait3A_63 = tpu.memref_slice %arg6[%dma_wait3A_60, %dma_wait3A_61, %dma_wait3A_62] : memref<2x128x128xf32, #tpu.memory_space<vmem>> -> memref<1x128x128xf32, #tpu.memory_space<vmem>>
    %dma_wait3A_64 = tpu.memref_squeeze %dma_wait3A_63 : memref<1x128x128xf32, #tpu.memory_space<vmem>> -> memref<128x128xf32, #tpu.memory_space<vmem>>
    %dma_wait3A_65 = arith.constant 0 : i32
    %dma_wait3A_66 = tpu.memref_slice %arg5[%dma_wait3A_59, %dma_wait3A_65] : memref<40x128xi32, #tpu.memory_space<vmem>> -> memref<1x128xi32, #tpu.memory_space<vmem>>
    %dma_wait3A_67 = tpu.memref_squeeze %dma_wait3A_66 : memref<1x128xi32, #tpu.memory_space<vmem>> -> memref<128xi32, #tpu.memory_space<vmem>>
    %dma_wait3A_68 = arith.constant 0 : i32
    %dma_wait3A_69 = arith.constant 0 : i32
    %dma_wait3A_70 = tpu.memref_slice %arg2[%dma_wait3A_68, %dma_wait3A_69] : memref<10240x128xf32, #tpu.memory_space<hbm>> -> memref<10240x128xf32, #tpu.memory_space<hbm>>
    tpu.wait_indirect_dma semaphore(%arg8 : memref<!tpu.dma_semaphore, #tpu.memory_space<semaphore_mem>>) src(%dma_wait3A_70 : memref<10240x128xf32, #tpu.memory_space<hbm>>) dst(%dma_wait3A_64 : memref<128x128xf32, #tpu.memory_space<vmem>>)
    %add3A_71 = arith.constant 39 : i32
    %add3A_72 = arith.addi %mul3A_2, %add3A_71 : i32
    %mul3A_73 = arith.constant 128 : i32
    %mul3A_74 = arith.muli %add3A_72, %mul3A_73 : i32
    %dma_start3A_75 = arith.constant 1 : i32
    %dma_start3A_76 = arith.constant 0 : i32
    %dma_start3A_77 = arith.constant 0 : i32
    %dma_start3A_78 = tpu.memref_slice %arg6[%dma_start3A_75, %dma_start3A_76, %dma_start3A_77] : memref<2x128x128xf32, #tpu.memory_space<vmem>> -> memref<1x128x128xf32, #tpu.memory_space<vmem>>
    %dma_start3A_79 = tpu.memref_squeeze %dma_start3A_78 : memref<1x128x128xf32, #tpu.memory_space<vmem>> -> memref<128x128xf32, #tpu.memory_space<vmem>>
    %dma_start3A_80 = arith.constant 0 : i32
    %dma_start3A_81 = tpu.memref_slice %arg4[%mul3A_74, %dma_start3A_80] : memref<163840x128xf32, #tpu.memory_space<hbm>> -> memref<128x128xf32, #tpu.memory_space<hbm>>
    %dma_start3A_82 = arith.constant 0 : i32
    %dma_start3A_83 = tpu.memref_slice %arg4[%mul3A_74, %dma_start3A_82] : memref<163840x128xf32, #tpu.memory_space<hbm>> -> memref<128x128xf32, #tpu.memory_space<hbm>>
    %dma_start3A_84 = arith.constant 0 : i32
    %dma_start3A_85 = arith.constant 0 : i32
    %dma_start3A_86 = tpu.memref_slice %arg6[%dma_start3A_75, %dma_start3A_84, %dma_start3A_85] : memref<2x128x128xf32, #tpu.memory_space<vmem>> -> memref<1x128x128xf32, #tpu.memory_space<vmem>>
    %dma_start3A_87 = tpu.memref_squeeze %dma_start3A_86 : memref<1x128x128xf32, #tpu.memory_space<vmem>> -> memref<128x128xf32, #tpu.memory_space<vmem>>
    tpu.enqueue_dma source(%dma_start3A_87 : memref<128x128xf32, #tpu.memory_space<vmem>>) target(%dma_start3A_83 : memref<128x128xf32, #tpu.memory_space<hbm>>) target_semaphore(%arg10 : memref<!tpu.dma_semaphore, #tpu.memory_space<semaphore_mem>>)
    %dma_wait3A_88 = arith.constant 0 : i32
    %dma_wait3A_89 = arith.constant 0 : i32
    %dma_wait3A_90 = arith.constant 0 : i32
    %dma_wait3A_91 = tpu.memref_slice %arg6[%dma_wait3A_88, %dma_wait3A_89, %dma_wait3A_90] : memref<2x128x128xf32, #tpu.memory_space<vmem>> -> memref<1x128x128xf32, #tpu.memory_space<vmem>>
    %dma_wait3A_92 = tpu.memref_squeeze %dma_wait3A_91 : memref<1x128x128xf32, #tpu.memory_space<vmem>> -> memref<128x128xf32, #tpu.memory_space<vmem>>
    %dma_wait3A_93 = arith.constant 0 : i32
    %dma_wait3A_94 = arith.constant 0 : i32
    %dma_wait3A_95 = tpu.memref_slice %arg4[%dma_wait3A_93, %dma_wait3A_94] : memref<163840x128xf32, #tpu.memory_space<hbm>> -> memref<128x128xf32, #tpu.memory_space<hbm>>
    %dma_wait3A_96 = arith.constant 0 : i32
    %dma_wait3A_97 = arith.constant 0 : i32
    %dma_wait3A_98 = tpu.memref_slice %arg4[%dma_wait3A_96, %dma_wait3A_97] : memref<163840x128xf32, #tpu.memory_space<hbm>> -> memref<128x128xf32, #tpu.memory_space<hbm>>
    %dma_wait3A_99 = arith.constant 0 : i32
    %dma_wait3A_100 = arith.constant 0 : i32
    %dma_wait3A_101 = tpu.memref_slice %arg6[%dma_wait3A_88, %dma_wait3A_99, %dma_wait3A_100] : memref<2x128x128xf32, #tpu.memory_space<vmem>> -> memref<1x128x128xf32, #tpu.memory_space<vmem>>
    %dma_wait3A_102 = tpu.memref_squeeze %dma_wait3A_101 : memref<1x128x128xf32, #tpu.memory_space<vmem>> -> memref<128x128xf32, #tpu.memory_space<vmem>>
    tpu.wait_dma2 semaphore(%arg9 : memref<!tpu.dma_semaphore, #tpu.memory_space<semaphore_mem>>) src(%dma_wait3A_102 : memref<128x128xf32, #tpu.memory_space<vmem>>) dst(%dma_wait3A_98 : memref<128x128xf32, #tpu.memory_space<hbm>>)
    %dma_wait3A_103 = arith.constant 1 : i32
    %dma_wait3A_104 = arith.constant 0 : i32
    %dma_wait3A_105 = arith.constant 0 : i32
    %dma_wait3A_106 = tpu.memref_slice %arg6[%dma_wait3A_103, %dma_wait3A_104, %dma_wait3A_105] : memref<2x128x128xf32, #tpu.memory_space<vmem>> -> memref<1x128x128xf32, #tpu.memory_space<vmem>>
    %dma_wait3A_107 = tpu.memref_squeeze %dma_wait3A_106 : memref<1x128x128xf32, #tpu.memory_space<vmem>> -> memref<128x128xf32, #tpu.memory_space<vmem>>
    %dma_wait3A_108 = arith.constant 0 : i32
    %dma_wait3A_109 = arith.constant 0 : i32
    %dma_wait3A_110 = tpu.memref_slice %arg4[%dma_wait3A_108, %dma_wait3A_109] : memref<163840x128xf32, #tpu.memory_space<hbm>> -> memref<128x128xf32, #tpu.memory_space<hbm>>
    %dma_wait3A_111 = arith.constant 0 : i32
    %dma_wait3A_112 = arith.constant 0 : i32
    %dma_wait3A_113 = tpu.memref_slice %arg4[%dma_wait3A_111, %dma_wait3A_112] : memref<163840x128xf32, #tpu.memory_space<hbm>> -> memref<128x128xf32, #tpu.memory_space<hbm>>
    %dma_wait3A_114 = arith.constant 0 : i32
    %dma_wait3A_115 = arith.constant 0 : i32
    %dma_wait3A_116 = tpu.memref_slice %arg6[%dma_wait3A_103, %dma_wait3A_114, %dma_wait3A_115] : memref<2x128x128xf32, #tpu.memory_space<vmem>> -> memref<1x128x128xf32, #tpu.memory_space<vmem>>
    %dma_wait3A_117 = tpu.memref_squeeze %dma_wait3A_116 : memref<1x128x128xf32, #tpu.memory_space<vmem>> -> memref<128x128xf32, #tpu.memory_space<vmem>>
    tpu.wait_dma2 semaphore(%arg10 : memref<!tpu.dma_semaphore, #tpu.memory_space<semaphore_mem>>) src(%dma_wait3A_117 : memref<128x128xf32, #tpu.memory_space<vmem>>) dst(%dma_wait3A_113 : memref<128x128xf32, #tpu.memory_space<hbm>>)
    return
  }
}

#map = affine_map<(d0, d1) -> (0, 0)>
#map1 = affine_map<(d0, d1) -> (0, 0, 0)>
module attributes {stable_mosaic.version = 14 : i64} {
  func.func @k(%arg0: i32, %arg1: i32, %arg2: memref<163840x128xf32, #tpu.memory_space<hbm>>, %arg3: memref<1280x128xi32, #tpu.memory_space<hbm>>, %arg4: memref<2x10240x128xf32, #tpu.memory_space<hbm>>, %arg5: memref<2x10240xf32, #tpu.memory_space<hbm>>, %arg6: memref<40x128xi32, #tpu.memory_space<vmem>>, %arg7: memref<2x128x128xf32, #tpu.memory_space<vmem>>, %arg8: memref<640xf32, #tpu.memory_space<vmem>>, %arg9: memref<128xf32, #tpu.memory_space<vmem>>, %arg10: memref<10240x128xf32, #tpu.memory_space<vmem_shared>>, %arg11: memref<10240xf32, #tpu.memory_space<vmem_shared>>, %arg12: memref<!tpu.dma_semaphore, #tpu.memory_space<semaphore_mem>>, %arg13: memref<!tpu.dma_semaphore, #tpu.memory_space<semaphore_mem>>, %arg14: memref<!tpu.dma_semaphore, #tpu.memory_space<semaphore_mem>>, %arg15: memref<!tpu.dma_semaphore, #tpu.memory_space<semaphore_mem>>, %arg16: memref<!tpu.dma_semaphore, #tpu.memory_space<semaphore_mem>>, %arg17: memref<!tpu.dma_semaphore, #tpu.memory_space<semaphore_mem>>) attributes {dimension_semantics = [#tpu.dimension_semantics<core_parallel>, #tpu.dimension_semantics<subcore_parallel>], iteration_bounds = array<i64: 2, 16>, scalar_prefetch = 0 : i64, scratch_operands = 12 : i64, tpu.core_type = #tpu.core_type<sc_vector_subcore>, window_params = [{transform_indices = #map}, {transform_indices = #map}, {transform_indices = #map1}, {transform_indices = #map}]} {
    %mul3A = arith.constant 2 : i32
    %mul3A_0 = arith.muli %arg1, %mul3A : i32
    %add3A = arith.addi %mul3A_0, %arg0 : i32
    %broadcast_in_dim3A = arith.constant 0.000000e+00 : f32
    %broadcast_in_dim3A_1 = vector.broadcast %broadcast_in_dim3A : f32 to vector<16xf32>
    %broadcast_in_dim3A_2 = arith.constant 1.000000e+00 : f32
    %broadcast_in_dim3A_3 = vector.broadcast %broadcast_in_dim3A_2 : f32 to vector<16xf32>
    %scan3A = arith.constant 0 : i32
    %scan3A_4 = arith.constant 0 : i32
    %scan3A_5 = arith.constant 1024 : i32
    %scan3A_6 = arith.addi %scan3A_4, %scan3A_5 : i32
    %scan3A_7 = arith.constant 1 : i32
    scf.for %scan3A_223 = %scan3A_4 to %scan3A_6 step %scan3A_7  : i32 {
      %jit3A = arith.constant 8 : i32
      %div3A = arith.divsi %scan3A_223, %jit3A : i32
      %sign3A = arith.constant 0 : i32
      %sign3A_224 = arith.cmpi sgt, %scan3A_223, %sign3A : i32
      %sign3A_225 = arith.extui %sign3A_224 : i1 to i32
      %sign3A_226 = arith.constant 0 : i32
      %sign3A_227 = arith.cmpi slt, %scan3A_223, %sign3A_226 : i32
      %sign3A_228 = arith.extui %sign3A_227 : i1 to i32
      %sign3A_229 = arith.subi %sign3A_225, %sign3A_228 : i32
      %sign3A_230 = arith.constant 0 : i32
      %sign3A_231 = arith.cmpi sgt, %jit3A, %sign3A_230 : i32
      %sign3A_232 = arith.extui %sign3A_231 : i1 to i32
      %sign3A_233 = arith.constant 0 : i32
      %sign3A_234 = arith.cmpi slt, %jit3A, %sign3A_233 : i32
      %sign3A_235 = arith.extui %sign3A_234 : i1 to i32
      %sign3A_236 = arith.subi %sign3A_232, %sign3A_235 : i32
      %ne3A = arith.cmpi ne, %sign3A_229, %sign3A_236 : i32
      %rem3A = arith.remsi %scan3A_223, %jit3A : i32
      %ne3A_237 = arith.constant 0 : i32
      %ne3A_238 = arith.cmpi ne, %rem3A, %ne3A_237 : i32
      %and3A = arith.andi %ne3A, %ne3A_238 : i1
      %sub3A = arith.constant 1 : i32
      %sub3A_239 = arith.subi %div3A, %sub3A : i32
      %select_n3A = arith.select %and3A, %sub3A_239, %div3A : i32
      %jit3A_240 = arith.constant 8 : i32
      %eq3A = arith.constant 0 : i32
      %eq3A_241 = arith.cmpi eq, %jit3A_240, %eq3A : i32
      %jit3A_242 = arith.constant 1 : i32
      %select_n3A_243 = arith.select %eq3A_241, %jit3A_242, %jit3A_240 : i32
      %rem3A_244 = arith.remsi %scan3A_223, %select_n3A_243 : i32
      %ne3A_245 = arith.constant 0 : i32
      %ne3A_246 = arith.cmpi ne, %rem3A_244, %ne3A_245 : i32
      %lt3A = arith.constant 0 : i32
      %lt3A_247 = arith.cmpi slt, %rem3A_244, %lt3A : i32
      %lt3A_248 = arith.constant 0 : i32
      %lt3A_249 = arith.cmpi slt, %select_n3A_243, %lt3A_248 : i32
      %ne3A_250 = arith.xori %lt3A_247, %lt3A_249 : i1
      %and3A_251 = arith.andi %ne3A_250, %ne3A_246 : i1
      %add3A_252 = arith.addi %rem3A_244, %select_n3A_243 : i32
      %select_n3A_253 = arith.select %and3A_251, %add3A_252, %rem3A_244 : i32
      %mul3A_254 = arith.constant 16 : i32
      %mul3A_255 = arith.muli %select_n3A_253, %mul3A_254 : i32
      %swap3A_256 = arith.constant 0 : i32
      %swap3A_257 = arith.index_cast %swap3A_256 : i32 to index
      %swap3A_258 = arith.index_cast %select_n3A : i32 to index
      %swap3A_259 = arith.index_cast %mul3A_255 : i32 to index
      %swap3A_260 = tpu.vector_load %arg7[%swap3A_257, %swap3A_258, %swap3A_259] {strides = array<i32>} : memref<2x128x128xf32, #tpu.memory_space<vmem>>, vector<1x1x16xf32>,
      %swap3A_261 = vector.shape_cast %swap3A_260 : vector<1x1x16xf32> to vector<16xf32>
      %swap3A_262 = vector.shape_cast %broadcast_in_dim3A_1 : vector<16xf32> to vector<1x1x16xf32>
      tpu.vector_store %arg7[%swap3A_257, %swap3A_258, %swap3A_259], %swap3A_262 {strides = array<i32>} : memref<2x128x128xf32, #tpu.memory_space<vmem>>, vector<1x1x16xf32>,
    }
    %scan3A_8 = arith.constant 1024 : i32
    %scan3A_9 = arith.constant 0 : i32
    %scan3A_10 = arith.constant 0 : i32
    %scan3A_11 = arith.constant 40 : i32
    %scan3A_12 = arith.addi %scan3A_10, %scan3A_11 : i32
    %scan3A_13 = arith.constant 1 : i32
    scf.for %scan3A_223 = %scan3A_10 to %scan3A_12 step %scan3A_13  : i32 {
      %mul3A_224 = arith.constant 16 : i32
      %mul3A_225 = arith.muli %scan3A_223, %mul3A_224 : i32
      %swap3A_226 = arith.index_cast %mul3A_225 : i32 to index
      %swap3A_227 = tpu.vector_load %arg8[%swap3A_226] {strides = array<i32>} : memref<640xf32, #tpu.memory_space<vmem>>, vector<16xf32>,
      %swap3A_228 = vector.shape_cast %swap3A_227 : vector<16xf32> to vector<16xf32>
      %swap3A_229 = vector.shape_cast %broadcast_in_dim3A_1 : vector<16xf32> to vector<16xf32>
      tpu.vector_store %arg8[%swap3A_226], %swap3A_229 {strides = array<i32>} : memref<640xf32, #tpu.memory_space<vmem>>, vector<16xf32>,
    }
    %scan3A_14 = arith.constant 40 : i32
    %swap3A = arith.constant 0 : index
    %swap3A_15 = tpu.vector_load %arg9[%swap3A] {strides = array<i32>} : memref<128xf32, #tpu.memory_space<vmem>>, vector<16xf32>,
    %swap3A_16 = vector.shape_cast %swap3A_15 : vector<16xf32> to vector<16xf32>
    %swap3A_17 = vector.shape_cast %broadcast_in_dim3A_3 : vector<16xf32> to vector<16xf32>
    tpu.vector_store %arg9[%swap3A], %swap3A_17 {strides = array<i32>} : memref<128xf32, #tpu.memory_space<vmem>>, vector<16xf32>,
    %swap3A_18 = arith.constant 16 : index
    %swap3A_19 = tpu.vector_load %arg9[%swap3A_18] {strides = array<i32>} : memref<128xf32, #tpu.memory_space<vmem>>, vector<16xf32>,
    %swap3A_20 = vector.shape_cast %swap3A_19 : vector<16xf32> to vector<16xf32>
    %swap3A_21 = vector.shape_cast %broadcast_in_dim3A_3 : vector<16xf32> to vector<16xf32>
    tpu.vector_store %arg9[%swap3A_18], %swap3A_21 {strides = array<i32>} : memref<128xf32, #tpu.memory_space<vmem>>, vector<16xf32>,
    %swap3A_22 = arith.constant 32 : index
    %swap3A_23 = tpu.vector_load %arg9[%swap3A_22] {strides = array<i32>} : memref<128xf32, #tpu.memory_space<vmem>>, vector<16xf32>,
    %swap3A_24 = vector.shape_cast %swap3A_23 : vector<16xf32> to vector<16xf32>
    %swap3A_25 = vector.shape_cast %broadcast_in_dim3A_3 : vector<16xf32> to vector<16xf32>
    tpu.vector_store %arg9[%swap3A_22], %swap3A_25 {strides = array<i32>} : memref<128xf32, #tpu.memory_space<vmem>>, vector<16xf32>,
    %swap3A_26 = arith.constant 48 : index
    %swap3A_27 = tpu.vector_load %arg9[%swap3A_26] {strides = array<i32>} : memref<128xf32, #tpu.memory_space<vmem>>, vector<16xf32>,
    %swap3A_28 = vector.shape_cast %swap3A_27 : vector<16xf32> to vector<16xf32>
    %swap3A_29 = vector.shape_cast %broadcast_in_dim3A_3 : vector<16xf32> to vector<16xf32>
    tpu.vector_store %arg9[%swap3A_26], %swap3A_29 {strides = array<i32>} : memref<128xf32, #tpu.memory_space<vmem>>, vector<16xf32>,
    %swap3A_30 = arith.constant 64 : index
    %swap3A_31 = tpu.vector_load %arg9[%swap3A_30] {strides = array<i32>} : memref<128xf32, #tpu.memory_space<vmem>>, vector<16xf32>,
    %swap3A_32 = vector.shape_cast %swap3A_31 : vector<16xf32> to vector<16xf32>
    %swap3A_33 = vector.shape_cast %broadcast_in_dim3A_3 : vector<16xf32> to vector<16xf32>
    tpu.vector_store %arg9[%swap3A_30], %swap3A_33 {strides = array<i32>} : memref<128xf32, #tpu.memory_space<vmem>>, vector<16xf32>,
    %swap3A_34 = arith.constant 80 : index
    %swap3A_35 = tpu.vector_load %arg9[%swap3A_34] {strides = array<i32>} : memref<128xf32, #tpu.memory_space<vmem>>, vector<16xf32>,
    %swap3A_36 = vector.shape_cast %swap3A_35 : vector<16xf32> to vector<16xf32>
    %swap3A_37 = vector.shape_cast %broadcast_in_dim3A_3 : vector<16xf32> to vector<16xf32>
    tpu.vector_store %arg9[%swap3A_34], %swap3A_37 {strides = array<i32>} : memref<128xf32, #tpu.memory_space<vmem>>, vector<16xf32>,
    %swap3A_38 = arith.constant 96 : index
    %swap3A_39 = tpu.vector_load %arg9[%swap3A_38] {strides = array<i32>} : memref<128xf32, #tpu.memory_space<vmem>>, vector<16xf32>,
    %swap3A_40 = vector.shape_cast %swap3A_39 : vector<16xf32> to vector<16xf32>
    %swap3A_41 = vector.shape_cast %broadcast_in_dim3A_3 : vector<16xf32> to vector<16xf32>
    tpu.vector_store %arg9[%swap3A_38], %swap3A_41 {strides = array<i32>} : memref<128xf32, #tpu.memory_space<vmem>>, vector<16xf32>,
    %swap3A_42 = arith.constant 112 : index
    %swap3A_43 = tpu.vector_load %arg9[%swap3A_42] {strides = array<i32>} : memref<128xf32, #tpu.memory_space<vmem>>, vector<16xf32>,
    %swap3A_44 = vector.shape_cast %swap3A_43 : vector<16xf32> to vector<16xf32>
    %swap3A_45 = vector.shape_cast %broadcast_in_dim3A_3 : vector<16xf32> to vector<16xf32>
    tpu.vector_store %arg9[%swap3A_42], %swap3A_45 {strides = array<i32>} : memref<128xf32, #tpu.memory_space<vmem>>, vector<16xf32>,
    %mul3A_46 = arith.constant 640 : i32
    %mul3A_47 = arith.muli %arg1, %mul3A_46 : i32
    %add3A_48 = arith.constant 0 : i32
    %add3A_49 = arith.addi %mul3A_47, %add3A_48 : i32
    %run_scoped3A = arith.constant 0 : i32
    "tpu.region"() ({
      %run_scoped3A_223 = tpu.sem_alloc : memref<!tpu.dma_semaphore, #tpu.memory_space<semaphore_mem>>
      %dma_start3A_224 = arith.constant 0 : i32
      %dma_start3A_225 = arith.constant 0 : i32
      %dma_start3A_226 = tpu.memref_slice %arg7[%run_scoped3A, %dma_start3A_224, %dma_start3A_225] : memref<2x128x128xf32, #tpu.memory_space<vmem>> -> memref<1x128x128xf32, #tpu.memory_space<vmem>>
      %dma_start3A_227 = tpu.memref_squeeze %dma_start3A_226 : memref<1x128x128xf32, #tpu.memory_space<vmem>> -> memref<128x128xf32, #tpu.memory_space<vmem>>
      %dma_start3A_228 = arith.constant 0 : i32
      %dma_start3A_229 = tpu.memref_slice %arg10[%add3A_49, %dma_start3A_228] : memref<10240x128xf32, #tpu.memory_space<vmem_shared>> -> memref<128x128xf32, #tpu.memory_space<vmem_shared>>
      %dma_start3A_230 = arith.constant 0 : i32
      %dma_start3A_231 = tpu.memref_slice %arg10[%add3A_49, %dma_start3A_230] : memref<10240x128xf32, #tpu.memory_space<vmem_shared>> -> memref<128x128xf32, #tpu.memory_space<vmem_shared>>
      %dma_start3A_232 = arith.constant 0 : i32
      %dma_start3A_233 = arith.constant 0 : i32
      %dma_start3A_234 = tpu.memref_slice %arg7[%run_scoped3A, %dma_start3A_232, %dma_start3A_233] : memref<2x128x128xf32, #tpu.memory_space<vmem>> -> memref<1x128x128xf32, #tpu.memory_space<vmem>>
      %dma_start3A_235 = tpu.memref_squeeze %dma_start3A_234 : memref<1x128x128xf32, #tpu.memory_space<vmem>> -> memref<128x128xf32, #tpu.memory_space<vmem>>
      tpu.enqueue_dma source(%dma_start3A_235 : memref<128x128xf32, #tpu.memory_space<vmem>>) target(%dma_start3A_231 : memref<128x128xf32, #tpu.memory_space<vmem_shared>>) target_semaphore(%run_scoped3A_223 : memref<!tpu.dma_semaphore, #tpu.memory_space<semaphore_mem>>)
      %dma_wait3A_236 = arith.constant 0 : i32
      %dma_wait3A_237 = arith.constant 0 : i32
      %dma_wait3A_238 = tpu.memref_slice %arg7[%run_scoped3A, %dma_wait3A_236, %dma_wait3A_237] : memref<2x128x128xf32, #tpu.memory_space<vmem>> -> memref<1x128x128xf32, #tpu.memory_space<vmem>>
      %dma_wait3A_239 = tpu.memref_squeeze %dma_wait3A_238 : memref<1x128x128xf32, #tpu.memory_space<vmem>> -> memref<128x128xf32, #tpu.memory_space<vmem>>
      %dma_wait3A_240 = arith.constant 0 : i32
      %dma_wait3A_241 = tpu.memref_slice %arg10[%add3A_49, %dma_wait3A_240] : memref<10240x128xf32, #tpu.memory_space<vmem_shared>> -> memref<128x128xf32, #tpu.memory_space<vmem_shared>>
      %dma_wait3A_242 = arith.constant 0 : i32
      %dma_wait3A_243 = tpu.memref_slice %arg10[%add3A_49, %dma_wait3A_242] : memref<10240x128xf32, #tpu.memory_space<vmem_shared>> -> memref<128x128xf32, #tpu.memory_space<vmem_shared>>
      %dma_wait3A_244 = arith.constant 0 : i32
      %dma_wait3A_245 = arith.constant 0 : i32
      %dma_wait3A_246 = tpu.memref_slice %arg7[%run_scoped3A, %dma_wait3A_244, %dma_wait3A_245] : memref<2x128x128xf32, #tpu.memory_space<vmem>> -> memref<1x128x128xf32, #tpu.memory_space<vmem>>
      %dma_wait3A_247 = tpu.memref_squeeze %dma_wait3A_246 : memref<1x128x128xf32, #tpu.memory_space<vmem>> -> memref<128x128xf32, #tpu.memory_space<vmem>>
      tpu.wait_dma2 semaphore(%run_scoped3A_223 : memref<!tpu.dma_semaphore, #tpu.memory_space<semaphore_mem>>) src(%dma_wait3A_247 : memref<128x128xf32, #tpu.memory_space<vmem>>) dst(%dma_wait3A_243 : memref<128x128xf32, #tpu.memory_space<vmem_shared>>)
      tpu.yield
    }) : () -> ()
    %mul3A_50 = arith.constant 640 : i32
    %mul3A_51 = arith.muli %arg1, %mul3A_50 : i32
    %add3A_52 = arith.constant 128 : i32
    %add3A_53 = arith.addi %mul3A_51, %add3A_52 : i32
    %run_scoped3A_54 = arith.constant 0 : i32
    "tpu.region"() ({
      %run_scoped3A_223 = tpu.sem_alloc : memref<!tpu.dma_semaphore, #tpu.memory_space<semaphore_mem>>
      %dma_start3A_224 = arith.constant 0 : i32
      %dma_start3A_225 = arith.constant 0 : i32
      %dma_start3A_226 = tpu.memref_slice %arg7[%run_scoped3A_54, %dma_start3A_224, %dma_start3A_225] : memref<2x128x128xf32, #tpu.memory_space<vmem>> -> memref<1x128x128xf32, #tpu.memory_space<vmem>>
      %dma_start3A_227 = tpu.memref_squeeze %dma_start3A_226 : memref<1x128x128xf32, #tpu.memory_space<vmem>> -> memref<128x128xf32, #tpu.memory_space<vmem>>
      %dma_start3A_228 = arith.constant 0 : i32
      %dma_start3A_229 = tpu.memref_slice %arg10[%add3A_53, %dma_start3A_228] : memref<10240x128xf32, #tpu.memory_space<vmem_shared>> -> memref<128x128xf32, #tpu.memory_space<vmem_shared>>
      %dma_start3A_230 = arith.constant 0 : i32
      %dma_start3A_231 = tpu.memref_slice %arg10[%add3A_53, %dma_start3A_230] : memref<10240x128xf32, #tpu.memory_space<vmem_shared>> -> memref<128x128xf32, #tpu.memory_space<vmem_shared>>
      %dma_start3A_232 = arith.constant 0 : i32
      %dma_start3A_233 = arith.constant 0 : i32
      %dma_start3A_234 = tpu.memref_slice %arg7[%run_scoped3A_54, %dma_start3A_232, %dma_start3A_233] : memref<2x128x128xf32, #tpu.memory_space<vmem>> -> memref<1x128x128xf32, #tpu.memory_space<vmem>>
      %dma_start3A_235 = tpu.memref_squeeze %dma_start3A_234 : memref<1x128x128xf32, #tpu.memory_space<vmem>> -> memref<128x128xf32, #tpu.memory_space<vmem>>
      tpu.enqueue_dma source(%dma_start3A_235 : memref<128x128xf32, #tpu.memory_space<vmem>>) target(%dma_start3A_231 : memref<128x128xf32, #tpu.memory_space<vmem_shared>>) target_semaphore(%run_scoped3A_223 : memref<!tpu.dma_semaphore, #tpu.memory_space<semaphore_mem>>)
      %dma_wait3A_236 = arith.constant 0 : i32
      %dma_wait3A_237 = arith.constant 0 : i32
      %dma_wait3A_238 = tpu.memref_slice %arg7[%run_scoped3A_54, %dma_wait3A_236, %dma_wait3A_237] : memref<2x128x128xf32, #tpu.memory_space<vmem>> -> memref<1x128x128xf32, #tpu.memory_space<vmem>>
      %dma_wait3A_239 = tpu.memref_squeeze %dma_wait3A_238 : memref<1x128x128xf32, #tpu.memory_space<vmem>> -> memref<128x128xf32, #tpu.memory_space<vmem>>
      %dma_wait3A_240 = arith.constant 0 : i32
      %dma_wait3A_241 = tpu.memref_slice %arg10[%add3A_53, %dma_wait3A_240] : memref<10240x128xf32, #tpu.memory_space<vmem_shared>> -> memref<128x128xf32, #tpu.memory_space<vmem_shared>>
      %dma_wait3A_242 = arith.constant 0 : i32
      %dma_wait3A_243 = tpu.memref_slice %arg10[%add3A_53, %dma_wait3A_242] : memref<10240x128xf32, #tpu.memory_space<vmem_shared>> -> memref<128x128xf32, #tpu.memory_space<vmem_shared>>
      %dma_wait3A_244 = arith.constant 0 : i32
      %dma_wait3A_245 = arith.constant 0 : i32
      %dma_wait3A_246 = tpu.memref_slice %arg7[%run_scoped3A_54, %dma_wait3A_244, %dma_wait3A_245] : memref<2x128x128xf32, #tpu.memory_space<vmem>> -> memref<1x128x128xf32, #tpu.memory_space<vmem>>
      %dma_wait3A_247 = tpu.memref_squeeze %dma_wait3A_246 : memref<1x128x128xf32, #tpu.memory_space<vmem>> -> memref<128x128xf32, #tpu.memory_space<vmem>>
      tpu.wait_dma2 semaphore(%run_scoped3A_223 : memref<!tpu.dma_semaphore, #tpu.memory_space<semaphore_mem>>) src(%dma_wait3A_247 : memref<128x128xf32, #tpu.memory_space<vmem>>) dst(%dma_wait3A_243 : memref<128x128xf32, #tpu.memory_space<vmem_shared>>)
      tpu.yield
    }) : () -> ()
    %mul3A_55 = arith.constant 640 : i32
    %mul3A_56 = arith.muli %arg1, %mul3A_55 : i32
    %add3A_57 = arith.constant 256 : i32
    %add3A_58 = arith.addi %mul3A_56, %add3A_57 : i32
    %run_scoped3A_59 = arith.constant 0 : i32
    "tpu.region"() ({
      %run_scoped3A_223 = tpu.sem_alloc : memref<!tpu.dma_semaphore, #tpu.memory_space<semaphore_mem>>
      %dma_start3A_224 = arith.constant 0 : i32
      %dma_start3A_225 = arith.constant 0 : i32
      %dma_start3A_226 = tpu.memref_slice %arg7[%run_scoped3A_59, %dma_start3A_224, %dma_start3A_225] : memref<2x128x128xf32, #tpu.memory_space<vmem>> -> memref<1x128x128xf32, #tpu.memory_space<vmem>>
      %dma_start3A_227 = tpu.memref_squeeze %dma_start3A_226 : memref<1x128x128xf32, #tpu.memory_space<vmem>> -> memref<128x128xf32, #tpu.memory_space<vmem>>
      %dma_start3A_228 = arith.constant 0 : i32
      %dma_start3A_229 = tpu.memref_slice %arg10[%add3A_58, %dma_start3A_228] : memref<10240x128xf32, #tpu.memory_space<vmem_shared>> -> memref<128x128xf32, #tpu.memory_space<vmem_shared>>
      %dma_start3A_230 = arith.constant 0 : i32
      %dma_start3A_231 = tpu.memref_slice %arg10[%add3A_58, %dma_start3A_230] : memref<10240x128xf32, #tpu.memory_space<vmem_shared>> -> memref<128x128xf32, #tpu.memory_space<vmem_shared>>
      %dma_start3A_232 = arith.constant 0 : i32
      %dma_start3A_233 = arith.constant 0 : i32
      %dma_start3A_234 = tpu.memref_slice %arg7[%run_scoped3A_59, %dma_start3A_232, %dma_start3A_233] : memref<2x128x128xf32, #tpu.memory_space<vmem>> -> memref<1x128x128xf32, #tpu.memory_space<vmem>>
      %dma_start3A_235 = tpu.memref_squeeze %dma_start3A_234 : memref<1x128x128xf32, #tpu.memory_space<vmem>> -> memref<128x128xf32, #tpu.memory_space<vmem>>
      tpu.enqueue_dma source(%dma_start3A_235 : memref<128x128xf32, #tpu.memory_space<vmem>>) target(%dma_start3A_231 : memref<128x128xf32, #tpu.memory_space<vmem_shared>>) target_semaphore(%run_scoped3A_223 : memref<!tpu.dma_semaphore, #tpu.memory_space<semaphore_mem>>)
      %dma_wait3A_236 = arith.constant 0 : i32
      %dma_wait3A_237 = arith.constant 0 : i32
      %dma_wait3A_238 = tpu.memref_slice %arg7[%run_scoped3A_59, %dma_wait3A_236, %dma_wait3A_237] : memref<2x128x128xf32, #tpu.memory_space<vmem>> -> memref<1x128x128xf32, #tpu.memory_space<vmem>>
      %dma_wait3A_239 = tpu.memref_squeeze %dma_wait3A_238 : memref<1x128x128xf32, #tpu.memory_space<vmem>> -> memref<128x128xf32, #tpu.memory_space<vmem>>
      %dma_wait3A_240 = arith.constant 0 : i32
      %dma_wait3A_241 = tpu.memref_slice %arg10[%add3A_58, %dma_wait3A_240] : memref<10240x128xf32, #tpu.memory_space<vmem_shared>> -> memref<128x128xf32, #tpu.memory_space<vmem_shared>>
      %dma_wait3A_242 = arith.constant 0 : i32
      %dma_wait3A_243 = tpu.memref_slice %arg10[%add3A_58, %dma_wait3A_242] : memref<10240x128xf32, #tpu.memory_space<vmem_shared>> -> memref<128x128xf32, #tpu.memory_space<vmem_shared>>
      %dma_wait3A_244 = arith.constant 0 : i32
      %dma_wait3A_245 = arith.constant 0 : i32
      %dma_wait3A_246 = tpu.memref_slice %arg7[%run_scoped3A_59, %dma_wait3A_244, %dma_wait3A_245] : memref<2x128x128xf32, #tpu.memory_space<vmem>> -> memref<1x128x128xf32, #tpu.memory_space<vmem>>
      %dma_wait3A_247 = tpu.memref_squeeze %dma_wait3A_246 : memref<1x128x128xf32, #tpu.memory_space<vmem>> -> memref<128x128xf32, #tpu.memory_space<vmem>>
      tpu.wait_dma2 semaphore(%run_scoped3A_223 : memref<!tpu.dma_semaphore, #tpu.memory_space<semaphore_mem>>) src(%dma_wait3A_247 : memref<128x128xf32, #tpu.memory_space<vmem>>) dst(%dma_wait3A_243 : memref<128x128xf32, #tpu.memory_space<vmem_shared>>)
      tpu.yield
    }) : () -> ()
    %mul3A_60 = arith.constant 640 : i32
    %mul3A_61 = arith.muli %arg1, %mul3A_60 : i32
    %add3A_62 = arith.constant 384 : i32
    %add3A_63 = arith.addi %mul3A_61, %add3A_62 : i32
    %run_scoped3A_64 = arith.constant 0 : i32
    "tpu.region"() ({
      %run_scoped3A_223 = tpu.sem_alloc : memref<!tpu.dma_semaphore, #tpu.memory_space<semaphore_mem>>
      %dma_start3A_224 = arith.constant 0 : i32
      %dma_start3A_225 = arith.constant 0 : i32
      %dma_start3A_226 = tpu.memref_slice %arg7[%run_scoped3A_64, %dma_start3A_224, %dma_start3A_225] : memref<2x128x128xf32, #tpu.memory_space<vmem>> -> memref<1x128x128xf32, #tpu.memory_space<vmem>>
      %dma_start3A_227 = tpu.memref_squeeze %dma_start3A_226 : memref<1x128x128xf32, #tpu.memory_space<vmem>> -> memref<128x128xf32, #tpu.memory_space<vmem>>
      %dma_start3A_228 = arith.constant 0 : i32
      %dma_start3A_229 = tpu.memref_slice %arg10[%add3A_63, %dma_start3A_228] : memref<10240x128xf32, #tpu.memory_space<vmem_shared>> -> memref<128x128xf32, #tpu.memory_space<vmem_shared>>
      %dma_start3A_230 = arith.constant 0 : i32
      %dma_start3A_231 = tpu.memref_slice %arg10[%add3A_63, %dma_start3A_230] : memref<10240x128xf32, #tpu.memory_space<vmem_shared>> -> memref<128x128xf32, #tpu.memory_space<vmem_shared>>
      %dma_start3A_232 = arith.constant 0 : i32
      %dma_start3A_233 = arith.constant 0 : i32
      %dma_start3A_234 = tpu.memref_slice %arg7[%run_scoped3A_64, %dma_start3A_232, %dma_start3A_233] : memref<2x128x128xf32, #tpu.memory_space<vmem>> -> memref<1x128x128xf32, #tpu.memory_space<vmem>>
      %dma_start3A_235 = tpu.memref_squeeze %dma_start3A_234 : memref<1x128x128xf32, #tpu.memory_space<vmem>> -> memref<128x128xf32, #tpu.memory_space<vmem>>
      tpu.enqueue_dma source(%dma_start3A_235 : memref<128x128xf32, #tpu.memory_space<vmem>>) target(%dma_start3A_231 : memref<128x128xf32, #tpu.memory_space<vmem_shared>>) target_semaphore(%run_scoped3A_223 : memref<!tpu.dma_semaphore, #tpu.memory_space<semaphore_mem>>)
      %dma_wait3A_236 = arith.constant 0 : i32
      %dma_wait3A_237 = arith.constant 0 : i32
      %dma_wait3A_238 = tpu.memref_slice %arg7[%run_scoped3A_64, %dma_wait3A_236, %dma_wait3A_237] : memref<2x128x128xf32, #tpu.memory_space<vmem>> -> memref<1x128x128xf32, #tpu.memory_space<vmem>>
      %dma_wait3A_239 = tpu.memref_squeeze %dma_wait3A_238 : memref<1x128x128xf32, #tpu.memory_space<vmem>> -> memref<128x128xf32, #tpu.memory_space<vmem>>
      %dma_wait3A_240 = arith.constant 0 : i32
      %dma_wait3A_241 = tpu.memref_slice %arg10[%add3A_63, %dma_wait3A_240] : memref<10240x128xf32, #tpu.memory_space<vmem_shared>> -> memref<128x128xf32, #tpu.memory_space<vmem_shared>>
      %dma_wait3A_242 = arith.constant 0 : i32
      %dma_wait3A_243 = tpu.memref_slice %arg10[%add3A_63, %dma_wait3A_242] : memref<10240x128xf32, #tpu.memory_space<vmem_shared>> -> memref<128x128xf32, #tpu.memory_space<vmem_shared>>
      %dma_wait3A_244 = arith.constant 0 : i32
      %dma_wait3A_245 = arith.constant 0 : i32
      %dma_wait3A_246 = tpu.memref_slice %arg7[%run_scoped3A_64, %dma_wait3A_244, %dma_wait3A_245] : memref<2x128x128xf32, #tpu.memory_space<vmem>> -> memref<1x128x128xf32, #tpu.memory_space<vmem>>
      %dma_wait3A_247 = tpu.memref_squeeze %dma_wait3A_246 : memref<1x128x128xf32, #tpu.memory_space<vmem>> -> memref<128x128xf32, #tpu.memory_space<vmem>>
      tpu.wait_dma2 semaphore(%run_scoped3A_223 : memref<!tpu.dma_semaphore, #tpu.memory_space<semaphore_mem>>) src(%dma_wait3A_247 : memref<128x128xf32, #tpu.memory_space<vmem>>) dst(%dma_wait3A_243 : memref<128x128xf32, #tpu.memory_space<vmem_shared>>)
      tpu.yield
    }) : () -> ()
    %mul3A_65 = arith.constant 640 : i32
    %mul3A_66 = arith.muli %arg1, %mul3A_65 : i32
    %add3A_67 = arith.constant 512 : i32
    %add3A_68 = arith.addi %mul3A_66, %add3A_67 : i32
    %run_scoped3A_69 = arith.constant 0 : i32
    "tpu.region"() ({
      %run_scoped3A_223 = tpu.sem_alloc : memref<!tpu.dma_semaphore, #tpu.memory_space<semaphore_mem>>
      %dma_start3A_224 = arith.constant 0 : i32
      %dma_start3A_225 = arith.constant 0 : i32
      %dma_start3A_226 = tpu.memref_slice %arg7[%run_scoped3A_69, %dma_start3A_224, %dma_start3A_225] : memref<2x128x128xf32, #tpu.memory_space<vmem>> -> memref<1x128x128xf32, #tpu.memory_space<vmem>>
      %dma_start3A_227 = tpu.memref_squeeze %dma_start3A_226 : memref<1x128x128xf32, #tpu.memory_space<vmem>> -> memref<128x128xf32, #tpu.memory_space<vmem>>
      %dma_start3A_228 = arith.constant 0 : i32
      %dma_start3A_229 = tpu.memref_slice %arg10[%add3A_68, %dma_start3A_228] : memref<10240x128xf32, #tpu.memory_space<vmem_shared>> -> memref<128x128xf32, #tpu.memory_space<vmem_shared>>
      %dma_start3A_230 = arith.constant 0 : i32
      %dma_start3A_231 = tpu.memref_slice %arg10[%add3A_68, %dma_start3A_230] : memref<10240x128xf32, #tpu.memory_space<vmem_shared>> -> memref<128x128xf32, #tpu.memory_space<vmem_shared>>
      %dma_start3A_232 = arith.constant 0 : i32
      %dma_start3A_233 = arith.constant 0 : i32
      %dma_start3A_234 = tpu.memref_slice %arg7[%run_scoped3A_69, %dma_start3A_232, %dma_start3A_233] : memref<2x128x128xf32, #tpu.memory_space<vmem>> -> memref<1x128x128xf32, #tpu.memory_space<vmem>>
      %dma_start3A_235 = tpu.memref_squeeze %dma_start3A_234 : memref<1x128x128xf32, #tpu.memory_space<vmem>> -> memref<128x128xf32, #tpu.memory_space<vmem>>
      tpu.enqueue_dma source(%dma_start3A_235 : memref<128x128xf32, #tpu.memory_space<vmem>>) target(%dma_start3A_231 : memref<128x128xf32, #tpu.memory_space<vmem_shared>>) target_semaphore(%run_scoped3A_223 : memref<!tpu.dma_semaphore, #tpu.memory_space<semaphore_mem>>)
      %dma_wait3A_236 = arith.constant 0 : i32
      %dma_wait3A_237 = arith.constant 0 : i32
      %dma_wait3A_238 = tpu.memref_slice %arg7[%run_scoped3A_69, %dma_wait3A_236, %dma_wait3A_237] : memref<2x128x128xf32, #tpu.memory_space<vmem>> -> memref<1x128x128xf32, #tpu.memory_space<vmem>>
      %dma_wait3A_239 = tpu.memref_squeeze %dma_wait3A_238 : memref<1x128x128xf32, #tpu.memory_space<vmem>> -> memref<128x128xf32, #tpu.memory_space<vmem>>
      %dma_wait3A_240 = arith.constant 0 : i32
      %dma_wait3A_241 = tpu.memref_slice %arg10[%add3A_68, %dma_wait3A_240] : memref<10240x128xf32, #tpu.memory_space<vmem_shared>> -> memref<128x128xf32, #tpu.memory_space<vmem_shared>>
      %dma_wait3A_242 = arith.constant 0 : i32
      %dma_wait3A_243 = tpu.memref_slice %arg10[%add3A_68, %dma_wait3A_242] : memref<10240x128xf32, #tpu.memory_space<vmem_shared>> -> memref<128x128xf32, #tpu.memory_space<vmem_shared>>
      %dma_wait3A_244 = arith.constant 0 : i32
      %dma_wait3A_245 = arith.constant 0 : i32
      %dma_wait3A_246 = tpu.memref_slice %arg7[%run_scoped3A_69, %dma_wait3A_244, %dma_wait3A_245] : memref<2x128x128xf32, #tpu.memory_space<vmem>> -> memref<1x128x128xf32, #tpu.memory_space<vmem>>
      %dma_wait3A_247 = tpu.memref_squeeze %dma_wait3A_246 : memref<1x128x128xf32, #tpu.memory_space<vmem>> -> memref<128x128xf32, #tpu.memory_space<vmem>>
      tpu.wait_dma2 semaphore(%run_scoped3A_223 : memref<!tpu.dma_semaphore, #tpu.memory_space<semaphore_mem>>) src(%dma_wait3A_247 : memref<128x128xf32, #tpu.memory_space<vmem>>) dst(%dma_wait3A_243 : memref<128x128xf32, #tpu.memory_space<vmem_shared>>)
      tpu.yield
    }) : () -> ()
    %mul3A_70 = arith.constant 640 : i32
    %mul3A_71 = arith.muli %arg1, %mul3A_70 : i32
    "tpu.region"() ({
      %run_scoped3A_223 = tpu.sem_alloc : memref<!tpu.dma_semaphore, #tpu.memory_space<semaphore_mem>>
      %dma_start3A_224 = tpu.memref_slice %arg11[%mul3A_71] : memref<10240xf32, #tpu.memory_space<vmem_shared>> -> memref<640xf32, #tpu.memory_space<vmem_shared>>
      %dma_start3A_225 = tpu.memref_slice %arg11[%mul3A_71] : memref<10240xf32, #tpu.memory_space<vmem_shared>> -> memref<640xf32, #tpu.memory_space<vmem_shared>>
      tpu.enqueue_dma source(%arg8 : memref<640xf32, #tpu.memory_space<vmem>>) target(%dma_start3A_225 : memref<640xf32, #tpu.memory_space<vmem_shared>>) target_semaphore(%run_scoped3A_223 : memref<!tpu.dma_semaphore, #tpu.memory_space<semaphore_mem>>)
      %dma_wait3A_226 = tpu.memref_slice %arg11[%mul3A_71] : memref<10240xf32, #tpu.memory_space<vmem_shared>> -> memref<640xf32, #tpu.memory_space<vmem_shared>>
      %dma_wait3A_227 = tpu.memref_slice %arg11[%mul3A_71] : memref<10240xf32, #tpu.memory_space<vmem_shared>> -> memref<640xf32, #tpu.memory_space<vmem_shared>>
      tpu.wait_dma2 semaphore(%run_scoped3A_223 : memref<!tpu.dma_semaphore, #tpu.memory_space<semaphore_mem>>) src(%arg8 : memref<640xf32, #tpu.memory_space<vmem>>) dst(%dma_wait3A_227 : memref<640xf32, #tpu.memory_space<vmem_shared>>)
      tpu.yield
    }) : () -> ()
    %mul3A_72 = arith.constant 40 : i32
    %mul3A_73 = arith.muli %add3A, %mul3A_72 : i32
    "tpu.region"() ({
      %run_scoped3A_223 = tpu.sem_alloc : memref<!tpu.dma_semaphore, #tpu.memory_space<semaphore_mem>>
      %dma_start3A_224 = arith.constant 0 : i32
      %dma_start3A_225 = tpu.memref_slice %arg3[%mul3A_73, %dma_start3A_224] : memref<1280x128xi32, #tpu.memory_space<hbm>> -> memref<40x128xi32, #tpu.memory_space<hbm>>
      %dma_start3A_226 = arith.constant 0 : i32
      %dma_start3A_227 = tpu.memref_slice %arg3[%mul3A_73, %dma_start3A_226] : memref<1280x128xi32, #tpu.memory_space<hbm>> -> memref<40x128xi32, #tpu.memory_space<hbm>>
      tpu.enqueue_dma source(%dma_start3A_227 : memref<40x128xi32, #tpu.memory_space<hbm>>) target(%arg6 : memref<40x128xi32, #tpu.memory_space<vmem>>) target_semaphore(%run_scoped3A_223 : memref<!tpu.dma_semaphore, #tpu.memory_space<semaphore_mem>>)
      %dma_wait3A_228 = arith.constant 0 : i32
      %dma_wait3A_229 = tpu.memref_slice %arg3[%mul3A_73, %dma_wait3A_228] : memref<1280x128xi32, #tpu.memory_space<hbm>> -> memref<40x128xi32, #tpu.memory_space<hbm>>
      %dma_wait3A_230 = arith.constant 0 : i32
      %dma_wait3A_231 = tpu.memref_slice %arg3[%mul3A_73, %dma_wait3A_230] : memref<1280x128xi32, #tpu.memory_space<hbm>> -> memref<40x128xi32, #tpu.memory_space<hbm>>
      tpu.wait_dma2 semaphore(%run_scoped3A_223 : memref<!tpu.dma_semaphore, #tpu.memory_space<semaphore_mem>>) src(%dma_wait3A_231 : memref<40x128xi32, #tpu.memory_space<hbm>>) dst(%arg6 : memref<40x128xi32, #tpu.memory_space<vmem>>)
      tpu.yield
    }) : () -> ()
    %barrier3A = arith.constant 0 : index
    tpu.barrier barrier_id(%barrier3A)
    %add3A_74 = arith.constant 0 : i32
    %add3A_75 = arith.addi %mul3A_73, %add3A_74 : i32
    %mul3A_76 = arith.constant 128 : i32
    %mul3A_77 = arith.muli %add3A_75, %mul3A_76 : i32
    %dma_start3A = arith.constant 0 : i32
    %dma_start3A_78 = arith.constant 0 : i32
    %dma_start3A_79 = arith.constant 0 : i32
    %dma_start3A_80 = tpu.memref_slice %arg7[%dma_start3A, %dma_start3A_78, %dma_start3A_79] : memref<2x128x128xf32, #tpu.memory_space<vmem>> -> memref<1x128x128xf32, #tpu.memory_space<vmem>>
    %dma_start3A_81 = tpu.memref_squeeze %dma_start3A_80 : memref<1x128x128xf32, #tpu.memory_space<vmem>> -> memref<128x128xf32, #tpu.memory_space<vmem>>
    %dma_start3A_82 = arith.constant 0 : i32
    %dma_start3A_83 = tpu.memref_slice %arg2[%mul3A_77, %dma_start3A_82] : memref<163840x128xf32, #tpu.memory_space<hbm>> -> memref<128x128xf32, #tpu.memory_space<hbm>>
    %dma_start3A_84 = arith.constant 0 : i32
    %dma_start3A_85 = arith.constant 0 : i32
    %dma_start3A_86 = tpu.memref_slice %arg7[%dma_start3A, %dma_start3A_84, %dma_start3A_85] : memref<2x128x128xf32, #tpu.memory_space<vmem>> -> memref<1x128x128xf32, #tpu.memory_space<vmem>>
    %dma_start3A_87 = tpu.memref_squeeze %dma_start3A_86 : memref<1x128x128xf32, #tpu.memory_space<vmem>> -> memref<128x128xf32, #tpu.memory_space<vmem>>
    %dma_start3A_88 = arith.constant 0 : i32
    %dma_start3A_89 = tpu.memref_slice %arg2[%mul3A_77, %dma_start3A_88] : memref<163840x128xf32, #tpu.memory_space<hbm>> -> memref<128x128xf32, #tpu.memory_space<hbm>>
    tpu.enqueue_dma source(%dma_start3A_89 : memref<128x128xf32, #tpu.memory_space<hbm>>) target(%dma_start3A_87 : memref<128x128xf32, #tpu.memory_space<vmem>>) target_semaphore(%arg12 : memref<!tpu.dma_semaphore, #tpu.memory_space<semaphore_mem>>)
    %add3A_90 = arith.constant 1 : i32
    %add3A_91 = arith.addi %mul3A_73, %add3A_90 : i32
    %mul3A_92 = arith.constant 128 : i32
    %mul3A_93 = arith.muli %add3A_91, %mul3A_92 : i32
    %dma_start3A_94 = arith.constant 1 : i32
    %dma_start3A_95 = arith.constant 0 : i32
    %dma_start3A_96 = arith.constant 0 : i32
    %dma_start3A_97 = tpu.memref_slice %arg7[%dma_start3A_94, %dma_start3A_95, %dma_start3A_96] : memref<2x128x128xf32, #tpu.memory_space<vmem>> -> memref<1x128x128xf32, #tpu.memory_space<vmem>>
    %dma_start3A_98 = tpu.memref_squeeze %dma_start3A_97 : memref<1x128x128xf32, #tpu.memory_space<vmem>> -> memref<128x128xf32, #tpu.memory_space<vmem>>
    %dma_start3A_99 = arith.constant 0 : i32
    %dma_start3A_100 = tpu.memref_slice %arg2[%mul3A_93, %dma_start3A_99] : memref<163840x128xf32, #tpu.memory_space<hbm>> -> memref<128x128xf32, #tpu.memory_space<hbm>>
    %dma_start3A_101 = arith.constant 0 : i32
    %dma_start3A_102 = arith.constant 0 : i32
    %dma_start3A_103 = tpu.memref_slice %arg7[%dma_start3A_94, %dma_start3A_101, %dma_start3A_102] : memref<2x128x128xf32, #tpu.memory_space<vmem>> -> memref<1x128x128xf32, #tpu.memory_space<vmem>>
    %dma_start3A_104 = tpu.memref_squeeze %dma_start3A_103 : memref<1x128x128xf32, #tpu.memory_space<vmem>> -> memref<128x128xf32, #tpu.memory_space<vmem>>
    %dma_start3A_105 = arith.constant 0 : i32
    %dma_start3A_106 = tpu.memref_slice %arg2[%mul3A_93, %dma_start3A_105] : memref<163840x128xf32, #tpu.memory_space<hbm>> -> memref<128x128xf32, #tpu.memory_space<hbm>>
    tpu.enqueue_dma source(%dma_start3A_106 : memref<128x128xf32, #tpu.memory_space<hbm>>) target(%dma_start3A_104 : memref<128x128xf32, #tpu.memory_space<vmem>>) target_semaphore(%arg13 : memref<!tpu.dma_semaphore, #tpu.memory_space<semaphore_mem>>)
    %scan3A_107 = arith.constant 0 : i32
    %scan3A_108 = arith.constant 0 : i32
    %scan3A_109 = arith.constant 19 : i32
    %scan3A_110 = arith.addi %scan3A_108, %scan3A_109 : i32
    %scan3A_111 = arith.constant 1 : i32
    scf.for %scan3A_223 = %scan3A_108 to %scan3A_110 step %scan3A_111  : i32 {
      %mul3A_224 = arith.constant 2 : i32
      %mul3A_225 = arith.muli %mul3A_224, %scan3A_223 : i32
      %add3A_226 = arith.constant 0 : i32
      %add3A_227 = arith.addi %mul3A_225, %add3A_226 : i32
      %dma_wait3A_228 = arith.constant 0 : i32
      %dma_wait3A_229 = arith.constant 0 : i32
      %dma_wait3A_230 = arith.constant 0 : i32
      %dma_wait3A_231 = tpu.memref_slice %arg7[%dma_wait3A_228, %dma_wait3A_229, %dma_wait3A_230] : memref<2x128x128xf32, #tpu.memory_space<vmem>> -> memref<1x128x128xf32, #tpu.memory_space<vmem>>
      %dma_wait3A_232 = tpu.memref_squeeze %dma_wait3A_231 : memref<1x128x128xf32, #tpu.memory_space<vmem>> -> memref<128x128xf32, #tpu.memory_space<vmem>>
      %dma_wait3A_233 = arith.constant 0 : i32
      %dma_wait3A_234 = arith.constant 0 : i32
      %dma_wait3A_235 = tpu.memref_slice %arg2[%dma_wait3A_233, %dma_wait3A_234] : memref<163840x128xf32, #tpu.memory_space<hbm>> -> memref<128x128xf32, #tpu.memory_space<hbm>>
      %dma_wait3A_236 = arith.constant 0 : i32
      %dma_wait3A_237 = arith.constant 0 : i32
      %dma_wait3A_238 = tpu.memref_slice %arg7[%dma_wait3A_228, %dma_wait3A_236, %dma_wait3A_237] : memref<2x128x128xf32, #tpu.memory_space<vmem>> -> memref<1x128x128xf32, #tpu.memory_space<vmem>>
      %dma_wait3A_239 = tpu.memref_squeeze %dma_wait3A_238 : memref<1x128x128xf32, #tpu.memory_space<vmem>> -> memref<128x128xf32, #tpu.memory_space<vmem>>
      %dma_wait3A_240 = arith.constant 0 : i32
      %dma_wait3A_241 = arith.constant 0 : i32
      %dma_wait3A_242 = tpu.memref_slice %arg2[%dma_wait3A_240, %dma_wait3A_241] : memref<163840x128xf32, #tpu.memory_space<hbm>> -> memref<128x128xf32, #tpu.memory_space<hbm>>
      tpu.wait_dma2 semaphore(%arg12 : memref<!tpu.dma_semaphore, #tpu.memory_space<semaphore_mem>>) src(%dma_wait3A_242 : memref<128x128xf32, #tpu.memory_space<hbm>>) dst(%dma_wait3A_239 : memref<128x128xf32, #tpu.memory_space<vmem>>)
      %dma_start3A_243 = arith.constant 0 : i32
      %dma_start3A_244 = arith.constant 0 : i32
      %dma_start3A_245 = arith.constant 0 : i32
      %dma_start3A_246 = tpu.memref_slice %arg7[%dma_start3A_243, %dma_start3A_244, %dma_start3A_245] : memref<2x128x128xf32, #tpu.memory_space<vmem>> -> memref<1x128x128xf32, #tpu.memory_space<vmem>>
      %dma_start3A_247 = tpu.memref_squeeze %dma_start3A_246 : memref<1x128x128xf32, #tpu.memory_space<vmem>> -> memref<128x128xf32, #tpu.memory_space<vmem>>
      %dma_start3A_248 = arith.constant 0 : i32
      %dma_start3A_249 = tpu.memref_slice %arg6[%add3A_227, %dma_start3A_248] : memref<40x128xi32, #tpu.memory_space<vmem>> -> memref<1x128xi32, #tpu.memory_space<vmem>>
      %dma_start3A_250 = tpu.memref_squeeze %dma_start3A_249 : memref<1x128xi32, #tpu.memory_space<vmem>> -> memref<128xi32, #tpu.memory_space<vmem>>
      %dma_start3A_251 = arith.constant 0 : i32
      %dma_start3A_252 = arith.constant 0 : i32
      %dma_start3A_253 = tpu.memref_slice %arg10[%dma_start3A_251, %dma_start3A_252] : memref<10240x128xf32, #tpu.memory_space<vmem_shared>> -> memref<10240x128xf32, #tpu.memory_space<vmem_shared>>
      tpu.enqueue_indirect_dma source(%dma_start3A_247 : memref<128x128xf32, #tpu.memory_space<vmem>>) target(%dma_start3A_253 : memref<10240x128xf32, #tpu.memory_space<vmem_shared>>) offsets(%dma_start3A_250 : memref<128xi32, #tpu.memory_space<vmem>>) semaphore(%arg14 : memref<!tpu.dma_semaphore, #tpu.memory_space<semaphore_mem>>) {add = true}
      %dma_start3A_254 = arith.constant 0 : i32
      %dma_start3A_255 = tpu.memref_slice %arg6[%add3A_227, %dma_start3A_254] : memref<40x128xi32, #tpu.memory_space<vmem>> -> memref<1x128xi32, #tpu.memory_space<vmem>>
      %dma_start3A_256 = tpu.memref_squeeze %dma_start3A_255 : memref<1x128xi32, #tpu.memory_space<vmem>> -> memref<128xi32, #tpu.memory_space<vmem>>
      %dma_start3A_257 = arith.constant 0 : i32
      %dma_start3A_258 = tpu.memref_slice %arg11[%dma_start3A_257] : memref<10240xf32, #tpu.memory_space<vmem_shared>> -> memref<10240xf32, #tpu.memory_space<vmem_shared>>
      tpu.enqueue_indirect_dma source(%arg9 : memref<128xf32, #tpu.memory_space<vmem>>) target(%dma_start3A_258 : memref<10240xf32, #tpu.memory_space<vmem_shared>>) offsets(%dma_start3A_256 : memref<128xi32, #tpu.memory_space<vmem>>) semaphore(%arg16 : memref<!tpu.dma_semaphore, #tpu.memory_space<semaphore_mem>>) {add = true}
      %dma_wait3A_259 = arith.constant 0 : i32
      %dma_wait3A_260 = arith.constant 0 : i32
      %dma_wait3A_261 = arith.constant 0 : i32
      %dma_wait3A_262 = tpu.memref_slice %arg7[%dma_wait3A_259, %dma_wait3A_260, %dma_wait3A_261] : memref<2x128x128xf32, #tpu.memory_space<vmem>> -> memref<1x128x128xf32, #tpu.memory_space<vmem>>
      %dma_wait3A_263 = tpu.memref_squeeze %dma_wait3A_262 : memref<1x128x128xf32, #tpu.memory_space<vmem>> -> memref<128x128xf32, #tpu.memory_space<vmem>>
      %dma_wait3A_264 = arith.constant 0 : i32
      %dma_wait3A_265 = tpu.memref_slice %arg6[%add3A_227, %dma_wait3A_264] : memref<40x128xi32, #tpu.memory_space<vmem>> -> memref<1x128xi32, #tpu.memory_space<vmem>>
      %dma_wait3A_266 = tpu.memref_squeeze %dma_wait3A_265 : memref<1x128xi32, #tpu.memory_space<vmem>> -> memref<128xi32, #tpu.memory_space<vmem>>
      %dma_wait3A_267 = arith.constant 0 : i32
      %dma_wait3A_268 = arith.constant 0 : i32
      %dma_wait3A_269 = tpu.memref_slice %arg10[%dma_wait3A_267, %dma_wait3A_268] : memref<10240x128xf32, #tpu.memory_space<vmem_shared>> -> memref<10240x128xf32, #tpu.memory_space<vmem_shared>>
      tpu.wait_indirect_dma semaphore(%arg14 : memref<!tpu.dma_semaphore, #tpu.memory_space<semaphore_mem>>) src(%dma_wait3A_263 : memref<128x128xf32, #tpu.memory_space<vmem>>) dst(%dma_wait3A_269 : memref<10240x128xf32, #tpu.memory_space<vmem_shared>>)
      %dma_wait3A_270 = arith.constant 0 : i32
      %dma_wait3A_271 = tpu.memref_slice %arg6[%add3A_227, %dma_wait3A_270] : memref<40x128xi32, #tpu.memory_space<vmem>> -> memref<1x128xi32, #tpu.memory_space<vmem>>
      %dma_wait3A_272 = tpu.memref_squeeze %dma_wait3A_271 : memref<1x128xi32, #tpu.memory_space<vmem>> -> memref<128xi32, #tpu.memory_space<vmem>>
      %dma_wait3A_273 = arith.constant 0 : i32
      %dma_wait3A_274 = tpu.memref_slice %arg11[%dma_wait3A_273] : memref<10240xf32, #tpu.memory_space<vmem_shared>> -> memref<10240xf32, #tpu.memory_space<vmem_shared>>
      tpu.wait_indirect_dma semaphore(%arg16 : memref<!tpu.dma_semaphore, #tpu.memory_space<semaphore_mem>>) src(%arg9 : memref<128xf32, #tpu.memory_space<vmem>>) dst(%dma_wait3A_274 : memref<10240xf32, #tpu.memory_space<vmem_shared>>)
      %add3A_275 = arith.constant 2 : i32
      %add3A_276 = arith.addi %add3A_227, %add3A_275 : i32
      %add3A_277 = arith.addi %mul3A_73, %add3A_276 : i32
      %mul3A_278 = arith.constant 128 : i32
      %mul3A_279 = arith.muli %add3A_277, %mul3A_278 : i32
      %dma_start3A_280 = arith.constant 0 : i32
      %dma_start3A_281 = arith.constant 0 : i32
      %dma_start3A_282 = arith.constant 0 : i32
      %dma_start3A_283 = tpu.memref_slice %arg7[%dma_start3A_280, %dma_start3A_281, %dma_start3A_282] : memref<2x128x128xf32, #tpu.memory_space<vmem>> -> memref<1x128x128xf32, #tpu.memory_space<vmem>>
      %dma_start3A_284 = tpu.memref_squeeze %dma_start3A_283 : memref<1x128x128xf32, #tpu.memory_space<vmem>> -> memref<128x128xf32, #tpu.memory_space<vmem>>
      %dma_start3A_285 = arith.constant 0 : i32
      %dma_start3A_286 = tpu.memref_slice %arg2[%mul3A_279, %dma_start3A_285] : memref<163840x128xf32, #tpu.memory_space<hbm>> -> memref<128x128xf32, #tpu.memory_space<hbm>>
      %dma_start3A_287 = arith.constant 0 : i32
      %dma_start3A_288 = arith.constant 0 : i32
      %dma_start3A_289 = tpu.memref_slice %arg7[%dma_start3A_280, %dma_start3A_287, %dma_start3A_288] : memref<2x128x128xf32, #tpu.memory_space<vmem>> -> memref<1x128x128xf32, #tpu.memory_space<vmem>>
      %dma_start3A_290 = tpu.memref_squeeze %dma_start3A_289 : memref<1x128x128xf32, #tpu.memory_space<vmem>> -> memref<128x128xf32, #tpu.memory_space<vmem>>
      %dma_start3A_291 = arith.constant 0 : i32
      %dma_start3A_292 = tpu.memref_slice %arg2[%mul3A_279, %dma_start3A_291] : memref<163840x128xf32, #tpu.memory_space<hbm>> -> memref<128x128xf32, #tpu.memory_space<hbm>>
      tpu.enqueue_dma source(%dma_start3A_292 : memref<128x128xf32, #tpu.memory_space<hbm>>) target(%dma_start3A_290 : memref<128x128xf32, #tpu.memory_space<vmem>>) target_semaphore(%arg12 : memref<!tpu.dma_semaphore, #tpu.memory_space<semaphore_mem>>)
      %mul3A_293 = arith.constant 2 : i32
      %mul3A_294 = arith.muli %mul3A_293, %scan3A_223 : i32
      %add3A_295 = arith.constant 1 : i32
      %add3A_296 = arith.addi %mul3A_294, %add3A_295 : i32
      %dma_wait3A_297 = arith.constant 1 : i32
      %dma_wait3A_298 = arith.constant 0 : i32
      %dma_wait3A_299 = arith.constant 0 : i32
      %dma_wait3A_300 = tpu.memref_slice %arg7[%dma_wait3A_297, %dma_wait3A_298, %dma_wait3A_299] : memref<2x128x128xf32, #tpu.memory_space<vmem>> -> memref<1x128x128xf32, #tpu.memory_space<vmem>>
      %dma_wait3A_301 = tpu.memref_squeeze %dma_wait3A_300 : memref<1x128x128xf32, #tpu.memory_space<vmem>> -> memref<128x128xf32, #tpu.memory_space<vmem>>
      %dma_wait3A_302 = arith.constant 0 : i32
      %dma_wait3A_303 = arith.constant 0 : i32
      %dma_wait3A_304 = tpu.memref_slice %arg2[%dma_wait3A_302, %dma_wait3A_303] : memref<163840x128xf32, #tpu.memory_space<hbm>> -> memref<128x128xf32, #tpu.memory_space<hbm>>
      %dma_wait3A_305 = arith.constant 0 : i32
      %dma_wait3A_306 = arith.constant 0 : i32
      %dma_wait3A_307 = tpu.memref_slice %arg7[%dma_wait3A_297, %dma_wait3A_305, %dma_wait3A_306] : memref<2x128x128xf32, #tpu.memory_space<vmem>> -> memref<1x128x128xf32, #tpu.memory_space<vmem>>
      %dma_wait3A_308 = tpu.memref_squeeze %dma_wait3A_307 : memref<1x128x128xf32, #tpu.memory_space<vmem>> -> memref<128x128xf32, #tpu.memory_space<vmem>>
      %dma_wait3A_309 = arith.constant 0 : i32
      %dma_wait3A_310 = arith.constant 0 : i32
      %dma_wait3A_311 = tpu.memref_slice %arg2[%dma_wait3A_309, %dma_wait3A_310] : memref<163840x128xf32, #tpu.memory_space<hbm>> -> memref<128x128xf32, #tpu.memory_space<hbm>>
      tpu.wait_dma2 semaphore(%arg13 : memref<!tpu.dma_semaphore, #tpu.memory_space<semaphore_mem>>) src(%dma_wait3A_311 : memref<128x128xf32, #tpu.memory_space<hbm>>) dst(%dma_wait3A_308 : memref<128x128xf32, #tpu.memory_space<vmem>>)
      %dma_start3A_312 = arith.constant 1 : i32
      %dma_start3A_313 = arith.constant 0 : i32
      %dma_start3A_314 = arith.constant 0 : i32
      %dma_start3A_315 = tpu.memref_slice %arg7[%dma_start3A_312, %dma_start3A_313, %dma_start3A_314] : memref<2x128x128xf32, #tpu.memory_space<vmem>> -> memref<1x128x128xf32, #tpu.memory_space<vmem>>
      %dma_start3A_316 = tpu.memref_squeeze %dma_start3A_315 : memref<1x128x128xf32, #tpu.memory_space<vmem>> -> memref<128x128xf32, #tpu.memory_space<vmem>>
      %dma_start3A_317 = arith.constant 0 : i32
      %dma_start3A_318 = tpu.memref_slice %arg6[%add3A_296, %dma_start3A_317] : memref<40x128xi32, #tpu.memory_space<vmem>> -> memref<1x128xi32, #tpu.memory_space<vmem>>
      %dma_start3A_319 = tpu.memref_squeeze %dma_start3A_318 : memref<1x128xi32, #tpu.memory_space<vmem>> -> memref<128xi32, #tpu.memory_space<vmem>>
      %dma_start3A_320 = arith.constant 0 : i32
      %dma_start3A_321 = arith.constant 0 : i32
      %dma_start3A_322 = tpu.memref_slice %arg10[%dma_start3A_320, %dma_start3A_321] : memref<10240x128xf32, #tpu.memory_space<vmem_shared>> -> memref<10240x128xf32, #tpu.memory_space<vmem_shared>>
      tpu.enqueue_indirect_dma source(%dma_start3A_316 : memref<128x128xf32, #tpu.memory_space<vmem>>) target(%dma_start3A_322 : memref<10240x128xf32, #tpu.memory_space<vmem_shared>>) offsets(%dma_start3A_319 : memref<128xi32, #tpu.memory_space<vmem>>) semaphore(%arg15 : memref<!tpu.dma_semaphore, #tpu.memory_space<semaphore_mem>>) {add = true}
      %dma_start3A_323 = arith.constant 0 : i32
      %dma_start3A_324 = tpu.memref_slice %arg6[%add3A_296, %dma_start3A_323] : memref<40x128xi32, #tpu.memory_space<vmem>> -> memref<1x128xi32, #tpu.memory_space<vmem>>
      %dma_start3A_325 = tpu.memref_squeeze %dma_start3A_324 : memref<1x128xi32, #tpu.memory_space<vmem>> -> memref<128xi32, #tpu.memory_space<vmem>>
      %dma_start3A_326 = arith.constant 0 : i32
      %dma_start3A_327 = tpu.memref_slice %arg11[%dma_start3A_326] : memref<10240xf32, #tpu.memory_space<vmem_shared>> -> memref<10240xf32, #tpu.memory_space<vmem_shared>>
      tpu.enqueue_indirect_dma source(%arg9 : memref<128xf32, #tpu.memory_space<vmem>>) target(%dma_start3A_327 : memref<10240xf32, #tpu.memory_space<vmem_shared>>) offsets(%dma_start3A_325 : memref<128xi32, #tpu.memory_space<vmem>>) semaphore(%arg17 : memref<!tpu.dma_semaphore, #tpu.memory_space<semaphore_mem>>) {add = true}
      %dma_wait3A_328 = arith.constant 1 : i32
      %dma_wait3A_329 = arith.constant 0 : i32
      %dma_wait3A_330 = arith.constant 0 : i32
      %dma_wait3A_331 = tpu.memref_slice %arg7[%dma_wait3A_328, %dma_wait3A_329, %dma_wait3A_330] : memref<2x128x128xf32, #tpu.memory_space<vmem>> -> memref<1x128x128xf32, #tpu.memory_space<vmem>>
      %dma_wait3A_332 = tpu.memref_squeeze %dma_wait3A_331 : memref<1x128x128xf32, #tpu.memory_space<vmem>> -> memref<128x128xf32, #tpu.memory_space<vmem>>
      %dma_wait3A_333 = arith.constant 0 : i32
      %dma_wait3A_334 = tpu.memref_slice %arg6[%add3A_296, %dma_wait3A_333] : memref<40x128xi32, #tpu.memory_space<vmem>> -> memref<1x128xi32, #tpu.memory_space<vmem>>
      %dma_wait3A_335 = tpu.memref_squeeze %dma_wait3A_334 : memref<1x128xi32, #tpu.memory_space<vmem>> -> memref<128xi32, #tpu.memory_space<vmem>>
      %dma_wait3A_336 = arith.constant 0 : i32
      %dma_wait3A_337 = arith.constant 0 : i32
      %dma_wait3A_338 = tpu.memref_slice %arg10[%dma_wait3A_336, %dma_wait3A_337] : memref<10240x128xf32, #tpu.memory_space<vmem_shared>> -> memref<10240x128xf32, #tpu.memory_space<vmem_shared>>
      tpu.wait_indirect_dma semaphore(%arg15 : memref<!tpu.dma_semaphore, #tpu.memory_space<semaphore_mem>>) src(%dma_wait3A_332 : memref<128x128xf32, #tpu.memory_space<vmem>>) dst(%dma_wait3A_338 : memref<10240x128xf32, #tpu.memory_space<vmem_shared>>)
      %dma_wait3A_339 = arith.constant 0 : i32
      %dma_wait3A_340 = tpu.memref_slice %arg6[%add3A_296, %dma_wait3A_339] : memref<40x128xi32, #tpu.memory_space<vmem>> -> memref<1x128xi32, #tpu.memory_space<vmem>>
      %dma_wait3A_341 = tpu.memref_squeeze %dma_wait3A_340 : memref<1x128xi32, #tpu.memory_space<vmem>> -> memref<128xi32, #tpu.memory_space<vmem>>
      %dma_wait3A_342 = arith.constant 0 : i32
      %dma_wait3A_343 = tpu.memref_slice %arg11[%dma_wait3A_342] : memref<10240xf32, #tpu.memory_space<vmem_shared>> -> memref<10240xf32, #tpu.memory_space<vmem_shared>>
      tpu.wait_indirect_dma semaphore(%arg17 : memref<!tpu.dma_semaphore, #tpu.memory_space<semaphore_mem>>) src(%arg9 : memref<128xf32, #tpu.memory_space<vmem>>) dst(%dma_wait3A_343 : memref<10240xf32, #tpu.memory_space<vmem_shared>>)
      %add3A_344 = arith.constant 2 : i32
      %add3A_345 = arith.addi %add3A_296, %add3A_344 : i32
      %add3A_346 = arith.addi %mul3A_73, %add3A_345 : i32
      %mul3A_347 = arith.constant 128 : i32
      %mul3A_348 = arith.muli %add3A_346, %mul3A_347 : i32
      %dma_start3A_349 = arith.constant 1 : i32
      %dma_start3A_350 = arith.constant 0 : i32
      %dma_start3A_351 = arith.constant 0 : i32
      %dma_start3A_352 = tpu.memref_slice %arg7[%dma_start3A_349, %dma_start3A_350, %dma_start3A_351] : memref<2x128x128xf32, #tpu.memory_space<vmem>> -> memref<1x128x128xf32, #tpu.memory_space<vmem>>
      %dma_start3A_353 = tpu.memref_squeeze %dma_start3A_352 : memref<1x128x128xf32, #tpu.memory_space<vmem>> -> memref<128x128xf32, #tpu.memory_space<vmem>>
      %dma_start3A_354 = arith.constant 0 : i32
      %dma_start3A_355 = tpu.memref_slice %arg2[%mul3A_348, %dma_start3A_354] : memref<163840x128xf32, #tpu.memory_space<hbm>> -> memref<128x128xf32, #tpu.memory_space<hbm>>
      %dma_start3A_356 = arith.constant 0 : i32
      %dma_start3A_357 = arith.constant 0 : i32
      %dma_start3A_358 = tpu.memref_slice %arg7[%dma_start3A_349, %dma_start3A_356, %dma_start3A_357] : memref<2x128x128xf32, #tpu.memory_space<vmem>> -> memref<1x128x128xf32, #tpu.memory_space<vmem>>
      %dma_start3A_359 = tpu.memref_squeeze %dma_start3A_358 : memref<1x128x128xf32, #tpu.memory_space<vmem>> -> memref<128x128xf32, #tpu.memory_space<vmem>>
      %dma_start3A_360 = arith.constant 0 : i32
      %dma_start3A_361 = tpu.memref_slice %arg2[%mul3A_348, %dma_start3A_360] : memref<163840x128xf32, #tpu.memory_space<hbm>> -> memref<128x128xf32, #tpu.memory_space<hbm>>
      tpu.enqueue_dma source(%dma_start3A_361 : memref<128x128xf32, #tpu.memory_space<hbm>>) target(%dma_start3A_359 : memref<128x128xf32, #tpu.memory_space<vmem>>) target_semaphore(%arg13 : memref<!tpu.dma_semaphore, #tpu.memory_space<semaphore_mem>>)
    }
    %scan3A_112 = arith.constant 19 : i32
    %dma_wait3A = arith.constant 0 : i32
    %dma_wait3A_113 = arith.constant 0 : i32
    %dma_wait3A_114 = arith.constant 0 : i32
    %dma_wait3A_115 = tpu.memref_slice %arg7[%dma_wait3A, %dma_wait3A_113, %dma_wait3A_114] : memref<2x128x128xf32, #tpu.memory_space<vmem>> -> memref<1x128x128xf32, #tpu.memory_space<vmem>>
    %dma_wait3A_116 = tpu.memref_squeeze %dma_wait3A_115 : memref<1x128x128xf32, #tpu.memory_space<vmem>> -> memref<128x128xf32, #tpu.memory_space<vmem>>
    %dma_wait3A_117 = arith.constant 0 : i32
    %dma_wait3A_118 = arith.constant 0 : i32
    %dma_wait3A_119 = tpu.memref_slice %arg2[%dma_wait3A_117, %dma_wait3A_118] : memref<163840x128xf32, #tpu.memory_space<hbm>> -> memref<128x128xf32, #tpu.memory_space<hbm>>
    %dma_wait3A_120 = arith.constant 0 : i32
    %dma_wait3A_121 = arith.constant 0 : i32
    %dma_wait3A_122 = tpu.memref_slice %arg7[%dma_wait3A, %dma_wait3A_120, %dma_wait3A_121] : memref<2x128x128xf32, #tpu.memory_space<vmem>> -> memref<1x128x128xf32, #tpu.memory_space<vmem>>
    %dma_wait3A_123 = tpu.memref_squeeze %dma_wait3A_122 : memref<1x128x128xf32, #tpu.memory_space<vmem>> -> memref<128x128xf32, #tpu.memory_space<vmem>>
    %dma_wait3A_124 = arith.constant 0 : i32
    %dma_wait3A_125 = arith.constant 0 : i32
    %dma_wait3A_126 = tpu.memref_slice %arg2[%dma_wait3A_124, %dma_wait3A_125] : memref<163840x128xf32, #tpu.memory_space<hbm>> -> memref<128x128xf32, #tpu.memory_space<hbm>>
    tpu.wait_dma2 semaphore(%arg12 : memref<!tpu.dma_semaphore, #tpu.memory_space<semaphore_mem>>) src(%dma_wait3A_126 : memref<128x128xf32, #tpu.memory_space<hbm>>) dst(%dma_wait3A_123 : memref<128x128xf32, #tpu.memory_space<vmem>>)
    %dma_start3A_127 = arith.constant 0 : i32
    %dma_start3A_128 = arith.constant 38 : i32
    %dma_start3A_129 = arith.constant 0 : i32
    %dma_start3A_130 = arith.constant 0 : i32
    %dma_start3A_131 = tpu.memref_slice %arg7[%dma_start3A_127, %dma_start3A_129, %dma_start3A_130] : memref<2x128x128xf32, #tpu.memory_space<vmem>> -> memref<1x128x128xf32, #tpu.memory_space<vmem>>
    %dma_start3A_132 = tpu.memref_squeeze %dma_start3A_131 : memref<1x128x128xf32, #tpu.memory_space<vmem>> -> memref<128x128xf32, #tpu.memory_space<vmem>>
    %dma_start3A_133 = arith.constant 0 : i32
    %dma_start3A_134 = tpu.memref_slice %arg6[%dma_start3A_128, %dma_start3A_133] : memref<40x128xi32, #tpu.memory_space<vmem>> -> memref<1x128xi32, #tpu.memory_space<vmem>>
    %dma_start3A_135 = tpu.memref_squeeze %dma_start3A_134 : memref<1x128xi32, #tpu.memory_space<vmem>> -> memref<128xi32, #tpu.memory_space<vmem>>
    %dma_start3A_136 = arith.constant 0 : i32
    %dma_start3A_137 = arith.constant 0 : i32
    %dma_start3A_138 = tpu.memref_slice %arg10[%dma_start3A_136, %dma_start3A_137] : memref<10240x128xf32, #tpu.memory_space<vmem_shared>> -> memref<10240x128xf32, #tpu.memory_space<vmem_shared>>
    tpu.enqueue_indirect_dma source(%dma_start3A_132 : memref<128x128xf32, #tpu.memory_space<vmem>>) target(%dma_start3A_138 : memref<10240x128xf32, #tpu.memory_space<vmem_shared>>) offsets(%dma_start3A_135 : memref<128xi32, #tpu.memory_space<vmem>>) semaphore(%arg14 : memref<!tpu.dma_semaphore, #tpu.memory_space<semaphore_mem>>) {add = true}
    %dma_start3A_139 = arith.constant 38 : i32
    %dma_start3A_140 = arith.constant 0 : i32
    %dma_start3A_141 = tpu.memref_slice %arg6[%dma_start3A_139, %dma_start3A_140] : memref<40x128xi32, #tpu.memory_space<vmem>> -> memref<1x128xi32, #tpu.memory_space<vmem>>
    %dma_start3A_142 = tpu.memref_squeeze %dma_start3A_141 : memref<1x128xi32, #tpu.memory_space<vmem>> -> memref<128xi32, #tpu.memory_space<vmem>>
    %dma_start3A_143 = arith.constant 0 : i32
    %dma_start3A_144 = tpu.memref_slice %arg11[%dma_start3A_143] : memref<10240xf32, #tpu.memory_space<vmem_shared>> -> memref<10240xf32, #tpu.memory_space<vmem_shared>>
    tpu.enqueue_indirect_dma source(%arg9 : memref<128xf32, #tpu.memory_space<vmem>>) target(%dma_start3A_144 : memref<10240xf32, #tpu.memory_space<vmem_shared>>) offsets(%dma_start3A_142 : memref<128xi32, #tpu.memory_space<vmem>>) semaphore(%arg16 : memref<!tpu.dma_semaphore, #tpu.memory_space<semaphore_mem>>) {add = true}
    %dma_wait3A_145 = arith.constant 0 : i32
    %dma_wait3A_146 = arith.constant 38 : i32
    %dma_wait3A_147 = arith.constant 0 : i32
    %dma_wait3A_148 = arith.constant 0 : i32
    %dma_wait3A_149 = tpu.memref_slice %arg7[%dma_wait3A_145, %dma_wait3A_147, %dma_wait3A_148] : memref<2x128x128xf32, #tpu.memory_space<vmem>> -> memref<1x128x128xf32, #tpu.memory_space<vmem>>
    %dma_wait3A_150 = tpu.memref_squeeze %dma_wait3A_149 : memref<1x128x128xf32, #tpu.memory_space<vmem>> -> memref<128x128xf32, #tpu.memory_space<vmem>>
    %dma_wait3A_151 = arith.constant 0 : i32
    %dma_wait3A_152 = tpu.memref_slice %arg6[%dma_wait3A_146, %dma_wait3A_151] : memref<40x128xi32, #tpu.memory_space<vmem>> -> memref<1x128xi32, #tpu.memory_space<vmem>>
    %dma_wait3A_153 = tpu.memref_squeeze %dma_wait3A_152 : memref<1x128xi32, #tpu.memory_space<vmem>> -> memref<128xi32, #tpu.memory_space<vmem>>
    %dma_wait3A_154 = arith.constant 0 : i32
    %dma_wait3A_155 = arith.constant 0 : i32
    %dma_wait3A_156 = tpu.memref_slice %arg10[%dma_wait3A_154, %dma_wait3A_155] : memref<10240x128xf32, #tpu.memory_space<vmem_shared>> -> memref<10240x128xf32, #tpu.memory_space<vmem_shared>>
    tpu.wait_indirect_dma semaphore(%arg14 : memref<!tpu.dma_semaphore, #tpu.memory_space<semaphore_mem>>) src(%dma_wait3A_150 : memref<128x128xf32, #tpu.memory_space<vmem>>) dst(%dma_wait3A_156 : memref<10240x128xf32, #tpu.memory_space<vmem_shared>>)
    %dma_wait3A_157 = arith.constant 38 : i32
    %dma_wait3A_158 = arith.constant 0 : i32
    %dma_wait3A_159 = tpu.memref_slice %arg6[%dma_wait3A_157, %dma_wait3A_158] : memref<40x128xi32, #tpu.memory_space<vmem>> -> memref<1x128xi32, #tpu.memory_space<vmem>>
    %dma_wait3A_160 = tpu.memref_squeeze %dma_wait3A_159 : memref<1x128xi32, #tpu.memory_space<vmem>> -> memref<128xi32, #tpu.memory_space<vmem>>
    %dma_wait3A_161 = arith.constant 0 : i32
    %dma_wait3A_162 = tpu.memref_slice %arg11[%dma_wait3A_161] : memref<10240xf32, #tpu.memory_space<vmem_shared>> -> memref<10240xf32, #tpu.memory_space<vmem_shared>>
    tpu.wait_indirect_dma semaphore(%arg16 : memref<!tpu.dma_semaphore, #tpu.memory_space<semaphore_mem>>) src(%arg9 : memref<128xf32, #tpu.memory_space<vmem>>) dst(%dma_wait3A_162 : memref<10240xf32, #tpu.memory_space<vmem_shared>>)
    %dma_wait3A_163 = arith.constant 1 : i32
    %dma_wait3A_164 = arith.constant 0 : i32
    %dma_wait3A_165 = arith.constant 0 : i32
    %dma_wait3A_166 = tpu.memref_slice %arg7[%dma_wait3A_163, %dma_wait3A_164, %dma_wait3A_165] : memref<2x128x128xf32, #tpu.memory_space<vmem>> -> memref<1x128x128xf32, #tpu.memory_space<vmem>>
    %dma_wait3A_167 = tpu.memref_squeeze %dma_wait3A_166 : memref<1x128x128xf32, #tpu.memory_space<vmem>> -> memref<128x128xf32, #tpu.memory_space<vmem>>
    %dma_wait3A_168 = arith.constant 0 : i32
    %dma_wait3A_169 = arith.constant 0 : i32
    %dma_wait3A_170 = tpu.memref_slice %arg2[%dma_wait3A_168, %dma_wait3A_169] : memref<163840x128xf32, #tpu.memory_space<hbm>> -> memref<128x128xf32, #tpu.memory_space<hbm>>
    %dma_wait3A_171 = arith.constant 0 : i32
    %dma_wait3A_172 = arith.constant 0 : i32
    %dma_wait3A_173 = tpu.memref_slice %arg7[%dma_wait3A_163, %dma_wait3A_171, %dma_wait3A_172] : memref<2x128x128xf32, #tpu.memory_space<vmem>> -> memref<1x128x128xf32, #tpu.memory_space<vmem>>
    %dma_wait3A_174 = tpu.memref_squeeze %dma_wait3A_173 : memref<1x128x128xf32, #tpu.memory_space<vmem>> -> memref<128x128xf32, #tpu.memory_space<vmem>>
    %dma_wait3A_175 = arith.constant 0 : i32
    %dma_wait3A_176 = arith.constant 0 : i32
    %dma_wait3A_177 = tpu.memref_slice %arg2[%dma_wait3A_175, %dma_wait3A_176] : memref<163840x128xf32, #tpu.memory_space<hbm>> -> memref<128x128xf32, #tpu.memory_space<hbm>>
    tpu.wait_dma2 semaphore(%arg13 : memref<!tpu.dma_semaphore, #tpu.memory_space<semaphore_mem>>) src(%dma_wait3A_177 : memref<128x128xf32, #tpu.memory_space<hbm>>) dst(%dma_wait3A_174 : memref<128x128xf32, #tpu.memory_space<vmem>>)
    %dma_start3A_178 = arith.constant 1 : i32
    %dma_start3A_179 = arith.constant 39 : i32
    %dma_start3A_180 = arith.constant 0 : i32
    %dma_start3A_181 = arith.constant 0 : i32
    %dma_start3A_182 = tpu.memref_slice %arg7[%dma_start3A_178, %dma_start3A_180, %dma_start3A_181] : memref<2x128x128xf32, #tpu.memory_space<vmem>> -> memref<1x128x128xf32, #tpu.memory_space<vmem>>
    %dma_start3A_183 = tpu.memref_squeeze %dma_start3A_182 : memref<1x128x128xf32, #tpu.memory_space<vmem>> -> memref<128x128xf32, #tpu.memory_space<vmem>>
    %dma_start3A_184 = arith.constant 0 : i32
    %dma_start3A_185 = tpu.memref_slice %arg6[%dma_start3A_179, %dma_start3A_184] : memref<40x128xi32, #tpu.memory_space<vmem>> -> memref<1x128xi32, #tpu.memory_space<vmem>>
    %dma_start3A_186 = tpu.memref_squeeze %dma_start3A_185 : memref<1x128xi32, #tpu.memory_space<vmem>> -> memref<128xi32, #tpu.memory_space<vmem>>
    %dma_start3A_187 = arith.constant 0 : i32
    %dma_start3A_188 = arith.constant 0 : i32
    %dma_start3A_189 = tpu.memref_slice %arg10[%dma_start3A_187, %dma_start3A_188] : memref<10240x128xf32, #tpu.memory_space<vmem_shared>> -> memref<10240x128xf32, #tpu.memory_space<vmem_shared>>
    tpu.enqueue_indirect_dma source(%dma_start3A_183 : memref<128x128xf32, #tpu.memory_space<vmem>>) target(%dma_start3A_189 : memref<10240x128xf32, #tpu.memory_space<vmem_shared>>) offsets(%dma_start3A_186 : memref<128xi32, #tpu.memory_space<vmem>>) semaphore(%arg15 : memref<!tpu.dma_semaphore, #tpu.memory_space<semaphore_mem>>) {add = true}
    %dma_start3A_190 = arith.constant 39 : i32
    %dma_start3A_191 = arith.constant 0 : i32
    %dma_start3A_192 = tpu.memref_slice %arg6[%dma_start3A_190, %dma_start3A_191] : memref<40x128xi32, #tpu.memory_space<vmem>> -> memref<1x128xi32, #tpu.memory_space<vmem>>
    %dma_start3A_193 = tpu.memref_squeeze %dma_start3A_192 : memref<1x128xi32, #tpu.memory_space<vmem>> -> memref<128xi32, #tpu.memory_space<vmem>>
    %dma_start3A_194 = arith.constant 0 : i32
    %dma_start3A_195 = tpu.memref_slice %arg11[%dma_start3A_194] : memref<10240xf32, #tpu.memory_space<vmem_shared>> -> memref<10240xf32, #tpu.memory_space<vmem_shared>>
    tpu.enqueue_indirect_dma source(%arg9 : memref<128xf32, #tpu.memory_space<vmem>>) target(%dma_start3A_195 : memref<10240xf32, #tpu.memory_space<vmem_shared>>) offsets(%dma_start3A_193 : memref<128xi32, #tpu.memory_space<vmem>>) semaphore(%arg17 : memref<!tpu.dma_semaphore, #tpu.memory_space<semaphore_mem>>) {add = true}
    %dma_wait3A_196 = arith.constant 1 : i32
    %dma_wait3A_197 = arith.constant 39 : i32
    %dma_wait3A_198 = arith.constant 0 : i32
    %dma_wait3A_199 = arith.constant 0 : i32
    %dma_wait3A_200 = tpu.memref_slice %arg7[%dma_wait3A_196, %dma_wait3A_198, %dma_wait3A_199] : memref<2x128x128xf32, #tpu.memory_space<vmem>> -> memref<1x128x128xf32, #tpu.memory_space<vmem>>
    %dma_wait3A_201 = tpu.memref_squeeze %dma_wait3A_200 : memref<1x128x128xf32, #tpu.memory_space<vmem>> -> memref<128x128xf32, #tpu.memory_space<vmem>>
    %dma_wait3A_202 = arith.constant 0 : i32
    %dma_wait3A_203 = tpu.memref_slice %arg6[%dma_wait3A_197, %dma_wait3A_202] : memref<40x128xi32, #tpu.memory_space<vmem>> -> memref<1x128xi32, #tpu.memory_space<vmem>>
    %dma_wait3A_204 = tpu.memref_squeeze %dma_wait3A_203 : memref<1x128xi32, #tpu.memory_space<vmem>> -> memref<128xi32, #tpu.memory_space<vmem>>
    %dma_wait3A_205 = arith.constant 0 : i32
    %dma_wait3A_206 = arith.constant 0 : i32
    %dma_wait3A_207 = tpu.memref_slice %arg10[%dma_wait3A_205, %dma_wait3A_206] : memref<10240x128xf32, #tpu.memory_space<vmem_shared>> -> memref<10240x128xf32, #tpu.memory_space<vmem_shared>>
    tpu.wait_indirect_dma semaphore(%arg15 : memref<!tpu.dma_semaphore, #tpu.memory_space<semaphore_mem>>) src(%dma_wait3A_201 : memref<128x128xf32, #tpu.memory_space<vmem>>) dst(%dma_wait3A_207 : memref<10240x128xf32, #tpu.memory_space<vmem_shared>>)
    %dma_wait3A_208 = arith.constant 39 : i32
    %dma_wait3A_209 = arith.constant 0 : i32
    %dma_wait3A_210 = tpu.memref_slice %arg6[%dma_wait3A_208, %dma_wait3A_209] : memref<40x128xi32, #tpu.memory_space<vmem>> -> memref<1x128xi32, #tpu.memory_space<vmem>>
    %dma_wait3A_211 = tpu.memref_squeeze %dma_wait3A_210 : memref<1x128xi32, #tpu.memory_space<vmem>> -> memref<128xi32, #tpu.memory_space<vmem>>
    %dma_wait3A_212 = arith.constant 0 : i32
    %dma_wait3A_213 = tpu.memref_slice %arg11[%dma_wait3A_212] : memref<10240xf32, #tpu.memory_space<vmem_shared>> -> memref<10240xf32, #tpu.memory_space<vmem_shared>>
    tpu.wait_indirect_dma semaphore(%arg17 : memref<!tpu.dma_semaphore, #tpu.memory_space<semaphore_mem>>) src(%arg9 : memref<128xf32, #tpu.memory_space<vmem>>) dst(%dma_wait3A_213 : memref<10240xf32, #tpu.memory_space<vmem_shared>>)
    %barrier3A_214 = arith.constant 0 : index
    tpu.barrier barrier_id(%barrier3A_214)
    %mul3A_215 = arith.constant 640 : i32
    %mul3A_216 = arith.muli %arg1, %mul3A_215 : i32
    %mul3A_217 = arith.constant 640 : i32
    %mul3A_218 = arith.muli %arg1, %mul3A_217 : i32
    "tpu.region"() ({
      %run_scoped3A_223 = tpu.sem_alloc : memref<!tpu.dma_semaphore, #tpu.memory_space<semaphore_mem>>
      %dma_start3A_224 = arith.constant 0 : i32
      %dma_start3A_225 = arith.constant 0 : i32
      %dma_start3A_226 = tpu.memref_slice %arg4[%arg0, %dma_start3A_224, %dma_start3A_225] : memref<2x10240x128xf32, #tpu.memory_space<hbm>> -> memref<1x10240x128xf32, #tpu.memory_space<hbm>>
      %dma_start3A_227 = tpu.memref_squeeze %dma_start3A_226 : memref<1x10240x128xf32, #tpu.memory_space<hbm>> -> memref<10240x128xf32, #tpu.memory_space<hbm>>
      %dma_start3A_228 = arith.constant 0 : i32
      %dma_start3A_229 = tpu.memref_slice %dma_start3A_227[%mul3A_218, %dma_start3A_228] : memref<10240x128xf32, #tpu.memory_space<hbm>> -> memref<640x128xf32, #tpu.memory_space<hbm>>
      %dma_start3A_230 = arith.constant 0 : i32
      %dma_start3A_231 = tpu.memref_slice %arg10[%mul3A_216, %dma_start3A_230] : memref<10240x128xf32, #tpu.memory_space<vmem_shared>> -> memref<640x128xf32, #tpu.memory_space<vmem_shared>>
      tpu.enqueue_dma source(%dma_start3A_231 : memref<640x128xf32, #tpu.memory_space<vmem_shared>>) target(%dma_start3A_229 : memref<640x128xf32, #tpu.memory_space<hbm>>) target_semaphore(%run_scoped3A_223 : memref<!tpu.dma_semaphore, #tpu.memory_space<semaphore_mem>>)
      %dma_wait3A_232 = arith.constant 0 : i32
      %dma_wait3A_233 = arith.constant 0 : i32
      %dma_wait3A_234 = tpu.memref_slice %arg4[%arg0, %dma_wait3A_232, %dma_wait3A_233] : memref<2x10240x128xf32, #tpu.memory_space<hbm>> -> memref<1x10240x128xf32, #tpu.memory_space<hbm>>
      %dma_wait3A_235 = tpu.memref_squeeze %dma_wait3A_234 : memref<1x10240x128xf32, #tpu.memory_space<hbm>> -> memref<10240x128xf32, #tpu.memory_space<hbm>>
      %dma_wait3A_236 = arith.constant 0 : i32
      %dma_wait3A_237 = tpu.memref_slice %dma_wait3A_235[%mul3A_218, %dma_wait3A_236] : memref<10240x128xf32, #tpu.memory_space<hbm>> -> memref<640x128xf32, #tpu.memory_space<hbm>>
      %dma_wait3A_238 = arith.constant 0 : i32
      %dma_wait3A_239 = tpu.memref_slice %arg10[%mul3A_216, %dma_wait3A_238] : memref<10240x128xf32, #tpu.memory_space<vmem_shared>> -> memref<640x128xf32, #tpu.memory_space<vmem_shared>>
      tpu.wait_dma2 semaphore(%run_scoped3A_223 : memref<!tpu.dma_semaphore, #tpu.memory_space<semaphore_mem>>) src(%dma_wait3A_239 : memref<640x128xf32, #tpu.memory_space<vmem_shared>>) dst(%dma_wait3A_237 : memref<640x128xf32, #tpu.memory_space<hbm>>)
      tpu.yield
    }) : () -> ()
    %mul3A_219 = arith.constant 640 : i32
    %mul3A_220 = arith.muli %arg1, %mul3A_219 : i32
    %mul3A_221 = arith.constant 640 : i32
    %mul3A_222 = arith.muli %arg1, %mul3A_221 : i32
    "tpu.region"() ({
      %run_scoped3A_223 = tpu.sem_alloc : memref<!tpu.dma_semaphore, #tpu.memory_space<semaphore_mem>>
      %dma_start3A_224 = arith.constant 0 : i32
      %dma_start3A_225 = tpu.memref_slice %arg5[%arg0, %dma_start3A_224] : memref<2x10240xf32, #tpu.memory_space<hbm>> -> memref<1x10240xf32, #tpu.memory_space<hbm>>
      %dma_start3A_226 = tpu.memref_squeeze %dma_start3A_225 : memref<1x10240xf32, #tpu.memory_space<hbm>> -> memref<10240xf32, #tpu.memory_space<hbm>>
      %dma_start3A_227 = tpu.memref_slice %dma_start3A_226[%mul3A_222] : memref<10240xf32, #tpu.memory_space<hbm>> -> memref<640xf32, #tpu.memory_space<hbm>>
      %dma_start3A_228 = tpu.memref_slice %arg11[%mul3A_220] : memref<10240xf32, #tpu.memory_space<vmem_shared>> -> memref<640xf32, #tpu.memory_space<vmem_shared>>
      tpu.enqueue_dma source(%dma_start3A_228 : memref<640xf32, #tpu.memory_space<vmem_shared>>) target(%dma_start3A_227 : memref<640xf32, #tpu.memory_space<hbm>>) target_semaphore(%run_scoped3A_223 : memref<!tpu.dma_semaphore, #tpu.memory_space<semaphore_mem>>)
      %dma_wait3A_229 = arith.constant 0 : i32
      %dma_wait3A_230 = tpu.memref_slice %arg5[%arg0, %dma_wait3A_229] : memref<2x10240xf32, #tpu.memory_space<hbm>> -> memref<1x10240xf32, #tpu.memory_space<hbm>>
      %dma_wait3A_231 = tpu.memref_squeeze %dma_wait3A_230 : memref<1x10240xf32, #tpu.memory_space<hbm>> -> memref<10240xf32, #tpu.memory_space<hbm>>
      %dma_wait3A_232 = tpu.memref_slice %dma_wait3A_231[%mul3A_222] : memref<10240xf32, #tpu.memory_space<hbm>> -> memref<640xf32, #tpu.memory_space<hbm>>
      %dma_wait3A_233 = tpu.memref_slice %arg11[%mul3A_220] : memref<10240xf32, #tpu.memory_space<vmem_shared>> -> memref<640xf32, #tpu.memory_space<vmem_shared>>
      tpu.wait_dma2 semaphore(%run_scoped3A_223 : memref<!tpu.dma_semaphore, #tpu.memory_space<semaphore_mem>>) src(%dma_wait3A_233 : memref<640xf32, #tpu.memory_space<vmem_shared>>) dst(%dma_wait3A_232 : memref<640xf32, #tpu.memory_space<hbm>>)
      tpu.yield
    }) : () -> ()
    return
  }
}

module attributes {stable_mosaic.version = 14 : i64} {
  func.func @body(%arg0: i32, %arg1: memref<1280x128xf32, #tpu.memory_space<vmem>>, %arg2: memref<128x128xf32, #tpu.memory_space<vmem>>, %arg3: memref<1x128xf32, #tpu.memory_space<vmem>>, %arg4: memref<1280x128xf32, #tpu.memory_space<vmem>>) attributes {dimension_semantics = [#tpu.dimension_semantics<arbitrary>], iteration_bounds = array<i64: 8>, scalar_prefetch = 0 : i64, scratch_operands = 0 : i64, tpu.core_type = #tpu.core_type<tc>, window_params = [{transform_indices = @transform_0, window_bounds = array<i64: 1280, 128>}, {pipeline_mode = #tpu.pipeline_mode<synchronous>, transform_indices = @transform_1, window_bounds = array<i64: 128, 128>}, {pipeline_mode = #tpu.pipeline_mode<synchronous>, transform_indices = @transform_2, window_bounds = array<i64: 1, 128>}, {transform_indices = @transform_3, window_bounds = array<i64: 1280, 128>}]} {
    %get3A = arith.constant 0 : index
    %get3A_0 = arith.constant 0 : index
    %get3A_1 = vector.load %arg1[%get3A, %get3A_0] : memref<1280x128xf32, #tpu.memory_space<vmem>>, vector<1280x128xf32>
    %get3A_2 = arith.constant 0 : index
    %get3A_3 = arith.constant 0 : index
    %get3A_4 = vector.load %arg2[%get3A_2, %get3A_3] : memref<128x128xf32, #tpu.memory_space<vmem>>, vector<128x128xf32>
    %dot_general3A = arith.constant dense<0.000000e+00> : vector<1280x128xf32>
    %dot_general3A_5 = tpu.matmul %get3A_1, %get3A_4, %dot_general3A {dimension_numbers = #tpu.dot_dimension_numbers<[1], [0], [0], [1], [0, 0, 1, 1], [], []>, transpose_lhs_hint = false} : vector<1280x128xf32>, vector<128x128xf32>, vector<1280x128xf32> -> vector<1280x128xf32>
    %get3A_6 = arith.constant 0 : index
    %get3A_7 = arith.constant 0 : index
    %get3A_8 = vector.load %arg3[%get3A_6, %get3A_7] : memref<1x128xf32, #tpu.memory_space<vmem>>, vector<1x128xf32>
    %add3A = vector.broadcast %get3A_8 : vector<1x128xf32> to vector<1280x128xf32>
    %add3A_9 = arith.addf %dot_general3A_5, %add3A : vector<1280x128xf32>
    %swap3A = arith.constant 0 : index
    %swap3A_10 = arith.constant 0 : index
    %swap3A_11 = vector.load %arg4[%swap3A, %swap3A_10] : memref<1280x128xf32, #tpu.memory_space<vmem>>, vector<1280x128xf32>
    tpu.vector_store %arg4[%swap3A, %swap3A_10], %add3A_9 {strides = array<i32>} : memref<1280x128xf32, #tpu.memory_space<vmem>>, vector<1280x128xf32>,
    return
  }
  func.func @transform_0(%arg0: i32) -> (i32, i32) {
    %c0_i32 = arith.constant 0 : i32
    %c0_i32_0 = arith.constant 0 : i32
    return %arg0, %c0_i32 : i32, i32
  }
  func.func @transform_1(%arg0: i32) -> (i32, i32) {
    %c0_i32 = arith.constant 0 : i32
    %c0_i32_0 = arith.constant 0 : i32
    %c0_i32_1 = arith.constant 0 : i32
    return %c0_i32, %c0_i32_0 : i32, i32
  }
  func.func @transform_2(%arg0: i32) -> (i32, i32) {
    %c0_i32 = arith.constant 0 : i32
    %c0_i32_0 = arith.constant 0 : i32
    %c0_i32_1 = arith.constant 0 : i32
    return %c0_i32, %c0_i32_0 : i32, i32
  }
  func.func @transform_3(%arg0: i32) -> (i32, i32) {
    %c0_i32 = arith.constant 0 : i32
    %c0_i32_0 = arith.constant 0 : i32
    return %arg0, %c0_i32 : i32, i32
  }
}

module attributes {stable_mosaic.version = 14 : i64} {
  func.func @body(%arg0: i32, %arg1: memref<4096x128xf32, #tpu.memory_space<vmem>>, %arg2: memref<4096x16xf32, #tpu.memory_space<vmem>>, %arg3: memref<16x128xf32, #tpu.memory_space<vmem>>, %arg4: memref<128x128xf32, #tpu.memory_space<vmem>>, %arg5: memref<1x128xf32, #tpu.memory_space<vmem>>, %arg6: memref<4096x128xf32, #tpu.memory_space<vmem>>) attributes {dimension_semantics = [#tpu.dimension_semantics<arbitrary>], iteration_bounds = array<i64: 40>, scalar_prefetch = 0 : i64, scratch_operands = 0 : i64, tpu.core_type = #tpu.core_type<tc>, window_params = [{transform_indices = @transform_0, window_bounds = array<i64: 4096, 128>}, {transform_indices = @transform_1, window_bounds = array<i64: 4096, 16>}, {pipeline_mode = #tpu.pipeline_mode<synchronous>, transform_indices = @transform_2, window_bounds = array<i64: 16, 128>}, {pipeline_mode = #tpu.pipeline_mode<synchronous>, transform_indices = @transform_3, window_bounds = array<i64: 128, 128>}, {pipeline_mode = #tpu.pipeline_mode<synchronous>, transform_indices = @transform_4, window_bounds = array<i64: 1, 128>}, {transform_indices = @transform_5, window_bounds = array<i64: 4096, 128>}]} {
    %get3A = arith.constant 0 : index
    %get3A_0 = arith.constant 0 : index
    %get3A_1 = vector.load %arg1[%get3A, %get3A_0] : memref<4096x128xf32, #tpu.memory_space<vmem>>, vector<4096x128xf32>
    %get3A_2 = arith.constant 0 : index
    %get3A_3 = arith.constant 0 : index
    %get3A_4 = vector.load %arg2[%get3A_2, %get3A_3] : memref<4096x16xf32, #tpu.memory_space<vmem>>, vector<4096x16xf32>
    %get3A_5 = arith.constant 0 : index
    %get3A_6 = arith.constant 0 : index
    %get3A_7 = vector.load %arg3[%get3A_5, %get3A_6] : memref<16x128xf32, #tpu.memory_space<vmem>>, vector<16x128xf32>
    %dot_general3A = arith.constant dense<0.000000e+00> : vector<4096x128xf32>
    %dot_general3A_8 = tpu.matmul %get3A_4, %get3A_7, %dot_general3A {dimension_numbers = #tpu.dot_dimension_numbers<[1], [0], [0], [1], [0, 0, 1, 1], [], []>, transpose_lhs_hint = false} : vector<4096x16xf32>, vector<16x128xf32>, vector<4096x128xf32> -> vector<4096x128xf32>
    %add3A = arith.addf %get3A_1, %dot_general3A_8 : vector<4096x128xf32>
    %ge3A = arith.constant 0.000000e+00 : f32
    %ge3A_9 = vector.broadcast %ge3A : f32 to vector<4096x128xf32>
    %ge3A_10 = arith.cmpf oge, %add3A, %ge3A_9 : vector<4096x128xf32>
    %mul3A = arith.constant 1.000000e-01 : f32
    %mul3A_11 = vector.broadcast %mul3A : f32 to vector<4096x128xf32>
    %mul3A_12 = arith.mulf %mul3A_11, %add3A : vector<4096x128xf32>
    %select_n3A = arith.select %ge3A_10, %add3A, %mul3A_12 : vector<4096x128xi1>, vector<4096x128xf32>
    %get3A_13 = arith.constant 0 : index
    %get3A_14 = arith.constant 0 : index
    %get3A_15 = vector.load %arg4[%get3A_13, %get3A_14] : memref<128x128xf32, #tpu.memory_space<vmem>>, vector<128x128xf32>
    %dot_general3A_16 = arith.constant dense<0.000000e+00> : vector<4096x128xf32>
    %dot_general3A_17 = tpu.matmul %select_n3A, %get3A_15, %dot_general3A_16 {dimension_numbers = #tpu.dot_dimension_numbers<[1], [0], [0], [1], [0, 0, 1, 1], [], []>, transpose_lhs_hint = false} : vector<4096x128xf32>, vector<128x128xf32>, vector<4096x128xf32> -> vector<4096x128xf32>
    %get3A_18 = arith.constant 0 : index
    %get3A_19 = arith.constant 0 : index
    %get3A_20 = vector.load %arg5[%get3A_18, %get3A_19] : memref<1x128xf32, #tpu.memory_space<vmem>>, vector<1x128xf32>
    %add3A_21 = vector.broadcast %get3A_20 : vector<1x128xf32> to vector<4096x128xf32>
    %add3A_22 = arith.addf %dot_general3A_17, %add3A_21 : vector<4096x128xf32>
    %ge3A_23 = arith.constant 0.000000e+00 : f32
    %ge3A_24 = vector.broadcast %ge3A_23 : f32 to vector<4096x128xf32>
    %ge3A_25 = arith.cmpf oge, %add3A_22, %ge3A_24 : vector<4096x128xf32>
    %mul3A_26 = arith.constant 1.000000e-01 : f32
    %mul3A_27 = vector.broadcast %mul3A_26 : f32 to vector<4096x128xf32>
    %mul3A_28 = arith.mulf %mul3A_27, %add3A_22 : vector<4096x128xf32>
    %select_n3A_29 = arith.select %ge3A_25, %add3A_22, %mul3A_28 : vector<4096x128xi1>, vector<4096x128xf32>
    %swap3A = arith.constant 0 : index
    %swap3A_30 = arith.constant 0 : index
    %swap3A_31 = vector.load %arg6[%swap3A, %swap3A_30] : memref<4096x128xf32, #tpu.memory_space<vmem>>, vector<4096x128xf32>
    tpu.vector_store %arg6[%swap3A, %swap3A_30], %select_n3A_29 {strides = array<i32>} : memref<4096x128xf32, #tpu.memory_space<vmem>>, vector<4096x128xf32>,
    return
  }
  func.func @transform_0(%arg0: i32) -> (i32, i32) {
    %c0_i32 = arith.constant 0 : i32
    %c0_i32_0 = arith.constant 0 : i32
    return %arg0, %c0_i32 : i32, i32
  }
  func.func @transform_1(%arg0: i32) -> (i32, i32) {
    %c0_i32 = arith.constant 0 : i32
    %c0_i32_0 = arith.constant 0 : i32
    return %arg0, %c0_i32 : i32, i32
  }
  func.func @transform_2(%arg0: i32) -> (i32, i32) {
    %c0_i32 = arith.constant 0 : i32
    %c0_i32_0 = arith.constant 0 : i32
    %c0_i32_1 = arith.constant 0 : i32
    return %c0_i32, %c0_i32_0 : i32, i32
  }
  func.func @transform_3(%arg0: i32) -> (i32, i32) {
    %c0_i32 = arith.constant 0 : i32
    %c0_i32_0 = arith.constant 0 : i32
    %c0_i32_1 = arith.constant 0 : i32
    return %c0_i32, %c0_i32_0 : i32, i32
  }
  func.func @transform_4(%arg0: i32) -> (i32, i32) {
    %c0_i32 = arith.constant 0 : i32
    %c0_i32_0 = arith.constant 0 : i32
    %c0_i32_1 = arith.constant 0 : i32
    return %c0_i32, %c0_i32_0 : i32, i32
  }
  func.func @transform_5(%arg0: i32) -> (i32, i32) {
    %c0_i32 = arith.constant 0 : i32
    %c0_i32_0 = arith.constant 0 : i32
    return %arg0, %c0_i32 : i32, i32
  }
}

module attributes {stable_mosaic.version = 14 : i64} {
  func.func @body(%arg0: i32, %arg1: memref<4x1280x128xf32, #tpu.memory_space<vmem>>, %arg2: memref<4x1280x1xf32, #tpu.memory_space<vmem>>, %arg3: memref<1280x128xf32, #tpu.memory_space<vmem>>, %arg4: memref<128x128xf32, #tpu.memory_space<vmem>>, %arg5: memref<1x128xf32, #tpu.memory_space<vmem>>, %arg6: memref<128x128xf32, #tpu.memory_space<vmem>>, %arg7: memref<128x128xf32, #tpu.memory_space<vmem>>, %arg8: memref<1x128xf32, #tpu.memory_space<vmem>>, %arg9: memref<128x128xf32, #tpu.memory_space<vmem>>, %arg10: memref<1x128xf32, #tpu.memory_space<vmem>>, %arg11: memref<128x128xf32, #tpu.memory_space<vmem>>, %arg12: memref<1x128xf32, #tpu.memory_space<vmem>>, %arg13: memref<1280x128xf32, #tpu.memory_space<vmem>>) attributes {dimension_semantics = [#tpu.dimension_semantics<arbitrary>], iteration_bounds = array<i64: 8>, scalar_prefetch = 0 : i64, scratch_operands = 0 : i64, tpu.core_type = #tpu.core_type<tc>, window_params = [{transform_indices = @transform_0, window_bounds = array<i64: 4, 1280, 128>}, {transform_indices = @transform_1, window_bounds = array<i64: 4, 1280, 1>}, {transform_indices = @transform_2, window_bounds = array<i64: 1280, 128>}, {pipeline_mode = #tpu.pipeline_mode<synchronous>, transform_indices = @transform_3, window_bounds = array<i64: 128, 128>}, {pipeline_mode = #tpu.pipeline_mode<synchronous>, transform_indices = @transform_4, window_bounds = array<i64: 1, 128>}, {pipeline_mode = #tpu.pipeline_mode<synchronous>, transform_indices = @transform_5, window_bounds = array<i64: 128, 128>}, {pipeline_mode = #tpu.pipeline_mode<synchronous>, transform_indices = @transform_6, window_bounds = array<i64: 128, 128>}, {pipeline_mode = #tpu.pipeline_mode<synchronous>, transform_indices = @transform_7, window_bounds = array<i64: 1, 128>}, {pipeline_mode = #tpu.pipeline_mode<synchronous>, transform_indices = @transform_8, window_bounds = array<i64: 128, 128>}, {pipeline_mode = #tpu.pipeline_mode<synchronous>, transform_indices = @transform_9, window_bounds = array<i64: 1, 128>}, {pipeline_mode = #tpu.pipeline_mode<synchronous>, transform_indices = @transform_10, window_bounds = array<i64: 128, 128>}, {pipeline_mode = #tpu.pipeline_mode<synchronous>, transform_indices = @transform_11, window_bounds = array<i64: 1, 128>}, {transform_indices = @transform_12, window_bounds = array<i64: 1280, 128>}]} {
    %get3A = arith.constant 0 : index
    %get3A_0 = arith.constant 0 : index
    %get3A_1 = arith.constant 0 : index
    %get3A_2 = vector.load %arg1[%get3A, %get3A_0, %get3A_1] : memref<4x1280x128xf32, #tpu.memory_space<vmem>>, vector<1x1280x128xf32>
    %get3A_3 = vector.shape_cast %get3A_2 : vector<1x1280x128xf32> to vector<1280x128xf32>
    %get3A_4 = arith.constant 0 : index
    %get3A_5 = arith.constant 0 : index
    %get3A_6 = arith.constant 0 : index
    %get3A_7 = vector.load %arg2[%get3A_4, %get3A_5, %get3A_6] : memref<4x1280x1xf32, #tpu.memory_space<vmem>>, vector<1x1280x1xf32>
    %get3A_8 = vector.shape_cast %get3A_7 : vector<1x1280x1xf32> to vector<1280x1xf32>
    %get3A_9 = arith.constant 1 : index
    %get3A_10 = arith.constant 0 : index
    %get3A_11 = arith.constant 0 : index
    %get3A_12 = vector.load %arg1[%get3A_9, %get3A_10, %get3A_11] : memref<4x1280x128xf32, #tpu.memory_space<vmem>>, vector<1x1280x128xf32>
    %get3A_13 = vector.shape_cast %get3A_12 : vector<1x1280x128xf32> to vector<1280x128xf32>
    %add3A = arith.addf %get3A_3, %get3A_13 : vector<1280x128xf32>
    %get3A_14 = arith.constant 1 : index
    %get3A_15 = arith.constant 0 : index
    %get3A_16 = arith.constant 0 : index
    %get3A_17 = vector.load %arg2[%get3A_14, %get3A_15, %get3A_16] : memref<4x1280x1xf32, #tpu.memory_space<vmem>>, vector<1x1280x1xf32>
    %get3A_18 = vector.shape_cast %get3A_17 : vector<1x1280x1xf32> to vector<1280x1xf32>
    %add3A_19 = arith.addf %get3A_8, %get3A_18 : vector<1280x1xf32>
    %get3A_20 = arith.constant 2 : index
    %get3A_21 = arith.constant 0 : index
    %get3A_22 = arith.constant 0 : index
    %get3A_23 = vector.load %arg1[%get3A_20, %get3A_21, %get3A_22] : memref<4x1280x128xf32, #tpu.memory_space<vmem>>, vector<1x1280x128xf32>
    %get3A_24 = vector.shape_cast %get3A_23 : vector<1x1280x128xf32> to vector<1280x128xf32>
    %add3A_25 = arith.addf %add3A, %get3A_24 : vector<1280x128xf32>
    %get3A_26 = arith.constant 2 : index
    %get3A_27 = arith.constant 0 : index
    %get3A_28 = arith.constant 0 : index
    %get3A_29 = vector.load %arg2[%get3A_26, %get3A_27, %get3A_28] : memref<4x1280x1xf32, #tpu.memory_space<vmem>>, vector<1x1280x1xf32>
    %get3A_30 = vector.shape_cast %get3A_29 : vector<1x1280x1xf32> to vector<1280x1xf32>
    %add3A_31 = arith.addf %add3A_19, %get3A_30 : vector<1280x1xf32>
    %get3A_32 = arith.constant 3 : index
    %get3A_33 = arith.constant 0 : index
    %get3A_34 = arith.constant 0 : index
    %get3A_35 = vector.load %arg1[%get3A_32, %get3A_33, %get3A_34] : memref<4x1280x128xf32, #tpu.memory_space<vmem>>, vector<1x1280x128xf32>
    %get3A_36 = vector.shape_cast %get3A_35 : vector<1x1280x128xf32> to vector<1280x128xf32>
    %add3A_37 = arith.addf %add3A_25, %get3A_36 : vector<1280x128xf32>
    %get3A_38 = arith.constant 3 : index
    %get3A_39 = arith.constant 0 : index
    %get3A_40 = arith.constant 0 : index
    %get3A_41 = vector.load %arg2[%get3A_38, %get3A_39, %get3A_40] : memref<4x1280x1xf32, #tpu.memory_space<vmem>>, vector<1x1280x1xf32>
    %get3A_42 = vector.shape_cast %get3A_41 : vector<1x1280x1xf32> to vector<1280x1xf32>
    %add3A_43 = arith.addf %add3A_31, %get3A_42 : vector<1280x1xf32>
    %get3A_44 = arith.constant 0 : index
    %get3A_45 = arith.constant 0 : index
    %get3A_46 = vector.load %arg4[%get3A_44, %get3A_45] : memref<128x128xf32, #tpu.memory_space<vmem>>, vector<128x128xf32>
    %dot_general3A = arith.constant dense<0.000000e+00> : vector<1280x128xf32>
    %dot_general3A_47 = tpu.matmul %add3A_37, %get3A_46, %dot_general3A {dimension_numbers = #tpu.dot_dimension_numbers<[1], [0], [0], [1], [0, 0, 1, 1], [], []>, transpose_lhs_hint = false} : vector<1280x128xf32>, vector<128x128xf32>, vector<1280x128xf32> -> vector<1280x128xf32>
    %get3A_48 = arith.constant 0 : index
    %get3A_49 = arith.constant 0 : index
    %get3A_50 = vector.load %arg5[%get3A_48, %get3A_49] : memref<1x128xf32, #tpu.memory_space<vmem>>, vector<1x128xf32>
    %mul3A = vector.broadcast %add3A_43 : vector<1280x1xf32> to vector<1280x128xf32>
    %mul3A_51 = vector.broadcast %get3A_50 : vector<1x128xf32> to vector<1280x128xf32>
    %mul3A_52 = arith.mulf %mul3A, %mul3A_51 : vector<1280x128xf32>
    %add3A_53 = arith.addf %dot_general3A_47, %mul3A_52 : vector<1280x128xf32>
    %max3A = arith.constant 1.000000e+00 : f32
    %max3A_54 = vector.broadcast %max3A : f32 to vector<1280x1xf32>
    %max3A_55 = arith.maximumf %add3A_43, %max3A_54 : vector<1280x1xf32>
    %div3A = vector.broadcast %max3A_55 : vector<1280x1xf32> to vector<1280x128xf32>
    %div3A_56 = arith.divf %add3A_53, %div3A : vector<1280x128xf32>
    %get3A_57 = arith.constant 0 : index
    %get3A_58 = arith.constant 0 : index
    %get3A_59 = vector.load %arg3[%get3A_57, %get3A_58] : memref<1280x128xf32, #tpu.memory_space<vmem>>, vector<1280x128xf32>
    %get3A_60 = arith.constant 0 : index
    %get3A_61 = arith.constant 0 : index
    %get3A_62 = vector.load %arg6[%get3A_60, %get3A_61] : memref<128x128xf32, #tpu.memory_space<vmem>>, vector<128x128xf32>
    %dot_general3A_63 = arith.constant dense<0.000000e+00> : vector<1280x128xf32>
    %dot_general3A_64 = tpu.matmul %get3A_59, %get3A_62, %dot_general3A_63 {dimension_numbers = #tpu.dot_dimension_numbers<[1], [0], [0], [1], [0, 0, 1, 1], [], []>, transpose_lhs_hint = false} : vector<1280x128xf32>, vector<128x128xf32>, vector<1280x128xf32> -> vector<1280x128xf32>
    %get3A_65 = arith.constant 0 : index
    %get3A_66 = arith.constant 0 : index
    %get3A_67 = vector.load %arg7[%get3A_65, %get3A_66] : memref<128x128xf32, #tpu.memory_space<vmem>>, vector<128x128xf32>
    %dot_general3A_68 = arith.constant dense<0.000000e+00> : vector<1280x128xf32>
    %dot_general3A_69 = tpu.matmul %div3A_56, %get3A_67, %dot_general3A_68 {dimension_numbers = #tpu.dot_dimension_numbers<[1], [0], [0], [1], [0, 0, 1, 1], [], []>, transpose_lhs_hint = false} : vector<1280x128xf32>, vector<128x128xf32>, vector<1280x128xf32> -> vector<1280x128xf32>
    %add3A_70 = arith.addf %dot_general3A_64, %dot_general3A_69 : vector<1280x128xf32>
    %get3A_71 = arith.constant 0 : index
    %get3A_72 = arith.constant 0 : index
    %get3A_73 = vector.load %arg8[%get3A_71, %get3A_72] : memref<1x128xf32, #tpu.memory_space<vmem>>, vector<1x128xf32>
    %add3A_74 = vector.broadcast %get3A_73 : vector<1x128xf32> to vector<1280x128xf32>
    %add3A_75 = arith.addf %add3A_70, %add3A_74 : vector<1280x128xf32>
    %ge3A = arith.constant 0.000000e+00 : f32
    %ge3A_76 = vector.broadcast %ge3A : f32 to vector<1280x128xf32>
    %ge3A_77 = arith.cmpf oge, %add3A_75, %ge3A_76 : vector<1280x128xf32>
    %mul3A_78 = arith.constant 1.000000e-01 : f32
    %mul3A_79 = vector.broadcast %mul3A_78 : f32 to vector<1280x128xf32>
    %mul3A_80 = arith.mulf %mul3A_79, %add3A_75 : vector<1280x128xf32>
    %select_n3A = arith.select %ge3A_77, %add3A_75, %mul3A_80 : vector<1280x128xi1>, vector<1280x128xf32>
    %get3A_81 = arith.constant 0 : index
    %get3A_82 = arith.constant 0 : index
    %get3A_83 = vector.load %arg9[%get3A_81, %get3A_82] : memref<128x128xf32, #tpu.memory_space<vmem>>, vector<128x128xf32>
    %dot_general3A_84 = arith.constant dense<0.000000e+00> : vector<1280x128xf32>
    %dot_general3A_85 = tpu.matmul %select_n3A, %get3A_83, %dot_general3A_84 {dimension_numbers = #tpu.dot_dimension_numbers<[1], [0], [0], [1], [0, 0, 1, 1], [], []>, transpose_lhs_hint = false} : vector<1280x128xf32>, vector<128x128xf32>, vector<1280x128xf32> -> vector<1280x128xf32>
    %get3A_86 = arith.constant 0 : index
    %get3A_87 = arith.constant 0 : index
    %get3A_88 = vector.load %arg10[%get3A_86, %get3A_87] : memref<1x128xf32, #tpu.memory_space<vmem>>, vector<1x128xf32>
    %add3A_89 = vector.broadcast %get3A_88 : vector<1x128xf32> to vector<1280x128xf32>
    %add3A_90 = arith.addf %dot_general3A_85, %add3A_89 : vector<1280x128xf32>
    %ge3A_91 = arith.constant 0.000000e+00 : f32
    %ge3A_92 = vector.broadcast %ge3A_91 : f32 to vector<1280x128xf32>
    %ge3A_93 = arith.cmpf oge, %add3A_90, %ge3A_92 : vector<1280x128xf32>
    %mul3A_94 = arith.constant 1.000000e-01 : f32
    %mul3A_95 = vector.broadcast %mul3A_94 : f32 to vector<1280x128xf32>
    %mul3A_96 = arith.mulf %mul3A_95, %add3A_90 : vector<1280x128xf32>
    %select_n3A_97 = arith.select %ge3A_93, %add3A_90, %mul3A_96 : vector<1280x128xi1>, vector<1280x128xf32>
    %get3A_98 = arith.constant 0 : index
    %get3A_99 = arith.constant 0 : index
    %get3A_100 = vector.load %arg11[%get3A_98, %get3A_99] : memref<128x128xf32, #tpu.memory_space<vmem>>, vector<128x128xf32>
    %dot_general3A_101 = arith.constant dense<0.000000e+00> : vector<1280x128xf32>
    %dot_general3A_102 = tpu.matmul %select_n3A_97, %get3A_100, %dot_general3A_101 {dimension_numbers = #tpu.dot_dimension_numbers<[1], [0], [0], [1], [0, 0, 1, 1], [], []>, transpose_lhs_hint = false} : vector<1280x128xf32>, vector<128x128xf32>, vector<1280x128xf32> -> vector<1280x128xf32>
    %get3A_103 = arith.constant 0 : index
    %get3A_104 = arith.constant 0 : index
    %get3A_105 = vector.load %arg12[%get3A_103, %get3A_104] : memref<1x128xf32, #tpu.memory_space<vmem>>, vector<1x128xf32>
    %add3A_106 = vector.broadcast %get3A_105 : vector<1x128xf32> to vector<1280x128xf32>
    %add3A_107 = arith.addf %dot_general3A_102, %add3A_106 : vector<1280x128xf32>
    %swap3A = arith.constant 0 : index
    %swap3A_108 = arith.constant 0 : index
    %swap3A_109 = vector.load %arg13[%swap3A, %swap3A_108] : memref<1280x128xf32, #tpu.memory_space<vmem>>, vector<1280x128xf32>
    tpu.vector_store %arg13[%swap3A, %swap3A_108], %add3A_107 {strides = array<i32>} : memref<1280x128xf32, #tpu.memory_space<vmem>>, vector<1280x128xf32>,
    return
  }
  func.func @transform_0(%arg0: i32) -> (i32, i32, i32) {
    %c0_i32 = arith.constant 0 : i32
    %c0_i32_0 = arith.constant 0 : i32
    %c0_i32_1 = arith.constant 0 : i32
    return %c0_i32, %arg0, %c0_i32_0 : i32, i32, i32
  }
  func.func @transform_1(%arg0: i32) -> (i32, i32, i32) {
    %c0_i32 = arith.constant 0 : i32
    %c0_i32_0 = arith.constant 0 : i32
    %c0_i32_1 = arith.constant 0 : i32
    return %c0_i32, %arg0, %c0_i32_0 : i32, i32, i32
  }
  func.func @transform_2(%arg0: i32) -> (i32, i32) {
    %c0_i32 = arith.constant 0 : i32
    %c0_i32_0 = arith.constant 0 : i32
    return %arg0, %c0_i32 : i32, i32
  }
  func.func @transform_3(%arg0: i32) -> (i32, i32) {
    %c0_i32 = arith.constant 0 : i32
    %c0_i32_0 = arith.constant 0 : i32
    %c0_i32_1 = arith.constant 0 : i32
    return %c0_i32, %c0_i32_0 : i32, i32
  }
  func.func @transform_4(%arg0: i32) -> (i32, i32) {
    %c0_i32 = arith.constant 0 : i32
    %c0_i32_0 = arith.constant 0 : i32
    %c0_i32_1 = arith.constant 0 : i32
    return %c0_i32, %c0_i32_0 : i32, i32
  }
  func.func @transform_5(%arg0: i32) -> (i32, i32) {
    %c0_i32 = arith.constant 0 : i32
    %c0_i32_0 = arith.constant 0 : i32
    %c0_i32_1 = arith.constant 0 : i32
    return %c0_i32, %c0_i32_0 : i32, i32
  }
  func.func @transform_6(%arg0: i32) -> (i32, i32) {
    %c0_i32 = arith.constant 0 : i32
    %c0_i32_0 = arith.constant 0 : i32
    %c0_i32_1 = arith.constant 0 : i32
    return %c0_i32, %c0_i32_0 : i32, i32
  }
  func.func @transform_7(%arg0: i32) -> (i32, i32) {
    %c0_i32 = arith.constant 0 : i32
    %c0_i32_0 = arith.constant 0 : i32
    %c0_i32_1 = arith.constant 0 : i32
    return %c0_i32, %c0_i32_0 : i32, i32
  }
  func.func @transform_8(%arg0: i32) -> (i32, i32) {
    %c0_i32 = arith.constant 0 : i32
    %c0_i32_0 = arith.constant 0 : i32
    %c0_i32_1 = arith.constant 0 : i32
    return %c0_i32, %c0_i32_0 : i32, i32
  }
  func.func @transform_9(%arg0: i32) -> (i32, i32) {
    %c0_i32 = arith.constant 0 : i32
    %c0_i32_0 = arith.constant 0 : i32
    %c0_i32_1 = arith.constant 0 : i32
    return %c0_i32, %c0_i32_0 : i32, i32
  }
  func.func @transform_10(%arg0: i32) -> (i32, i32) {
    %c0_i32 = arith.constant 0 : i32
    %c0_i32_0 = arith.constant 0 : i32
    %c0_i32_1 = arith.constant 0 : i32
    return %c0_i32, %c0_i32_0 : i32, i32
  }
  func.func @transform_11(%arg0: i32) -> (i32, i32) {
    %c0_i32 = arith.constant 0 : i32
    %c0_i32_0 = arith.constant 0 : i32
    %c0_i32_1 = arith.constant 0 : i32
    return %c0_i32, %c0_i32_0 : i32, i32
  }
  func.func @transform_12(%arg0: i32) -> (i32, i32) {
    %c0_i32 = arith.constant 0 : i32
    %c0_i32_0 = arith.constant 0 : i32
    return %arg0, %c0_i32 : i32, i32
  }
}

</mosaic_0001>

<sc_bundles>
// kernel: kernel.10.cloned.1.call-start
scs
__scs_entry_jumppad:
0x0: {  	(pc) =	sbr.rel $0x88, $3  }
0x1: {  	(tag) =	ssettag $0x0;
	lr =	simm.s32 $0x1  }
0x2: {  	[smem:$0x3F7A] =	sst lr;
	_ =	strace $0xD0000000  }
0x3: {  	_ = 	snop  }
0x4: {  	_ = 	snop  }
0x5: {  	_ = 	snop  }
0x6: {  	_ = 	snop  }
0x7: {  	_ = 	snop  }
__scs_overlays_trampoline_lowered:
0x8: {  	[smem:$0x3F89] =	sst s0  }
0x9: {  	[smem:$0x3F8A] =	sst s1  }
0xa: {  	[smem:$0x3F8B] =	sst s2  }
0xb: {  	[smem:$0x3F8C] =	sst s3  }
0xc: {  	[smem:$0x3F8D] =	sst s4  }
0xd: {  	[smem:$0x3F8E] =	sst s5  }
0xe: {  	[smem:$0x3F8F] =	sst s6  }
0xf: {  	[smem:$0x3F90] =	sst s7  }
0x10: {  	[smem:$0x3F91] =	sst s8  }
0x11: {  	[smem:$0x3F92] =	sst s9;
	s0 =	simm.s32 @!p0 $0x0  }
0x12: {  	s1 =	sld [smem:$0x3F78];
	s0 =	simm.s32 @p0 $0x1  }
0x13: {  	[smem:$0x3F93] =	sst s0;
	s0 =	simm.s32 @!p1 $0x0  }
0x14: {  	s2 =	sld [smem:$0x3F77];
	s0 =	simm.s32 @p1 $0x1  }
0x15: {  	[smem:$0x3F94] =	sst s0;
	s0 =	simm.s32 @!p2 $0x0  }
0x16: {  	s3 =	sld [smem:$0x3FDB];
	s0 =	simm.s32 @p2 $0x1  }
0x17: {  	s4 =	simm.s32 $0x1BF5;
	[smem:$0x3F96] =	sst s0  }
0x18: {  	s0 =	sld [smem:$0x3F79];
	_ =	swait.ge [sflag:s4], $0x0  }
0x19: {  	s7 =	sld [smem:$0x3F7A]  }
0x1a: {  	s8 =	sadd.s32 $0xFFFFE003, lr  }
0x1b: {  	s9 =	sadd.s32 $0xFFFFFEF7, lr;
	s5 =	simm.s32 $0xFFFFFFFF;
	p2 =	slt.u32 s8, $0xFFFFF086  }
0x1c: {  	p1 =	slt.u32 s9, $0xF7A;
	s5 =	simm.s32 @!p2 $0x0  }
0x1d: {  	s5 =	simm.s32 @p1 $0x1;
	p0 =	seq.s32 s7, s2  }
0x1e: {  	s7 =	smul.u32 @!p0 $0xF7A, s2;
	p2 =	seq.s32 @!p0 s5, $0x0  }
0x1f: {  	s9 =	smul.u32 $0xF7A, s1;
	s8 =	simm.s32 @!p0 $0x1BF5;
	p2 =	por !p2, p0  }
0x20: {  	[sflag:s8] =	ssyncset.s32 @!p0 $0xFFFFF086;
	s6 =	sadd.s32 @!p0 s3, s7;
	s7 =	simm.s32 @!p0 $0x108  }
0x21: {  	s3 =	sadd.s32 s3, s9;
	s6 =	sadd.s32 @!p0 $0x88, s6;
	s7 =	simm.s32 @p2 $0x1082  }
0x22: {  	[simem:s7], [sflag:s8] =	dma.local @!p0 [hbm:s6], $0xF7A  }
0x23: {  	s9 =	sor.u32 $0xD0000000, s2;
	s6 =	simm.s32 $0x108;
	_ =	swait.ge @!p0 [sflag:s8], $0x0  }
0x24: {  	s3 =	sadd.s32 $0x88, s3;
	s6 =	simm.s32 @!p1 $0x1082;
	[sflag:s4] =	ssyncset.s32 $0xFFFFF086  }
0x25: {  	[simem:s6], [sflag:s4] =	dma.local [hbm:s3], $0xF7A  }
0x26: {  	[smem:$0x3F7A] =	sst s1;
	(tag) =	ssettag s2;
	_ =	strace s9  }
0x27: {  	s1 =	sld [smem:$0x3F8A]  }
0x28: {  	s2 =	sld [smem:$0x3F8B]  }
0x29: {  	s4 =	sld [smem:$0x3F8D]  }
0x2a: {  	p0 =	seq.s32 s5, $0x0;
	s5 =	sld [smem:$0x3F8E]  }
0x2b: {  	s6 =	sld [smem:$0x3F8F]  }
0x2c: {  	s7 =	sld [smem:$0x3F90]  }
0x2d: {  	s3 =	simm.s32 $0x108;
	s8 =	sld [smem:$0x3F91]  }
0x2e: {  	s3 =	simm.s32 @!p0 $0x1082;
	s9 =	sld [smem:$0x3F92]  }
0x2f: {  	lr =	sadd.s32 s0, s3;
	s0 =	sld [smem:$0x3F89]  }
0x30: {  	s3 =	sld [smem:$0x3F8C]  }
0x31: {  	[smem:$0x3F95] =	sst s10  }
0x32: {  	s10 =	sld [smem:$0x3F93];
	_ =	sdelay $0x3  }
0x33: {  	p0 =	seq.s32 s10, $0x1;
	s10 =	sld [smem:$0x3F95];
	_ =	sdelay $0x3  }
0x34: {  	[smem:$0x3F95] =	sst s10  }
0x35: {  	s10 =	sld [smem:$0x3F94];
	_ =	sdelay $0x3  }
0x36: {  	p1 =	seq.s32 s10, $0x1;
	s10 =	sld [smem:$0x3F95];
	_ =	sdelay $0x3  }
0x37: {  	[smem:$0x3F95] =	sst s10  }
0x38: {  	s10 =	sld [smem:$0x3F96]  }
0x39: {  	_ = 	snop;
	(pc) =	sbr.ind lr, $3  }
0x3a: {  	_ = 	snop  }
0x3b: {  	_ = 	snop  }
0x3c: {  	p2 =	seq.s32 s10, $0x1;
	s10 =	sld [smem:$0x3F95]  }
0x3d: {  	_ =	shalt  }
0x3e: {  	_ =	shalt  }
0x3f: {  	_ =	shalt  }
0x40: {  	_ =	shalt  }
0x41: {  	_ =	shalt  }
0x42: {  	_ =	shalt  }
0x43: {  	_ =	shalt  }
0x44: {  	_ =	shalt  }
0x45: {  	_ =	shalt  }
0x46: {  	_ =	shalt  }
0x47: {  	_ =	shalt  }
0x48: {  	_ =	shalt  }
0x49: {  	_ =	shalt  }
0x4a: {  	_ =	shalt  }
0x4b: {  	_ =	shalt  }
0x4c: {  	_ =	shalt  }
0x4d: {  	_ =	shalt  }
0x4e: {  	_ =	shalt  }
0x4f: {  	_ =	shalt  }
0x50: {  	_ =	shalt  }
0x51: {  	_ =	shalt  }
0x52: {  	_ =	shalt  }
0x53: {  	_ =	shalt  }
0x54: {  	_ =	shalt  }
0x55: {  	_ =	shalt  }
0x56: {  	_ =	shalt  }
0x57: {  	_ =	shalt  }
0x58: {  	_ =	shalt  }
0x59: {  	_ =	shalt  }
0x5a: {  	_ =	shalt  }
0x5b: {  	_ =	shalt  }
0x5c: {  	_ =	shalt  }
0x5d: {  	_ =	shalt  }
0x5e: {  	_ =	shalt  }
0x5f: {  	_ =	shalt  }
0x60: {  	_ =	shalt  }
0x61: {  	_ =	shalt  }
0x62: {  	_ =	shalt  }
0x63: {  	_ =	shalt  }
0x64: {  	_ =	shalt  }
0x65: {  	_ =	shalt  }
0x66: {  	_ =	shalt  }
0x67: {  	_ =	shalt  }
0x68: {  	_ =	shalt  }
0x69: {  	_ =	shalt  }
0x6a: {  	_ =	shalt  }
0x6b: {  	_ =	shalt  }
0x6c: {  	_ =	shalt  }
0x6d: {  	_ =	shalt  }
0x6e: {  	_ =	shalt  }
0x6f: {  	_ =	shalt  }
0x70: {  	_ =	shalt  }
0x71: {  	_ =	shalt  }
0x72: {  	_ =	shalt  }
0x73: {  	_ =	shalt  }
0x74: {  	_ =	shalt  }
0x75: {  	_ =	shalt  }
0x76: {  	_ =	shalt  }
0x77: {  	_ =	shalt  }
0x78: {  	_ =	shalt  }
0x79: {  	_ =	shalt  }
0x7a: {  	_ =	shalt  }
0x7b: {  	_ =	shalt  }
0x7c: {  	_ =	shalt  }
0x7d: {  	_ =	shalt  }
0x7e: {  	_ =	shalt  }
0x7f: {  	_ =	shalt  }
0x80: {  	_ =	shalt  }
0x81: {  	_ =	shalt  }
0x82: {  	_ =	shalt  }
0x83: {  	_ =	shalt  }
0x84: {  	_ =	shalt  }
0x85: {  	_ =	shalt  }
0x86: {  	_ =	shalt  }
0x87: {  	_ =	shalt  }
.Lfunc_end0:
.L_simem_size_0:
called_computation_lowered:
.L_overlay_start_0:
0x88: {  	s2 =	sld [smem:$0x3FD9]  }
0x89: {  	s3 =	sld [smem:$0x3FFE];
	_ =	sdelay $0x1  }
0x8a: {  	s1 =	srdreg.scid  }
0x8b: {  	s0 =	sand.u32 $0x1, s1  }
0x8c: {  	s17 =	sshll.u32 s0, $0xA;
	s2 =	sadd.s32 s3, s2  }
0x8d: {  	s2 =	sadd.s32 s2, s17  }
0x8e: {  	[smem:$0x3FA1] =	sst s2  }
0x8f: {  	_ = 	snop  }
0x90: {  	(tm) =	ssettm $0x1  }
0x91: {  	s18 =	sld [smem:$0x3FFB];
	_ =	sdelay $0x3  }
0x92: {  	_ =	strace s18  }
0x93: {  	s2 =	sld [smem:$0x3FFC];
	_ =	sdelay $0x3  }
0x94: {  	_ =	strace s2  }
0x95: {  	s2 =	sld [smem:$0x3FFD];
	_ =	sdelay $0x3  }
0x96: {  	_ =	strace s2  }
0x97: {  	_ =	strace $0x8FFFFFFF  }
0x98: {  	s19 =	sld [smem:$0x3FDB];
	_ =	sdelay $0x1  }
0x99: {  	s20 =	simm.s32 $_scs_section_size  }
0x9a: {  	s4 =	simm.s32 $_size__tile_overlayer_lowered;
	s5 =	simm.s32 $_tile_overlayer_lowered  }
0x9b: {  	s6 =	simm.s32 $0x1BFF;
	s21 =	sshll.u32 s5, $0x1;
	s3 =	sadd.s32 s20, s19  }
0x9c: {  	s22 =	simm.s32 $0x0;
	s4 =	sshll.u32 s4, $0x1;
	s5 =	sadd.s32 s21, s3  }
0x9d: {  	[timem:s22], [sflag:s6] =	dma.local [hbm:s5], s4  }
0x9e: {  	_ =	swait.ge [sflag:s6], s4  }
0x9f: {  	s4 =	ssub.s32 $0x0, s4;
	[sflag:s6] =	ssyncset.done $0x0  }
0xa0: {  	[sflag:s6] =	ssyncadd.s32 s4;
	_ =	sdelay $0x1  }
0xa1: {  	s23 =	simm.s32 $0x1B8B  }
0xa2: {  	_ =	swait.ge [sflag:s23], $0x1  }
0xa3: {  	[sflag:s23] =	ssyncset.done $0x0  }
0xa4: {  	[sflag:s23] =	ssyncadd.s32 $0xFFFFFFFF  }
0xa5: {  	s4 =	sld [smem:$0x0]  }
0xa6: {  	s5 =	sand.u32 $0xFFFFFFFE, s1  }
0xa7: {  	p0 =	sne.s32 s1, s5  }
0xa8: {  	s5 =	sshll.u32 @p0 s5, $0xE  }
0xa9: {  	s5 =	sadd.s32 @p0 $0x11B8D, s5;
	s6 =	sshll.u32 @p0 s4, $0x11  }
0xaa: {  	s5 =	sor.u32 @p0 s6, s5  }
0xab: {  	[sflag:s5] =	ssyncadd.remote.s32 @p0 $0x1;
	_ =	sdelay $0x1  }
0xac: {  	s5 =	simm.s32 @p0 $0x1B8D  }
0xad: {  	_ =	swait.eq @p0 [sflag:s5], $0x1  }
0xae: {  	[sflag:s5] =	ssyncadd.s32 @p0 $0xFFFFFFFF  }
0xaf: {  	s6 =	sshll.u32 @!p0 s1, $0xE  }
0xb0: {  	s6 =	sor.u32 @!p0 $0x4000, s6;
	s5 =	simm.s32 @!p0 $0x1B8D  }
0xb1: {  	s4 =	sshll.u32 @!p0 s4, $0x11;
	s6 =	sadd.s32 @!p0 $0x11B8D, s6;
	_ =	swait.eq @!p0 [sflag:s5], $0x1  }
0xb2: {  	s4 =	sor.u32 @!p0 s4, s6;
	[sflag:s5] =	ssyncadd.s32 @!p0 $0xFFFFFFFF  }
0xb3: {  	s25 =	simm.s32 $0x1B8E;
	s24 =	sld [smem:$0x3FFE];
	[sflag:s4] =	ssyncadd.remote.s32 @!p0 $0x1  }
0xb4: {  	s26 =	simm.s32 $execute0_lowered;
	[smem:$0x3FD2] =	sst s25  }
0xb5: {  	s5 =	sshll.u32 s26, $0x1;
	_ =	strace $0x80000049;
	[dreg:$0x1] =	wrdreg $0xFFFFFFFF  }
0xb6: {  	s28 =	simm.s32 $_size_execute0_lowered;
	s3 =	sadd.s32 s3, s5;
	[dreg:$0x0] =	wrdreg $0x0  }
0xb7: {  	s5 =	sshll.u32 s28, $0x1;
	[dreg:$0x2] =	wrdreg s3  }
0xb8: {  	[dreg:$0x3] =	wrdreg s5  }
0xb9: {  	[dreg:$0x4] =	wrdreg $0xC0  }
0xba: {  	_ =	task [dreg:s22], $0x5FFFF  }
0xbb: {  	[dreg:$0x1] =	wrdreg $0xFFFFFFFF  }
0xbc: {  	[dreg:$0x0] =	wrdreg $0x60  }
0xbd: {  	[dreg:$0x2] =	wrdreg s24  }
0xbe: {  	[dreg:$0x3] =	wrdreg $0x9  }
0xbf: {  	_ =	task.clear_ibuf [dreg:s22], $0x4FFFF;
	_ =	strace $0x90000049  }
0xc0: {  	s29 =	simm.s32 $0x9;
	_ =	strace $0x8000004B  }
0xc1: {  	_ =	swait.ge [sflag:s29], $0x1  }
0xc2: {  	[sflag:s29] =	ssyncadd.s32 $0xFFFFFFFF  }
0xc3: {  	_ =	strace $0x9000004B  }
0xc4: {  	_ =	sfence  }
0xc5: {  	s30 =	sld [smem:$0x0];
	_ =	sdelay $0x2  }
0xc6: {  	s31 =	sshll.u32 s1, $0xD;
	s1 =	sshrl.u32 s1, $0x2  }
0xc7: {  	s4 =	sand.u32 $0x4000, s31;
	s1 =	sadd.s32 s1, s30  }
0xc8: {  	s0 =	sor.u32 s4, s0;
	s1 =	sshll.u32 s1, $0x11  }
0xc9: {  	s0 =	sor.u32 s1, s0  }
0xca: {  	s0 =	sadd.s32 $0x8F2B, s0  }
0xcb: {  	[sflag:s0] =	ssyncadd.remote.s32 $0x1  }
0xcc: {  	_ =	sfence.sel $0xFFFF  }
0xcd: {  	[dreg:$0x0] =	wrdreg $0xFFFFFFFF;
	(pc) =	sbr.abs _section_cstart, $3  }
0xce: {  	[dreg:$0x1] =	wrdreg $0xFFFFFFFF  }
0xcf: {  	_ =	task.clear_ibuf [dreg:s22], $0x2FFFF;
	_ =	strace $0x9FFFFFFF  }
0xd0: {  	(tm) =	ssettm $0x7FFFFFFF  }
0xd1: {  	_ =	shalt  }
tec
execute0_lowered:
.L_overlay_start_1:
0x0: {  	(tag) =	ssettag $0x1  }
0x1: {  	s1 =	srdreg.scid  }
0x2: {  	s0 =	stileid.u32;
	s4 =	rddreg [dreg:$0x0];
	s2 =	simm.s32 $0x0  }
0x3: {  	s13 =	simm.s32 $0x5400;
	s14 =	simm.s32 $0x1;
	s15 =	simm.s32 $0x3  }
0x4: {  	s16 =	simm.s32 $0x2;
	s17 =	simm.s32 $0x4;
	s18 =	simm.s32 $0x0  }
0x5: {  	s6 =	sand.u32 $0x1, s1;
	s1 =	rddreg [dreg:$0x1];
	s9 =	smul.u32 $0x50, s0  }
0x6: {  	s3 =	sshll.u32 s0, $0x1;
	[smem:$0x7FF] =	sst s2;
	s31 =	smul.u32 $0x28000, s0  }
0x7: {  	s10 =	sadd.s32 $0x2E8400, s4;
	s5 =	sor.u32 s6, s3;
	s11 =	smul.u32 $0x28, s6  }
0x8: {  	_ =	strace $0x8000004A;
	s8 =	ssub.s32 $0x2, s6;
	s7 =	smul.u32 $0x280, s5  }
0x9: {  	s3 =	sadd.s32 $0x36400, s4;
	s5 =	smul.u32 $0xA0000, s5;
	s29 =	sshrl.u32 s8, $0x1  }
0xa: {  	s12 =	smul.u32 $0x14000, s6;
	s8 =	ssub.s32 s8, s29;
	s9 =	sadd.s32 s11, s9  }
0xb: {  	s11 =	simm.s32 $0x80;
	s7 =	sadd.s32 s7, s4;
	s5 =	sshrl.u32 s5, $0x3  }
0xc: {  	s9 =	sshll.u32 s9, $0xB;
	s4 =	sadd.s32 $0x2DE400, s7;
	s30 =	sadd.s32 s10, s5  }
0xd: {  	s9 =	sadd.s32 s9, s10;
	s10 =	sadd.s32 s31, s10;
	s7 =	smax.u32 s8, $0x1  }
0xe: {  	s5 =	sadd.s32 $0x13000, s30;
	s6 =	sadd.s32 $0x13800, s30;
	s8 =	sadd.s32 $0x800, s9  }
0xf: {  	s9 =	sadd.s32 s12, s10;
	s10 =	simm.s32 $0x5;
	s12 =	simm.s32 $0x1400  }
.LBB2_1:
0x10: {  	[tilespmem:s2], [sflag:$0x5] =	stream.linear.gather [hbm4b:s4+s2], $0x1400, $0x38;
	[tilespmem:$0x9400] =	vst v63  }
0x11: {  	_ =	swait.ge [sflag:s10], $0x1400  }
0x12: {  	[sflag:s10] =	ssyncset.done $0x0  }
0x13: {  	[sflag:s10] =	ssyncadd.s32 $0xFFFFEC00  }
0x14: {  	[tilespmem:s12], [sflag:$0x1] =	stream.indirect.gather [hbm4b:s3+s11], $0x80, s2, s11, $0xb8;
	[tilespmem:$0x9400] =	vst v63  }
0x15: {  	_ = 	snop  }
0x16: {  	[tilespmem:s13], [sflag:$0x2] =	stream.indirect.gather [hbm4b:s3+s11], $0x80, s11, s11, $0xb8;
	[tilespmem:$0x9400] =	vst v63  }
0x17: {  	_ =	swait.ge [sflag:s14], $0x4000  }
0x18: {  	[sflag:s14] =	ssyncset.done $0x0  }
0x19: {  	s19 =	sadd.s32 $0x0, s9;
	[sflag:s14] =	ssyncadd.s32 $0xFFFFC000  }
0x1a: {  	[hbm4b:s19+s2] =	stream.linear.scatter [tilespmem:s12], [sflag:$0x3], $0x4000, $0x38;
	[tilespmem:$0x9400] =	vst v63  }
0x1b: {  	_ =	swait.ge [sflag:s15], $0x4000  }
0x1c: {  	[sflag:s15] =	ssyncset.done $0x0  }
0x1d: {  	s30 =	simm.s32 $0x100;
	[sflag:s15] =	ssyncadd.s32 $0xFFFFC000  }
0x1e: {  	[tilespmem:s12], [sflag:$0x1] =	stream.indirect.gather [hbm4b:s3+s11], $0x80, s30, s11, $0xb8;
	[tilespmem:$0x9400] =	vst v63  }
0x1f: {  	_ =	swait.ge [sflag:s16], $0x4000  }
0x20: {  	[sflag:s16] =	ssyncset.done $0x0  }
0x21: {  	s31 =	sadd.s32 $0x0, s8;
	[sflag:s16] =	ssyncadd.s32 $0xFFFFC000  }
0x22: {  	[hbm4b:s31+s2] =	stream.linear.scatter [tilespmem:s13], [sflag:$0x4], $0x4000, $0x38;
	[tilespmem:$0x9400] =	vst v63  }
0x23: {  	_ =	swait.ge [sflag:s17], $0x4000  }
0x24: {  	s20 =	simm.s32 $0x1000;
	[sflag:s17] =	ssyncset.done $0x0  }
0x25: {  	s21 =	simm.s32 $0x280;
	s19 =	simm.s32 $0x180;
	[sflag:s17] =	ssyncadd.s32 $0xFFFFC000  }
.LBB2_2:
0x26: {  	[tilespmem:s13], [sflag:$0x2] =	stream.indirect.gather [hbm4b:s3+s11], $0x80, s19, s11, $0xb8;
	[tilespmem:$0x9400] =	vst v63  }
0x27: {  	s22 =	smov.u32 s20;
	s19 =	smov.u32 s21  }
0x28: {  	p0 =	sne.s32 s20, $0x12000;
	s20 =	sadd.s32 $0x1000, s20;
	_ =	swait.ge [sflag:s14], $0x4000  }
0x29: {  	[sflag:s14] =	ssyncset.done $0x0  }
0x2a: {  	s23 =	sadd.s32 s22, s9;
	[sflag:s14] =	ssyncadd.s32 $0xFFFFC000  }
0x2b: {  	[hbm4b:s23+s2] =	stream.linear.scatter [tilespmem:s12], [sflag:$0x3], $0x4000, $0x38;
	[tilespmem:$0x9400] =	vst v63  }
0x2c: {  	_ =	swait.ge [sflag:s15], $0x4000  }
0x2d: {  	[sflag:s15] =	ssyncset.done $0x0  }
0x2e: {  	s23 =	sadd.s32 $0xFFFFFF80, s21;
	[sflag:s15] =	ssyncadd.s32 $0xFFFFC000  }
0x2f: {  	[tilespmem:s12], [sflag:$0x1] =	stream.indirect.gather [hbm4b:s3+s11], $0x80, s23, s11, $0xb8;
	[tilespmem:$0x9400] =	vst v63  }
0x30: {  	_ =	swait.ge [sflag:s16], $0x4000  }
0x31: {  	[sflag:s16] =	ssyncset.done $0x0  }
.Ltmp0:
0x32: {  	s22 =	sadd.s32 s22, s8;
	[sflag:s16] =	ssyncadd.s32 $0xFFFFC000;
	(pc) =	sbr.rel @p0 .LBB2_2-.Ltmp0, $4  }
0x33: {  	[hbm4b:s22+s2] =	stream.linear.scatter [tilespmem:s13], [sflag:$0x4], $0x4000, $0x38;
	[tilespmem:$0x9400] =	vst v63  }
0x34: {  	_ =	swait.ge [sflag:s17], $0x4000  }
0x35: {  	[sflag:s17] =	ssyncset.done $0x0  }
0x36: {  	s21 =	sadd.s32 $0x100, s21;
	[sflag:s17] =	ssyncadd.s32 $0xFFFFC000  }
0x37: {  	[tilespmem:s13], [sflag:$0x2] =	stream.indirect.gather [hbm4b:s3+s11], $0x80, s19, s11, $0xb8;
	[tilespmem:$0x9400] =	vst v63  }
0x38: {  	_ =	swait.ge [sflag:s14], $0x4000  }
0x39: {  	[sflag:s14] =	ssyncset.done $0x0  }
0x3a: {  	[sflag:s14] =	ssyncadd.s32 $0xFFFFC000  }
0x3b: {  	[hbm4b:s5+s2] =	stream.linear.scatter [tilespmem:s12], [sflag:$0x3], $0x4000, $0x38;
	[tilespmem:$0x9400] =	vst v63  }
0x3c: {  	_ =	swait.ge [sflag:s16], $0x4000  }
0x3d: {  	[sflag:s16] =	ssyncset.done $0x0  }
0x3e: {  	s18 =	sadd.s32 $0x1, s18;
	[sflag:s16] =	ssyncadd.s32 $0xFFFFC000  }
0x3f: {  	[hbm4b:s6+s2] =	stream.linear.scatter [tilespmem:s13], [sflag:$0x4], $0x4000, $0x38;
	[tilespmem:$0x9400] =	vst v63  }
0x40: {  	p0 =	sne.s32 s18, s7;
	_ =	swait.ge [sflag:s15], $0x4000  }
.Ltmp1:
0x41: {  	[sflag:s15] =	ssyncset.done $0x0;
	(pc) =	sbr.rel @p0 .LBB2_1-.Ltmp1, $4  }
0x42: {  	[sflag:s15] =	ssyncadd.s32 $0xFFFFC000  }
0x43: {  	_ =	swait.ge [sflag:s17], $0x4000  }
0x44: {  	[sflag:s17] =	ssyncset.done $0x0  }
0x45: {  	[sflag:s17] =	ssyncadd.s32 $0xFFFFC000  }
0x46: {  	_ =	sfence.sel $0x180000  }
0x47: {  	[bflag:$0x0] =	sbarrier.arrive $0xFFFF  }
0x48: {  	p0 =	sne.s32 s0, $0x0;
	_ =	strace $0x9000004A  }
0x49: {  	s0 =	sadd.s32 @!p0 $0x100000, s1;
	[bflag:$0x2] =	sbarrier.arrive $0xFFFF  }
0x4a: {  	[sflag:s0] =	ssyncadd.tile.s32 @!p0 $0x1;
	_ =	shalt  }
.Lfunc_end2:
_tile_overlayer_lowered:
.L_overlay_start_2:
0x4b: {  	(tag) =	ssettag $0x2  }
0x4c: {  	s0 =	rddreg [dreg:$0x0];
	s2 =	stileid.u32  }
0x4d: {  	s1 =	rddreg [dreg:$0x1];
	p0 =	sne.s32 s2, $0x0  }
0x4e: {  	s3 =	rddreg [dreg:$0x2];
	[bflag:$0x3] =	sbarrier.arrive $0xFFFF;
	s2 =	simm.s32 @!p0 $0x1C05  }
0x4f: {  	[timem:s3], [sflag:s2] =	dma.local @!p0 [hbm:s0], s1  }
0x50: {  	s0 =	simm.s32 @!p0 $0x5  }
0x51: {  	_ =	swait.ge @!p0 [sflag:s0], s1  }
0x52: {  	s1 =	ssub.s32 @!p0 $0x0, s1;
	[sflag:s0] =	ssyncset.done @!p0 $0x0  }
0x53: {  	[sflag:s0] =	ssyncadd.s32 @!p0 s1  }
0x54: {  	[bflag:$0x3] =	sbarrier.arrive $0xFFFF  }
0x55: {  	_ =	shalt  }

// kernel: kernel.13.cloned.1.call-start
scs
__scs_entry_jumppad:
0x0: {  	(pc) =	sbr.rel $0x88, $3  }
0x1: {  	(tag) =	ssettag $0x0;
	lr =	simm.s32 $0x1  }
0x2: {  	[smem:$0x3F7A] =	sst lr;
	_ =	strace $0xD0000000  }
0x3: {  	_ = 	snop  }
0x4: {  	_ = 	snop  }
0x5: {  	_ = 	snop  }
0x6: {  	_ = 	snop  }
0x7: {  	_ = 	snop  }
__scs_overlays_trampoline_lowered:
0x8: {  	[smem:$0x3F89] =	sst s0  }
0x9: {  	[smem:$0x3F8A] =	sst s1  }
0xa: {  	[smem:$0x3F8B] =	sst s2  }
0xb: {  	[smem:$0x3F8C] =	sst s3  }
0xc: {  	[smem:$0x3F8D] =	sst s4  }
0xd: {  	[smem:$0x3F8E] =	sst s5  }
0xe: {  	[smem:$0x3F8F] =	sst s6  }
0xf: {  	[smem:$0x3F90] =	sst s7  }
0x10: {  	[smem:$0x3F91] =	sst s8  }
0x11: {  	[smem:$0x3F92] =	sst s9;
	s0 =	simm.s32 @!p0 $0x0  }
0x12: {  	s1 =	sld [smem:$0x3F78];
	s0 =	simm.s32 @p0 $0x1  }
0x13: {  	[smem:$0x3F93] =	sst s0;
	s0 =	simm.s32 @!p1 $0x0  }
0x14: {  	s2 =	sld [smem:$0x3F77];
	s0 =	simm.s32 @p1 $0x1  }
0x15: {  	[smem:$0x3F94] =	sst s0;
	s0 =	simm.s32 @!p2 $0x0  }
0x16: {  	s3 =	sld [smem:$0x3FDB];
	s0 =	simm.s32 @p2 $0x1  }
0x17: {  	s4 =	simm.s32 $0x1BF5;
	[smem:$0x3F96] =	sst s0  }
0x18: {  	s0 =	sld [smem:$0x3F79];
	_ =	swait.ge [sflag:s4], $0x0  }
0x19: {  	s7 =	sld [smem:$0x3F7A]  }
0x1a: {  	s8 =	sadd.s32 $0xFFFFE003, lr  }
0x1b: {  	s9 =	sadd.s32 $0xFFFFFEF7, lr;
	s5 =	simm.s32 $0xFFFFFFFF;
	p2 =	slt.u32 s8, $0xFFFFF086  }
0x1c: {  	p1 =	slt.u32 s9, $0xF7A;
	s5 =	simm.s32 @!p2 $0x0  }
0x1d: {  	s5 =	simm.s32 @p1 $0x1;
	p0 =	seq.s32 s7, s2  }
0x1e: {  	s7 =	smul.u32 @!p0 $0xF7A, s2;
	p2 =	seq.s32 @!p0 s5, $0x0  }
0x1f: {  	s9 =	smul.u32 $0xF7A, s1;
	s8 =	simm.s32 @!p0 $0x1BF5;
	p2 =	por !p2, p0  }
0x20: {  	[sflag:s8] =	ssyncset.s32 @!p0 $0xFFFFF086;
	s6 =	sadd.s32 @!p0 s3, s7;
	s7 =	simm.s32 @!p0 $0x108  }
0x21: {  	s3 =	sadd.s32 s3, s9;
	s6 =	sadd.s32 @!p0 $0x88, s6;
	s7 =	simm.s32 @p2 $0x1082  }
0x22: {  	[simem:s7], [sflag:s8] =	dma.local @!p0 [hbm:s6], $0xF7A  }
0x23: {  	s9 =	sor.u32 $0xD0000000, s2;
	s6 =	simm.s32 $0x108;
	_ =	swait.ge @!p0 [sflag:s8], $0x0  }
0x24: {  	s3 =	sadd.s32 $0x88, s3;
	s6 =	simm.s32 @!p1 $0x1082;
	[sflag:s4] =	ssyncset.s32 $0xFFFFF086  }
0x25: {  	[simem:s6], [sflag:s4] =	dma.local [hbm:s3], $0xF7A  }
0x26: {  	[smem:$0x3F7A] =	sst s1;
	(tag) =	ssettag s2;
	_ =	strace s9  }
0x27: {  	s1 =	sld [smem:$0x3F8A]  }
0x28: {  	s2 =	sld [smem:$0x3F8B]  }
0x29: {  	s4 =	sld [smem:$0x3F8D]  }
0x2a: {  	p0 =	seq.s32 s5, $0x0;
	s5 =	sld [smem:$0x3F8E]  }
0x2b: {  	s6 =	sld [smem:$0x3F8F]  }
0x2c: {  	s7 =	sld [smem:$0x3F90]  }
0x2d: {  	s3 =	simm.s32 $0x108;
	s8 =	sld [smem:$0x3F91]  }
0x2e: {  	s3 =	simm.s32 @!p0 $0x1082;
	s9 =	sld [smem:$0x3F92]  }
0x2f: {  	lr =	sadd.s32 s0, s3;
	s0 =	sld [smem:$0x3F89]  }
0x30: {  	s3 =	sld [smem:$0x3F8C]  }
0x31: {  	[smem:$0x3F95] =	sst s10  }
0x32: {  	s10 =	sld [smem:$0x3F93];
	_ =	sdelay $0x3  }
0x33: {  	p0 =	seq.s32 s10, $0x1;
	s10 =	sld [smem:$0x3F95];
	_ =	sdelay $0x3  }
0x34: {  	[smem:$0x3F95] =	sst s10  }
0x35: {  	s10 =	sld [smem:$0x3F94];
	_ =	sdelay $0x3  }
0x36: {  	p1 =	seq.s32 s10, $0x1;
	s10 =	sld [smem:$0x3F95];
	_ =	sdelay $0x3  }
0x37: {  	[smem:$0x3F95] =	sst s10  }
0x38: {  	s10 =	sld [smem:$0x3F96]  }
0x39: {  	_ = 	snop;
	(pc) =	sbr.ind lr, $3  }
0x3a: {  	_ = 	snop  }
0x3b: {  	_ = 	snop  }
0x3c: {  	p2 =	seq.s32 s10, $0x1;
	s10 =	sld [smem:$0x3F95]  }
0x3d: {  	_ =	shalt  }
0x3e: {  	_ =	shalt  }
0x3f: {  	_ =	shalt  }
0x40: {  	_ =	shalt  }
0x41: {  	_ =	shalt  }
0x42: {  	_ =	shalt  }
0x43: {  	_ =	shalt  }
0x44: {  	_ =	shalt  }
0x45: {  	_ =	shalt  }
0x46: {  	_ =	shalt  }
0x47: {  	_ =	shalt  }
0x48: {  	_ =	shalt  }
0x49: {  	_ =	shalt  }
0x4a: {  	_ =	shalt  }
0x4b: {  	_ =	shalt  }
0x4c: {  	_ =	shalt  }
0x4d: {  	_ =	shalt  }
0x4e: {  	_ =	shalt  }
0x4f: {  	_ =	shalt  }
0x50: {  	_ =	shalt  }
0x51: {  	_ =	shalt  }
0x52: {  	_ =	shalt  }
0x53: {  	_ =	shalt  }
0x54: {  	_ =	shalt  }
0x55: {  	_ =	shalt  }
0x56: {  	_ =	shalt  }
0x57: {  	_ =	shalt  }
0x58: {  	_ =	shalt  }
0x59: {  	_ =	shalt  }
0x5a: {  	_ =	shalt  }
0x5b: {  	_ =	shalt  }
0x5c: {  	_ =	shalt  }
0x5d: {  	_ =	shalt  }
0x5e: {  	_ =	shalt  }
0x5f: {  	_ =	shalt  }
0x60: {  	_ =	shalt  }
0x61: {  	_ =	shalt  }
0x62: {  	_ =	shalt  }
0x63: {  	_ =	shalt  }
0x64: {  	_ =	shalt  }
0x65: {  	_ =	shalt  }
0x66: {  	_ =	shalt  }
0x67: {  	_ =	shalt  }
0x68: {  	_ =	shalt  }
0x69: {  	_ =	shalt  }
0x6a: {  	_ =	shalt  }
0x6b: {  	_ =	shalt  }
0x6c: {  	_ =	shalt  }
0x6d: {  	_ =	shalt  }
0x6e: {  	_ =	shalt  }
0x6f: {  	_ =	shalt  }
0x70: {  	_ =	shalt  }
0x71: {  	_ =	shalt  }
0x72: {  	_ =	shalt  }
0x73: {  	_ =	shalt  }
0x74: {  	_ =	shalt  }
0x75: {  	_ =	shalt  }
0x76: {  	_ =	shalt  }
0x77: {  	_ =	shalt  }
0x78: {  	_ =	shalt  }
0x79: {  	_ =	shalt  }
0x7a: {  	_ =	shalt  }
0x7b: {  	_ =	shalt  }
0x7c: {  	_ =	shalt  }
0x7d: {  	_ =	shalt  }
0x7e: {  	_ =	shalt  }
0x7f: {  	_ =	shalt  }
0x80: {  	_ =	shalt  }
0x81: {  	_ =	shalt  }
0x82: {  	_ =	shalt  }
0x83: {  	_ =	shalt  }
0x84: {  	_ =	shalt  }
0x85: {  	_ =	shalt  }
0x86: {  	_ =	shalt  }
0x87: {  	_ =	shalt  }
.Lfunc_end0:
.L_simem_size_0:
called_computation.1_lowered:
.L_overlay_start_0:
0x88: {  	s2 =	sld [smem:$0x3FD9]  }
0x89: {  	s3 =	sld [smem:$0x3FFE];
	_ =	sdelay $0x1  }
0x8a: {  	s1 =	srdreg.scid  }
0x8b: {  	s0 =	sand.u32 $0x1, s1  }
0x8c: {  	s16 =	sshll.u32 s0, $0xA;
	s2 =	sadd.s32 s3, s2  }
0x8d: {  	s2 =	sadd.s32 s2, s16  }
0x8e: {  	[smem:$0x3FA1] =	sst s2  }
0x8f: {  	_ = 	snop  }
0x90: {  	(tm) =	ssettm $0x1  }
0x91: {  	s17 =	sld [smem:$0x3FFB];
	_ =	sdelay $0x3  }
0x92: {  	_ =	strace s17  }
0x93: {  	s2 =	sld [smem:$0x3FFC];
	_ =	sdelay $0x3  }
0x94: {  	_ =	strace s2  }
0x95: {  	s2 =	sld [smem:$0x3FFD];
	_ =	sdelay $0x3  }
0x96: {  	_ =	strace s2  }
0x97: {  	_ =	strace $0x8FFFFFFF  }
0x98: {  	s18 =	sld [smem:$0x3FDB];
	_ =	sdelay $0x1  }
0x99: {  	s19 =	simm.s32 $_scs_section_size  }
0x9a: {  	s4 =	simm.s32 $_size__tile_overlayer_lowered;
	s5 =	simm.s32 $_tile_overlayer_lowered  }
0x9b: {  	s22 =	simm.s32 $0x1BFF;
	s21 =	sshll.u32 s5, $0x1;
	s2 =	sadd.s32 s19, s18  }
0x9c: {  	s6 =	simm.s32 $0x0;
	s20 =	sshll.u32 s4, $0x1;
	s4 =	sadd.s32 s21, s2  }
0x9d: {  	[timem:s6], [sflag:s22] =	dma.local [hbm:s4], s20  }
0x9e: {  	_ =	swait.ge [sflag:s22], s20  }
0x9f: {  	s3 =	ssub.s32 $0x0, s20;
	[sflag:s22] =	ssyncset.done $0x0  }
0xa0: {  	[sflag:s22] =	ssyncadd.s32 s3;
	_ =	sdelay $0x1  }
0xa1: {  	s23 =	simm.s32 $0x1B8B  }
0xa2: {  	_ =	swait.ge [sflag:s23], $0x1  }
0xa3: {  	[sflag:s23] =	ssyncset.done $0x0  }
0xa4: {  	s25 =	simm.s32 $0x1B8E;
	s24 =	sld [smem:$0x3FFE];
	[sflag:s23] =	ssyncadd.s32 $0xFFFFFFFF  }
0xa5: {  	s26 =	simm.s32 $execute0_lowered;
	[smem:$0x3FD2] =	sst s25  }
0xa6: {  	s4 =	sshll.u32 s26, $0x1;
	_ =	strace $0x80000046;
	[dreg:$0x1] =	wrdreg $0xFFFFFFFF  }
0xa7: {  	s28 =	simm.s32 $_size_execute0_lowered;
	s2 =	sadd.s32 s2, s4;
	[dreg:$0x0] =	wrdreg $0x0  }
0xa8: {  	s4 =	sshll.u32 s28, $0x1;
	[dreg:$0x2] =	wrdreg s2  }
0xa9: {  	[dreg:$0x3] =	wrdreg s4  }
0xaa: {  	[dreg:$0x4] =	wrdreg $0xC0  }
0xab: {  	_ =	task [dreg:s6], $0x5FFFF  }
0xac: {  	[dreg:$0x1] =	wrdreg $0xFFFFFFFF  }
0xad: {  	[dreg:$0x0] =	wrdreg $0x60  }
0xae: {  	[dreg:$0x2] =	wrdreg s24  }
0xaf: {  	[dreg:$0x3] =	wrdreg $0xA  }
0xb0: {  	_ =	task.clear_ibuf [dreg:s6], $0x4FFFF;
	_ =	strace $0x90000046  }
0xb1: {  	s29 =	simm.s32 $0xA;
	_ =	strace $0x80000048  }
0xb2: {  	_ =	swait.ge [sflag:s29], $0x1  }
0xb3: {  	[sflag:s29] =	ssyncadd.s32 $0xFFFFFFFF  }
0xb4: {  	_ =	strace $0x90000048  }
0xb5: {  	_ =	sfence  }
0xb6: {  	s30 =	sld [smem:$0x0];
	_ =	sdelay $0x2  }
0xb7: {  	s31 =	sshll.u32 s1, $0xD;
	s1 =	sshrl.u32 s1, $0x2  }
0xb8: {  	s3 =	sand.u32 $0x4000, s31;
	s1 =	sadd.s32 s1, s30  }
0xb9: {  	s0 =	sor.u32 s3, s0;
	s1 =	sshll.u32 s1, $0x11  }
0xba: {  	s0 =	sor.u32 s1, s0  }
0xbb: {  	s0 =	sadd.s32 $0x8F2B, s0  }
0xbc: {  	[sflag:s0] =	ssyncadd.remote.s32 $0x1  }
0xbd: {  	_ =	sfence.sel $0xFFFF  }
0xbe: {  	[dreg:$0x0] =	wrdreg $0xFFFFFFFF;
	(pc) =	sbr.abs _section_cstart, $3  }
0xbf: {  	[dreg:$0x1] =	wrdreg $0xFFFFFFFF  }
0xc0: {  	_ =	task.clear_ibuf [dreg:s6], $0x2FFFF;
	_ =	strace $0x9FFFFFFF  }
0xc1: {  	(tm) =	ssettm $0x7FFFFFFF  }
tec
execute0_lowered:
.L_overlay_start_1:
0x0: {  	(tag) =	ssettag $0x1  }
0x1: {  	s1 =	srdreg.scid  }
0x2: {  	s0 =	stileid.u32;
	s4 =	rddreg [dreg:$0x0];
	s2 =	simm.s32 $0x0  }
0x3: {  	s13 =	simm.s32 $0x5400;
	s14 =	simm.s32 $0x1;
	s15 =	simm.s32 $0x3  }
0x4: {  	s16 =	simm.s32 $0x2;
	s17 =	simm.s32 $0x4;
	s18 =	simm.s32 $0x0  }
0x5: {  	s6 =	sand.u32 $0x1, s1;
	s1 =	rddreg [dreg:$0x1];
	s9 =	smul.u32 $0x50, s0  }
0x6: {  	s3 =	sshll.u32 s0, $0x1;
	[smem:$0x7FF] =	sst s2;
	s31 =	smul.u32 $0x28000, s0  }
0x7: {  	s10 =	sadd.s32 $0x5E400, s4;
	s5 =	sor.u32 s6, s3;
	s11 =	smul.u32 $0x28, s6  }
0x8: {  	_ =	strace $0x80000047;
	s8 =	ssub.s32 $0x2, s6;
	s7 =	smul.u32 $0x280, s5  }
0x9: {  	s3 =	sadd.s32 $0x36400, s4;
	s5 =	smul.u32 $0xA0000, s5;
	s29 =	sshrl.u32 s8, $0x1  }
0xa: {  	s12 =	smul.u32 $0x14000, s6;
	s8 =	ssub.s32 s8, s29;
	s9 =	sadd.s32 s11, s9  }
0xb: {  	s11 =	simm.s32 $0x80;
	s7 =	sadd.s32 s7, s4;
	s5 =	sshrl.u32 s5, $0x3  }
0xc: {  	s9 =	sshll.u32 s9, $0xB;
	s4 =	sadd.s32 $0x9400, s7;
	s30 =	sadd.s32 s10, s5  }
0xd: {  	s9 =	sadd.s32 s9, s10;
	s10 =	sadd.s32 s31, s10;
	s7 =	smax.u32 s8, $0x1  }
0xe: {  	s5 =	sadd.s32 $0x13000, s30;
	s6 =	sadd.s32 $0x13800, s30;
	s8 =	sadd.s32 $0x800, s9  }
0xf: {  	s9 =	sadd.s32 s12, s10;
	s10 =	simm.s32 $0x5;
	s12 =	simm.s32 $0x1400  }
.LBB2_1:
0x10: {  	[tilespmem:s2], [sflag:$0x5] =	stream.linear.gather [hbm4b:s4+s2], $0x1400, $0x38;
	[tilespmem:$0x9400] =	vst v63  }
0x11: {  	_ =	swait.ge [sflag:s10], $0x1400  }
0x12: {  	[sflag:s10] =	ssyncset.done $0x0  }
0x13: {  	[sflag:s10] =	ssyncadd.s32 $0xFFFFEC00  }
0x14: {  	[tilespmem:s12], [sflag:$0x1] =	stream.indirect.gather [hbm4b:s3+s11], $0x80, s2, s11, $0xb8;
	[tilespmem:$0x9400] =	vst v63  }
0x15: {  	_ = 	snop  }
0x16: {  	[tilespmem:s13], [sflag:$0x2] =	stream.indirect.gather [hbm4b:s3+s11], $0x80, s11, s11, $0xb8;
	[tilespmem:$0x9400] =	vst v63  }
0x17: {  	_ =	swait.ge [sflag:s14], $0x4000  }
0x18: {  	[sflag:s14] =	ssyncset.done $0x0  }
0x19: {  	s19 =	sadd.s32 $0x0, s9;
	[sflag:s14] =	ssyncadd.s32 $0xFFFFC000  }
0x1a: {  	[hbm4b:s19+s2] =	stream.linear.scatter [tilespmem:s12], [sflag:$0x3], $0x4000, $0x38;
	[tilespmem:$0x9400] =	vst v63  }
0x1b: {  	_ =	swait.ge [sflag:s15], $0x4000  }
0x1c: {  	[sflag:s15] =	ssyncset.done $0x0  }
0x1d: {  	s30 =	simm.s32 $0x100;
	[sflag:s15] =	ssyncadd.s32 $0xFFFFC000  }
0x1e: {  	[tilespmem:s12], [sflag:$0x1] =	stream.indirect.gather [hbm4b:s3+s11], $0x80, s30, s11, $0xb8;
	[tilespmem:$0x9400] =	vst v63  }
0x1f: {  	_ =	swait.ge [sflag:s16], $0x4000  }
0x20: {  	[sflag:s16] =	ssyncset.done $0x0  }
0x21: {  	s31 =	sadd.s32 $0x0, s8;
	[sflag:s16] =	ssyncadd.s32 $0xFFFFC000  }
0x22: {  	[hbm4b:s31+s2] =	stream.linear.scatter [tilespmem:s13], [sflag:$0x4], $0x4000, $0x38;
	[tilespmem:$0x9400] =	vst v63  }
0x23: {  	_ =	swait.ge [sflag:s17], $0x4000  }
0x24: {  	s20 =	simm.s32 $0x1000;
	[sflag:s17] =	ssyncset.done $0x0  }
0x25: {  	s21 =	simm.s32 $0x280;
	s19 =	simm.s32 $0x180;
	[sflag:s17] =	ssyncadd.s32 $0xFFFFC000  }
.LBB2_2:
0x26: {  	[tilespmem:s13], [sflag:$0x2] =	stream.indirect.gather [hbm4b:s3+s11], $0x80, s19, s11, $0xb8;
	[tilespmem:$0x9400] =	vst v63  }
0x27: {  	s22 =	smov.u32 s20;
	s19 =	smov.u32 s21  }
0x28: {  	p0 =	sne.s32 s20, $0x12000;
	s20 =	sadd.s32 $0x1000, s20;
	_ =	swait.ge [sflag:s14], $0x4000  }
0x29: {  	[sflag:s14] =	ssyncset.done $0x0  }
0x2a: {  	s23 =	sadd.s32 s22, s9;
	[sflag:s14] =	ssyncadd.s32 $0xFFFFC000  }
0x2b: {  	[hbm4b:s23+s2] =	stream.linear.scatter [tilespmem:s12], [sflag:$0x3], $0x4000, $0x38;
	[tilespmem:$0x9400] =	vst v63  }
0x2c: {  	_ =	swait.ge [sflag:s15], $0x4000  }
0x2d: {  	[sflag:s15] =	ssyncset.done $0x0  }
0x2e: {  	s23 =	sadd.s32 $0xFFFFFF80, s21;
	[sflag:s15] =	ssyncadd.s32 $0xFFFFC000  }
0x2f: {  	[tilespmem:s12], [sflag:$0x1] =	stream.indirect.gather [hbm4b:s3+s11], $0x80, s23, s11, $0xb8;
	[tilespmem:$0x9400] =	vst v63  }
0x30: {  	_ =	swait.ge [sflag:s16], $0x4000  }
0x31: {  	[sflag:s16] =	ssyncset.done $0x0  }
.Ltmp0:
0x32: {  	s22 =	sadd.s32 s22, s8;
	[sflag:s16] =	ssyncadd.s32 $0xFFFFC000;
	(pc) =	sbr.rel @p0 .LBB2_2-.Ltmp0, $4  }
0x33: {  	[hbm4b:s22+s2] =	stream.linear.scatter [tilespmem:s13], [sflag:$0x4], $0x4000, $0x38;
	[tilespmem:$0x9400] =	vst v63  }
0x34: {  	_ =	swait.ge [sflag:s17], $0x4000  }
0x35: {  	[sflag:s17] =	ssyncset.done $0x0  }
0x36: {  	s21 =	sadd.s32 $0x100, s21;
	[sflag:s17] =	ssyncadd.s32 $0xFFFFC000  }
0x37: {  	[tilespmem:s13], [sflag:$0x2] =	stream.indirect.gather [hbm4b:s3+s11], $0x80, s19, s11, $0xb8;
	[tilespmem:$0x9400] =	vst v63  }
0x38: {  	_ =	swait.ge [sflag:s14], $0x4000  }
0x39: {  	[sflag:s14] =	ssyncset.done $0x0  }
0x3a: {  	[sflag:s14] =	ssyncadd.s32 $0xFFFFC000  }
0x3b: {  	[hbm4b:s5+s2] =	stream.linear.scatter [tilespmem:s12], [sflag:$0x3], $0x4000, $0x38;
	[tilespmem:$0x9400] =	vst v63  }
0x3c: {  	_ =	swait.ge [sflag:s16], $0x4000  }
0x3d: {  	[sflag:s16] =	ssyncset.done $0x0  }
0x3e: {  	s18 =	sadd.s32 $0x1, s18;
	[sflag:s16] =	ssyncadd.s32 $0xFFFFC000  }
0x3f: {  	[hbm4b:s6+s2] =	stream.linear.scatter [tilespmem:s13], [sflag:$0x4], $0x4000, $0x38;
	[tilespmem:$0x9400] =	vst v63  }
0x40: {  	p0 =	sne.s32 s18, s7;
	_ =	swait.ge [sflag:s15], $0x4000  }
.Ltmp1:
0x41: {  	[sflag:s15] =	ssyncset.done $0x0;
	(pc) =	sbr.rel @p0 .LBB2_1-.Ltmp1, $4  }
0x42: {  	[sflag:s15] =	ssyncadd.s32 $0xFFFFC000  }
0x43: {  	_ =	swait.ge [sflag:s17], $0x4000  }
0x44: {  	[sflag:s17] =	ssyncset.done $0x0  }
0x45: {  	[sflag:s17] =	ssyncadd.s32 $0xFFFFC000  }
0x46: {  	_ =	sfence.sel $0x180000  }
0x47: {  	[bflag:$0x0] =	sbarrier.arrive $0xFFFF  }
0x48: {  	p0 =	sne.s32 s0, $0x0;
	_ =	strace $0x90000047  }
0x49: {  	s0 =	sadd.s32 @!p0 $0x100000, s1;
	[bflag:$0x2] =	sbarrier.arrive $0xFFFF  }
0x4a: {  	[sflag:s0] =	ssyncadd.tile.s32 @!p0 $0x1;
	_ =	shalt  }
.Lfunc_end2:
_tile_overlayer_lowered:
.L_overlay_start_2:
0x4b: {  	(tag) =	ssettag $0x2  }
0x4c: {  	s0 =	rddreg [dreg:$0x0];
	s2 =	stileid.u32  }
0x4d: {  	s1 =	rddreg [dreg:$0x1];
	p0 =	sne.s32 s2, $0x0  }
0x4e: {  	s3 =	rddreg [dreg:$0x2];
	[bflag:$0x3] =	sbarrier.arrive $0xFFFF;
	s2 =	simm.s32 @!p0 $0x1C05  }
0x4f: {  	[timem:s3], [sflag:s2] =	dma.local @!p0 [hbm:s0], s1  }
0x50: {  	s0 =	simm.s32 @!p0 $0x5  }
0x51: {  	_ =	swait.ge @!p0 [sflag:s0], s1  }
0x52: {  	s1 =	ssub.s32 @!p0 $0x0, s1;
	[sflag:s0] =	ssyncset.done @!p0 $0x0  }
0x53: {  	[sflag:s0] =	ssyncadd.s32 @!p0 s1  }
0x54: {  	[bflag:$0x3] =	sbarrier.arrive $0xFFFF  }
0x55: {  	_ =	shalt  }

// kernel: kernel.16.cloned.1.call-start
scs
__scs_entry_jumppad:
0x0: {  	(pc) =	sbr.rel $0x88, $3  }
0x1: {  	(tag) =	ssettag $0x0;
	lr =	simm.s32 $0x1  }
0x2: {  	[smem:$0x3F7A] =	sst lr;
	_ =	strace $0xD0000000  }
0x3: {  	_ = 	snop  }
0x4: {  	_ = 	snop  }
0x5: {  	_ = 	snop  }
0x6: {  	_ = 	snop  }
0x7: {  	_ = 	snop  }
__scs_overlays_trampoline_lowered:
0x8: {  	[smem:$0x3F89] =	sst s0  }
0x9: {  	[smem:$0x3F8A] =	sst s1  }
0xa: {  	[smem:$0x3F8B] =	sst s2  }
0xb: {  	[smem:$0x3F8C] =	sst s3  }
0xc: {  	[smem:$0x3F8D] =	sst s4  }
0xd: {  	[smem:$0x3F8E] =	sst s5  }
0xe: {  	[smem:$0x3F8F] =	sst s6  }
0xf: {  	[smem:$0x3F90] =	sst s7  }
0x10: {  	[smem:$0x3F91] =	sst s8  }
0x11: {  	[smem:$0x3F92] =	sst s9;
	s0 =	simm.s32 @!p0 $0x0  }
0x12: {  	s1 =	sld [smem:$0x3F78];
	s0 =	simm.s32 @p0 $0x1  }
0x13: {  	[smem:$0x3F93] =	sst s0;
	s0 =	simm.s32 @!p1 $0x0  }
0x14: {  	s2 =	sld [smem:$0x3F77];
	s0 =	simm.s32 @p1 $0x1  }
0x15: {  	[smem:$0x3F94] =	sst s0;
	s0 =	simm.s32 @!p2 $0x0  }
0x16: {  	s3 =	sld [smem:$0x3FDB];
	s0 =	simm.s32 @p2 $0x1  }
0x17: {  	s4 =	simm.s32 $0x1BF5;
	[smem:$0x3F96] =	sst s0  }
0x18: {  	s0 =	sld [smem:$0x3F79];
	_ =	swait.ge [sflag:s4], $0x0  }
0x19: {  	s7 =	sld [smem:$0x3F7A]  }
0x1a: {  	s8 =	sadd.s32 $0xFFFFE003, lr  }
0x1b: {  	s9 =	sadd.s32 $0xFFFFFEF7, lr;
	s5 =	simm.s32 $0xFFFFFFFF;
	p2 =	slt.u32 s8, $0xFFFFF086  }
0x1c: {  	p1 =	slt.u32 s9, $0xF7A;
	s5 =	simm.s32 @!p2 $0x0  }
0x1d: {  	s5 =	simm.s32 @p1 $0x1;
	p0 =	seq.s32 s7, s2  }
0x1e: {  	s7 =	smul.u32 @!p0 $0xF7A, s2;
	p2 =	seq.s32 @!p0 s5, $0x0  }
0x1f: {  	s9 =	smul.u32 $0xF7A, s1;
	s8 =	simm.s32 @!p0 $0x1BF5;
	p2 =	por !p2, p0  }
0x20: {  	[sflag:s8] =	ssyncset.s32 @!p0 $0xFFFFF086;
	s6 =	sadd.s32 @!p0 s3, s7;
	s7 =	simm.s32 @!p0 $0x108  }
0x21: {  	s3 =	sadd.s32 s3, s9;
	s6 =	sadd.s32 @!p0 $0x88, s6;
	s7 =	simm.s32 @p2 $0x1082  }
0x22: {  	[simem:s7], [sflag:s8] =	dma.local @!p0 [hbm:s6], $0xF7A  }
0x23: {  	s9 =	sor.u32 $0xD0000000, s2;
	s6 =	simm.s32 $0x108;
	_ =	swait.ge @!p0 [sflag:s8], $0x0  }
0x24: {  	s3 =	sadd.s32 $0x88, s3;
	s6 =	simm.s32 @!p1 $0x1082;
	[sflag:s4] =	ssyncset.s32 $0xFFFFF086  }
0x25: {  	[simem:s6], [sflag:s4] =	dma.local [hbm:s3], $0xF7A  }
0x26: {  	[smem:$0x3F7A] =	sst s1;
	(tag) =	ssettag s2;
	_ =	strace s9  }
0x27: {  	s1 =	sld [smem:$0x3F8A]  }
0x28: {  	s2 =	sld [smem:$0x3F8B]  }
0x29: {  	s4 =	sld [smem:$0x3F8D]  }
0x2a: {  	p0 =	seq.s32 s5, $0x0;
	s5 =	sld [smem:$0x3F8E]  }
0x2b: {  	s6 =	sld [smem:$0x3F8F]  }
0x2c: {  	s7 =	sld [smem:$0x3F90]  }
0x2d: {  	s3 =	simm.s32 $0x108;
	s8 =	sld [smem:$0x3F91]  }
0x2e: {  	s3 =	simm.s32 @!p0 $0x1082;
	s9 =	sld [smem:$0x3F92]  }
0x2f: {  	lr =	sadd.s32 s0, s3;
	s0 =	sld [smem:$0x3F89]  }
0x30: {  	s3 =	sld [smem:$0x3F8C]  }
0x31: {  	[smem:$0x3F95] =	sst s10  }
0x32: {  	s10 =	sld [smem:$0x3F93];
	_ =	sdelay $0x3  }
0x33: {  	p0 =	seq.s32 s10, $0x1;
	s10 =	sld [smem:$0x3F95];
	_ =	sdelay $0x3  }
0x34: {  	[smem:$0x3F95] =	sst s10  }
0x35: {  	s10 =	sld [smem:$0x3F94];
	_ =	sdelay $0x3  }
0x36: {  	p1 =	seq.s32 s10, $0x1;
	s10 =	sld [smem:$0x3F95];
	_ =	sdelay $0x3  }
0x37: {  	[smem:$0x3F95] =	sst s10  }
0x38: {  	s10 =	sld [smem:$0x3F96]  }
0x39: {  	_ = 	snop;
	(pc) =	sbr.ind lr, $3  }
0x3a: {  	_ = 	snop  }
0x3b: {  	_ = 	snop  }
0x3c: {  	p2 =	seq.s32 s10, $0x1;
	s10 =	sld [smem:$0x3F95]  }
0x3d: {  	_ =	shalt  }
0x3e: {  	_ =	shalt  }
0x3f: {  	_ =	shalt  }
0x40: {  	_ =	shalt  }
0x41: {  	_ =	shalt  }
0x42: {  	_ =	shalt  }
0x43: {  	_ =	shalt  }
0x44: {  	_ =	shalt  }
0x45: {  	_ =	shalt  }
0x46: {  	_ =	shalt  }
0x47: {  	_ =	shalt  }
0x48: {  	_ =	shalt  }
0x49: {  	_ =	shalt  }
0x4a: {  	_ =	shalt  }
0x4b: {  	_ =	shalt  }
0x4c: {  	_ =	shalt  }
0x4d: {  	_ =	shalt  }
0x4e: {  	_ =	shalt  }
0x4f: {  	_ =	shalt  }
0x50: {  	_ =	shalt  }
0x51: {  	_ =	shalt  }
0x52: {  	_ =	shalt  }
0x53: {  	_ =	shalt  }
0x54: {  	_ =	shalt  }
0x55: {  	_ =	shalt  }
0x56: {  	_ =	shalt  }
0x57: {  	_ =	shalt  }
0x58: {  	_ =	shalt  }
0x59: {  	_ =	shalt  }
0x5a: {  	_ =	shalt  }
0x5b: {  	_ =	shalt  }
0x5c: {  	_ =	shalt  }
0x5d: {  	_ =	shalt  }
0x5e: {  	_ =	shalt  }
0x5f: {  	_ =	shalt  }
0x60: {  	_ =	shalt  }
0x61: {  	_ =	shalt  }
0x62: {  	_ =	shalt  }
0x63: {  	_ =	shalt  }
0x64: {  	_ =	shalt  }
0x65: {  	_ =	shalt  }
0x66: {  	_ =	shalt  }
0x67: {  	_ =	shalt  }
0x68: {  	_ =	shalt  }
0x69: {  	_ =	shalt  }
0x6a: {  	_ =	shalt  }
0x6b: {  	_ =	shalt  }
0x6c: {  	_ =	shalt  }
0x6d: {  	_ =	shalt  }
0x6e: {  	_ =	shalt  }
0x6f: {  	_ =	shalt  }
0x70: {  	_ =	shalt  }
0x71: {  	_ =	shalt  }
0x72: {  	_ =	shalt  }
0x73: {  	_ =	shalt  }
0x74: {  	_ =	shalt  }
0x75: {  	_ =	shalt  }
0x76: {  	_ =	shalt  }
0x77: {  	_ =	shalt  }
0x78: {  	_ =	shalt  }
0x79: {  	_ =	shalt  }
0x7a: {  	_ =	shalt  }
0x7b: {  	_ =	shalt  }
0x7c: {  	_ =	shalt  }
0x7d: {  	_ =	shalt  }
0x7e: {  	_ =	shalt  }
0x7f: {  	_ =	shalt  }
0x80: {  	_ =	shalt  }
0x81: {  	_ =	shalt  }
0x82: {  	_ =	shalt  }
0x83: {  	_ =	shalt  }
0x84: {  	_ =	shalt  }
0x85: {  	_ =	shalt  }
0x86: {  	_ =	shalt  }
0x87: {  	_ =	shalt  }
.Lfunc_end0:
.L_simem_size_0:
called_computation.2_lowered:
.L_overlay_start_0:
0x88: {  	s2 =	sld [smem:$0x3FD9]  }
0x89: {  	s3 =	sld [smem:$0x3FFE];
	_ =	sdelay $0x1  }
0x8a: {  	s1 =	srdreg.scid  }
0x8b: {  	s0 =	sand.u32 $0x1, s1  }
0x8c: {  	s17 =	sshll.u32 s0, $0xA;
	s2 =	sadd.s32 s3, s2  }
0x8d: {  	s2 =	sadd.s32 s2, s17  }
0x8e: {  	[smem:$0x3FA1] =	sst s2  }
0x8f: {  	_ = 	snop  }
0x90: {  	(tm) =	ssettm $0x1  }
0x91: {  	s18 =	sld [smem:$0x3FFB];
	_ =	sdelay $0x3  }
0x92: {  	_ =	strace s18  }
0x93: {  	s2 =	sld [smem:$0x3FFC];
	_ =	sdelay $0x3  }
0x94: {  	_ =	strace s2  }
0x95: {  	s2 =	sld [smem:$0x3FFD];
	_ =	sdelay $0x3  }
0x96: {  	_ =	strace s2  }
0x97: {  	_ =	strace $0x8FFFFFFF  }
0x98: {  	s19 =	sld [smem:$0x3FDB];
	_ =	sdelay $0x1  }
0x99: {  	s20 =	simm.s32 $_scs_section_size  }
0x9a: {  	s4 =	simm.s32 $_size__tile_overlayer_lowered;
	s5 =	simm.s32 $_tile_overlayer_lowered  }
0x9b: {  	s6 =	simm.s32 $0x1BFF;
	s21 =	sshll.u32 s5, $0x1;
	s3 =	sadd.s32 s20, s19  }
0x9c: {  	s22 =	simm.s32 $0x0;
	s4 =	sshll.u32 s4, $0x1;
	s5 =	sadd.s32 s21, s3  }
0x9d: {  	[timem:s22], [sflag:s6] =	dma.local [hbm:s5], s4  }
0x9e: {  	_ =	swait.ge [sflag:s6], s4  }
0x9f: {  	s4 =	ssub.s32 $0x0, s4;
	[sflag:s6] =	ssyncset.done $0x0  }
0xa0: {  	[sflag:s6] =	ssyncadd.s32 s4;
	_ =	sdelay $0x1  }
0xa1: {  	s23 =	simm.s32 $0x1B8B  }
0xa2: {  	_ =	swait.ge [sflag:s23], $0x1  }
0xa3: {  	[sflag:s23] =	ssyncset.done $0x0  }
0xa4: {  	[sflag:s23] =	ssyncadd.s32 $0xFFFFFFFF  }
0xa5: {  	s4 =	sld [smem:$0x0]  }
0xa6: {  	s5 =	sand.u32 $0xFFFFFFFE, s1  }
0xa7: {  	p0 =	sne.s32 s1, s5  }
0xa8: {  	s5 =	sshll.u32 @p0 s5, $0xE  }
0xa9: {  	s5 =	sadd.s32 @p0 $0x11B8D, s5;
	s6 =	sshll.u32 @p0 s4, $0x11  }
0xaa: {  	s5 =	sor.u32 @p0 s6, s5  }
0xab: {  	[sflag:s5] =	ssyncadd.remote.s32 @p0 $0x1;
	_ =	sdelay $0x1  }
0xac: {  	s5 =	simm.s32 @p0 $0x1B8D  }
0xad: {  	_ =	swait.eq @p0 [sflag:s5], $0x1  }
0xae: {  	[sflag:s5] =	ssyncadd.s32 @p0 $0xFFFFFFFF  }
0xaf: {  	s6 =	sshll.u32 @!p0 s1, $0xE  }
0xb0: {  	s6 =	sor.u32 @!p0 $0x4000, s6;
	s5 =	simm.s32 @!p0 $0x1B8D  }
0xb1: {  	s4 =	sshll.u32 @!p0 s4, $0x11;
	s6 =	sadd.s32 @!p0 $0x11B8D, s6;
	_ =	swait.eq @!p0 [sflag:s5], $0x1  }
0xb2: {  	s4 =	sor.u32 @!p0 s4, s6;
	[sflag:s5] =	ssyncadd.s32 @!p0 $0xFFFFFFFF  }
0xb3: {  	s25 =	simm.s32 $0x1B8E;
	s24 =	sld [smem:$0x3FFE];
	[sflag:s4] =	ssyncadd.remote.s32 @!p0 $0x1  }
0xb4: {  	s26 =	simm.s32 $execute0_lowered;
	[smem:$0x3FD2] =	sst s25  }
0xb5: {  	s5 =	sshll.u32 s26, $0x1;
	_ =	strace $0x8000004F;
	[dreg:$0x1] =	wrdreg $0xFFFFFFFF  }
0xb6: {  	s28 =	simm.s32 $_size_execute0_lowered;
	s3 =	sadd.s32 s3, s5;
	[dreg:$0x0] =	wrdreg $0x0  }
0xb7: {  	s5 =	sshll.u32 s28, $0x1;
	[dreg:$0x2] =	wrdreg s3  }
0xb8: {  	[dreg:$0x3] =	wrdreg s5  }
0xb9: {  	[dreg:$0x4] =	wrdreg $0xC0  }
0xba: {  	_ =	task [dreg:s22], $0x5FFFF  }
0xbb: {  	[dreg:$0x1] =	wrdreg $0xFFFFFFFF  }
0xbc: {  	[dreg:$0x0] =	wrdreg $0x60  }
0xbd: {  	[dreg:$0x2] =	wrdreg s24  }
0xbe: {  	[dreg:$0x3] =	wrdreg $0x97000  }
0xbf: {  	[dreg:$0x4] =	wrdreg $0x1D7000  }
0xc0: {  	[dreg:$0x5] =	wrdreg $0x9  }
0xc1: {  	_ =	task.clear_ibuf [dreg:s22], $0x6FFFF;
	_ =	strace $0x9000004F  }
0xc2: {  	s29 =	simm.s32 $0x9;
	_ =	strace $0x80000051  }
0xc3: {  	_ =	swait.ge [sflag:s29], $0x1  }
0xc4: {  	[sflag:s29] =	ssyncadd.s32 $0xFFFFFFFF  }
0xc5: {  	_ =	strace $0x90000051  }
0xc6: {  	_ =	sfence  }
0xc7: {  	s30 =	sld [smem:$0x0];
	_ =	sdelay $0x2  }
0xc8: {  	s31 =	sshll.u32 s1, $0xD;
	s1 =	sshrl.u32 s1, $0x2  }
0xc9: {  	s4 =	sand.u32 $0x4000, s31;
	s1 =	sadd.s32 s1, s30  }
0xca: {  	s0 =	sor.u32 s4, s0;
	s1 =	sshll.u32 s1, $0x11  }
0xcb: {  	s0 =	sor.u32 s1, s0  }
0xcc: {  	s0 =	sadd.s32 $0x8F2B, s0  }
0xcd: {  	[sflag:s0] =	ssyncadd.remote.s32 $0x1  }
0xce: {  	_ =	sfence.sel $0xFFFF  }
0xcf: {  	[dreg:$0x0] =	wrdreg $0xFFFFFFFF;
	(pc) =	sbr.abs _section_cstart, $3  }
0xd0: {  	[dreg:$0x1] =	wrdreg $0xFFFFFFFF  }
0xd1: {  	_ =	task.clear_ibuf [dreg:s22], $0x2FFFF;
	_ =	strace $0x9FFFFFFF  }
0xd2: {  	(tm) =	ssettm $0x7FFFFFFF  }
0xd3: {  	_ =	shalt  }
tec
execute0_lowered:
.L_overlay_start_1:
0x0: {  	(tag) =	ssettag $0x1  }
0x1: {  	s0 =	rddreg [dreg:$0x0]  }
0x2: {  	s2 =	rddreg [dreg:$0x1]  }
0x3: {  	s1 =	srdreg.scid;
	s16 =	stileid.u32  }
0x4: {  	s3 =	rddreg [dreg:$0x2];
	s4 =	simm.s32 $0x0;
	s9 =	smul.u32 $0x50000, s16  }
0x5: {  	s28 =	simm.s32 $0x5;
	s29 =	simm.s32 $0x2;
	s12 =	smul.u32 $0xA00, s16  }
0x6: {  	s30 =	simm.s32 $0x4;
	s1 =	sand.u32 $0x1, s1;
	s15 =	smul.u32 $0x50, s16  }
0x7: {  	s5 =	sshll.u32 s16, $0x1;
	[smem:$0x7FF] =	sst s4;
	s26 =	smul.u32 $0x2800, s16  }
0x8: {  	s8 =	sadd.s32 $0x7E8400, s0;
	s6 =	sor.u32 s1, s5;
	s7 =	smul.u32 $0x28000, s1  }
0x9: {  	s17 =	sshll.u32 s1, $0x4;
	s10 =	ssub.s32 $0x2, s1;
	s1 =	smul.u32 $0x28, s1  }
0xa: {  	s31 =	simm.s32 $0x6;
	_ =	strace $0x80000050;
	s5 =	smul.u32 $0x280, s6  }
0xb: {  	s18 =	sshrl.u32 s9, $0x2;
	s19 =	sshrl.u32 s10, $0x1;
	s6 =	smul.u32 $0x14000, s6  }
0xc: {  	s24 =	sshrl.u32 s12, $0x2;
	s7 =	sadd.s32 s7, s0;
	s14 =	ssub.s32 s10, s19  }
0xd: {  	s10 =	sadd.s32 s24, s3;
	s1 =	sadd.s32 s1, s15;
	s19 =	smul.u32 $0xA0, s16  }
0xe: {  	s11 =	sadd.s32 s5, s0;
	s0 =	sadd.s32 s17, s0;
	s5 =	sadd.s32 s18, s2  }
0xf: {  	s12 =	sadd.s32 s8, s6;
	s25 =	sadd.s32 $0xAE400, s7;
	s1 =	sshll.u32 s1, $0xB  }
0x10: {  	s14 =	smax.u32 s14, $0x1;
	s17 =	simm.s32 $0x1400;
	s20 =	sadd.s32 $0x4000, s5  }
0x11: {  	s18 =	simm.s32 $0x7;
	s21 =	sadd.s32 $0x8000, s5;
	[dreg:$0x4] =	wrdreg s20  }
0x12: {  	s22 =	sadd.s32 $0xC000, s5;
	s23 =	sadd.s32 $0x10000, s5;
	[dreg:$0x5] =	wrdreg s21  }
0x13: {  	s11 =	sadd.s32 $0x2E3400, s11;
	s13 =	sadd.s32 $0x800, s12;
	[dreg:$0x6] =	wrdreg s22  }
0x14: {  	s0 =	sadd.s32 $0x9400, s0;
	s1 =	sadd.s32 s1, s8;
	[dreg:$0x7] =	wrdreg s23  }
0x15: {  	s15 =	sadd.s32 $0x1800, s1;
	s16 =	sadd.s32 $0x1000, s1;
	s20 =	simm.s32 $0x5400  }
0x16: {  	s21 =	simm.s32 $0x1;
	s22 =	sadd.s32 s26, s25;
	s23 =	simm.s32 $0x80  }
0x17: {  	s24 =	sadd.s32 s19, s0;
	s25 =	simm.s32 $0x9680;
	s26 =	simm.s32 $0x3  }
0x18: {  	v0 =	vimm.f32 $0.0e+00;
	v1 =	vimm.f32 $1.000000000e+00;
	s1 =	simm.s32 $0x1300;
	s19 =	simm.s32 $0x1380;
	s0 =	simm.s32 $0x0  }
.LBB2_1:
0x19: {  	s6 =	sand.u32 $0xFE00, s4  }
0x1a: {  	s7 =	sand.u32 $0x70, s4;
	s8 =	sshrl.u32 s6, $0x2  }
0x1b: {  	s6 =	simm.s32 $0x40;
	s8 =	sor.u32 s7, s8;
	s7 =	simm.s32 $0x0  }
.LBB2_2:
0x1c: {  	p0 =	sne.s32 s6, $0xFFC0  }
0x1d: {  	[tilespmem:s8+$0x1400] =	vst v0;
	s7 =	sadd.s32 $0x10, s7;
	s8 =	smov.u32 s6;
	s6 =	sadd.s32 $0x40, s6  }
.Ltmp0:
0x1e: {  	(pc) =	sbr.rel @p0 .LBB2_2-.Ltmp0, $4  }
0x1f: {  	_ = 	snop  }
0x20: {  	s8 =	sand.u32 $0xFE00, s8  }
0x21: {  	s9 =	sand.u32 $0x70, s7;
	s8 =	sshrl.u32 s8, $0x2  }
0x22: {  	s8 =	sor.u32 s9, s8  }
0x23: {  	[tilespmem:s8+$0x1400] =	vst v0  }
0x24: {  	[tilespmem:$0x9400] =	vst v0  }
0x25: {  	[tilespmem:$0x9410] =	vst v0  }
0x26: {  	[tilespmem:$0x9420] =	vst v0  }
0x27: {  	[tilespmem:$0x9430] =	vst v0  }
0x28: {  	[tilespmem:$0x9440] =	vst v0  }
0x29: {  	[tilespmem:$0x9450] =	vst v0  }
0x2a: {  	[tilespmem:$0x9460] =	vst v0  }
0x2b: {  	[tilespmem:$0x9470] =	vst v0  }
0x2c: {  	[tilespmem:$0x9480] =	vst v0  }
0x2d: {  	[tilespmem:$0x9490] =	vst v0  }
0x2e: {  	[tilespmem:$0x94A0] =	vst v0  }
0x2f: {  	[tilespmem:$0x94B0] =	vst v0  }
0x30: {  	[tilespmem:$0x94C0] =	vst v0  }
0x31: {  	[tilespmem:$0x94D0] =	vst v0  }
0x32: {  	[tilespmem:$0x94E0] =	vst v0  }
0x33: {  	[tilespmem:$0x94F0] =	vst v0  }
0x34: {  	[tilespmem:$0x9500] =	vst v0  }
0x35: {  	[tilespmem:$0x9510] =	vst v0  }
0x36: {  	[tilespmem:$0x9520] =	vst v0  }
0x37: {  	[tilespmem:$0x9530] =	vst v0  }
0x38: {  	[tilespmem:$0x9540] =	vst v0  }
0x39: {  	[tilespmem:$0x9550] =	vst v0  }
0x3a: {  	[tilespmem:$0x9560] =	vst v0  }
0x3b: {  	[tilespmem:$0x9570] =	vst v0  }
0x3c: {  	[tilespmem:$0x9580] =	vst v0  }
0x3d: {  	[tilespmem:$0x9590] =	vst v0  }
0x3e: {  	[tilespmem:$0x95A0] =	vst v0  }
0x3f: {  	[tilespmem:$0x95B0] =	vst v0  }
0x40: {  	[tilespmem:$0x95C0] =	vst v0  }
0x41: {  	[tilespmem:$0x95D0] =	vst v0  }
0x42: {  	[tilespmem:$0x95E0] =	vst v0  }
0x43: {  	[tilespmem:$0x95F0] =	vst v0  }
0x44: {  	[tilespmem:$0x9600] =	vst v0  }
0x45: {  	[tilespmem:$0x9610] =	vst v0  }
0x46: {  	[tilespmem:$0x9620] =	vst v0  }
0x47: {  	[tilespmem:$0x9630] =	vst v0  }
0x48: {  	[tilespmem:$0x9640] =	vst v0  }
0x49: {  	[tilespmem:$0x9650] =	vst v0  }
0x4a: {  	[tilespmem:$0x9660] =	vst v0  }
0x4b: {  	[tilespmem:$0x9670] =	vst v0  }
0x4c: {  	[tilespmem:$0x9680] =	vst v1  }
0x4d: {  	[tilespmem:$0x9690] =	vst v1  }
0x4e: {  	[tilespmem:$0x96A0] =	vst v1  }
0x4f: {  	[tilespmem:$0x96B0] =	vst v1  }
0x50: {  	[tilespmem:$0x96C0] =	vst v1  }
0x51: {  	[tilespmem:$0x96D0] =	vst v1  }
0x52: {  	[tilespmem:$0x96E0] =	vst v1  }
0x53: {  	[tilespmem:$0x96F0] =	vst v1  }
0x54: {  	[spmem:s5] =	stream.linear.scatter [tilespmem:s17], [sflag:$0x7], $0x4000, $0x38;
	[tilespmem:$0x1D980] =	vst v63  }
0x55: {  	_ =	swait.ge [sflag:s18], $0x4000  }
0x56: {  	[sflag:s18] =	ssyncset.done $0x0  }
0x57: {  	s6 =	rddreg [dreg:$0x4];
	[sflag:s18] =	ssyncadd.s32 $0xFFFFC000  }
0x58: {  	[spmem:s6] =	stream.linear.scatter [tilespmem:s17], [sflag:$0x7], $0x4000, $0x38;
	[tilespmem:$0x1D980] =	vst v63  }
0x59: {  	_ =	swait.ge [sflag:s18], $0x4000  }
0x5a: {  	[sflag:s18] =	ssyncset.done $0x0  }
0x5b: {  	s8 =	rddreg [dreg:$0x5];
	[sflag:s18] =	ssyncadd.s32 $0xFFFFC000  }
0x5c: {  	[spmem:s8] =	stream.linear.scatter [tilespmem:s17], [sflag:$0x7], $0x4000, $0x38;
	[tilespmem:$0x1D980] =	vst v63  }
0x5d: {  	_ =	swait.ge [sflag:s18], $0x4000  }
0x5e: {  	[sflag:s18] =	ssyncset.done $0x0  }
0x5f: {  	s9 =	rddreg [dreg:$0x6];
	[sflag:s18] =	ssyncadd.s32 $0xFFFFC000  }
0x60: {  	[spmem:s9] =	stream.linear.scatter [tilespmem:s17], [sflag:$0x7], $0x4000, $0x38;
	[tilespmem:$0x1D980] =	vst v63  }
0x61: {  	_ =	swait.ge [sflag:s18], $0x4000  }
0x62: {  	[sflag:s18] =	ssyncset.done $0x0  }
0x63: {  	s7 =	rddreg [dreg:$0x7];
	[sflag:s18] =	ssyncadd.s32 $0xFFFFC000  }
0x64: {  	[spmem:s7] =	stream.linear.scatter [tilespmem:s17], [sflag:$0x7], $0x4000, $0x38;
	[tilespmem:$0x1D980] =	vst v63  }
0x65: {  	_ =	swait.ge [sflag:s18], $0x4000  }
0x66: {  	[sflag:s18] =	ssyncset.done $0x0  }
0x67: {  	s8 =	simm.s32 $0x9400;
	[sflag:s18] =	ssyncadd.s32 $0xFFFFC000  }
0x68: {  	[spmem:s10] =	stream.linear.scatter [tilespmem:s8], [sflag:$0x7], $0x280, $0x38;
	[tilespmem:$0x1D980] =	vst v63  }
0x69: {  	_ =	swait.ge [sflag:s18], $0x280  }
0x6a: {  	[sflag:s18] =	ssyncset.done $0x0  }
0x6b: {  	s9 =	simm.s32 $0x0;
	[sflag:s18] =	ssyncadd.s32 $0xFFFFFD80  }
0x6c: {  	[tilespmem:s9], [sflag:$0x7] =	stream.linear.gather [hbm4b:s11+s9], $0x1400, $0x38;
	[tilespmem:$0x1D980] =	vst v63  }
0x6d: {  	_ =	swait.ge [sflag:s18], $0x1400  }
0x6e: {  	[sflag:s18] =	ssyncset.done $0x0  }
0x6f: {  	[sflag:s18] =	ssyncadd.s32 $0xFFFFEC00  }
0x70: {  	[bflag:$0x0] =	sbarrier.arrive $0xFFFF  }
0x71: {  	[tilespmem:s17], [sflag:$0x1] =	stream.linear.gather [hbm4b:s12+s9], $0x4000, $0x38;
	[tilespmem:$0x1D980] =	vst v63  }
0x72: {  	_ = 	snop  }
0x73: {  	[tilespmem:s20], [sflag:$0x2] =	stream.linear.gather [hbm4b:s13+s9], $0x4000, $0x38;
	[tilespmem:$0x1D980] =	vst v63  }
0x74: {  	_ =	swait.ge [sflag:s21], $0x4000  }
0x75: {  	[sflag:s21] =	ssyncset.done $0x0  }
0x76: {  	s7 =	simm.s32 $0x0;
	[sflag:s21] =	ssyncadd.s32 $0xFFFFC000  }
0x77: {  	[spmem:s2] =	stream.indirect.scatter.add.f32 [tilespmem:s17], [sflag:$0x3], $0x80, s7, s23, $0xb8;
	[tilespmem:$0x1D980] =	vst v63  }
0x78: {  	_ = 	snop  }
0x79: {  	[spmem:s3] =	stream.indirect.scatter.add.f32 [tilespmem:s25], [sflag:$0x5], $0x1, s7, s23, $0xb8;
	[tilespmem:$0x1D980] =	vst v63  }
0x7a: {  	_ =	swait.ge [sflag:s26], $0x4000  }
0x7b: {  	[sflag:s26] =	ssyncset.done $0x0  }
0x7c: {  	[sflag:s26] =	ssyncadd.s32 $0xFFFFC000  }
0x7d: {  	_ =	swait.ge [sflag:s28], $0x80  }
0x7e: {  	[sflag:s28] =	ssyncset.done $0x0  }
0x7f: {  	s8 =	sadd.s32 $0x0, s16;
	[sflag:s28] =	ssyncadd.s32 $0xFFFFFF80  }
0x80: {  	[tilespmem:s17], [sflag:$0x1] =	stream.linear.gather [hbm4b:s8+s4], $0x4000, $0x38;
	[tilespmem:$0x1D980] =	vst v63  }
0x81: {  	_ =	swait.ge [sflag:s29], $0x4000  }
0x82: {  	[sflag:s29] =	ssyncset.done $0x0  }
0x83: {  	s9 =	simm.s32 $0x80;
	[sflag:s29] =	ssyncadd.s32 $0xFFFFC000  }
0x84: {  	[spmem:s2] =	stream.indirect.scatter.add.f32 [tilespmem:s20], [sflag:$0x4], $0x80, s9, s23, $0xb8;
	[tilespmem:$0x1D980] =	vst v63  }
0x85: {  	_ = 	snop  }
0x86: {  	[spmem:s3] =	stream.indirect.scatter.add.f32 [tilespmem:s25], [sflag:$0x6], $0x1, s9, s23, $0xb8;
	[tilespmem:$0x1D980] =	vst v63  }
0x87: {  	_ =	swait.ge [sflag:s30], $0x4000  }
0x88: {  	[sflag:s30] =	ssyncset.done $0x0  }
0x89: {  	[sflag:s30] =	ssyncadd.s32 $0xFFFFC000  }
0x8a: {  	_ =	swait.ge [sflag:s31], $0x80  }
0x8b: {  	s6 =	simm.s32 $0x1000;
	[sflag:s31] =	ssyncset.done $0x0  }
0x8c: {  	s7 =	simm.s32 $0x180;
	s8 =	sadd.s32 $0x0, s15;
	[sflag:s31] =	ssyncadd.s32 $0xFFFFFF80  }
.LBB2_4:
0x8d: {  	[tilespmem:s20], [sflag:$0x2] =	stream.linear.gather [hbm4b:s8+s4], $0x4000, $0x38;
	[tilespmem:$0x1D980] =	vst v63  }
0x8e: {  	s8 =	smov.u32 s6  }
0x8f: {  	p0 =	sne.s32 s6, $0x12000;
	s6 =	sadd.s32 $0x1000, s6;
	_ =	swait.ge [sflag:s21], $0x4000  }
0x90: {  	[sflag:s21] =	ssyncset.done $0x0  }
0x91: {  	s9 =	sadd.s32 $0xFFFFFF80, s7;
	[sflag:s21] =	ssyncadd.s32 $0xFFFFC000  }
0x92: {  	[spmem:s2] =	stream.indirect.scatter.add.f32 [tilespmem:s17], [sflag:$0x3], $0x80, s9, s23, $0xb8;
	[tilespmem:$0x1D980] =	vst v63  }
0x93: {  	_ = 	snop  }
0x94: {  	[spmem:s3] =	stream.indirect.scatter.add.f32 [tilespmem:s25], [sflag:$0x5], $0x1, s9, s23, $0xb8;
	[tilespmem:$0x1D980] =	vst v63  }
0x95: {  	_ =	swait.ge [sflag:s26], $0x4000  }
0x96: {  	[sflag:s26] =	ssyncset.done $0x0  }
0x97: {  	[sflag:s26] =	ssyncadd.s32 $0xFFFFC000  }
0x98: {  	_ =	swait.ge [sflag:s28], $0x80  }
0x99: {  	[sflag:s28] =	ssyncset.done $0x0  }
0x9a: {  	s9 =	sadd.s32 s8, s16;
	[sflag:s28] =	ssyncadd.s32 $0xFFFFFF80  }
0x9b: {  	[tilespmem:s17], [sflag:$0x1] =	stream.linear.gather [hbm4b:s9+s4], $0x4000, $0x38;
	[tilespmem:$0x1D980] =	vst v63  }
0x9c: {  	_ =	swait.ge [sflag:s29], $0x4000  }
0x9d: {  	[sflag:s29] =	ssyncset.done $0x0  }
0x9e: {  	[sflag:s29] =	ssyncadd.s32 $0xFFFFC000  }
0x9f: {  	[spmem:s2] =	stream.indirect.scatter.add.f32 [tilespmem:s20], [sflag:$0x4], $0x80, s7, s23, $0xb8;
	[tilespmem:$0x1D980] =	vst v63  }
0xa0: {  	_ = 	snop  }
0xa1: {  	[spmem:s3] =	stream.indirect.scatter.add.f32 [tilespmem:s25], [sflag:$0x6], $0x1, s7, s23, $0xb8;
	[tilespmem:$0x1D980] =	vst v63  }
0xa2: {  	_ =	swait.ge [sflag:s30], $0x4000  }
.Ltmp1:
0xa3: {  	[sflag:s30] =	ssyncset.done $0x0;
	(pc) =	sbr.rel @p0 .LBB2_4-.Ltmp1, $4  }
0xa4: {  	[sflag:s30] =	ssyncadd.s32 $0xFFFFC000  }
0xa5: {  	_ =	swait.ge [sflag:s31], $0x80  }
0xa6: {  	[sflag:s31] =	ssyncset.done $0x0  }
0xa7: {  	s8 =	sadd.s32 s8, s15;
	s7 =	sadd.s32 $0x100, s7;
	[sflag:s31] =	ssyncadd.s32 $0xFFFFFF80  }
0xa8: {  	[tilespmem:s20], [sflag:$0x2] =	stream.linear.gather [hbm4b:s8+s4], $0x4000, $0x38;
	[tilespmem:$0x1D980] =	vst v63  }
0xa9: {  	_ =	swait.ge [sflag:s21], $0x4000  }
0xaa: {  	[sflag:s21] =	ssyncset.done $0x0  }
0xab: {  	[sflag:s21] =	ssyncadd.s32 $0xFFFFC000  }
0xac: {  	[spmem:s2] =	stream.indirect.scatter.add.f32 [tilespmem:s17], [sflag:$0x3], $0x80, s1, s23, $0xb8;
	[tilespmem:$0x1D980] =	vst v63  }
0xad: {  	_ = 	snop  }
0xae: {  	[spmem:s3] =	stream.indirect.scatter.add.f32 [tilespmem:s25], [sflag:$0x5], $0x1, s1, s23, $0xb8;
	[tilespmem:$0x1D980] =	vst v63  }
0xaf: {  	_ =	swait.ge [sflag:s26], $0x4000  }
0xb0: {  	[sflag:s26] =	ssyncset.done $0x0  }
0xb1: {  	[sflag:s26] =	ssyncadd.s32 $0xFFFFC000  }
0xb2: {  	_ =	swait.ge [sflag:s28], $0x80  }
0xb3: {  	[sflag:s28] =	ssyncset.done $0x0  }
0xb4: {  	[sflag:s28] =	ssyncadd.s32 $0xFFFFFF80  }
0xb5: {  	_ =	swait.ge [sflag:s29], $0x4000  }
0xb6: {  	[sflag:s29] =	ssyncset.done $0x0  }
0xb7: {  	[sflag:s29] =	ssyncadd.s32 $0xFFFFC000  }
0xb8: {  	[spmem:s2] =	stream.indirect.scatter.add.f32 [tilespmem:s20], [sflag:$0x4], $0x80, s19, s23, $0xb8;
	[tilespmem:$0x1D980] =	vst v63  }
0xb9: {  	_ = 	snop  }
0xba: {  	[spmem:s3] =	stream.indirect.scatter.add.f32 [tilespmem:s25], [sflag:$0x6], $0x1, s19, s23, $0xb8;
	[tilespmem:$0x1D980] =	vst v63  }
0xbb: {  	_ =	swait.ge [sflag:s30], $0x4000  }
0xbc: {  	[sflag:s30] =	ssyncset.done $0x0  }
0xbd: {  	[sflag:s30] =	ssyncadd.s32 $0xFFFFC000  }
0xbe: {  	_ =	swait.ge [sflag:s31], $0x80  }
0xbf: {  	s6 =	stileid.u32;
	[sflag:s31] =	ssyncset.done $0x0  }
0xc0: {  	s6 =	sshll.u32 s6, $0x6;
	[sflag:s31] =	ssyncadd.s32 $0xFFFFFF80  }
0xc1: {  	s7 =	sshrl.u32 s5, $0x3;
	s6 =	sor.u32 $0x1C07, s6;
	[bflag:$0x0] =	sbarrier.arrive $0xFFFF  }
0xc2: {  	[hbm:s22], [sflag:s6] =	dma.local [spmem:s7], $0x2800  }
0xc3: {  	s8 =	simm.s32 $0x20;
	s0 =	sadd.s32 $0x1, s0;
	_ =	swait.ge [sflag:s18], $0x2800  }
0xc4: {  	s9 =	simm.s32 $0x10;
	p0 =	sne.s32 s0, s14;
	[sflag:s18] =	ssyncset.done $0x0  }
.Ltmp2:
0xc5: {  	s7 =	sshrl.u32 s10, $0x3;
	[sflag:s18] =	ssyncadd.s32 $0xFFFFD800;
	(pc) =	sbr.rel @p0 .LBB2_1-.Ltmp2, $4  }
0xc6: {  	[hbm:s24@s8], [sflag:s6] =	dma.strided [spmem:s7@s9], $0x50, s21, $0x10   }
0xc7: {  	_ =	swait.ge [sflag:s18], $0x50  }
0xc8: {  	[sflag:s18] =	ssyncset.done $0x0  }
0xc9: {  	[sflag:s18] =	ssyncadd.s32 $0xFFFFFFB0  }
0xca: {  	_ =	sfence.sel $0x180000  }
0xcb: {  	[bflag:$0x0] =	sbarrier.arrive $0xFFFF  }
0xcc: {  	_ =	strace $0x90000050  }
0xcd: {  	s0 =	stileid.u32;
	[bflag:$0x2] =	sbarrier.arrive $0xFFFF  }
0xce: {  	p0 =	sne.s32 s0, $0x0;
	s0 =	rddreg [dreg:$0x3]  }
0xcf: {  	s0 =	sadd.s32 @!p0 $0x100000, s0  }
0xd0: {  	[sflag:s0] =	ssyncadd.tile.s32 @!p0 $0x1;
	_ =	shalt  }
.Lfunc_end2:
_tile_overlayer_lowered:
.L_overlay_start_2:
0xd1: {  	(tag) =	ssettag $0x2  }
0xd2: {  	s0 =	rddreg [dreg:$0x0];
	s2 =	stileid.u32  }
0xd3: {  	s1 =	rddreg [dreg:$0x1];
	p0 =	sne.s32 s2, $0x0  }
0xd4: {  	s3 =	rddreg [dreg:$0x2];
	[bflag:$0x3] =	sbarrier.arrive $0xFFFF;
	s2 =	simm.s32 @!p0 $0x1C07  }
0xd5: {  	[timem:s3], [sflag:s2] =	dma.local @!p0 [hbm:s0], s1  }
0xd6: {  	s0 =	simm.s32 @!p0 $0x7  }
0xd7: {  	_ =	swait.ge @!p0 [sflag:s0], s1  }
0xd8: {  	s1 =	ssub.s32 @!p0 $0x0, s1;
	[sflag:s0] =	ssyncset.done @!p0 $0x0  }
0xd9: {  	[sflag:s0] =	ssyncadd.s32 @!p0 s1  }
0xda: {  	[bflag:$0x3] =	sbarrier.arrive $0xFFFF  }
0xdb: {  	_ =	shalt  }

// kernel: kernel.19.cloned.1.call-start
scs
__scs_entry_jumppad:
0x0: {  	(pc) =	sbr.rel $0x88, $3  }
0x1: {  	(tag) =	ssettag $0x0;
	lr =	simm.s32 $0x1  }
0x2: {  	[smem:$0x3F7A] =	sst lr;
	_ =	strace $0xD0000000  }
0x3: {  	_ = 	snop  }
0x4: {  	_ = 	snop  }
0x5: {  	_ = 	snop  }
0x6: {  	_ = 	snop  }
0x7: {  	_ = 	snop  }
__scs_overlays_trampoline_lowered:
0x8: {  	[smem:$0x3F89] =	sst s0  }
0x9: {  	[smem:$0x3F8A] =	sst s1  }
0xa: {  	[smem:$0x3F8B] =	sst s2  }
0xb: {  	[smem:$0x3F8C] =	sst s3  }
0xc: {  	[smem:$0x3F8D] =	sst s4  }
0xd: {  	[smem:$0x3F8E] =	sst s5  }
0xe: {  	[smem:$0x3F8F] =	sst s6  }
0xf: {  	[smem:$0x3F90] =	sst s7  }
0x10: {  	[smem:$0x3F91] =	sst s8  }
0x11: {  	[smem:$0x3F92] =	sst s9;
	s0 =	simm.s32 @!p0 $0x0  }
0x12: {  	s1 =	sld [smem:$0x3F78];
	s0 =	simm.s32 @p0 $0x1  }
0x13: {  	[smem:$0x3F93] =	sst s0;
	s0 =	simm.s32 @!p1 $0x0  }
0x14: {  	s2 =	sld [smem:$0x3F77];
	s0 =	simm.s32 @p1 $0x1  }
0x15: {  	[smem:$0x3F94] =	sst s0;
	s0 =	simm.s32 @!p2 $0x0  }
0x16: {  	s3 =	sld [smem:$0x3FDB];
	s0 =	simm.s32 @p2 $0x1  }
0x17: {  	s4 =	simm.s32 $0x1BF5;
	[smem:$0x3F96] =	sst s0  }
0x18: {  	s0 =	sld [smem:$0x3F79];
	_ =	swait.ge [sflag:s4], $0x0  }
0x19: {  	s7 =	sld [smem:$0x3F7A]  }
0x1a: {  	s8 =	sadd.s32 $0xFFFFE003, lr  }
0x1b: {  	s9 =	sadd.s32 $0xFFFFFEF7, lr;
	s5 =	simm.s32 $0xFFFFFFFF;
	p2 =	slt.u32 s8, $0xFFFFF086  }
0x1c: {  	p1 =	slt.u32 s9, $0xF7A;
	s5 =	simm.s32 @!p2 $0x0  }
0x1d: {  	s5 =	simm.s32 @p1 $0x1;
	p0 =	seq.s32 s7, s2  }
0x1e: {  	s7 =	smul.u32 @!p0 $0xF7A, s2;
	p2 =	seq.s32 @!p0 s5, $0x0  }
0x1f: {  	s9 =	smul.u32 $0xF7A, s1;
	s8 =	simm.s32 @!p0 $0x1BF5;
	p2 =	por !p2, p0  }
0x20: {  	[sflag:s8] =	ssyncset.s32 @!p0 $0xFFFFF086;
	s6 =	sadd.s32 @!p0 s3, s7;
	s7 =	simm.s32 @!p0 $0x108  }
0x21: {  	s3 =	sadd.s32 s3, s9;
	s6 =	sadd.s32 @!p0 $0x88, s6;
	s7 =	simm.s32 @p2 $0x1082  }
0x22: {  	[simem:s7], [sflag:s8] =	dma.local @!p0 [hbm:s6], $0xF7A  }
0x23: {  	s9 =	sor.u32 $0xD0000000, s2;
	s6 =	simm.s32 $0x108;
	_ =	swait.ge @!p0 [sflag:s8], $0x0  }
0x24: {  	s3 =	sadd.s32 $0x88, s3;
	s6 =	simm.s32 @!p1 $0x1082;
	[sflag:s4] =	ssyncset.s32 $0xFFFFF086  }
0x25: {  	[simem:s6], [sflag:s4] =	dma.local [hbm:s3], $0xF7A  }
0x26: {  	[smem:$0x3F7A] =	sst s1;
	(tag) =	ssettag s2;
	_ =	strace s9  }
0x27: {  	s1 =	sld [smem:$0x3F8A]  }
0x28: {  	s2 =	sld [smem:$0x3F8B]  }
0x29: {  	s4 =	sld [smem:$0x3F8D]  }
0x2a: {  	p0 =	seq.s32 s5, $0x0;
	s5 =	sld [smem:$0x3F8E]  }
0x2b: {  	s6 =	sld [smem:$0x3F8F]  }
0x2c: {  	s7 =	sld [smem:$0x3F90]  }
0x2d: {  	s3 =	simm.s32 $0x108;
	s8 =	sld [smem:$0x3F91]  }
0x2e: {  	s3 =	simm.s32 @!p0 $0x1082;
	s9 =	sld [smem:$0x3F92]  }
0x2f: {  	lr =	sadd.s32 s0, s3;
	s0 =	sld [smem:$0x3F89]  }
0x30: {  	s3 =	sld [smem:$0x3F8C]  }
0x31: {  	[smem:$0x3F95] =	sst s10  }
0x32: {  	s10 =	sld [smem:$0x3F93];
	_ =	sdelay $0x3  }
0x33: {  	p0 =	seq.s32 s10, $0x1;
	s10 =	sld [smem:$0x3F95];
	_ =	sdelay $0x3  }
0x34: {  	[smem:$0x3F95] =	sst s10  }
0x35: {  	s10 =	sld [smem:$0x3F94];
	_ =	sdelay $0x3  }
0x36: {  	p1 =	seq.s32 s10, $0x1;
	s10 =	sld [smem:$0x3F95];
	_ =	sdelay $0x3  }
0x37: {  	[smem:$0x3F95] =	sst s10  }
0x38: {  	s10 =	sld [smem:$0x3F96]  }
0x39: {  	_ = 	snop;
	(pc) =	sbr.ind lr, $3  }
0x3a: {  	_ = 	snop  }
0x3b: {  	_ = 	snop  }
0x3c: {  	p2 =	seq.s32 s10, $0x1;
	s10 =	sld [smem:$0x3F95]  }
0x3d: {  	_ =	shalt  }
0x3e: {  	_ =	shalt  }
0x3f: {  	_ =	shalt  }
0x40: {  	_ =	shalt  }
0x41: {  	_ =	shalt  }
0x42: {  	_ =	shalt  }
0x43: {  	_ =	shalt  }
0x44: {  	_ =	shalt  }
0x45: {  	_ =	shalt  }
0x46: {  	_ =	shalt  }
0x47: {  	_ =	shalt  }
0x48: {  	_ =	shalt  }
0x49: {  	_ =	shalt  }
0x4a: {  	_ =	shalt  }
0x4b: {  	_ =	shalt  }
0x4c: {  	_ =	shalt  }
0x4d: {  	_ =	shalt  }
0x4e: {  	_ =	shalt  }
0x4f: {  	_ =	shalt  }
0x50: {  	_ =	shalt  }
0x51: {  	_ =	shalt  }
0x52: {  	_ =	shalt  }
0x53: {  	_ =	shalt  }
0x54: {  	_ =	shalt  }
0x55: {  	_ =	shalt  }
0x56: {  	_ =	shalt  }
0x57: {  	_ =	shalt  }
0x58: {  	_ =	shalt  }
0x59: {  	_ =	shalt  }
0x5a: {  	_ =	shalt  }
0x5b: {  	_ =	shalt  }
0x5c: {  	_ =	shalt  }
0x5d: {  	_ =	shalt  }
0x5e: {  	_ =	shalt  }
0x5f: {  	_ =	shalt  }
0x60: {  	_ =	shalt  }
0x61: {  	_ =	shalt  }
0x62: {  	_ =	shalt  }
0x63: {  	_ =	shalt  }
0x64: {  	_ =	shalt  }
0x65: {  	_ =	shalt  }
0x66: {  	_ =	shalt  }
0x67: {  	_ =	shalt  }
0x68: {  	_ =	shalt  }
0x69: {  	_ =	shalt  }
0x6a: {  	_ =	shalt  }
0x6b: {  	_ =	shalt  }
0x6c: {  	_ =	shalt  }
0x6d: {  	_ =	shalt  }
0x6e: {  	_ =	shalt  }
0x6f: {  	_ =	shalt  }
0x70: {  	_ =	shalt  }
0x71: {  	_ =	shalt  }
0x72: {  	_ =	shalt  }
0x73: {  	_ =	shalt  }
0x74: {  	_ =	shalt  }
0x75: {  	_ =	shalt  }
0x76: {  	_ =	shalt  }
0x77: {  	_ =	shalt  }
0x78: {  	_ =	shalt  }
0x79: {  	_ =	shalt  }
0x7a: {  	_ =	shalt  }
0x7b: {  	_ =	shalt  }
0x7c: {  	_ =	shalt  }
0x7d: {  	_ =	shalt  }
0x7e: {  	_ =	shalt  }
0x7f: {  	_ =	shalt  }
0x80: {  	_ =	shalt  }
0x81: {  	_ =	shalt  }
0x82: {  	_ =	shalt  }
0x83: {  	_ =	shalt  }
0x84: {  	_ =	shalt  }
0x85: {  	_ =	shalt  }
0x86: {  	_ =	shalt  }
0x87: {  	_ =	shalt  }
.Lfunc_end0:
.L_simem_size_0:
called_computation.3_lowered:
.L_overlay_start_0:
0x88: {  	s2 =	sld [smem:$0x3FD9]  }
0x89: {  	s3 =	sld [smem:$0x3FFE];
	_ =	sdelay $0x1  }
0x8a: {  	s1 =	srdreg.scid  }
0x8b: {  	s0 =	sand.u32 $0x1, s1  }
0x8c: {  	s17 =	sshll.u32 s0, $0xA;
	s2 =	sadd.s32 s3, s2  }
0x8d: {  	s2 =	sadd.s32 s2, s17  }
0x8e: {  	[smem:$0x3FA1] =	sst s2  }
0x8f: {  	_ = 	snop  }
0x90: {  	s18 =	sld [smem:$0x3FD0];
	(tm) =	ssettm $0x1  }
0x91: {  	s19 =	sld [smem:$0x3FFB];
	_ =	sdelay $0x3  }
0x92: {  	_ =	strace s19  }
0x93: {  	s2 =	sld [smem:$0x3FFC];
	_ =	sdelay $0x3  }
0x94: {  	_ =	strace s2  }
0x95: {  	s2 =	sld [smem:$0x3FFD];
	_ =	sdelay $0x3  }
0x96: {  	_ =	strace s2  }
0x97: {  	_ =	strace $0x8FFFFFFF  }
0x98: {  	s20 =	sld [smem:$0x3FDB];
	_ =	sdelay $0x1  }
0x99: {  	s4 =	simm.s32 $_scs_section_size  }
0x9a: {  	s5 =	simm.s32 $_size__tile_overlayer_lowered;
	s6 =	simm.s32 $_tile_overlayer_lowered  }
0x9b: {  	s7 =	simm.s32 $0x1BFF;
	s21 =	sshll.u32 s6, $0x1;
	s4 =	sadd.s32 s4, s20  }
0x9c: {  	s22 =	simm.s32 $0x0;
	s5 =	sshll.u32 s5, $0x1;
	s6 =	sadd.s32 s21, s4  }
0x9d: {  	[timem:s22], [sflag:s7] =	dma.local [hbm:s6], s5  }
0x9e: {  	_ =	swait.ge [sflag:s7], s5  }
0x9f: {  	s5 =	ssub.s32 $0x0, s5;
	[sflag:s7] =	ssyncset.done $0x0  }
0xa0: {  	[sflag:s7] =	ssyncadd.s32 s5;
	_ =	sdelay $0x1  }
0xa1: {  	s23 =	simm.s32 $0x1B8B  }
0xa2: {  	_ =	swait.ge [sflag:s23], $0x1  }
0xa3: {  	[sflag:s23] =	ssyncset.done $0x0  }
0xa4: {  	[sflag:s23] =	ssyncadd.s32 $0xFFFFFFFF  }
0xa5: {  	s5 =	sld [smem:$0x0]  }
0xa6: {  	s6 =	sand.u32 $0xFFFFFFFE, s1  }
0xa7: {  	p0 =	sne.s32 s1, s6  }
0xa8: {  	s6 =	sshll.u32 @p0 s6, $0xE  }
0xa9: {  	s6 =	sadd.s32 @p0 $0x11B8D, s6;
	s7 =	sshll.u32 @p0 s5, $0x11  }
0xaa: {  	s6 =	sor.u32 @p0 s7, s6  }
0xab: {  	[sflag:s6] =	ssyncadd.remote.s32 @p0 $0x1;
	_ =	sdelay $0x1  }
0xac: {  	s6 =	simm.s32 @p0 $0x1B8D  }
0xad: {  	_ =	swait.eq @p0 [sflag:s6], $0x1  }
0xae: {  	[sflag:s6] =	ssyncadd.s32 @p0 $0xFFFFFFFF  }
0xaf: {  	s7 =	sshll.u32 @!p0 s1, $0xE  }
0xb0: {  	s7 =	sor.u32 @!p0 $0x4000, s7;
	s6 =	simm.s32 @!p0 $0x1B8D  }
0xb1: {  	s5 =	sshll.u32 @!p0 s5, $0x11;
	s7 =	sadd.s32 @!p0 $0x11B8D, s7;
	_ =	swait.eq @!p0 [sflag:s6], $0x1  }
0xb2: {  	s5 =	sor.u32 @!p0 s5, s7;
	[sflag:s6] =	ssyncadd.s32 @!p0 $0xFFFFFFFF  }
0xb3: {  	s25 =	simm.s32 $0x1B8E;
	s24 =	sld [smem:$0x3FFE];
	[sflag:s5] =	ssyncadd.remote.s32 @!p0 $0x1  }
0xb4: {  	s26 =	simm.s32 $execute0_lowered;
	[smem:$0x3FD2] =	sst s25  }
0xb5: {  	s6 =	sshll.u32 s26, $0x1;
	_ =	strace $0x8000004C;
	[dreg:$0x1] =	wrdreg $0xFFFFFFFF  }
0xb6: {  	s28 =	simm.s32 $_size_execute0_lowered;
	s4 =	sadd.s32 s4, s6;
	[dreg:$0x0] =	wrdreg $0x0  }
0xb7: {  	s6 =	sshll.u32 s28, $0x1;
	[dreg:$0x2] =	wrdreg s4  }
0xb8: {  	[dreg:$0x3] =	wrdreg s6  }
0xb9: {  	[dreg:$0x4] =	wrdreg $0xC0  }
0xba: {  	_ =	task [dreg:s22], $0x5FFFF  }
0xbb: {  	[dreg:$0x1] =	wrdreg $0xFFFFFFFF  }
0xbc: {  	[dreg:$0x0] =	wrdreg $0x60  }
0xbd: {  	[dreg:$0x2] =	wrdreg s24  }
0xbe: {  	[dreg:$0x3] =	wrdreg s18  }
0xbf: {  	[dreg:$0x4] =	wrdreg $0x97000  }
0xc0: {  	[dreg:$0x5] =	wrdreg $0x1D7000  }
0xc1: {  	[dreg:$0x6] =	wrdreg $0xA  }
0xc2: {  	_ =	task.clear_ibuf [dreg:s22], $0x7FFFF;
	_ =	strace $0x9000004C  }
0xc3: {  	s29 =	simm.s32 $0xA;
	_ =	strace $0x8000004E  }
0xc4: {  	_ =	swait.ge [sflag:s29], $0x1  }
0xc5: {  	[sflag:s29] =	ssyncadd.s32 $0xFFFFFFFF  }
0xc6: {  	_ =	strace $0x9000004E  }
0xc7: {  	_ =	sfence  }
0xc8: {  	s30 =	sld [smem:$0x0];
	_ =	sdelay $0x2  }
0xc9: {  	s31 =	sshll.u32 s1, $0xD;
	s1 =	sshrl.u32 s1, $0x2  }
0xca: {  	s4 =	sand.u32 $0x4000, s31;
	s1 =	sadd.s32 s1, s30  }
0xcb: {  	s0 =	sor.u32 s4, s0;
	s1 =	sshll.u32 s1, $0x11  }
0xcc: {  	s0 =	sor.u32 s1, s0  }
0xcd: {  	s0 =	sadd.s32 $0x8F2B, s0  }
0xce: {  	[sflag:s0] =	ssyncadd.remote.s32 $0x1  }
0xcf: {  	_ =	sfence.sel $0xFFFF  }
0xd0: {  	[dreg:$0x0] =	wrdreg $0xFFFFFFFF;
	(pc) =	sbr.abs _section_cstart, $3  }
0xd1: {  	[dreg:$0x1] =	wrdreg $0xFFFFFFFF  }
0xd2: {  	_ =	task.clear_ibuf [dreg:s22], $0x2FFFF;
	_ =	strace $0x9FFFFFFF  }
0xd3: {  	(tm) =	ssettm $0x7FFFFFFF  }
tec
execute0_lowered:
.L_overlay_start_1:
0x0: {  	(tag) =	ssettag $0x1  }
0x1: {  	s0 =	rddreg [dreg:$0x0]  }
0x2: {  	s4 =	rddreg [dreg:$0x1]  }
0x3: {  	s1 =	rddreg [dreg:$0x2]  }
0x4: {  	s2 =	rddreg [dreg:$0x3]  }
0x5: {  	s5 =	srdreg.scid;
	s3 =	simm.s32 $0x0;
	s17 =	stileid.u32  }
0x6: {  	s28 =	simm.s32 $0x5;
	s29 =	simm.s32 $0x2;
	s9 =	smul.u32 $0x50000, s17  }
0x7: {  	s30 =	simm.s32 $0x4;
	s31 =	simm.s32 $0x6;
	s12 =	smul.u32 $0xA00, s17  }
0x8: {  	s6 =	sand.u32 $0x1, s5;
	[smem:$0x7FF] =	sst s3;
	s26 =	smul.u32 $0x2800, s17  }
0x9: {  	s7 =	sadd.s32 $0x568400, s0;
	s16 =	sshll.u32 s17, $0x1;
	s5 =	smul.u32 $0x28000, s6  }
0xa: {  	_ =	strace $0x8000004D;
	s11 =	sor.u32 s6, s16;
	s16 =	smul.u32 $0x50, s17  }
0xb: {  	s15 =	sshll.u32 s6, $0x4;
	s10 =	ssub.s32 $0x2, s6;
	s6 =	smul.u32 $0x28, s6  }
0xc: {  	s18 =	sshrl.u32 s9, $0x2;
	s19 =	sshrl.u32 s10, $0x1;
	s13 =	smul.u32 $0x280, s11  }
0xd: {  	s24 =	sshrl.u32 s12, $0x2;
	s8 =	sadd.s32 s5, s0;
	s0 =	sadd.s32 s15, s0  }
0xe: {  	s5 =	sadd.s32 s18, s1;
	s14 =	ssub.s32 s10, s19;
	s15 =	smul.u32 $0x14000, s11  }
0xf: {  	s10 =	sadd.s32 s24, s2;
	s6 =	sadd.s32 s6, s16;
	s19 =	smul.u32 $0xA0, s17  }
0x10: {  	s17 =	simm.s32 $0x1400;
	s18 =	simm.s32 $0x7;
	s20 =	sadd.s32 $0x4000, s5  }
0x11: {  	s21 =	sadd.s32 $0x8000, s5;
	s22 =	sadd.s32 $0xC000, s5;
	s23 =	sadd.s32 $0x10000, s5  }
0x12: {  	s11 =	sadd.s32 s4, s13;
	s25 =	sadd.s32 $0x5E400, s8;
	[dreg:$0x5] =	wrdreg s20  }
0x13: {  	s0 =	sadd.s32 $0x8A00, s0;
	s6 =	sshll.u32 s6, $0xB;
	[dreg:$0x6] =	wrdreg s21  }
0x14: {  	s14 =	smax.u32 s14, $0x1;
	s4 =	simm.s32 $0x0;
	[dreg:$0x7] =	wrdreg s22  }
0x15: {  	[dreg:$0x8] =	wrdreg s23;
	s12 =	sadd.s32 s7, s15;
	s6 =	sadd.s32 s6, s7  }
0x16: {  	s20 =	simm.s32 $0x5400;
	s21 =	simm.s32 $0x1;
	s22 =	sadd.s32 s26, s25  }
0x17: {  	s23 =	simm.s32 $0x80;
	s24 =	sadd.s32 s19, s0;
	s25 =	simm.s32 $0x9680  }
0x18: {  	s26 =	simm.s32 $0x3;
	s0 =	simm.s32 $0x1300;
	s19 =	simm.s32 $0x1380  }
0x19: {  	v0 =	vimm.f32 $0.0e+00;
	v1 =	vimm.f32 $1.000000000e+00;
	s13 =	sadd.s32 $0x800, s12;
	s15 =	sadd.s32 $0x1800, s6;
	s16 =	sadd.s32 $0x1000, s6  }
.LBB2_1:
0x1a: {  	s6 =	sand.u32 $0xFE00, s3  }
0x1b: {  	s7 =	sand.u32 $0x70, s3;
	s8 =	sshrl.u32 s6, $0x2  }
0x1c: {  	s6 =	simm.s32 $0x40;
	s8 =	sor.u32 s7, s8;
	s7 =	simm.s32 $0x0  }
.LBB2_2:
0x1d: {  	p0 =	sne.s32 s6, $0xFFC0  }
0x1e: {  	[tilespmem:s8+$0x1400] =	vst v0;
	s7 =	sadd.s32 $0x10, s7;
	s8 =	smov.u32 s6;
	s6 =	sadd.s32 $0x40, s6  }
.Ltmp0:
0x1f: {  	(pc) =	sbr.rel @p0 .LBB2_2-.Ltmp0, $4  }
0x20: {  	_ = 	snop  }
0x21: {  	s8 =	sand.u32 $0xFE00, s8  }
0x22: {  	s9 =	sand.u32 $0x70, s7;
	s8 =	sshrl.u32 s8, $0x2  }
0x23: {  	s8 =	sor.u32 s9, s8  }
0x24: {  	[tilespmem:s8+$0x1400] =	vst v0  }
0x25: {  	[tilespmem:$0x9400] =	vst v0  }
0x26: {  	[tilespmem:$0x9410] =	vst v0  }
0x27: {  	[tilespmem:$0x9420] =	vst v0  }
0x28: {  	[tilespmem:$0x9430] =	vst v0  }
0x29: {  	[tilespmem:$0x9440] =	vst v0  }
0x2a: {  	[tilespmem:$0x9450] =	vst v0  }
0x2b: {  	[tilespmem:$0x9460] =	vst v0  }
0x2c: {  	[tilespmem:$0x9470] =	vst v0  }
0x2d: {  	[tilespmem:$0x9480] =	vst v0  }
0x2e: {  	[tilespmem:$0x9490] =	vst v0  }
0x2f: {  	[tilespmem:$0x94A0] =	vst v0  }
0x30: {  	[tilespmem:$0x94B0] =	vst v0  }
0x31: {  	[tilespmem:$0x94C0] =	vst v0  }
0x32: {  	[tilespmem:$0x94D0] =	vst v0  }
0x33: {  	[tilespmem:$0x94E0] =	vst v0  }
0x34: {  	[tilespmem:$0x94F0] =	vst v0  }
0x35: {  	[tilespmem:$0x9500] =	vst v0  }
0x36: {  	[tilespmem:$0x9510] =	vst v0  }
0x37: {  	[tilespmem:$0x9520] =	vst v0  }
0x38: {  	[tilespmem:$0x9530] =	vst v0  }
0x39: {  	[tilespmem:$0x9540] =	vst v0  }
0x3a: {  	[tilespmem:$0x9550] =	vst v0  }
0x3b: {  	[tilespmem:$0x9560] =	vst v0  }
0x3c: {  	[tilespmem:$0x9570] =	vst v0  }
0x3d: {  	[tilespmem:$0x9580] =	vst v0  }
0x3e: {  	[tilespmem:$0x9590] =	vst v0  }
0x3f: {  	[tilespmem:$0x95A0] =	vst v0  }
0x40: {  	[tilespmem:$0x95B0] =	vst v0  }
0x41: {  	[tilespmem:$0x95C0] =	vst v0  }
0x42: {  	[tilespmem:$0x95D0] =	vst v0  }
0x43: {  	[tilespmem:$0x95E0] =	vst v0  }
0x44: {  	[tilespmem:$0x95F0] =	vst v0  }
0x45: {  	[tilespmem:$0x9600] =	vst v0  }
0x46: {  	[tilespmem:$0x9610] =	vst v0  }
0x47: {  	[tilespmem:$0x9620] =	vst v0  }
0x48: {  	[tilespmem:$0x9630] =	vst v0  }
0x49: {  	[tilespmem:$0x9640] =	vst v0  }
0x4a: {  	[tilespmem:$0x9650] =	vst v0  }
0x4b: {  	[tilespmem:$0x9660] =	vst v0  }
0x4c: {  	[tilespmem:$0x9670] =	vst v0  }
0x4d: {  	[tilespmem:$0x9680] =	vst v1  }
0x4e: {  	[tilespmem:$0x9690] =	vst v1  }
0x4f: {  	[tilespmem:$0x96A0] =	vst v1  }
0x50: {  	[tilespmem:$0x96B0] =	vst v1  }
0x51: {  	[tilespmem:$0x96C0] =	vst v1  }
0x52: {  	[tilespmem:$0x96D0] =	vst v1  }
0x53: {  	[tilespmem:$0x96E0] =	vst v1  }
0x54: {  	[tilespmem:$0x96F0] =	vst v1  }
0x55: {  	[spmem:s5] =	stream.linear.scatter [tilespmem:s17], [sflag:$0x7], $0x4000, $0x38;
	[tilespmem:$0x1D980] =	vst v63  }
0x56: {  	_ =	swait.ge [sflag:s18], $0x4000  }
0x57: {  	[sflag:s18] =	ssyncset.done $0x0  }
0x58: {  	s6 =	rddreg [dreg:$0x5];
	[sflag:s18] =	ssyncadd.s32 $0xFFFFC000  }
0x59: {  	[spmem:s6] =	stream.linear.scatter [tilespmem:s17], [sflag:$0x7], $0x4000, $0x38;
	[tilespmem:$0x1D980] =	vst v63  }
0x5a: {  	_ =	swait.ge [sflag:s18], $0x4000  }
0x5b: {  	[sflag:s18] =	ssyncset.done $0x0  }
0x5c: {  	s8 =	rddreg [dreg:$0x6];
	[sflag:s18] =	ssyncadd.s32 $0xFFFFC000  }
0x5d: {  	[spmem:s8] =	stream.linear.scatter [tilespmem:s17], [sflag:$0x7], $0x4000, $0x38;
	[tilespmem:$0x1D980] =	vst v63  }
0x5e: {  	_ =	swait.ge [sflag:s18], $0x4000  }
0x5f: {  	[sflag:s18] =	ssyncset.done $0x0  }
0x60: {  	s9 =	rddreg [dreg:$0x7];
	[sflag:s18] =	ssyncadd.s32 $0xFFFFC000  }
0x61: {  	[spmem:s9] =	stream.linear.scatter [tilespmem:s17], [sflag:$0x7], $0x4000, $0x38;
	[tilespmem:$0x1D980] =	vst v63  }
0x62: {  	_ =	swait.ge [sflag:s18], $0x4000  }
0x63: {  	[sflag:s18] =	ssyncset.done $0x0  }
0x64: {  	s7 =	rddreg [dreg:$0x8];
	[sflag:s18] =	ssyncadd.s32 $0xFFFFC000  }
0x65: {  	[spmem:s7] =	stream.linear.scatter [tilespmem:s17], [sflag:$0x7], $0x4000, $0x38;
	[tilespmem:$0x1D980] =	vst v63  }
0x66: {  	_ =	swait.ge [sflag:s18], $0x4000  }
0x67: {  	[sflag:s18] =	ssyncset.done $0x0  }
0x68: {  	s8 =	simm.s32 $0x9400;
	[sflag:s18] =	ssyncadd.s32 $0xFFFFC000  }
0x69: {  	[spmem:s10] =	stream.linear.scatter [tilespmem:s8], [sflag:$0x7], $0x280, $0x38;
	[tilespmem:$0x1D980] =	vst v63  }
0x6a: {  	_ =	swait.ge [sflag:s18], $0x280  }
0x6b: {  	[sflag:s18] =	ssyncset.done $0x0  }
0x6c: {  	s9 =	simm.s32 $0x0;
	[sflag:s18] =	ssyncadd.s32 $0xFFFFFD80  }
0x6d: {  	[tilespmem:s9], [sflag:$0x7] =	stream.linear.gather [hbm4b:s11+s9], $0x1400, $0x38;
	[tilespmem:$0x1D980] =	vst v63  }
0x6e: {  	_ =	swait.ge [sflag:s18], $0x1400  }
0x6f: {  	[sflag:s18] =	ssyncset.done $0x0  }
0x70: {  	[sflag:s18] =	ssyncadd.s32 $0xFFFFEC00  }
0x71: {  	[bflag:$0x0] =	sbarrier.arrive $0xFFFF  }
0x72: {  	[tilespmem:s17], [sflag:$0x1] =	stream.linear.gather [hbm4b:s12+s9], $0x4000, $0x38;
	[tilespmem:$0x1D980] =	vst v63  }
0x73: {  	_ = 	snop  }
0x74: {  	[tilespmem:s20], [sflag:$0x2] =	stream.linear.gather [hbm4b:s13+s9], $0x4000, $0x38;
	[tilespmem:$0x1D980] =	vst v63  }
0x75: {  	_ =	swait.ge [sflag:s21], $0x4000  }
0x76: {  	[sflag:s21] =	ssyncset.done $0x0  }
0x77: {  	s7 =	simm.s32 $0x0;
	[sflag:s21] =	ssyncadd.s32 $0xFFFFC000  }
0x78: {  	[spmem:s1] =	stream.indirect.scatter.add.f32 [tilespmem:s17], [sflag:$0x3], $0x80, s7, s23, $0xb8;
	[tilespmem:$0x1D980] =	vst v63  }
0x79: {  	_ = 	snop  }
0x7a: {  	[spmem:s2] =	stream.indirect.scatter.add.f32 [tilespmem:s25], [sflag:$0x5], $0x1, s7, s23, $0xb8;
	[tilespmem:$0x1D980] =	vst v63  }
0x7b: {  	_ =	swait.ge [sflag:s26], $0x4000  }
0x7c: {  	[sflag:s26] =	ssyncset.done $0x0  }
0x7d: {  	[sflag:s26] =	ssyncadd.s32 $0xFFFFC000  }
0x7e: {  	_ =	swait.ge [sflag:s28], $0x80  }
0x7f: {  	[sflag:s28] =	ssyncset.done $0x0  }
0x80: {  	s8 =	sadd.s32 $0x0, s16;
	[sflag:s28] =	ssyncadd.s32 $0xFFFFFF80  }
0x81: {  	[tilespmem:s17], [sflag:$0x1] =	stream.linear.gather [hbm4b:s8+s3], $0x4000, $0x38;
	[tilespmem:$0x1D980] =	vst v63  }
0x82: {  	_ =	swait.ge [sflag:s29], $0x4000  }
0x83: {  	[sflag:s29] =	ssyncset.done $0x0  }
0x84: {  	s9 =	simm.s32 $0x80;
	[sflag:s29] =	ssyncadd.s32 $0xFFFFC000  }
0x85: {  	[spmem:s1] =	stream.indirect.scatter.add.f32 [tilespmem:s20], [sflag:$0x4], $0x80, s9, s23, $0xb8;
	[tilespmem:$0x1D980] =	vst v63  }
0x86: {  	_ = 	snop  }
0x87: {  	[spmem:s2] =	stream.indirect.scatter.add.f32 [tilespmem:s25], [sflag:$0x6], $0x1, s9, s23, $0xb8;
	[tilespmem:$0x1D980] =	vst v63  }
0x88: {  	_ =	swait.ge [sflag:s30], $0x4000  }
0x89: {  	[sflag:s30] =	ssyncset.done $0x0  }
0x8a: {  	[sflag:s30] =	ssyncadd.s32 $0xFFFFC000  }
0x8b: {  	_ =	swait.ge [sflag:s31], $0x80  }
0x8c: {  	s6 =	simm.s32 $0x1000;
	[sflag:s31] =	ssyncset.done $0x0  }
0x8d: {  	s7 =	simm.s32 $0x180;
	s8 =	sadd.s32 $0x0, s15;
	[sflag:s31] =	ssyncadd.s32 $0xFFFFFF80  }
.LBB2_4:
0x8e: {  	[tilespmem:s20], [sflag:$0x2] =	stream.linear.gather [hbm4b:s8+s3], $0x4000, $0x38;
	[tilespmem:$0x1D980] =	vst v63  }
0x8f: {  	s8 =	smov.u32 s6  }
0x90: {  	p0 =	sne.s32 s6, $0x12000;
	s6 =	sadd.s32 $0x1000, s6;
	_ =	swait.ge [sflag:s21], $0x4000  }
0x91: {  	[sflag:s21] =	ssyncset.done $0x0  }
0x92: {  	s9 =	sadd.s32 $0xFFFFFF80, s7;
	[sflag:s21] =	ssyncadd.s32 $0xFFFFC000  }
0x93: {  	[spmem:s1] =	stream.indirect.scatter.add.f32 [tilespmem:s17], [sflag:$0x3], $0x80, s9, s23, $0xb8;
	[tilespmem:$0x1D980] =	vst v63  }
0x94: {  	_ = 	snop  }
0x95: {  	[spmem:s2] =	stream.indirect.scatter.add.f32 [tilespmem:s25], [sflag:$0x5], $0x1, s9, s23, $0xb8;
	[tilespmem:$0x1D980] =	vst v63  }
0x96: {  	_ =	swait.ge [sflag:s26], $0x4000  }
0x97: {  	[sflag:s26] =	ssyncset.done $0x0  }
0x98: {  	[sflag:s26] =	ssyncadd.s32 $0xFFFFC000  }
0x99: {  	_ =	swait.ge [sflag:s28], $0x80  }
0x9a: {  	[sflag:s28] =	ssyncset.done $0x0  }
0x9b: {  	s9 =	sadd.s32 s8, s16;
	[sflag:s28] =	ssyncadd.s32 $0xFFFFFF80  }
0x9c: {  	[tilespmem:s17], [sflag:$0x1] =	stream.linear.gather [hbm4b:s9+s3], $0x4000, $0x38;
	[tilespmem:$0x1D980] =	vst v63  }
0x9d: {  	_ =	swait.ge [sflag:s29], $0x4000  }
0x9e: {  	[sflag:s29] =	ssyncset.done $0x0  }
0x9f: {  	[sflag:s29] =	ssyncadd.s32 $0xFFFFC000  }
0xa0: {  	[spmem:s1] =	stream.indirect.scatter.add.f32 [tilespmem:s20], [sflag:$0x4], $0x80, s7, s23, $0xb8;
	[tilespmem:$0x1D980] =	vst v63  }
0xa1: {  	_ = 	snop  }
0xa2: {  	[spmem:s2] =	stream.indirect.scatter.add.f32 [tilespmem:s25], [sflag:$0x6], $0x1, s7, s23, $0xb8;
	[tilespmem:$0x1D980] =	vst v63  }
0xa3: {  	_ =	swait.ge [sflag:s30], $0x4000  }
.Ltmp1:
0xa4: {  	[sflag:s30] =	ssyncset.done $0x0;
	(pc) =	sbr.rel @p0 .LBB2_4-.Ltmp1, $4  }
0xa5: {  	[sflag:s30] =	ssyncadd.s32 $0xFFFFC000  }
0xa6: {  	_ =	swait.ge [sflag:s31], $0x80  }
0xa7: {  	[sflag:s31] =	ssyncset.done $0x0  }
0xa8: {  	s8 =	sadd.s32 s8, s15;
	s7 =	sadd.s32 $0x100, s7;
	[sflag:s31] =	ssyncadd.s32 $0xFFFFFF80  }
0xa9: {  	[tilespmem:s20], [sflag:$0x2] =	stream.linear.gather [hbm4b:s8+s3], $0x4000, $0x38;
	[tilespmem:$0x1D980] =	vst v63  }
0xaa: {  	_ =	swait.ge [sflag:s21], $0x4000  }
0xab: {  	[sflag:s21] =	ssyncset.done $0x0  }
0xac: {  	[sflag:s21] =	ssyncadd.s32 $0xFFFFC000  }
0xad: {  	[spmem:s1] =	stream.indirect.scatter.add.f32 [tilespmem:s17], [sflag:$0x3], $0x80, s0, s23, $0xb8;
	[tilespmem:$0x1D980] =	vst v63  }
0xae: {  	_ = 	snop  }
0xaf: {  	[spmem:s2] =	stream.indirect.scatter.add.f32 [tilespmem:s25], [sflag:$0x5], $0x1, s0, s23, $0xb8;
	[tilespmem:$0x1D980] =	vst v63  }
0xb0: {  	_ =	swait.ge [sflag:s26], $0x4000  }
0xb1: {  	[sflag:s26] =	ssyncset.done $0x0  }
0xb2: {  	[sflag:s26] =	ssyncadd.s32 $0xFFFFC000  }
0xb3: {  	_ =	swait.ge [sflag:s28], $0x80  }
0xb4: {  	[sflag:s28] =	ssyncset.done $0x0  }
0xb5: {  	[sflag:s28] =	ssyncadd.s32 $0xFFFFFF80  }
0xb6: {  	_ =	swait.ge [sflag:s29], $0x4000  }
0xb7: {  	[sflag:s29] =	ssyncset.done $0x0  }
0xb8: {  	[sflag:s29] =	ssyncadd.s32 $0xFFFFC000  }
0xb9: {  	[spmem:s1] =	stream.indirect.scatter.add.f32 [tilespmem:s20], [sflag:$0x4], $0x80, s19, s23, $0xb8;
	[tilespmem:$0x1D980] =	vst v63  }
0xba: {  	_ = 	snop  }
0xbb: {  	[spmem:s2] =	stream.indirect.scatter.add.f32 [tilespmem:s25], [sflag:$0x6], $0x1, s19, s23, $0xb8;
	[tilespmem:$0x1D980] =	vst v63  }
0xbc: {  	_ =	swait.ge [sflag:s30], $0x4000  }
0xbd: {  	[sflag:s30] =	ssyncset.done $0x0  }
0xbe: {  	[sflag:s30] =	ssyncadd.s32 $0xFFFFC000  }
0xbf: {  	_ =	swait.ge [sflag:s31], $0x80  }
0xc0: {  	s6 =	stileid.u32;
	[sflag:s31] =	ssyncset.done $0x0  }
0xc1: {  	s6 =	sshll.u32 s6, $0x6;
	[sflag:s31] =	ssyncadd.s32 $0xFFFFFF80  }
0xc2: {  	s7 =	sshrl.u32 s5, $0x3;
	s6 =	sor.u32 $0x1C07, s6;
	[bflag:$0x0] =	sbarrier.arrive $0xFFFF  }
0xc3: {  	[hbm:s22], [sflag:s6] =	dma.local [spmem:s7], $0x2800  }
0xc4: {  	s8 =	simm.s32 $0x20;
	s4 =	sadd.s32 $0x1, s4;
	_ =	swait.ge [sflag:s18], $0x2800  }
0xc5: {  	s9 =	simm.s32 $0x10;
	p0 =	sne.s32 s4, s14;
	[sflag:s18] =	ssyncset.done $0x0  }
.Ltmp2:
0xc6: {  	s7 =	sshrl.u32 s10, $0x3;
	[sflag:s18] =	ssyncadd.s32 $0xFFFFD800;
	(pc) =	sbr.rel @p0 .LBB2_1-.Ltmp2, $4  }
0xc7: {  	[hbm:s24@s8], [sflag:s6] =	dma.strided [spmem:s7@s9], $0x50, s21, $0x10   }
0xc8: {  	_ =	swait.ge [sflag:s18], $0x50  }
0xc9: {  	[sflag:s18] =	ssyncset.done $0x0  }
0xca: {  	[sflag:s18] =	ssyncadd.s32 $0xFFFFFFB0  }
0xcb: {  	_ =	sfence.sel $0x180000  }
0xcc: {  	[bflag:$0x0] =	sbarrier.arrive $0xFFFF  }
0xcd: {  	_ =	strace $0x9000004D  }
0xce: {  	s0 =	stileid.u32;
	[bflag:$0x2] =	sbarrier.arrive $0xFFFF  }
0xcf: {  	p0 =	sne.s32 s0, $0x0;
	s0 =	rddreg [dreg:$0x4]  }
0xd0: {  	s0 =	sadd.s32 @!p0 $0x100000, s0  }
0xd1: {  	[sflag:s0] =	ssyncadd.tile.s32 @!p0 $0x1;
	_ =	shalt  }
.Lfunc_end2:
_tile_overlayer_lowered:
.L_overlay_start_2:
0xd2: {  	(tag) =	ssettag $0x2  }
0xd3: {  	s0 =	rddreg [dreg:$0x0];
	s2 =	stileid.u32  }
0xd4: {  	s1 =	rddreg [dreg:$0x1];
	p0 =	sne.s32 s2, $0x0  }
0xd5: {  	s3 =	rddreg [dreg:$0x2];
	[bflag:$0x3] =	sbarrier.arrive $0xFFFF;
	s2 =	simm.s32 @!p0 $0x1C07  }
0xd6: {  	[timem:s3], [sflag:s2] =	dma.local @!p0 [hbm:s0], s1  }
0xd7: {  	s0 =	simm.s32 @!p0 $0x7  }
0xd8: {  	_ =	swait.ge @!p0 [sflag:s0], s1  }
0xd9: {  	s1 =	ssub.s32 @!p0 $0x0, s1;
	[sflag:s0] =	ssyncset.done @!p0 $0x0  }
0xda: {  	[sflag:s0] =	ssyncadd.s32 @!p0 s1  }
0xdb: {  	[bflag:$0x3] =	sbarrier.arrive $0xFFFF  }
0xdc: {  	_ =	shalt  }

</sc_bundles>
